<compile_context>
chip_gen: v7x
topology: tpu7x:2x2x1
jax: 0.10.2.dev20260603
libtpu: 0.0.44.dev20260713+nightly
codegen_flags: <defaults>
</compile_context>

<pallas_src>
import functools

import jax
import jax.numpy as jnp
from jax import lax
from jax.experimental import pallas as pl
from jax.experimental.pallas import tpu as pltpu
from jax.experimental.pallas import tpu_sc as plsc

_MIN_NORM = 1e-15
_LANES = 16
_NC = 2
_NS = 16
_EB = 128


def _artanh(z):
    z = jnp.clip(z, -1.0 + 1e-7, 1.0 - 1e-7)
    return 0.5 * (jnp.log1p(z) - jnp.log1p(-z))


def _rnorm(v):
    return jnp.maximum(jnp.sqrt(jnp.sum(v * v, axis=-1, keepdims=True)),
                       _MIN_NORM)


def _proj(v):
    n = _rnorm(v)
    maxn = 1.0 - 1e-5
    return jnp.where(n > maxn, v / n * maxn, v)


def _expmap0(u):
    n = _rnorm(u)
    return jnp.tanh(n) * u / n


def _logmap0(p):
    n = _rnorm(p)
    return p / n * _artanh(n)


def _mobius_add(x, y):
    x2 = jnp.sum(x * x, axis=-1, keepdims=True)
    y2 = jnp.sum(y * y, axis=-1, keepdims=True)
    xy = jnp.sum(x * y, axis=-1, keepdims=True)
    num = (1.0 + 2.0 * xy + y2) * x + (1.0 - x2) * y
    den = 1.0 + 2.0 * xy + x2 * y2
    return num / jnp.maximum(den, _MIN_NORM)


def _linear_body(x_ref, w_ref, b_ref, o_ref):
    xb = x_ref[...]
    w = w_ref[...]
    b = b_ref[...]
    mx = lax.dot_general(xb, w, (((1,), (1,)), ((), ())),
                         preferred_element_type=jnp.float32)
    x_n = _rnorm(xb)
    mx_n = _rnorm(mx)
    mv = jnp.tanh(mx_n / x_n * _artanh(x_n)) * mx / mx_n
    res = _proj(mv)
    hb = _proj(_expmap0(b))
    res = _proj(_mobius_add(res, hb))
    o_ref[...] = _logmap0(res)


def _epilogue_body(a_ref, b_ref, o_ref):
    s = a_ref[...] + b_ref[...]
    agg = _proj(_expmap0(s))
    xt = jnp.maximum(_logmap0(agg), 0.0)
    o_ref[...] = _proj(_expmap0(xt))


def _make_agg(n_nodes, d, e_per_tile):
    nb = e_per_tile // _EB
    assert nb % 2 == 0
    nb_c = 8
    if nb % 16 == 0:
        nb_c = 16
    assert nb % nb_c == 0
    n_chunks = nb // nb_c
    nsb_c = nb_c // 2
    sub_stride = 624
    n_wr = 5
    wr = _EB
    assert (_NS - 1) * sub_stride + n_wr * wr == n_nodes
    mesh = plsc.VectorSubcoreMesh(core_axis_name="c", subcore_axis_name="s")

    @functools.partial(
        pl.kernel,
        mesh=mesh,
        out_type=jax.ShapeDtypeStruct((_NC, n_nodes, d), jnp.float32),
        scratch_types=[
            pltpu.VMEM((nb_c, _EB), jnp.int32),
            pltpu.VMEM((nb_c, _EB), jnp.int32),
            pltpu.VMEM((nb_c, _EB), jnp.float32),
            pltpu.VMEM((_EB, d), jnp.float32),
            pltpu.VMEM((_EB, d), jnp.float32),
            pltpu.VMEM_SHARED((n_nodes, d), jnp.float32),
            pltpu.SemaphoreType.DMA,
            pltpu.SemaphoreType.DMA,
            pltpu.SemaphoreType.DMA,
        ],
    )
    def agg(xt_hbm, src_hbm, dst_hbm, w_hbm, out_hbm,
            src_v, dst_v, w_v, rows0, rows1, acc, sem0, sem1, sem_s):
        cid = lax.axis_index("c")
        sid = lax.axis_index("s")
        wid = cid * _NS + sid

        def zero_row(i, carry):
            for c in range(d // _LANES):
                rows0[i, pl.ds(c * _LANES, _LANES)] = jnp.zeros(
                    (_LANES,), jnp.float32)
            return carry
        lax.fori_loop(0, wr, zero_row, 0)
        r0 = sid * sub_stride
        for ch in range(n_wr):
            pltpu.sync_copy(rows0.at[pl.ds(0, wr)],
                            acc.at[pl.ds(r0 + ch * wr, wr)])
        plsc.subcore_barrier()

        dn = lax.GatherDimensionNumbers(
            offset_dims=(), collapsed_slice_dims=(0,),
            start_index_map=(0,))

        n_streams = 2
        hb = _EB // n_streams

        def gather_start(b, buf, sem):
            for s in range(n_streams):
                pltpu.make_async_copy(
                    xt_hbm.at[src_v.at[b, pl.ds(s * hb, hb)]],
                    buf.at[pl.ds(s * hb, hb)], sem).start()

        def gather_wait(b, buf, sem):
            for s in range(n_streams):
                pltpu.make_async_copy(
                    xt_hbm.at[src_v.at[b, pl.ds(s * hb, hb)]],
                    buf.at[pl.ds(s * hb, hb)], sem).wait()

        def process(b, buf):
            @plsc.parallel_loop(0, _EB, 1, unroll=2)
            def mul_edge(e):
                chunk = w_v[b, pl.ds((e // _LANES) * _LANES, _LANES)]
                wspl = lax.gather(
                    chunk, jnp.full((_LANES, 1), e % _LANES, jnp.int32),
                    dn, (1,), mode=lax.GatherScatterMode.PROMISE_IN_BOUNDS)
                for c in range(d // _LANES):
                    sl = pl.ds(c * _LANES, _LANES)
                    buf[e, sl] = buf[e, sl] * wspl
            pltpu.sync_copy(buf, acc.at[dst_v.at[b]], add=True)

        base = wid * nb
        for ck in range(n_chunks):
            row0 = base + ck * nb_c
            cps = [pltpu.make_async_copy(h.at[pl.ds(row0, nb_c)], v, sem_s)
                   for h, v in ((src_hbm, src_v), (dst_hbm, dst_v),
                                (w_hbm, w_v))]
            for cp in cps:
                cp.start()
            for cp in cps:
                cp.wait()
            gather_start(0, rows0, sem0)
            gather_start(1, rows1, sem1)

            def super_batch(sb, carry):
                b0 = 2 * sb
                gather_wait(b0, rows0, sem0)
                process(b0, rows0)

                @pl.when(sb + 1 < nsb_c)
                def _():
                    gather_start(b0 + 2, rows0, sem0)
                gather_wait(b0 + 1, rows1, sem1)
                process(b0 + 1, rows1)

                @pl.when(sb + 1 < nsb_c)
                def _():
                    gather_start(b0 + 3, rows1, sem1)
                return carry
            lax.fori_loop(0, nsb_c, super_batch, 0)
        plsc.subcore_barrier()

        for ch in range(n_wr):
            rr = r0 + ch * wr
            pltpu.sync_copy(acc.at[pl.ds(rr, wr)],
                            out_hbm.at[cid, pl.ds(rr, wr)])

    return agg


def kernel(x, edge_index, edge_weight, W, b):
    n, d = x.shape
    e = edge_index.shape[1]

    rb = 1000
    grid = n // rb
    xt = pl.pallas_call(
        _linear_body,
        grid=(grid,),
        in_specs=[
            pl.BlockSpec((rb, d), lambda i: (i, 0)),
            pl.BlockSpec((d, d), lambda i: (0, 0)),
            pl.BlockSpec((1, d), lambda i: (0, 0)),
        ],
        out_specs=pl.BlockSpec((rb, d), lambda i: (i, 0)),
        out_shape=jax.ShapeDtypeStruct((n, d), jnp.float32),
    )(x, W, b.reshape(1, d))

    tile_chunk = _NC * _NS * _EB * 2
    e_pad = ((e + tile_chunk - 1) // tile_chunk) * tile_chunk
    pad = e_pad - e
    src = jnp.pad(edge_index[0].astype(jnp.int32), (0, pad)).reshape(-1, _EB)
    dst = jnp.pad(edge_index[1].astype(jnp.int32), (0, pad)).reshape(-1, _EB)
    w_e = jnp.pad(edge_weight, (0, pad)).reshape(-1, _EB)
    partial = _make_agg(n, d, e_pad // (_NC * _NS))(xt, src, dst, w_e)

    out = pl.pallas_call(
        _epilogue_body,
        grid=(grid,),
        in_specs=[
            pl.BlockSpec((rb, d), lambda i: (i, 0)),
            pl.BlockSpec((rb, d), lambda i: (i, 0)),
        ],
        out_specs=pl.BlockSpec((rb, d), lambda i: (i, 0)),
        out_shape=jax.ShapeDtypeStruct((n, d), jnp.float32),
    )(partial[0], partial[1])
    return out

# --- scband reference (transcript-rebuilt; emitter-appended) ---
"""Pipeline reference for scband-hyperbolic-graph-convolution-9088150798638 (READ-ONLY COPY).

The authoritative reference and input builder live on the scoring server;
editing this copy changes nothing except your own understanding.
"""

import jax, jax.numpy as jnp
import numpy as np

MIN_NORM = 1e-15
C_IN = 1.0
C_OUT = 1.0
N_NODES = 10000
D = 128
N_EDGES = 320000


def artanh(x):
    x = jnp.clip(x, -1.0 + 1e-7, 1.0 - 1e-7)
    return 0.5 * (jnp.log1p(x) - jnp.log1p(-x))


def _norm(x):
    return jnp.clip(jnp.linalg.norm(x, axis=-1, keepdims=True), MIN_NORM, None)


def proj(x, c):
    norm = _norm(x)
    maxnorm = (1.0 - 1e-5) / jnp.sqrt(c)
    projected = x / norm * maxnorm
    return jnp.where(norm > maxnorm, projected, x)


def expmap0(u, c):
    sqrt_c = jnp.sqrt(c)
    u_norm = _norm(u)
    return jnp.tanh(sqrt_c * u_norm) * u / (sqrt_c * u_norm)


def logmap0(p, c):
    sqrt_c = jnp.sqrt(c)
    p_norm = _norm(p)
    return p / p_norm / sqrt_c * artanh(sqrt_c * p_norm)


def mobius_add(x, y, c):
    x2 = jnp.sum(x * x, axis=-1, keepdims=True)
    y2 = jnp.sum(y * y, axis=-1, keepdims=True)
    xy = jnp.sum(x * y, axis=-1, keepdims=True)
    num = (1.0 + 2.0 * c * xy + c * y2) * x + (1.0 - c * x2) * y
    denom = 1.0 + 2.0 * c * xy + (c ** 2) * x2 * y2
    return num / jnp.clip(denom, MIN_NORM, None)


def mobius_matvec(m, x, c):
    sqrt_c = jnp.sqrt(c)
    x_norm = _norm(x)
    mx = x @ m.T
    mx_norm = _norm(mx)
    res_c = jnp.tanh(mx_norm / x_norm * artanh(sqrt_c * x_norm)) * mx / (mx_norm * sqrt_c)
    cond = jnp.all(mx == 0, axis=-1, keepdims=True)
    return jnp.where(cond, jnp.zeros_like(res_c), res_c)


def setup_inputs(seed: int = 0) -> dict:
    key = jax.random.key(seed)
    k1, k2, k3, k4 = jax.random.split(key, 4)
    x = jax.random.normal(k1, (N_NODES, D), dtype=jnp.float32)
    edge_index = jax.random.randint(k2, (2, N_EDGES), 0, N_NODES, dtype=jnp.int64 if jax.config.read('jax_enable_x64') else jnp.int32)
    edge_weight = jax.random.uniform(k3, (N_EDGES,), dtype=jnp.float32)
    gain = np.sqrt(2.0)
    bound = gain * np.sqrt(6.0 / (D + D))
    W = jax.random.uniform(k4, (D, D), minval=-bound, maxval=bound, dtype=jnp.float32)
    b = jnp.zeros((D,), dtype=jnp.float32)
    return {"x": x, "edge_index": edge_index, "edge_weight": edge_weight, "W": W, "b": b}


def reference(x, edge_index, edge_weight, W, b):
    c_in, c_out = C_IN, C_OUT
    # HypLinear (dropout=0, eval)
    mv = mobius_matvec(W, x, c_in)
    res = proj(mv, c_in)
    bias = b.reshape(1, -1)  # proj_tan0 is identity on Poincare ball
    hyp_bias = proj(expmap0(bias, c_in), c_in)
    res = proj(mobius_add(res, hyp_bias, c_in), c_in)
    # HypAgg: spmm(adj, x_tangent) as gather + segment_sum over COO edges
    x_tangent = logmap0(res, c_in)
    src = edge_index[0]
    dst = edge_index[1]
    msgs = edge_weight[:, None] * jnp.take(x_tangent, src, axis=0)
    support_t = jax.ops.segment_sum(msgs, dst, num_segments=x.shape[0])
    agg_out = proj(expmap0(support_t, c_in), c_in)
    # HypAct
    xt = jax.nn.relu(logmap0(agg_out, c_in))
    out = proj(expmap0(xt, c_out), c_out)
    return out

if __name__ == "__main__":
    import jax
    _d = setup_inputs()
    print(jax.jit(kernel)(*tuple(_d.values())))

</pallas_src>

<mosaic_0001>
#map = affine_map<(d0, d1) -> (0, 0)>
#map1 = affine_map<(d0, d1) -> (0, 0, 0)>
module attributes {stable_mosaic.version = 14 : i64} {
  func.func @agg(%arg0: i32, %arg1: i32, %arg2: memref<10000x128xf32, #tpu.memory_space<hbm>>, %arg3: memref<2560x128xi32, #tpu.memory_space<hbm>>, %arg4: memref<2560x128xi32, #tpu.memory_space<hbm>>, %arg5: memref<2560x128xf32, #tpu.memory_space<hbm>>, %arg6: memref<2x10000x128xf32, #tpu.memory_space<hbm>>, %arg7: memref<16x128xi32, #tpu.memory_space<vmem>>, %arg8: memref<16x128xi32, #tpu.memory_space<vmem>>, %arg9: memref<16x128xf32, #tpu.memory_space<vmem>>, %arg10: memref<128x128xf32, #tpu.memory_space<vmem>>, %arg11: memref<128x128xf32, #tpu.memory_space<vmem>>, %arg12: memref<10000x128xf32, #tpu.memory_space<vmem_shared>>, %arg13: memref<!tpu.dma_semaphore, #tpu.memory_space<semaphore_mem>>, %arg14: memref<!tpu.dma_semaphore, #tpu.memory_space<semaphore_mem>>, %arg15: memref<!tpu.dma_semaphore, #tpu.memory_space<semaphore_mem>>) attributes {dimension_semantics = [#tpu.dimension_semantics<core_parallel>, #tpu.dimension_semantics<subcore_parallel>], iteration_bounds = array<i64: 2, 16>, scalar_prefetch = 0 : i64, scratch_operands = 9 : i64, tpu.core_type = #tpu.core_type<sc_vector_subcore>, window_params = [{transform_indices = #map}, {transform_indices = #map}, {transform_indices = #map}, {transform_indices = #map}, {transform_indices = #map1}]} {
    %mul3A = arith.constant 16 : i32
    %mul3A_0 = arith.muli %arg0, %mul3A : i32
    %add3A = arith.addi %mul3A_0, %arg1 : i32
    %scan3A = arith.constant 0 : i32
    %scan3A_1 = arith.constant 0 : i32
    %scan3A_2 = arith.constant 128 : i32
    %scan3A_3 = arith.addi %scan3A_1, %scan3A_2 : i32
    %scan3A_4 = arith.constant 1 : i32
    scf.for %scan3A_389 = %scan3A_1 to %scan3A_3 step %scan3A_4  : i32 {
      %broadcast_in_dim3A = arith.constant 0.000000e+00 : f32
      %broadcast_in_dim3A_390 = vector.broadcast %broadcast_in_dim3A : f32 to vector<16xf32>
      %swap3A = arith.index_cast %scan3A_389 : i32 to index
      %swap3A_391 = arith.constant 0 : index
      %swap3A_392 = tpu.vector_load %arg10[%swap3A, %swap3A_391] {strides = array<i32>} : memref<128x128xf32, #tpu.memory_space<vmem>>, vector<1x16xf32>,
      %swap3A_393 = vector.shape_cast %swap3A_392 : vector<1x16xf32> to vector<16xf32>
      %swap3A_394 = vector.shape_cast %broadcast_in_dim3A_390 : vector<16xf32> to vector<1x16xf32>
      tpu.vector_store %arg10[%swap3A, %swap3A_391], %swap3A_394 {strides = array<i32>} : memref<128x128xf32, #tpu.memory_space<vmem>>, vector<1x16xf32>,
      %broadcast_in_dim3A_395 = arith.constant 0.000000e+00 : f32
      %broadcast_in_dim3A_396 = vector.broadcast %broadcast_in_dim3A_395 : f32 to vector<16xf32>
      %swap3A_397 = arith.index_cast %scan3A_389 : i32 to index
      %swap3A_398 = arith.constant 16 : index
      %swap3A_399 = tpu.vector_load %arg10[%swap3A_397, %swap3A_398] {strides = array<i32>} : memref<128x128xf32, #tpu.memory_space<vmem>>, vector<1x16xf32>,
      %swap3A_400 = vector.shape_cast %swap3A_399 : vector<1x16xf32> to vector<16xf32>
      %swap3A_401 = vector.shape_cast %broadcast_in_dim3A_396 : vector<16xf32> to vector<1x16xf32>
      tpu.vector_store %arg10[%swap3A_397, %swap3A_398], %swap3A_401 {strides = array<i32>} : memref<128x128xf32, #tpu.memory_space<vmem>>, vector<1x16xf32>,
      %broadcast_in_dim3A_402 = arith.constant 0.000000e+00 : f32
      %broadcast_in_dim3A_403 = vector.broadcast %broadcast_in_dim3A_402 : f32 to vector<16xf32>
      %swap3A_404 = arith.index_cast %scan3A_389 : i32 to index
      %swap3A_405 = arith.constant 32 : index
      %swap3A_406 = tpu.vector_load %arg10[%swap3A_404, %swap3A_405] {strides = array<i32>} : memref<128x128xf32, #tpu.memory_space<vmem>>, vector<1x16xf32>,
      %swap3A_407 = vector.shape_cast %swap3A_406 : vector<1x16xf32> to vector<16xf32>
      %swap3A_408 = vector.shape_cast %broadcast_in_dim3A_403 : vector<16xf32> to vector<1x16xf32>
      tpu.vector_store %arg10[%swap3A_404, %swap3A_405], %swap3A_408 {strides = array<i32>} : memref<128x128xf32, #tpu.memory_space<vmem>>, vector<1x16xf32>,
      %broadcast_in_dim3A_409 = arith.constant 0.000000e+00 : f32
      %broadcast_in_dim3A_410 = vector.broadcast %broadcast_in_dim3A_409 : f32 to vector<16xf32>
      %swap3A_411 = arith.index_cast %scan3A_389 : i32 to index
      %swap3A_412 = arith.constant 48 : index
      %swap3A_413 = tpu.vector_load %arg10[%swap3A_411, %swap3A_412] {strides = array<i32>} : memref<128x128xf32, #tpu.memory_space<vmem>>, vector<1x16xf32>,
      %swap3A_414 = vector.shape_cast %swap3A_413 : vector<1x16xf32> to vector<16xf32>
      %swap3A_415 = vector.shape_cast %broadcast_in_dim3A_410 : vector<16xf32> to vector<1x16xf32>
      tpu.vector_store %arg10[%swap3A_411, %swap3A_412], %swap3A_415 {strides = array<i32>} : memref<128x128xf32, #tpu.memory_space<vmem>>, vector<1x16xf32>,
      %broadcast_in_dim3A_416 = arith.constant 0.000000e+00 : f32
      %broadcast_in_dim3A_417 = vector.broadcast %broadcast_in_dim3A_416 : f32 to vector<16xf32>
      %swap3A_418 = arith.index_cast %scan3A_389 : i32 to index
      %swap3A_419 = arith.constant 64 : index
      %swap3A_420 = tpu.vector_load %arg10[%swap3A_418, %swap3A_419] {strides = array<i32>} : memref<128x128xf32, #tpu.memory_space<vmem>>, vector<1x16xf32>,
      %swap3A_421 = vector.shape_cast %swap3A_420 : vector<1x16xf32> to vector<16xf32>
      %swap3A_422 = vector.shape_cast %broadcast_in_dim3A_417 : vector<16xf32> to vector<1x16xf32>
      tpu.vector_store %arg10[%swap3A_418, %swap3A_419], %swap3A_422 {strides = array<i32>} : memref<128x128xf32, #tpu.memory_space<vmem>>, vector<1x16xf32>,
      %broadcast_in_dim3A_423 = arith.constant 0.000000e+00 : f32
      %broadcast_in_dim3A_424 = vector.broadcast %broadcast_in_dim3A_423 : f32 to vector<16xf32>
      %swap3A_425 = arith.index_cast %scan3A_389 : i32 to index
      %swap3A_426 = arith.constant 80 : index
      %swap3A_427 = tpu.vector_load %arg10[%swap3A_425, %swap3A_426] {strides = array<i32>} : memref<128x128xf32, #tpu.memory_space<vmem>>, vector<1x16xf32>,
      %swap3A_428 = vector.shape_cast %swap3A_427 : vector<1x16xf32> to vector<16xf32>
      %swap3A_429 = vector.shape_cast %broadcast_in_dim3A_424 : vector<16xf32> to vector<1x16xf32>
      tpu.vector_store %arg10[%swap3A_425, %swap3A_426], %swap3A_429 {strides = array<i32>} : memref<128x128xf32, #tpu.memory_space<vmem>>, vector<1x16xf32>,
      %broadcast_in_dim3A_430 = arith.constant 0.000000e+00 : f32
      %broadcast_in_dim3A_431 = vector.broadcast %broadcast_in_dim3A_430 : f32 to vector<16xf32>
      %swap3A_432 = arith.index_cast %scan3A_389 : i32 to index
      %swap3A_433 = arith.constant 96 : index
      %swap3A_434 = tpu.vector_load %arg10[%swap3A_432, %swap3A_433] {strides = array<i32>} : memref<128x128xf32, #tpu.memory_space<vmem>>, vector<1x16xf32>,
      %swap3A_435 = vector.shape_cast %swap3A_434 : vector<1x16xf32> to vector<16xf32>
      %swap3A_436 = vector.shape_cast %broadcast_in_dim3A_431 : vector<16xf32> to vector<1x16xf32>
      tpu.vector_store %arg10[%swap3A_432, %swap3A_433], %swap3A_436 {strides = array<i32>} : memref<128x128xf32, #tpu.memory_space<vmem>>, vector<1x16xf32>,
      %broadcast_in_dim3A_437 = arith.constant 0.000000e+00 : f32
      %broadcast_in_dim3A_438 = vector.broadcast %broadcast_in_dim3A_437 : f32 to vector<16xf32>
      %swap3A_439 = arith.index_cast %scan3A_389 : i32 to index
      %swap3A_440 = arith.constant 112 : index
      %swap3A_441 = tpu.vector_load %arg10[%swap3A_439, %swap3A_440] {strides = array<i32>} : memref<128x128xf32, #tpu.memory_space<vmem>>, vector<1x16xf32>,
      %swap3A_442 = vector.shape_cast %swap3A_441 : vector<1x16xf32> to vector<16xf32>
      %swap3A_443 = vector.shape_cast %broadcast_in_dim3A_438 : vector<16xf32> to vector<1x16xf32>
      tpu.vector_store %arg10[%swap3A_439, %swap3A_440], %swap3A_443 {strides = array<i32>} : memref<128x128xf32, #tpu.memory_space<vmem>>, vector<1x16xf32>,
    }
    %scan3A_5 = arith.constant 128 : i32
    %mul3A_6 = arith.constant 624 : i32
    %mul3A_7 = arith.muli %arg1, %mul3A_6 : i32
    %add3A_8 = arith.constant 0 : i32
    %add3A_9 = arith.addi %mul3A_7, %add3A_8 : i32
    "tpu.region"() ({
      %run_scoped3A = tpu.sem_alloc : memref<!tpu.dma_semaphore, #tpu.memory_space<semaphore_mem>>
      %dma_start3A_389 = arith.constant 0 : i32
      %dma_start3A_390 = arith.constant 0 : i32
      %dma_start3A_391 = tpu.memref_slice %arg10[%dma_start3A_389, %dma_start3A_390] : memref<128x128xf32, #tpu.memory_space<vmem>> -> memref<128x128xf32, #tpu.memory_space<vmem>>
      %dma_start3A_392 = arith.constant 0 : i32
      %dma_start3A_393 = tpu.memref_slice %arg12[%add3A_9, %dma_start3A_392] : memref<10000x128xf32, #tpu.memory_space<vmem_shared>> -> memref<128x128xf32, #tpu.memory_space<vmem_shared>>
      %dma_start3A_394 = arith.constant 0 : i32
      %dma_start3A_395 = tpu.memref_slice %arg12[%add3A_9, %dma_start3A_394] : memref<10000x128xf32, #tpu.memory_space<vmem_shared>> -> memref<128x128xf32, #tpu.memory_space<vmem_shared>>
      %dma_start3A_396 = arith.constant 0 : i32
      %dma_start3A_397 = arith.constant 0 : i32
      %dma_start3A_398 = tpu.memref_slice %arg10[%dma_start3A_396, %dma_start3A_397] : memref<128x128xf32, #tpu.memory_space<vmem>> -> memref<128x128xf32, #tpu.memory_space<vmem>>
      tpu.enqueue_dma source(%dma_start3A_398 : memref<128x128xf32, #tpu.memory_space<vmem>>) target(%dma_start3A_395 : memref<128x128xf32, #tpu.memory_space<vmem_shared>>) target_semaphore(%run_scoped3A : memref<!tpu.dma_semaphore, #tpu.memory_space<semaphore_mem>>)
      %dma_wait3A_399 = arith.constant 0 : i32
      %dma_wait3A_400 = arith.constant 0 : i32
      %dma_wait3A_401 = tpu.memref_slice %arg10[%dma_wait3A_399, %dma_wait3A_400] : memref<128x128xf32, #tpu.memory_space<vmem>> -> memref<128x128xf32, #tpu.memory_space<vmem>>
      %dma_wait3A_402 = arith.constant 0 : i32
      %dma_wait3A_403 = tpu.memref_slice %arg12[%add3A_9, %dma_wait3A_402] : memref<10000x128xf32, #tpu.memory_space<vmem_shared>> -> memref<128x128xf32, #tpu.memory_space<vmem_shared>>
      %dma_wait3A_404 = arith.constant 0 : i32
      %dma_wait3A_405 = tpu.memref_slice %arg12[%add3A_9, %dma_wait3A_404] : memref<10000x128xf32, #tpu.memory_space<vmem_shared>> -> memref<128x128xf32, #tpu.memory_space<vmem_shared>>
      %dma_wait3A_406 = arith.constant 0 : i32
      %dma_wait3A_407 = arith.constant 0 : i32
      %dma_wait3A_408 = tpu.memref_slice %arg10[%dma_wait3A_406, %dma_wait3A_407] : memref<128x128xf32, #tpu.memory_space<vmem>> -> memref<128x128xf32, #tpu.memory_space<vmem>>
      tpu.wait_dma2 semaphore(%run_scoped3A : memref<!tpu.dma_semaphore, #tpu.memory_space<semaphore_mem>>) src(%dma_wait3A_408 : memref<128x128xf32, #tpu.memory_space<vmem>>) dst(%dma_wait3A_405 : memref<128x128xf32, #tpu.memory_space<vmem_shared>>)
      tpu.yield
    }) : () -> ()
    %add3A_10 = arith.constant 128 : i32
    %add3A_11 = arith.addi %mul3A_7, %add3A_10 : i32
    "tpu.region"() ({
      %run_scoped3A = tpu.sem_alloc : memref<!tpu.dma_semaphore, #tpu.memory_space<semaphore_mem>>
      %dma_start3A_389 = arith.constant 0 : i32
      %dma_start3A_390 = arith.constant 0 : i32
      %dma_start3A_391 = tpu.memref_slice %arg10[%dma_start3A_389, %dma_start3A_390] : memref<128x128xf32, #tpu.memory_space<vmem>> -> memref<128x128xf32, #tpu.memory_space<vmem>>
      %dma_start3A_392 = arith.constant 0 : i32
      %dma_start3A_393 = tpu.memref_slice %arg12[%add3A_11, %dma_start3A_392] : memref<10000x128xf32, #tpu.memory_space<vmem_shared>> -> memref<128x128xf32, #tpu.memory_space<vmem_shared>>
      %dma_start3A_394 = arith.constant 0 : i32
      %dma_start3A_395 = tpu.memref_slice %arg12[%add3A_11, %dma_start3A_394] : memref<10000x128xf32, #tpu.memory_space<vmem_shared>> -> memref<128x128xf32, #tpu.memory_space<vmem_shared>>
      %dma_start3A_396 = arith.constant 0 : i32
      %dma_start3A_397 = arith.constant 0 : i32
      %dma_start3A_398 = tpu.memref_slice %arg10[%dma_start3A_396, %dma_start3A_397] : memref<128x128xf32, #tpu.memory_space<vmem>> -> memref<128x128xf32, #tpu.memory_space<vmem>>
      tpu.enqueue_dma source(%dma_start3A_398 : memref<128x128xf32, #tpu.memory_space<vmem>>) target(%dma_start3A_395 : memref<128x128xf32, #tpu.memory_space<vmem_shared>>) target_semaphore(%run_scoped3A : memref<!tpu.dma_semaphore, #tpu.memory_space<semaphore_mem>>)
      %dma_wait3A_399 = arith.constant 0 : i32
      %dma_wait3A_400 = arith.constant 0 : i32
      %dma_wait3A_401 = tpu.memref_slice %arg10[%dma_wait3A_399, %dma_wait3A_400] : memref<128x128xf32, #tpu.memory_space<vmem>> -> memref<128x128xf32, #tpu.memory_space<vmem>>
      %dma_wait3A_402 = arith.constant 0 : i32
      %dma_wait3A_403 = tpu.memref_slice %arg12[%add3A_11, %dma_wait3A_402] : memref<10000x128xf32, #tpu.memory_space<vmem_shared>> -> memref<128x128xf32, #tpu.memory_space<vmem_shared>>
      %dma_wait3A_404 = arith.constant 0 : i32
      %dma_wait3A_405 = tpu.memref_slice %arg12[%add3A_11, %dma_wait3A_404] : memref<10000x128xf32, #tpu.memory_space<vmem_shared>> -> memref<128x128xf32, #tpu.memory_space<vmem_shared>>
      %dma_wait3A_406 = arith.constant 0 : i32
      %dma_wait3A_407 = arith.constant 0 : i32
      %dma_wait3A_408 = tpu.memref_slice %arg10[%dma_wait3A_406, %dma_wait3A_407] : memref<128x128xf32, #tpu.memory_space<vmem>> -> memref<128x128xf32, #tpu.memory_space<vmem>>
      tpu.wait_dma2 semaphore(%run_scoped3A : memref<!tpu.dma_semaphore, #tpu.memory_space<semaphore_mem>>) src(%dma_wait3A_408 : memref<128x128xf32, #tpu.memory_space<vmem>>) dst(%dma_wait3A_405 : memref<128x128xf32, #tpu.memory_space<vmem_shared>>)
      tpu.yield
    }) : () -> ()
    %add3A_12 = arith.constant 256 : i32
    %add3A_13 = arith.addi %mul3A_7, %add3A_12 : i32
    "tpu.region"() ({
      %run_scoped3A = tpu.sem_alloc : memref<!tpu.dma_semaphore, #tpu.memory_space<semaphore_mem>>
      %dma_start3A_389 = arith.constant 0 : i32
      %dma_start3A_390 = arith.constant 0 : i32
      %dma_start3A_391 = tpu.memref_slice %arg10[%dma_start3A_389, %dma_start3A_390] : memref<128x128xf32, #tpu.memory_space<vmem>> -> memref<128x128xf32, #tpu.memory_space<vmem>>
      %dma_start3A_392 = arith.constant 0 : i32
      %dma_start3A_393 = tpu.memref_slice %arg12[%add3A_13, %dma_start3A_392] : memref<10000x128xf32, #tpu.memory_space<vmem_shared>> -> memref<128x128xf32, #tpu.memory_space<vmem_shared>>
      %dma_start3A_394 = arith.constant 0 : i32
      %dma_start3A_395 = tpu.memref_slice %arg12[%add3A_13, %dma_start3A_394] : memref<10000x128xf32, #tpu.memory_space<vmem_shared>> -> memref<128x128xf32, #tpu.memory_space<vmem_shared>>
      %dma_start3A_396 = arith.constant 0 : i32
      %dma_start3A_397 = arith.constant 0 : i32
      %dma_start3A_398 = tpu.memref_slice %arg10[%dma_start3A_396, %dma_start3A_397] : memref<128x128xf32, #tpu.memory_space<vmem>> -> memref<128x128xf32, #tpu.memory_space<vmem>>
      tpu.enqueue_dma source(%dma_start3A_398 : memref<128x128xf32, #tpu.memory_space<vmem>>) target(%dma_start3A_395 : memref<128x128xf32, #tpu.memory_space<vmem_shared>>) target_semaphore(%run_scoped3A : memref<!tpu.dma_semaphore, #tpu.memory_space<semaphore_mem>>)
      %dma_wait3A_399 = arith.constant 0 : i32
      %dma_wait3A_400 = arith.constant 0 : i32
      %dma_wait3A_401 = tpu.memref_slice %arg10[%dma_wait3A_399, %dma_wait3A_400] : memref<128x128xf32, #tpu.memory_space<vmem>> -> memref<128x128xf32, #tpu.memory_space<vmem>>
      %dma_wait3A_402 = arith.constant 0 : i32
      %dma_wait3A_403 = tpu.memref_slice %arg12[%add3A_13, %dma_wait3A_402] : memref<10000x128xf32, #tpu.memory_space<vmem_shared>> -> memref<128x128xf32, #tpu.memory_space<vmem_shared>>
      %dma_wait3A_404 = arith.constant 0 : i32
      %dma_wait3A_405 = tpu.memref_slice %arg12[%add3A_13, %dma_wait3A_404] : memref<10000x128xf32, #tpu.memory_space<vmem_shared>> -> memref<128x128xf32, #tpu.memory_space<vmem_shared>>
      %dma_wait3A_406 = arith.constant 0 : i32
      %dma_wait3A_407 = arith.constant 0 : i32
      %dma_wait3A_408 = tpu.memref_slice %arg10[%dma_wait3A_406, %dma_wait3A_407] : memref<128x128xf32, #tpu.memory_space<vmem>> -> memref<128x128xf32, #tpu.memory_space<vmem>>
      tpu.wait_dma2 semaphore(%run_scoped3A : memref<!tpu.dma_semaphore, #tpu.memory_space<semaphore_mem>>) src(%dma_wait3A_408 : memref<128x128xf32, #tpu.memory_space<vmem>>) dst(%dma_wait3A_405 : memref<128x128xf32, #tpu.memory_space<vmem_shared>>)
      tpu.yield
    }) : () -> ()
    %add3A_14 = arith.constant 384 : i32
    %add3A_15 = arith.addi %mul3A_7, %add3A_14 : i32
    "tpu.region"() ({
      %run_scoped3A = tpu.sem_alloc : memref<!tpu.dma_semaphore, #tpu.memory_space<semaphore_mem>>
      %dma_start3A_389 = arith.constant 0 : i32
      %dma_start3A_390 = arith.constant 0 : i32
      %dma_start3A_391 = tpu.memref_slice %arg10[%dma_start3A_389, %dma_start3A_390] : memref<128x128xf32, #tpu.memory_space<vmem>> -> memref<128x128xf32, #tpu.memory_space<vmem>>
      %dma_start3A_392 = arith.constant 0 : i32
      %dma_start3A_393 = tpu.memref_slice %arg12[%add3A_15, %dma_start3A_392] : memref<10000x128xf32, #tpu.memory_space<vmem_shared>> -> memref<128x128xf32, #tpu.memory_space<vmem_shared>>
      %dma_start3A_394 = arith.constant 0 : i32
      %dma_start3A_395 = tpu.memref_slice %arg12[%add3A_15, %dma_start3A_394] : memref<10000x128xf32, #tpu.memory_space<vmem_shared>> -> memref<128x128xf32, #tpu.memory_space<vmem_shared>>
      %dma_start3A_396 = arith.constant 0 : i32
      %dma_start3A_397 = arith.constant 0 : i32
      %dma_start3A_398 = tpu.memref_slice %arg10[%dma_start3A_396, %dma_start3A_397] : memref<128x128xf32, #tpu.memory_space<vmem>> -> memref<128x128xf32, #tpu.memory_space<vmem>>
      tpu.enqueue_dma source(%dma_start3A_398 : memref<128x128xf32, #tpu.memory_space<vmem>>) target(%dma_start3A_395 : memref<128x128xf32, #tpu.memory_space<vmem_shared>>) target_semaphore(%run_scoped3A : memref<!tpu.dma_semaphore, #tpu.memory_space<semaphore_mem>>)
      %dma_wait3A_399 = arith.constant 0 : i32
      %dma_wait3A_400 = arith.constant 0 : i32
      %dma_wait3A_401 = tpu.memref_slice %arg10[%dma_wait3A_399, %dma_wait3A_400] : memref<128x128xf32, #tpu.memory_space<vmem>> -> memref<128x128xf32, #tpu.memory_space<vmem>>
      %dma_wait3A_402 = arith.constant 0 : i32
      %dma_wait3A_403 = tpu.memref_slice %arg12[%add3A_15, %dma_wait3A_402] : memref<10000x128xf32, #tpu.memory_space<vmem_shared>> -> memref<128x128xf32, #tpu.memory_space<vmem_shared>>
      %dma_wait3A_404 = arith.constant 0 : i32
      %dma_wait3A_405 = tpu.memref_slice %arg12[%add3A_15, %dma_wait3A_404] : memref<10000x128xf32, #tpu.memory_space<vmem_shared>> -> memref<128x128xf32, #tpu.memory_space<vmem_shared>>
      %dma_wait3A_406 = arith.constant 0 : i32
      %dma_wait3A_407 = arith.constant 0 : i32
      %dma_wait3A_408 = tpu.memref_slice %arg10[%dma_wait3A_406, %dma_wait3A_407] : memref<128x128xf32, #tpu.memory_space<vmem>> -> memref<128x128xf32, #tpu.memory_space<vmem>>
      tpu.wait_dma2 semaphore(%run_scoped3A : memref<!tpu.dma_semaphore, #tpu.memory_space<semaphore_mem>>) src(%dma_wait3A_408 : memref<128x128xf32, #tpu.memory_space<vmem>>) dst(%dma_wait3A_405 : memref<128x128xf32, #tpu.memory_space<vmem_shared>>)
      tpu.yield
    }) : () -> ()
    %add3A_16 = arith.constant 512 : i32
    %add3A_17 = arith.addi %mul3A_7, %add3A_16 : i32
    "tpu.region"() ({
      %run_scoped3A = tpu.sem_alloc : memref<!tpu.dma_semaphore, #tpu.memory_space<semaphore_mem>>
      %dma_start3A_389 = arith.constant 0 : i32
      %dma_start3A_390 = arith.constant 0 : i32
      %dma_start3A_391 = tpu.memref_slice %arg10[%dma_start3A_389, %dma_start3A_390] : memref<128x128xf32, #tpu.memory_space<vmem>> -> memref<128x128xf32, #tpu.memory_space<vmem>>
      %dma_start3A_392 = arith.constant 0 : i32
      %dma_start3A_393 = tpu.memref_slice %arg12[%add3A_17, %dma_start3A_392] : memref<10000x128xf32, #tpu.memory_space<vmem_shared>> -> memref<128x128xf32, #tpu.memory_space<vmem_shared>>
      %dma_start3A_394 = arith.constant 0 : i32
      %dma_start3A_395 = tpu.memref_slice %arg12[%add3A_17, %dma_start3A_394] : memref<10000x128xf32, #tpu.memory_space<vmem_shared>> -> memref<128x128xf32, #tpu.memory_space<vmem_shared>>
      %dma_start3A_396 = arith.constant 0 : i32
      %dma_start3A_397 = arith.constant 0 : i32
      %dma_start3A_398 = tpu.memref_slice %arg10[%dma_start3A_396, %dma_start3A_397] : memref<128x128xf32, #tpu.memory_space<vmem>> -> memref<128x128xf32, #tpu.memory_space<vmem>>
      tpu.enqueue_dma source(%dma_start3A_398 : memref<128x128xf32, #tpu.memory_space<vmem>>) target(%dma_start3A_395 : memref<128x128xf32, #tpu.memory_space<vmem_shared>>) target_semaphore(%run_scoped3A : memref<!tpu.dma_semaphore, #tpu.memory_space<semaphore_mem>>)
      %dma_wait3A_399 = arith.constant 0 : i32
      %dma_wait3A_400 = arith.constant 0 : i32
      %dma_wait3A_401 = tpu.memref_slice %arg10[%dma_wait3A_399, %dma_wait3A_400] : memref<128x128xf32, #tpu.memory_space<vmem>> -> memref<128x128xf32, #tpu.memory_space<vmem>>
      %dma_wait3A_402 = arith.constant 0 : i32
      %dma_wait3A_403 = tpu.memref_slice %arg12[%add3A_17, %dma_wait3A_402] : memref<10000x128xf32, #tpu.memory_space<vmem_shared>> -> memref<128x128xf32, #tpu.memory_space<vmem_shared>>
      %dma_wait3A_404 = arith.constant 0 : i32
      %dma_wait3A_405 = tpu.memref_slice %arg12[%add3A_17, %dma_wait3A_404] : memref<10000x128xf32, #tpu.memory_space<vmem_shared>> -> memref<128x128xf32, #tpu.memory_space<vmem_shared>>
      %dma_wait3A_406 = arith.constant 0 : i32
      %dma_wait3A_407 = arith.constant 0 : i32
      %dma_wait3A_408 = tpu.memref_slice %arg10[%dma_wait3A_406, %dma_wait3A_407] : memref<128x128xf32, #tpu.memory_space<vmem>> -> memref<128x128xf32, #tpu.memory_space<vmem>>
      tpu.wait_dma2 semaphore(%run_scoped3A : memref<!tpu.dma_semaphore, #tpu.memory_space<semaphore_mem>>) src(%dma_wait3A_408 : memref<128x128xf32, #tpu.memory_space<vmem>>) dst(%dma_wait3A_405 : memref<128x128xf32, #tpu.memory_space<vmem_shared>>)
      tpu.yield
    }) : () -> ()
    %barrier3A = arith.constant 0 : index
    tpu.barrier barrier_id(%barrier3A)
    %mul3A_18 = arith.constant 80 : i32
    %mul3A_19 = arith.muli %add3A, %mul3A_18 : i32
    %add3A_20 = arith.constant 0 : i32
    %add3A_21 = arith.addi %mul3A_19, %add3A_20 : i32
    %dma_start3A = arith.constant 0 : i32
    %dma_start3A_22 = tpu.memref_slice %arg3[%add3A_21, %dma_start3A] : memref<2560x128xi32, #tpu.memory_space<hbm>> -> memref<16x128xi32, #tpu.memory_space<hbm>>
    %dma_start3A_23 = arith.constant 0 : i32
    %dma_start3A_24 = tpu.memref_slice %arg3[%add3A_21, %dma_start3A_23] : memref<2560x128xi32, #tpu.memory_space<hbm>> -> memref<16x128xi32, #tpu.memory_space<hbm>>
    tpu.enqueue_dma source(%dma_start3A_24 : memref<16x128xi32, #tpu.memory_space<hbm>>) target(%arg7 : memref<16x128xi32, #tpu.memory_space<vmem>>) target_semaphore(%arg15 : memref<!tpu.dma_semaphore, #tpu.memory_space<semaphore_mem>>)
    %dma_start3A_25 = arith.constant 0 : i32
    %dma_start3A_26 = tpu.memref_slice %arg4[%add3A_21, %dma_start3A_25] : memref<2560x128xi32, #tpu.memory_space<hbm>> -> memref<16x128xi32, #tpu.memory_space<hbm>>
    %dma_start3A_27 = arith.constant 0 : i32
    %dma_start3A_28 = tpu.memref_slice %arg4[%add3A_21, %dma_start3A_27] : memref<2560x128xi32, #tpu.memory_space<hbm>> -> memref<16x128xi32, #tpu.memory_space<hbm>>
    tpu.enqueue_dma source(%dma_start3A_28 : memref<16x128xi32, #tpu.memory_space<hbm>>) target(%arg8 : memref<16x128xi32, #tpu.memory_space<vmem>>) target_semaphore(%arg15 : memref<!tpu.dma_semaphore, #tpu.memory_space<semaphore_mem>>)
    %dma_start3A_29 = arith.constant 0 : i32
    %dma_start3A_30 = tpu.memref_slice %arg5[%add3A_21, %dma_start3A_29] : memref<2560x128xf32, #tpu.memory_space<hbm>> -> memref<16x128xf32, #tpu.memory_space<hbm>>
    %dma_start3A_31 = arith.constant 0 : i32
    %dma_start3A_32 = tpu.memref_slice %arg5[%add3A_21, %dma_start3A_31] : memref<2560x128xf32, #tpu.memory_space<hbm>> -> memref<16x128xf32, #tpu.memory_space<hbm>>
    tpu.enqueue_dma source(%dma_start3A_32 : memref<16x128xf32, #tpu.memory_space<hbm>>) target(%arg9 : memref<16x128xf32, #tpu.memory_space<vmem>>) target_semaphore(%arg15 : memref<!tpu.dma_semaphore, #tpu.memory_space<semaphore_mem>>)
    %dma_wait3A = arith.constant 0 : i32
    %dma_wait3A_33 = tpu.memref_slice %arg3[%add3A_21, %dma_wait3A] : memref<2560x128xi32, #tpu.memory_space<hbm>> -> memref<16x128xi32, #tpu.memory_space<hbm>>
    %dma_wait3A_34 = arith.constant 0 : i32
    %dma_wait3A_35 = tpu.memref_slice %arg3[%add3A_21, %dma_wait3A_34] : memref<2560x128xi32, #tpu.memory_space<hbm>> -> memref<16x128xi32, #tpu.memory_space<hbm>>
    tpu.wait_dma2 semaphore(%arg15 : memref<!tpu.dma_semaphore, #tpu.memory_space<semaphore_mem>>) src(%dma_wait3A_35 : memref<16x128xi32, #tpu.memory_space<hbm>>) dst(%arg7 : memref<16x128xi32, #tpu.memory_space<vmem>>)
    %dma_wait3A_36 = arith.constant 0 : i32
    %dma_wait3A_37 = tpu.memref_slice %arg4[%add3A_21, %dma_wait3A_36] : memref<2560x128xi32, #tpu.memory_space<hbm>> -> memref<16x128xi32, #tpu.memory_space<hbm>>
    %dma_wait3A_38 = arith.constant 0 : i32
    %dma_wait3A_39 = tpu.memref_slice %arg4[%add3A_21, %dma_wait3A_38] : memref<2560x128xi32, #tpu.memory_space<hbm>> -> memref<16x128xi32, #tpu.memory_space<hbm>>
    tpu.wait_dma2 semaphore(%arg15 : memref<!tpu.dma_semaphore, #tpu.memory_space<semaphore_mem>>) src(%dma_wait3A_39 : memref<16x128xi32, #tpu.memory_space<hbm>>) dst(%arg8 : memref<16x128xi32, #tpu.memory_space<vmem>>)
    %dma_wait3A_40 = arith.constant 0 : i32
    %dma_wait3A_41 = tpu.memref_slice %arg5[%add3A_21, %dma_wait3A_40] : memref<2560x128xf32, #tpu.memory_space<hbm>> -> memref<16x128xf32, #tpu.memory_space<hbm>>
    %dma_wait3A_42 = arith.constant 0 : i32
    %dma_wait3A_43 = tpu.memref_slice %arg5[%add3A_21, %dma_wait3A_42] : memref<2560x128xf32, #tpu.memory_space<hbm>> -> memref<16x128xf32, #tpu.memory_space<hbm>>
    tpu.wait_dma2 semaphore(%arg15 : memref<!tpu.dma_semaphore, #tpu.memory_space<semaphore_mem>>) src(%dma_wait3A_43 : memref<16x128xf32, #tpu.memory_space<hbm>>) dst(%arg9 : memref<16x128xf32, #tpu.memory_space<vmem>>)
    %dma_start3A_44 = arith.constant 0 : i32
    %dma_start3A_45 = arith.constant 0 : i32
    %dma_start3A_46 = arith.constant 0 : i32
    %dma_start3A_47 = tpu.memref_slice %arg10[%dma_start3A_45, %dma_start3A_46] : memref<128x128xf32, #tpu.memory_space<vmem>> -> memref<64x128xf32, #tpu.memory_space<vmem>>
    %dma_start3A_48 = arith.constant 0 : i32
    %dma_start3A_49 = tpu.memref_slice %arg7[%dma_start3A_44, %dma_start3A_48] : memref<16x128xi32, #tpu.memory_space<vmem>> -> memref<1x64xi32, #tpu.memory_space<vmem>>
    %dma_start3A_50 = tpu.memref_squeeze %dma_start3A_49 : memref<1x64xi32, #tpu.memory_space<vmem>> -> memref<64xi32, #tpu.memory_space<vmem>>
    %dma_start3A_51 = arith.constant 0 : i32
    %dma_start3A_52 = arith.constant 0 : i32
    %dma_start3A_53 = tpu.memref_slice %arg2[%dma_start3A_51, %dma_start3A_52] : memref<10000x128xf32, #tpu.memory_space<hbm>> -> memref<10000x128xf32, #tpu.memory_space<hbm>>
    tpu.enqueue_indirect_dma source(%dma_start3A_53 : memref<10000x128xf32, #tpu.memory_space<hbm>>) target(%dma_start3A_47 : memref<64x128xf32, #tpu.memory_space<vmem>>) offsets(%dma_start3A_50 : memref<64xi32, #tpu.memory_space<vmem>>) semaphore(%arg13 : memref<!tpu.dma_semaphore, #tpu.memory_space<semaphore_mem>>)
    %dma_start3A_54 = arith.constant 0 : i32
    %dma_start3A_55 = arith.constant 64 : i32
    %dma_start3A_56 = arith.constant 0 : i32
    %dma_start3A_57 = tpu.memref_slice %arg10[%dma_start3A_55, %dma_start3A_56] : memref<128x128xf32, #tpu.memory_space<vmem>> -> memref<64x128xf32, #tpu.memory_space<vmem>>
    %dma_start3A_58 = arith.constant 64 : i32
    %dma_start3A_59 = tpu.memref_slice %arg7[%dma_start3A_54, %dma_start3A_58] : memref<16x128xi32, #tpu.memory_space<vmem>> -> memref<1x64xi32, #tpu.memory_space<vmem>>
    %dma_start3A_60 = tpu.memref_squeeze %dma_start3A_59 : memref<1x64xi32, #tpu.memory_space<vmem>> -> memref<64xi32, #tpu.memory_space<vmem>>
    %dma_start3A_61 = arith.constant 0 : i32
    %dma_start3A_62 = arith.constant 0 : i32
    %dma_start3A_63 = tpu.memref_slice %arg2[%dma_start3A_61, %dma_start3A_62] : memref<10000x128xf32, #tpu.memory_space<hbm>> -> memref<10000x128xf32, #tpu.memory_space<hbm>>
    tpu.enqueue_indirect_dma source(%dma_start3A_63 : memref<10000x128xf32, #tpu.memory_space<hbm>>) target(%dma_start3A_57 : memref<64x128xf32, #tpu.memory_space<vmem>>) offsets(%dma_start3A_60 : memref<64xi32, #tpu.memory_space<vmem>>) semaphore(%arg13 : memref<!tpu.dma_semaphore, #tpu.memory_space<semaphore_mem>>)
    %dma_start3A_64 = arith.constant 1 : i32
    %dma_start3A_65 = arith.constant 0 : i32
    %dma_start3A_66 = arith.constant 0 : i32
    %dma_start3A_67 = tpu.memref_slice %arg11[%dma_start3A_65, %dma_start3A_66] : memref<128x128xf32, #tpu.memory_space<vmem>> -> memref<64x128xf32, #tpu.memory_space<vmem>>
    %dma_start3A_68 = arith.constant 0 : i32
    %dma_start3A_69 = tpu.memref_slice %arg7[%dma_start3A_64, %dma_start3A_68] : memref<16x128xi32, #tpu.memory_space<vmem>> -> memref<1x64xi32, #tpu.memory_space<vmem>>
    %dma_start3A_70 = tpu.memref_squeeze %dma_start3A_69 : memref<1x64xi32, #tpu.memory_space<vmem>> -> memref<64xi32, #tpu.memory_space<vmem>>
    %dma_start3A_71 = arith.constant 0 : i32
    %dma_start3A_72 = arith.constant 0 : i32
    %dma_start3A_73 = tpu.memref_slice %arg2[%dma_start3A_71, %dma_start3A_72] : memref<10000x128xf32, #tpu.memory_space<hbm>> -> memref<10000x128xf32, #tpu.memory_space<hbm>>
    tpu.enqueue_indirect_dma source(%dma_start3A_73 : memref<10000x128xf32, #tpu.memory_space<hbm>>) target(%dma_start3A_67 : memref<64x128xf32, #tpu.memory_space<vmem>>) offsets(%dma_start3A_70 : memref<64xi32, #tpu.memory_space<vmem>>) semaphore(%arg14 : memref<!tpu.dma_semaphore, #tpu.memory_space<semaphore_mem>>)
    %dma_start3A_74 = arith.constant 1 : i32
    %dma_start3A_75 = arith.constant 64 : i32
    %dma_start3A_76 = arith.constant 0 : i32
    %dma_start3A_77 = tpu.memref_slice %arg11[%dma_start3A_75, %dma_start3A_76] : memref<128x128xf32, #tpu.memory_space<vmem>> -> memref<64x128xf32, #tpu.memory_space<vmem>>
    %dma_start3A_78 = arith.constant 64 : i32
    %dma_start3A_79 = tpu.memref_slice %arg7[%dma_start3A_74, %dma_start3A_78] : memref<16x128xi32, #tpu.memory_space<vmem>> -> memref<1x64xi32, #tpu.memory_space<vmem>>
    %dma_start3A_80 = tpu.memref_squeeze %dma_start3A_79 : memref<1x64xi32, #tpu.memory_space<vmem>> -> memref<64xi32, #tpu.memory_space<vmem>>
    %dma_start3A_81 = arith.constant 0 : i32
    %dma_start3A_82 = arith.constant 0 : i32
    %dma_start3A_83 = tpu.memref_slice %arg2[%dma_start3A_81, %dma_start3A_82] : memref<10000x128xf32, #tpu.memory_space<hbm>> -> memref<10000x128xf32, #tpu.memory_space<hbm>>
    tpu.enqueue_indirect_dma source(%dma_start3A_83 : memref<10000x128xf32, #tpu.memory_space<hbm>>) target(%dma_start3A_77 : memref<64x128xf32, #tpu.memory_space<vmem>>) offsets(%dma_start3A_80 : memref<64xi32, #tpu.memory_space<vmem>>) semaphore(%arg14 : memref<!tpu.dma_semaphore, #tpu.memory_space<semaphore_mem>>)
    %scan3A_84 = arith.constant 0 : i32
    %scan3A_85 = arith.constant 0 : i32
    %scan3A_86 = arith.constant 8 : i32
    %scan3A_87 = arith.addi %scan3A_85, %scan3A_86 : i32
    %scan3A_88 = arith.constant 1 : i32
    scf.for %scan3A_389 = %scan3A_85 to %scan3A_87 step %scan3A_88  : i32 {
      %mul3A_390 = arith.constant 2 : i32
      %mul3A_391 = arith.muli %mul3A_390, %scan3A_389 : i32
      %dma_wait3A_392 = arith.constant 0 : i32
      %dma_wait3A_393 = arith.constant 0 : i32
      %dma_wait3A_394 = tpu.memref_slice %arg10[%dma_wait3A_392, %dma_wait3A_393] : memref<128x128xf32, #tpu.memory_space<vmem>> -> memref<64x128xf32, #tpu.memory_space<vmem>>
      %dma_wait3A_395 = arith.constant 0 : i32
      %dma_wait3A_396 = tpu.memref_slice %arg7[%mul3A_391, %dma_wait3A_395] : memref<16x128xi32, #tpu.memory_space<vmem>> -> memref<1x64xi32, #tpu.memory_space<vmem>>
      %dma_wait3A_397 = tpu.memref_squeeze %dma_wait3A_396 : memref<1x64xi32, #tpu.memory_space<vmem>> -> memref<64xi32, #tpu.memory_space<vmem>>
      %dma_wait3A_398 = arith.constant 0 : i32
      %dma_wait3A_399 = arith.constant 0 : i32
      %dma_wait3A_400 = tpu.memref_slice %arg2[%dma_wait3A_398, %dma_wait3A_399] : memref<10000x128xf32, #tpu.memory_space<hbm>> -> memref<10000x128xf32, #tpu.memory_space<hbm>>
      tpu.wait_indirect_dma semaphore(%arg13 : memref<!tpu.dma_semaphore, #tpu.memory_space<semaphore_mem>>) src(%dma_wait3A_400 : memref<10000x128xf32, #tpu.memory_space<hbm>>) dst(%dma_wait3A_394 : memref<64x128xf32, #tpu.memory_space<vmem>>)
      %dma_wait3A_401 = arith.constant 64 : i32
      %dma_wait3A_402 = arith.constant 0 : i32
      %dma_wait3A_403 = tpu.memref_slice %arg10[%dma_wait3A_401, %dma_wait3A_402] : memref<128x128xf32, #tpu.memory_space<vmem>> -> memref<64x128xf32, #tpu.memory_space<vmem>>
      %dma_wait3A_404 = arith.constant 64 : i32
      %dma_wait3A_405 = tpu.memref_slice %arg7[%mul3A_391, %dma_wait3A_404] : memref<16x128xi32, #tpu.memory_space<vmem>> -> memref<1x64xi32, #tpu.memory_space<vmem>>
      %dma_wait3A_406 = tpu.memref_squeeze %dma_wait3A_405 : memref<1x64xi32, #tpu.memory_space<vmem>> -> memref<64xi32, #tpu.memory_space<vmem>>
      %dma_wait3A_407 = arith.constant 0 : i32
      %dma_wait3A_408 = arith.constant 0 : i32
      %dma_wait3A_409 = tpu.memref_slice %arg2[%dma_wait3A_407, %dma_wait3A_408] : memref<10000x128xf32, #tpu.memory_space<hbm>> -> memref<10000x128xf32, #tpu.memory_space<hbm>>
      tpu.wait_indirect_dma semaphore(%arg13 : memref<!tpu.dma_semaphore, #tpu.memory_space<semaphore_mem>>) src(%dma_wait3A_409 : memref<10000x128xf32, #tpu.memory_space<hbm>>) dst(%dma_wait3A_403 : memref<64x128xf32, #tpu.memory_space<vmem>>)
      %parallel_loop3A = arith.constant 0 : i32
      %parallel_loop3A_410 = arith.constant 128 : i32
      %parallel_loop3A_411 = arith.constant 1 : i32
      scf.for %parallel_loop3A_448 = %parallel_loop3A to %parallel_loop3A_410 step %parallel_loop3A_411  : i32 {
        %parallel_loop3A_449 = arith.constant 16 : i32
        %parallel_loop3A_450 = arith.divsi %parallel_loop3A_448, %parallel_loop3A_449 : i32
        %parallel_loop3A_451 = arith.constant 0 : i32
        %parallel_loop3A_452 = arith.cmpi sgt, %parallel_loop3A_448, %parallel_loop3A_451 : i32
        %parallel_loop3A_453 = arith.extui %parallel_loop3A_452 : i1 to i32
        %parallel_loop3A_454 = arith.constant 0 : i32
        %parallel_loop3A_455 = arith.cmpi slt, %parallel_loop3A_448, %parallel_loop3A_454 : i32
        %parallel_loop3A_456 = arith.extui %parallel_loop3A_455 : i1 to i32
        %parallel_loop3A_457 = arith.subi %parallel_loop3A_453, %parallel_loop3A_456 : i32
        %parallel_loop3A_458 = arith.constant 0 : i32
        %parallel_loop3A_459 = arith.cmpi sgt, %parallel_loop3A_449, %parallel_loop3A_458 : i32
        %parallel_loop3A_460 = arith.extui %parallel_loop3A_459 : i1 to i32
        %parallel_loop3A_461 = arith.constant 0 : i32
        %parallel_loop3A_462 = arith.cmpi slt, %parallel_loop3A_449, %parallel_loop3A_461 : i32
        %parallel_loop3A_463 = arith.extui %parallel_loop3A_462 : i1 to i32
        %parallel_loop3A_464 = arith.subi %parallel_loop3A_460, %parallel_loop3A_463 : i32
        %parallel_loop3A_465 = arith.cmpi ne, %parallel_loop3A_457, %parallel_loop3A_464 : i32
        %parallel_loop3A_466 = arith.remsi %parallel_loop3A_448, %parallel_loop3A_449 : i32
        %parallel_loop3A_467 = arith.constant 0 : i32
        %parallel_loop3A_468 = arith.cmpi ne, %parallel_loop3A_466, %parallel_loop3A_467 : i32
        %parallel_loop3A_469 = arith.andi %parallel_loop3A_465, %parallel_loop3A_468 : i1
        %parallel_loop3A_470 = arith.constant 1 : i32
        %parallel_loop3A_471 = arith.subi %parallel_loop3A_450, %parallel_loop3A_470 : i32
        %parallel_loop3A_472 = arith.select %parallel_loop3A_469, %parallel_loop3A_471, %parallel_loop3A_450 : i32
        %parallel_loop3A_473 = arith.constant 16 : i32
        %parallel_loop3A_474 = arith.muli %parallel_loop3A_472, %parallel_loop3A_473 : i32
        %parallel_loop3A_475 = arith.index_cast %mul3A_391 : i32 to index
        %parallel_loop3A_476 = arith.index_cast %parallel_loop3A_474 : i32 to index
        %parallel_loop3A_477 = tpu.vector_load %arg9[%parallel_loop3A_475, %parallel_loop3A_476] {strides = array<i32>} : memref<16x128xf32, #tpu.memory_space<vmem>>, vector<1x16xf32>,
        %parallel_loop3A_478 = vector.shape_cast %parallel_loop3A_477 : vector<1x16xf32> to vector<16xf32>
        %parallel_loop3A_479 = arith.constant 16 : i32
        %parallel_loop3A_480 = arith.constant 0 : i32
        %parallel_loop3A_481 = arith.cmpi eq, %parallel_loop3A_479, %parallel_loop3A_480 : i32
        %parallel_loop3A_482 = arith.constant 1 : i32
        %parallel_loop3A_483 = arith.select %parallel_loop3A_481, %parallel_loop3A_482, %parallel_loop3A_479 : i32
        %parallel_loop3A_484 = arith.remsi %parallel_loop3A_448, %parallel_loop3A_483 : i32
        %parallel_loop3A_485 = arith.constant 0 : i32
        %parallel_loop3A_486 = arith.cmpi ne, %parallel_loop3A_484, %parallel_loop3A_485 : i32
        %parallel_loop3A_487 = arith.constant 0 : i32
        %parallel_loop3A_488 = arith.cmpi slt, %parallel_loop3A_484, %parallel_loop3A_487 : i32
        %parallel_loop3A_489 = arith.constant 0 : i32
        %parallel_loop3A_490 = arith.cmpi slt, %parallel_loop3A_483, %parallel_loop3A_489 : i32
        %parallel_loop3A_491 = arith.xori %parallel_loop3A_488, %parallel_loop3A_490 : i1
        %parallel_loop3A_492 = arith.andi %parallel_loop3A_491, %parallel_loop3A_486 : i1
        %parallel_loop3A_493 = arith.addi %parallel_loop3A_484, %parallel_loop3A_483 : i32
        %parallel_loop3A_494 = arith.select %parallel_loop3A_492, %parallel_loop3A_493, %parallel_loop3A_484 : i32
        %parallel_loop3A_495 = vector.broadcast %parallel_loop3A_494 : i32 to vector<16x1xi32>
        %parallel_loop3A_496 = vector.shape_cast %parallel_loop3A_495 : vector<16x1xi32> to vector<16xi32>
        %parallel_loop3A_497 = tpu.dynamic_gather %parallel_loop3A_478[%parallel_loop3A_496] in [0] : vector<16xf32>, vector<16xi32> -> vector<16xf32>
        %parallel_loop3A_498 = arith.index_cast %parallel_loop3A_448 : i32 to index
        %parallel_loop3A_499 = arith.constant 0 : index
        %parallel_loop3A_500 = tpu.vector_load %arg10[%parallel_loop3A_498, %parallel_loop3A_499] {strides = array<i32>} : memref<128x128xf32, #tpu.memory_space<vmem>>, vector<1x16xf32>,
        %parallel_loop3A_501 = vector.shape_cast %parallel_loop3A_500 : vector<1x16xf32> to vector<16xf32>
        %parallel_loop3A_502 = arith.mulf %parallel_loop3A_501, %parallel_loop3A_497 : vector<16xf32>
        %parallel_loop3A_503 = arith.index_cast %parallel_loop3A_448 : i32 to index
        %parallel_loop3A_504 = arith.constant 0 : index
        %parallel_loop3A_505 = tpu.vector_load %arg10[%parallel_loop3A_503, %parallel_loop3A_504] {strides = array<i32>} : memref<128x128xf32, #tpu.memory_space<vmem>>, vector<1x16xf32>,
        %parallel_loop3A_506 = vector.shape_cast %parallel_loop3A_505 : vector<1x16xf32> to vector<16xf32>
        %parallel_loop3A_507 = vector.shape_cast %parallel_loop3A_502 : vector<16xf32> to vector<1x16xf32>
        tpu.vector_store %arg10[%parallel_loop3A_503, %parallel_loop3A_504], %parallel_loop3A_507 {strides = array<i32>} : memref<128x128xf32, #tpu.memory_space<vmem>>, vector<1x16xf32>,
        %parallel_loop3A_508 = arith.index_cast %parallel_loop3A_448 : i32 to index
        %parallel_loop3A_509 = arith.constant 16 : index
        %parallel_loop3A_510 = tpu.vector_load %arg10[%parallel_loop3A_508, %parallel_loop3A_509] {strides = array<i32>} : memref<128x128xf32, #tpu.memory_space<vmem>>, vector<1x16xf32>,
        %parallel_loop3A_511 = vector.shape_cast %parallel_loop3A_510 : vector<1x16xf32> to vector<16xf32>
        %parallel_loop3A_512 = arith.mulf %parallel_loop3A_511, %parallel_loop3A_497 : vector<16xf32>
        %parallel_loop3A_513 = arith.index_cast %parallel_loop3A_448 : i32 to index
        %parallel_loop3A_514 = arith.constant 16 : index
        %parallel_loop3A_515 = tpu.vector_load %arg10[%parallel_loop3A_513, %parallel_loop3A_514] {strides = array<i32>} : memref<128x128xf32, #tpu.memory_space<vmem>>, vector<1x16xf32>,
        %parallel_loop3A_516 = vector.shape_cast %parallel_loop3A_515 : vector<1x16xf32> to vector<16xf32>
        %parallel_loop3A_517 = vector.shape_cast %parallel_loop3A_512 : vector<16xf32> to vector<1x16xf32>
        tpu.vector_store %arg10[%parallel_loop3A_513, %parallel_loop3A_514], %parallel_loop3A_517 {strides = array<i32>} : memref<128x128xf32, #tpu.memory_space<vmem>>, vector<1x16xf32>,
        %parallel_loop3A_518 = arith.index_cast %parallel_loop3A_448 : i32 to index
        %parallel_loop3A_519 = arith.constant 32 : index
        %parallel_loop3A_520 = tpu.vector_load %arg10[%parallel_loop3A_518, %parallel_loop3A_519] {strides = array<i32>} : memref<128x128xf32, #tpu.memory_space<vmem>>, vector<1x16xf32>,
        %parallel_loop3A_521 = vector.shape_cast %parallel_loop3A_520 : vector<1x16xf32> to vector<16xf32>
        %parallel_loop3A_522 = arith.mulf %parallel_loop3A_521, %parallel_loop3A_497 : vector<16xf32>
        %parallel_loop3A_523 = arith.index_cast %parallel_loop3A_448 : i32 to index
        %parallel_loop3A_524 = arith.constant 32 : index
        %parallel_loop3A_525 = tpu.vector_load %arg10[%parallel_loop3A_523, %parallel_loop3A_524] {strides = array<i32>} : memref<128x128xf32, #tpu.memory_space<vmem>>, vector<1x16xf32>,
        %parallel_loop3A_526 = vector.shape_cast %parallel_loop3A_525 : vector<1x16xf32> to vector<16xf32>
        %parallel_loop3A_527 = vector.shape_cast %parallel_loop3A_522 : vector<16xf32> to vector<1x16xf32>
        tpu.vector_store %arg10[%parallel_loop3A_523, %parallel_loop3A_524], %parallel_loop3A_527 {strides = array<i32>} : memref<128x128xf32, #tpu.memory_space<vmem>>, vector<1x16xf32>,
        %parallel_loop3A_528 = arith.index_cast %parallel_loop3A_448 : i32 to index
        %parallel_loop3A_529 = arith.constant 48 : index
        %parallel_loop3A_530 = tpu.vector_load %arg10[%parallel_loop3A_528, %parallel_loop3A_529] {strides = array<i32>} : memref<128x128xf32, #tpu.memory_space<vmem>>, vector<1x16xf32>,
        %parallel_loop3A_531 = vector.shape_cast %parallel_loop3A_530 : vector<1x16xf32> to vector<16xf32>
        %parallel_loop3A_532 = arith.mulf %parallel_loop3A_531, %parallel_loop3A_497 : vector<16xf32>
        %parallel_loop3A_533 = arith.index_cast %parallel_loop3A_448 : i32 to index
        %parallel_loop3A_534 = arith.constant 48 : index
        %parallel_loop3A_535 = tpu.vector_load %arg10[%parallel_loop3A_533, %parallel_loop3A_534] {strides = array<i32>} : memref<128x128xf32, #tpu.memory_space<vmem>>, vector<1x16xf32>,
        %parallel_loop3A_536 = vector.shape_cast %parallel_loop3A_535 : vector<1x16xf32> to vector<16xf32>
        %parallel_loop3A_537 = vector.shape_cast %parallel_loop3A_532 : vector<16xf32> to vector<1x16xf32>
        tpu.vector_store %arg10[%parallel_loop3A_533, %parallel_loop3A_534], %parallel_loop3A_537 {strides = array<i32>} : memref<128x128xf32, #tpu.memory_space<vmem>>, vector<1x16xf32>,
        %parallel_loop3A_538 = arith.index_cast %parallel_loop3A_448 : i32 to index
        %parallel_loop3A_539 = arith.constant 64 : index
        %parallel_loop3A_540 = tpu.vector_load %arg10[%parallel_loop3A_538, %parallel_loop3A_539] {strides = array<i32>} : memref<128x128xf32, #tpu.memory_space<vmem>>, vector<1x16xf32>,
        %parallel_loop3A_541 = vector.shape_cast %parallel_loop3A_540 : vector<1x16xf32> to vector<16xf32>
        %parallel_loop3A_542 = arith.mulf %parallel_loop3A_541, %parallel_loop3A_497 : vector<16xf32>
        %parallel_loop3A_543 = arith.index_cast %parallel_loop3A_448 : i32 to index
        %parallel_loop3A_544 = arith.constant 64 : index
        %parallel_loop3A_545 = tpu.vector_load %arg10[%parallel_loop3A_543, %parallel_loop3A_544] {strides = array<i32>} : memref<128x128xf32, #tpu.memory_space<vmem>>, vector<1x16xf32>,
        %parallel_loop3A_546 = vector.shape_cast %parallel_loop3A_545 : vector<1x16xf32> to vector<16xf32>
        %parallel_loop3A_547 = vector.shape_cast %parallel_loop3A_542 : vector<16xf32> to vector<1x16xf32>
        tpu.vector_store %arg10[%parallel_loop3A_543, %parallel_loop3A_544], %parallel_loop3A_547 {strides = array<i32>} : memref<128x128xf32, #tpu.memory_space<vmem>>, vector<1x16xf32>,
        %parallel_loop3A_548 = arith.index_cast %parallel_loop3A_448 : i32 to index
        %parallel_loop3A_549 = arith.constant 80 : index
        %parallel_loop3A_550 = tpu.vector_load %arg10[%parallel_loop3A_548, %parallel_loop3A_549] {strides = array<i32>} : memref<128x128xf32, #tpu.memory_space<vmem>>, vector<1x16xf32>,
        %parallel_loop3A_551 = vector.shape_cast %parallel_loop3A_550 : vector<1x16xf32> to vector<16xf32>
        %parallel_loop3A_552 = arith.mulf %parallel_loop3A_551, %parallel_loop3A_497 : vector<16xf32>
        %parallel_loop3A_553 = arith.index_cast %parallel_loop3A_448 : i32 to index
        %parallel_loop3A_554 = arith.constant 80 : index
        %parallel_loop3A_555 = tpu.vector_load %arg10[%parallel_loop3A_553, %parallel_loop3A_554] {strides = array<i32>} : memref<128x128xf32, #tpu.memory_space<vmem>>, vector<1x16xf32>,
        %parallel_loop3A_556 = vector.shape_cast %parallel_loop3A_555 : vector<1x16xf32> to vector<16xf32>
        %parallel_loop3A_557 = vector.shape_cast %parallel_loop3A_552 : vector<16xf32> to vector<1x16xf32>
        tpu.vector_store %arg10[%parallel_loop3A_553, %parallel_loop3A_554], %parallel_loop3A_557 {strides = array<i32>} : memref<128x128xf32, #tpu.memory_space<vmem>>, vector<1x16xf32>,
        %parallel_loop3A_558 = arith.index_cast %parallel_loop3A_448 : i32 to index
        %parallel_loop3A_559 = arith.constant 96 : index
        %parallel_loop3A_560 = tpu.vector_load %arg10[%parallel_loop3A_558, %parallel_loop3A_559] {strides = array<i32>} : memref<128x128xf32, #tpu.memory_space<vmem>>, vector<1x16xf32>,
        %parallel_loop3A_561 = vector.shape_cast %parallel_loop3A_560 : vector<1x16xf32> to vector<16xf32>
        %parallel_loop3A_562 = arith.mulf %parallel_loop3A_561, %parallel_loop3A_497 : vector<16xf32>
        %parallel_loop3A_563 = arith.index_cast %parallel_loop3A_448 : i32 to index
        %parallel_loop3A_564 = arith.constant 96 : index
        %parallel_loop3A_565 = tpu.vector_load %arg10[%parallel_loop3A_563, %parallel_loop3A_564] {strides = array<i32>} : memref<128x128xf32, #tpu.memory_space<vmem>>, vector<1x16xf32>,
        %parallel_loop3A_566 = vector.shape_cast %parallel_loop3A_565 : vector<1x16xf32> to vector<16xf32>
        %parallel_loop3A_567 = vector.shape_cast %parallel_loop3A_562 : vector<16xf32> to vector<1x16xf32>
        tpu.vector_store %arg10[%parallel_loop3A_563, %parallel_loop3A_564], %parallel_loop3A_567 {strides = array<i32>} : memref<128x128xf32, #tpu.memory_space<vmem>>, vector<1x16xf32>,
        %parallel_loop3A_568 = arith.index_cast %parallel_loop3A_448 : i32 to index
        %parallel_loop3A_569 = arith.constant 112 : index
        %parallel_loop3A_570 = tpu.vector_load %arg10[%parallel_loop3A_568, %parallel_loop3A_569] {strides = array<i32>} : memref<128x128xf32, #tpu.memory_space<vmem>>, vector<1x16xf32>,
        %parallel_loop3A_571 = vector.shape_cast %parallel_loop3A_570 : vector<1x16xf32> to vector<16xf32>
        %parallel_loop3A_572 = arith.mulf %parallel_loop3A_571, %parallel_loop3A_497 : vector<16xf32>
        %parallel_loop3A_573 = arith.index_cast %parallel_loop3A_448 : i32 to index
        %parallel_loop3A_574 = arith.constant 112 : index
        %parallel_loop3A_575 = tpu.vector_load %arg10[%parallel_loop3A_573, %parallel_loop3A_574] {strides = array<i32>} : memref<128x128xf32, #tpu.memory_space<vmem>>, vector<1x16xf32>,
        %parallel_loop3A_576 = vector.shape_cast %parallel_loop3A_575 : vector<1x16xf32> to vector<16xf32>
        %parallel_loop3A_577 = vector.shape_cast %parallel_loop3A_572 : vector<16xf32> to vector<1x16xf32>
        tpu.vector_store %arg10[%parallel_loop3A_573, %parallel_loop3A_574], %parallel_loop3A_577 {strides = array<i32>} : memref<128x128xf32, #tpu.memory_space<vmem>>, vector<1x16xf32>,
      } {sc.loop_unroll_factor = 2 : i64, sc.parallel_access}
      "tpu.region"() ({
        %run_scoped3A = tpu.sem_alloc : memref<!tpu.dma_semaphore, #tpu.memory_space<semaphore_mem>>
        %dma_start3A_448 = arith.constant 0 : i32
        %dma_start3A_449 = tpu.memref_slice %arg8[%mul3A_391, %dma_start3A_448] : memref<16x128xi32, #tpu.memory_space<vmem>> -> memref<1x128xi32, #tpu.memory_space<vmem>>
        %dma_start3A_450 = tpu.memref_squeeze %dma_start3A_449 : memref<1x128xi32, #tpu.memory_space<vmem>> -> memref<128xi32, #tpu.memory_space<vmem>>
        %dma_start3A_451 = arith.constant 0 : i32
        %dma_start3A_452 = arith.constant 0 : i32
        %dma_start3A_453 = tpu.memref_slice %arg12[%dma_start3A_451, %dma_start3A_452] : memref<10000x128xf32, #tpu.memory_space<vmem_shared>> -> memref<10000x128xf32, #tpu.memory_space<vmem_shared>>
        tpu.enqueue_indirect_dma source(%arg10 : memref<128x128xf32, #tpu.memory_space<vmem>>) target(%dma_start3A_453 : memref<10000x128xf32, #tpu.memory_space<vmem_shared>>) offsets(%dma_start3A_450 : memref<128xi32, #tpu.memory_space<vmem>>) semaphore(%run_scoped3A : memref<!tpu.dma_semaphore, #tpu.memory_space<semaphore_mem>>) {add = true}
        %dma_wait3A_454 = arith.constant 0 : i32
        %dma_wait3A_455 = tpu.memref_slice %arg8[%mul3A_391, %dma_wait3A_454] : memref<16x128xi32, #tpu.memory_space<vmem>> -> memref<1x128xi32, #tpu.memory_space<vmem>>
        %dma_wait3A_456 = tpu.memref_squeeze %dma_wait3A_455 : memref<1x128xi32, #tpu.memory_space<vmem>> -> memref<128xi32, #tpu.memory_space<vmem>>
        %dma_wait3A_457 = arith.constant 0 : i32
        %dma_wait3A_458 = arith.constant 0 : i32
        %dma_wait3A_459 = tpu.memref_slice %arg12[%dma_wait3A_457, %dma_wait3A_458] : memref<10000x128xf32, #tpu.memory_space<vmem_shared>> -> memref<10000x128xf32, #tpu.memory_space<vmem_shared>>
        tpu.wait_indirect_dma semaphore(%run_scoped3A : memref<!tpu.dma_semaphore, #tpu.memory_space<semaphore_mem>>) src(%arg10 : memref<128x128xf32, #tpu.memory_space<vmem>>) dst(%dma_wait3A_459 : memref<10000x128xf32, #tpu.memory_space<vmem_shared>>)
        tpu.yield
      }) : () -> ()
      %add3A_412 = arith.constant 1 : i32
      %add3A_413 = arith.addi %scan3A_389, %add3A_412 : i32
      %lt3A = arith.constant 8 : i32
      %lt3A_414 = arith.cmpi slt, %add3A_413, %lt3A : i32
      %convert_element_type3A = arith.extui %lt3A_414 : i1 to i32
      %cond3A = arith.constant 0 : i32
      %cond3A_415 = arith.cmpi ne, %convert_element_type3A, %cond3A : i32
      scf.if %cond3A_415 {
        %add3A_448 = arith.constant 2 : i32
        %add3A_449 = arith.addi %mul3A_391, %add3A_448 : i32
        %dma_start3A_450 = arith.constant 0 : i32
        %dma_start3A_451 = arith.constant 0 : i32
        %dma_start3A_452 = tpu.memref_slice %arg10[%dma_start3A_450, %dma_start3A_451] : memref<128x128xf32, #tpu.memory_space<vmem>> -> memref<64x128xf32, #tpu.memory_space<vmem>>
        %dma_start3A_453 = arith.constant 0 : i32
        %dma_start3A_454 = tpu.memref_slice %arg7[%add3A_449, %dma_start3A_453] : memref<16x128xi32, #tpu.memory_space<vmem>> -> memref<1x64xi32, #tpu.memory_space<vmem>>
        %dma_start3A_455 = tpu.memref_squeeze %dma_start3A_454 : memref<1x64xi32, #tpu.memory_space<vmem>> -> memref<64xi32, #tpu.memory_space<vmem>>
        %dma_start3A_456 = arith.constant 0 : i32
        %dma_start3A_457 = arith.constant 0 : i32
        %dma_start3A_458 = tpu.memref_slice %arg2[%dma_start3A_456, %dma_start3A_457] : memref<10000x128xf32, #tpu.memory_space<hbm>> -> memref<10000x128xf32, #tpu.memory_space<hbm>>
        tpu.enqueue_indirect_dma source(%dma_start3A_458 : memref<10000x128xf32, #tpu.memory_space<hbm>>) target(%dma_start3A_452 : memref<64x128xf32, #tpu.memory_space<vmem>>) offsets(%dma_start3A_455 : memref<64xi32, #tpu.memory_space<vmem>>) semaphore(%arg13 : memref<!tpu.dma_semaphore, #tpu.memory_space<semaphore_mem>>)
        %dma_start3A_459 = arith.constant 64 : i32
        %dma_start3A_460 = arith.constant 0 : i32
        %dma_start3A_461 = tpu.memref_slice %arg10[%dma_start3A_459, %dma_start3A_460] : memref<128x128xf32, #tpu.memory_space<vmem>> -> memref<64x128xf32, #tpu.memory_space<vmem>>
        %dma_start3A_462 = arith.constant 64 : i32
        %dma_start3A_463 = tpu.memref_slice %arg7[%add3A_449, %dma_start3A_462] : memref<16x128xi32, #tpu.memory_space<vmem>> -> memref<1x64xi32, #tpu.memory_space<vmem>>
        %dma_start3A_464 = tpu.memref_squeeze %dma_start3A_463 : memref<1x64xi32, #tpu.memory_space<vmem>> -> memref<64xi32, #tpu.memory_space<vmem>>
        %dma_start3A_465 = arith.constant 0 : i32
        %dma_start3A_466 = arith.constant 0 : i32
        %dma_start3A_467 = tpu.memref_slice %arg2[%dma_start3A_465, %dma_start3A_466] : memref<10000x128xf32, #tpu.memory_space<hbm>> -> memref<10000x128xf32, #tpu.memory_space<hbm>>
        tpu.enqueue_indirect_dma source(%dma_start3A_467 : memref<10000x128xf32, #tpu.memory_space<hbm>>) target(%dma_start3A_461 : memref<64x128xf32, #tpu.memory_space<vmem>>) offsets(%dma_start3A_464 : memref<64xi32, #tpu.memory_space<vmem>>) semaphore(%arg13 : memref<!tpu.dma_semaphore, #tpu.memory_space<semaphore_mem>>)
      } else {
      }
      %add3A_416 = arith.constant 1 : i32
      %add3A_417 = arith.addi %mul3A_391, %add3A_416 : i32
      %dma_wait3A_418 = arith.constant 0 : i32
      %dma_wait3A_419 = arith.constant 0 : i32
      %dma_wait3A_420 = tpu.memref_slice %arg11[%dma_wait3A_418, %dma_wait3A_419] : memref<128x128xf32, #tpu.memory_space<vmem>> -> memref<64x128xf32, #tpu.memory_space<vmem>>
      %dma_wait3A_421 = arith.constant 0 : i32
      %dma_wait3A_422 = tpu.memref_slice %arg7[%add3A_417, %dma_wait3A_421] : memref<16x128xi32, #tpu.memory_space<vmem>> -> memref<1x64xi32, #tpu.memory_space<vmem>>
      %dma_wait3A_423 = tpu.memref_squeeze %dma_wait3A_422 : memref<1x64xi32, #tpu.memory_space<vmem>> -> memref<64xi32, #tpu.memory_space<vmem>>
      %dma_wait3A_424 = arith.constant 0 : i32
      %dma_wait3A_425 = arith.constant 0 : i32
      %dma_wait3A_426 = tpu.memref_slice %arg2[%dma_wait3A_424, %dma_wait3A_425] : memref<10000x128xf32, #tpu.memory_space<hbm>> -> memref<10000x128xf32, #tpu.memory_space<hbm>>
      tpu.wait_indirect_dma semaphore(%arg14 : memref<!tpu.dma_semaphore, #tpu.memory_space<semaphore_mem>>) src(%dma_wait3A_426 : memref<10000x128xf32, #tpu.memory_space<hbm>>) dst(%dma_wait3A_420 : memref<64x128xf32, #tpu.memory_space<vmem>>)
      %dma_wait3A_427 = arith.constant 64 : i32
      %dma_wait3A_428 = arith.constant 0 : i32
      %dma_wait3A_429 = tpu.memref_slice %arg11[%dma_wait3A_427, %dma_wait3A_428] : memref<128x128xf32, #tpu.memory_space<vmem>> -> memref<64x128xf32, #tpu.memory_space<vmem>>
      %dma_wait3A_430 = arith.constant 64 : i32
      %dma_wait3A_431 = tpu.memref_slice %arg7[%add3A_417, %dma_wait3A_430] : memref<16x128xi32, #tpu.memory_space<vmem>> -> memref<1x64xi32, #tpu.memory_space<vmem>>
      %dma_wait3A_432 = tpu.memref_squeeze %dma_wait3A_431 : memref<1x64xi32, #tpu.memory_space<vmem>> -> memref<64xi32, #tpu.memory_space<vmem>>
      %dma_wait3A_433 = arith.constant 0 : i32
      %dma_wait3A_434 = arith.constant 0 : i32
      %dma_wait3A_435 = tpu.memref_slice %arg2[%dma_wait3A_433, %dma_wait3A_434] : memref<10000x128xf32, #tpu.memory_space<hbm>> -> memref<10000x128xf32, #tpu.memory_space<hbm>>
      tpu.wait_indirect_dma semaphore(%arg14 : memref<!tpu.dma_semaphore, #tpu.memory_space<semaphore_mem>>) src(%dma_wait3A_435 : memref<10000x128xf32, #tpu.memory_space<hbm>>) dst(%dma_wait3A_429 : memref<64x128xf32, #tpu.memory_space<vmem>>)
      %add3A_436 = arith.constant 1 : i32
      %add3A_437 = arith.addi %mul3A_391, %add3A_436 : i32
      %parallel_loop3A_438 = arith.constant 0 : i32
      %parallel_loop3A_439 = arith.constant 128 : i32
      %parallel_loop3A_440 = arith.constant 1 : i32
      scf.for %parallel_loop3A_448 = %parallel_loop3A_438 to %parallel_loop3A_439 step %parallel_loop3A_440  : i32 {
        %parallel_loop3A_449 = arith.constant 16 : i32
        %parallel_loop3A_450 = arith.divsi %parallel_loop3A_448, %parallel_loop3A_449 : i32
        %parallel_loop3A_451 = arith.constant 0 : i32
        %parallel_loop3A_452 = arith.cmpi sgt, %parallel_loop3A_448, %parallel_loop3A_451 : i32
        %parallel_loop3A_453 = arith.extui %parallel_loop3A_452 : i1 to i32
        %parallel_loop3A_454 = arith.constant 0 : i32
        %parallel_loop3A_455 = arith.cmpi slt, %parallel_loop3A_448, %parallel_loop3A_454 : i32
        %parallel_loop3A_456 = arith.extui %parallel_loop3A_455 : i1 to i32
        %parallel_loop3A_457 = arith.subi %parallel_loop3A_453, %parallel_loop3A_456 : i32
        %parallel_loop3A_458 = arith.constant 0 : i32
        %parallel_loop3A_459 = arith.cmpi sgt, %parallel_loop3A_449, %parallel_loop3A_458 : i32
        %parallel_loop3A_460 = arith.extui %parallel_loop3A_459 : i1 to i32
        %parallel_loop3A_461 = arith.constant 0 : i32
        %parallel_loop3A_462 = arith.cmpi slt, %parallel_loop3A_449, %parallel_loop3A_461 : i32
        %parallel_loop3A_463 = arith.extui %parallel_loop3A_462 : i1 to i32
        %parallel_loop3A_464 = arith.subi %parallel_loop3A_460, %parallel_loop3A_463 : i32
        %parallel_loop3A_465 = arith.cmpi ne, %parallel_loop3A_457, %parallel_loop3A_464 : i32
        %parallel_loop3A_466 = arith.remsi %parallel_loop3A_448, %parallel_loop3A_449 : i32
        %parallel_loop3A_467 = arith.constant 0 : i32
        %parallel_loop3A_468 = arith.cmpi ne, %parallel_loop3A_466, %parallel_loop3A_467 : i32
        %parallel_loop3A_469 = arith.andi %parallel_loop3A_465, %parallel_loop3A_468 : i1
        %parallel_loop3A_470 = arith.constant 1 : i32
        %parallel_loop3A_471 = arith.subi %parallel_loop3A_450, %parallel_loop3A_470 : i32
        %parallel_loop3A_472 = arith.select %parallel_loop3A_469, %parallel_loop3A_471, %parallel_loop3A_450 : i32
        %parallel_loop3A_473 = arith.constant 16 : i32
        %parallel_loop3A_474 = arith.muli %parallel_loop3A_472, %parallel_loop3A_473 : i32
        %parallel_loop3A_475 = arith.index_cast %add3A_437 : i32 to index
        %parallel_loop3A_476 = arith.index_cast %parallel_loop3A_474 : i32 to index
        %parallel_loop3A_477 = tpu.vector_load %arg9[%parallel_loop3A_475, %parallel_loop3A_476] {strides = array<i32>} : memref<16x128xf32, #tpu.memory_space<vmem>>, vector<1x16xf32>,
        %parallel_loop3A_478 = vector.shape_cast %parallel_loop3A_477 : vector<1x16xf32> to vector<16xf32>
        %parallel_loop3A_479 = arith.constant 16 : i32
        %parallel_loop3A_480 = arith.constant 0 : i32
        %parallel_loop3A_481 = arith.cmpi eq, %parallel_loop3A_479, %parallel_loop3A_480 : i32
        %parallel_loop3A_482 = arith.constant 1 : i32
        %parallel_loop3A_483 = arith.select %parallel_loop3A_481, %parallel_loop3A_482, %parallel_loop3A_479 : i32
        %parallel_loop3A_484 = arith.remsi %parallel_loop3A_448, %parallel_loop3A_483 : i32
        %parallel_loop3A_485 = arith.constant 0 : i32
        %parallel_loop3A_486 = arith.cmpi ne, %parallel_loop3A_484, %parallel_loop3A_485 : i32
        %parallel_loop3A_487 = arith.constant 0 : i32
        %parallel_loop3A_488 = arith.cmpi slt, %parallel_loop3A_484, %parallel_loop3A_487 : i32
        %parallel_loop3A_489 = arith.constant 0 : i32
        %parallel_loop3A_490 = arith.cmpi slt, %parallel_loop3A_483, %parallel_loop3A_489 : i32
        %parallel_loop3A_491 = arith.xori %parallel_loop3A_488, %parallel_loop3A_490 : i1
        %parallel_loop3A_492 = arith.andi %parallel_loop3A_491, %parallel_loop3A_486 : i1
        %parallel_loop3A_493 = arith.addi %parallel_loop3A_484, %parallel_loop3A_483 : i32
        %parallel_loop3A_494 = arith.select %parallel_loop3A_492, %parallel_loop3A_493, %parallel_loop3A_484 : i32
        %parallel_loop3A_495 = vector.broadcast %parallel_loop3A_494 : i32 to vector<16x1xi32>
        %parallel_loop3A_496 = vector.shape_cast %parallel_loop3A_495 : vector<16x1xi32> to vector<16xi32>
        %parallel_loop3A_497 = tpu.dynamic_gather %parallel_loop3A_478[%parallel_loop3A_496] in [0] : vector<16xf32>, vector<16xi32> -> vector<16xf32>
        %parallel_loop3A_498 = arith.index_cast %parallel_loop3A_448 : i32 to index
        %parallel_loop3A_499 = arith.constant 0 : index
        %parallel_loop3A_500 = tpu.vector_load %arg11[%parallel_loop3A_498, %parallel_loop3A_499] {strides = array<i32>} : memref<128x128xf32, #tpu.memory_space<vmem>>, vector<1x16xf32>,
        %parallel_loop3A_501 = vector.shape_cast %parallel_loop3A_500 : vector<1x16xf32> to vector<16xf32>
        %parallel_loop3A_502 = arith.mulf %parallel_loop3A_501, %parallel_loop3A_497 : vector<16xf32>
        %parallel_loop3A_503 = arith.index_cast %parallel_loop3A_448 : i32 to index
        %parallel_loop3A_504 = arith.constant 0 : index
        %parallel_loop3A_505 = tpu.vector_load %arg11[%parallel_loop3A_503, %parallel_loop3A_504] {strides = array<i32>} : memref<128x128xf32, #tpu.memory_space<vmem>>, vector<1x16xf32>,
        %parallel_loop3A_506 = vector.shape_cast %parallel_loop3A_505 : vector<1x16xf32> to vector<16xf32>
        %parallel_loop3A_507 = vector.shape_cast %parallel_loop3A_502 : vector<16xf32> to vector<1x16xf32>
        tpu.vector_store %arg11[%parallel_loop3A_503, %parallel_loop3A_504], %parallel_loop3A_507 {strides = array<i32>} : memref<128x128xf32, #tpu.memory_space<vmem>>, vector<1x16xf32>,
        %parallel_loop3A_508 = arith.index_cast %parallel_loop3A_448 : i32 to index
        %parallel_loop3A_509 = arith.constant 16 : index
        %parallel_loop3A_510 = tpu.vector_load %arg11[%parallel_loop3A_508, %parallel_loop3A_509] {strides = array<i32>} : memref<128x128xf32, #tpu.memory_space<vmem>>, vector<1x16xf32>,
        %parallel_loop3A_511 = vector.shape_cast %parallel_loop3A_510 : vector<1x16xf32> to vector<16xf32>
        %parallel_loop3A_512 = arith.mulf %parallel_loop3A_511, %parallel_loop3A_497 : vector<16xf32>
        %parallel_loop3A_513 = arith.index_cast %parallel_loop3A_448 : i32 to index
        %parallel_loop3A_514 = arith.constant 16 : index
        %parallel_loop3A_515 = tpu.vector_load %arg11[%parallel_loop3A_513, %parallel_loop3A_514] {strides = array<i32>} : memref<128x128xf32, #tpu.memory_space<vmem>>, vector<1x16xf32>,
        %parallel_loop3A_516 = vector.shape_cast %parallel_loop3A_515 : vector<1x16xf32> to vector<16xf32>
        %parallel_loop3A_517 = vector.shape_cast %parallel_loop3A_512 : vector<16xf32> to vector<1x16xf32>
        tpu.vector_store %arg11[%parallel_loop3A_513, %parallel_loop3A_514], %parallel_loop3A_517 {strides = array<i32>} : memref<128x128xf32, #tpu.memory_space<vmem>>, vector<1x16xf32>,
        %parallel_loop3A_518 = arith.index_cast %parallel_loop3A_448 : i32 to index
        %parallel_loop3A_519 = arith.constant 32 : index
        %parallel_loop3A_520 = tpu.vector_load %arg11[%parallel_loop3A_518, %parallel_loop3A_519] {strides = array<i32>} : memref<128x128xf32, #tpu.memory_space<vmem>>, vector<1x16xf32>,
        %parallel_loop3A_521 = vector.shape_cast %parallel_loop3A_520 : vector<1x16xf32> to vector<16xf32>
        %parallel_loop3A_522 = arith.mulf %parallel_loop3A_521, %parallel_loop3A_497 : vector<16xf32>
        %parallel_loop3A_523 = arith.index_cast %parallel_loop3A_448 : i32 to index
        %parallel_loop3A_524 = arith.constant 32 : index
        %parallel_loop3A_525 = tpu.vector_load %arg11[%parallel_loop3A_523, %parallel_loop3A_524] {strides = array<i32>} : memref<128x128xf32, #tpu.memory_space<vmem>>, vector<1x16xf32>,
        %parallel_loop3A_526 = vector.shape_cast %parallel_loop3A_525 : vector<1x16xf32> to vector<16xf32>
        %parallel_loop3A_527 = vector.shape_cast %parallel_loop3A_522 : vector<16xf32> to vector<1x16xf32>
        tpu.vector_store %arg11[%parallel_loop3A_523, %parallel_loop3A_524], %parallel_loop3A_527 {strides = array<i32>} : memref<128x128xf32, #tpu.memory_space<vmem>>, vector<1x16xf32>,
        %parallel_loop3A_528 = arith.index_cast %parallel_loop3A_448 : i32 to index
        %parallel_loop3A_529 = arith.constant 48 : index
        %parallel_loop3A_530 = tpu.vector_load %arg11[%parallel_loop3A_528, %parallel_loop3A_529] {strides = array<i32>} : memref<128x128xf32, #tpu.memory_space<vmem>>, vector<1x16xf32>,
        %parallel_loop3A_531 = vector.shape_cast %parallel_loop3A_530 : vector<1x16xf32> to vector<16xf32>
        %parallel_loop3A_532 = arith.mulf %parallel_loop3A_531, %parallel_loop3A_497 : vector<16xf32>
        %parallel_loop3A_533 = arith.index_cast %parallel_loop3A_448 : i32 to index
        %parallel_loop3A_534 = arith.constant 48 : index
        %parallel_loop3A_535 = tpu.vector_load %arg11[%parallel_loop3A_533, %parallel_loop3A_534] {strides = array<i32>} : memref<128x128xf32, #tpu.memory_space<vmem>>, vector<1x16xf32>,
        %parallel_loop3A_536 = vector.shape_cast %parallel_loop3A_535 : vector<1x16xf32> to vector<16xf32>
        %parallel_loop3A_537 = vector.shape_cast %parallel_loop3A_532 : vector<16xf32> to vector<1x16xf32>
        tpu.vector_store %arg11[%parallel_loop3A_533, %parallel_loop3A_534], %parallel_loop3A_537 {strides = array<i32>} : memref<128x128xf32, #tpu.memory_space<vmem>>, vector<1x16xf32>,
        %parallel_loop3A_538 = arith.index_cast %parallel_loop3A_448 : i32 to index
        %parallel_loop3A_539 = arith.constant 64 : index
        %parallel_loop3A_540 = tpu.vector_load %arg11[%parallel_loop3A_538, %parallel_loop3A_539] {strides = array<i32>} : memref<128x128xf32, #tpu.memory_space<vmem>>, vector<1x16xf32>,
        %parallel_loop3A_541 = vector.shape_cast %parallel_loop3A_540 : vector<1x16xf32> to vector<16xf32>
        %parallel_loop3A_542 = arith.mulf %parallel_loop3A_541, %parallel_loop3A_497 : vector<16xf32>
        %parallel_loop3A_543 = arith.index_cast %parallel_loop3A_448 : i32 to index
        %parallel_loop3A_544 = arith.constant 64 : index
        %parallel_loop3A_545 = tpu.vector_load %arg11[%parallel_loop3A_543, %parallel_loop3A_544] {strides = array<i32>} : memref<128x128xf32, #tpu.memory_space<vmem>>, vector<1x16xf32>,
        %parallel_loop3A_546 = vector.shape_cast %parallel_loop3A_545 : vector<1x16xf32> to vector<16xf32>
        %parallel_loop3A_547 = vector.shape_cast %parallel_loop3A_542 : vector<16xf32> to vector<1x16xf32>
        tpu.vector_store %arg11[%parallel_loop3A_543, %parallel_loop3A_544], %parallel_loop3A_547 {strides = array<i32>} : memref<128x128xf32, #tpu.memory_space<vmem>>, vector<1x16xf32>,
        %parallel_loop3A_548 = arith.index_cast %parallel_loop3A_448 : i32 to index
        %parallel_loop3A_549 = arith.constant 80 : index
        %parallel_loop3A_550 = tpu.vector_load %arg11[%parallel_loop3A_548, %parallel_loop3A_549] {strides = array<i32>} : memref<128x128xf32, #tpu.memory_space<vmem>>, vector<1x16xf32>,
        %parallel_loop3A_551 = vector.shape_cast %parallel_loop3A_550 : vector<1x16xf32> to vector<16xf32>
        %parallel_loop3A_552 = arith.mulf %parallel_loop3A_551, %parallel_loop3A_497 : vector<16xf32>
        %parallel_loop3A_553 = arith.index_cast %parallel_loop3A_448 : i32 to index
        %parallel_loop3A_554 = arith.constant 80 : index
        %parallel_loop3A_555 = tpu.vector_load %arg11[%parallel_loop3A_553, %parallel_loop3A_554] {strides = array<i32>} : memref<128x128xf32, #tpu.memory_space<vmem>>, vector<1x16xf32>,
        %parallel_loop3A_556 = vector.shape_cast %parallel_loop3A_555 : vector<1x16xf32> to vector<16xf32>
        %parallel_loop3A_557 = vector.shape_cast %parallel_loop3A_552 : vector<16xf32> to vector<1x16xf32>
        tpu.vector_store %arg11[%parallel_loop3A_553, %parallel_loop3A_554], %parallel_loop3A_557 {strides = array<i32>} : memref<128x128xf32, #tpu.memory_space<vmem>>, vector<1x16xf32>,
        %parallel_loop3A_558 = arith.index_cast %parallel_loop3A_448 : i32 to index
        %parallel_loop3A_559 = arith.constant 96 : index
        %parallel_loop3A_560 = tpu.vector_load %arg11[%parallel_loop3A_558, %parallel_loop3A_559] {strides = array<i32>} : memref<128x128xf32, #tpu.memory_space<vmem>>, vector<1x16xf32>,
        %parallel_loop3A_561 = vector.shape_cast %parallel_loop3A_560 : vector<1x16xf32> to vector<16xf32>
        %parallel_loop3A_562 = arith.mulf %parallel_loop3A_561, %parallel_loop3A_497 : vector<16xf32>
        %parallel_loop3A_563 = arith.index_cast %parallel_loop3A_448 : i32 to index
        %parallel_loop3A_564 = arith.constant 96 : index
        %parallel_loop3A_565 = tpu.vector_load %arg11[%parallel_loop3A_563, %parallel_loop3A_564] {strides = array<i32>} : memref<128x128xf32, #tpu.memory_space<vmem>>, vector<1x16xf32>,
        %parallel_loop3A_566 = vector.shape_cast %parallel_loop3A_565 : vector<1x16xf32> to vector<16xf32>
        %parallel_loop3A_567 = vector.shape_cast %parallel_loop3A_562 : vector<16xf32> to vector<1x16xf32>
        tpu.vector_store %arg11[%parallel_loop3A_563, %parallel_loop3A_564], %parallel_loop3A_567 {strides = array<i32>} : memref<128x128xf32, #tpu.memory_space<vmem>>, vector<1x16xf32>,
        %parallel_loop3A_568 = arith.index_cast %parallel_loop3A_448 : i32 to index
        %parallel_loop3A_569 = arith.constant 112 : index
        %parallel_loop3A_570 = tpu.vector_load %arg11[%parallel_loop3A_568, %parallel_loop3A_569] {strides = array<i32>} : memref<128x128xf32, #tpu.memory_space<vmem>>, vector<1x16xf32>,
        %parallel_loop3A_571 = vector.shape_cast %parallel_loop3A_570 : vector<1x16xf32> to vector<16xf32>
        %parallel_loop3A_572 = arith.mulf %parallel_loop3A_571, %parallel_loop3A_497 : vector<16xf32>
        %parallel_loop3A_573 = arith.index_cast %parallel_loop3A_448 : i32 to index
        %parallel_loop3A_574 = arith.constant 112 : index
        %parallel_loop3A_575 = tpu.vector_load %arg11[%parallel_loop3A_573, %parallel_loop3A_574] {strides = array<i32>} : memref<128x128xf32, #tpu.memory_space<vmem>>, vector<1x16xf32>,
        %parallel_loop3A_576 = vector.shape_cast %parallel_loop3A_575 : vector<1x16xf32> to vector<16xf32>
        %parallel_loop3A_577 = vector.shape_cast %parallel_loop3A_572 : vector<16xf32> to vector<1x16xf32>
        tpu.vector_store %arg11[%parallel_loop3A_573, %parallel_loop3A_574], %parallel_loop3A_577 {strides = array<i32>} : memref<128x128xf32, #tpu.memory_space<vmem>>, vector<1x16xf32>,
      } {sc.loop_unroll_factor = 2 : i64, sc.parallel_access}
      "tpu.region"() ({
        %run_scoped3A = tpu.sem_alloc : memref<!tpu.dma_semaphore, #tpu.memory_space<semaphore_mem>>
        %dma_start3A_448 = arith.constant 0 : i32
        %dma_start3A_449 = tpu.memref_slice %arg8[%add3A_437, %dma_start3A_448] : memref<16x128xi32, #tpu.memory_space<vmem>> -> memref<1x128xi32, #tpu.memory_space<vmem>>
        %dma_start3A_450 = tpu.memref_squeeze %dma_start3A_449 : memref<1x128xi32, #tpu.memory_space<vmem>> -> memref<128xi32, #tpu.memory_space<vmem>>
        %dma_start3A_451 = arith.constant 0 : i32
        %dma_start3A_452 = arith.constant 0 : i32
        %dma_start3A_453 = tpu.memref_slice %arg12[%dma_start3A_451, %dma_start3A_452] : memref<10000x128xf32, #tpu.memory_space<vmem_shared>> -> memref<10000x128xf32, #tpu.memory_space<vmem_shared>>
        tpu.enqueue_indirect_dma source(%arg11 : memref<128x128xf32, #tpu.memory_space<vmem>>) target(%dma_start3A_453 : memref<10000x128xf32, #tpu.memory_space<vmem_shared>>) offsets(%dma_start3A_450 : memref<128xi32, #tpu.memory_space<vmem>>) semaphore(%run_scoped3A : memref<!tpu.dma_semaphore, #tpu.memory_space<semaphore_mem>>) {add = true}
        %dma_wait3A_454 = arith.constant 0 : i32
        %dma_wait3A_455 = tpu.memref_slice %arg8[%add3A_437, %dma_wait3A_454] : memref<16x128xi32, #tpu.memory_space<vmem>> -> memref<1x128xi32, #tpu.memory_space<vmem>>
        %dma_wait3A_456 = tpu.memref_squeeze %dma_wait3A_455 : memref<1x128xi32, #tpu.memory_space<vmem>> -> memref<128xi32, #tpu.memory_space<vmem>>
        %dma_wait3A_457 = arith.constant 0 : i32
        %dma_wait3A_458 = arith.constant 0 : i32
        %dma_wait3A_459 = tpu.memref_slice %arg12[%dma_wait3A_457, %dma_wait3A_458] : memref<10000x128xf32, #tpu.memory_space<vmem_shared>> -> memref<10000x128xf32, #tpu.memory_space<vmem_shared>>
        tpu.wait_indirect_dma semaphore(%run_scoped3A : memref<!tpu.dma_semaphore, #tpu.memory_space<semaphore_mem>>) src(%arg11 : memref<128x128xf32, #tpu.memory_space<vmem>>) dst(%dma_wait3A_459 : memref<10000x128xf32, #tpu.memory_space<vmem_shared>>)
        tpu.yield
      }) : () -> ()
      %add3A_441 = arith.constant 1 : i32
      %add3A_442 = arith.addi %scan3A_389, %add3A_441 : i32
      %lt3A_443 = arith.constant 8 : i32
      %lt3A_444 = arith.cmpi slt, %add3A_442, %lt3A_443 : i32
      %convert_element_type3A_445 = arith.extui %lt3A_444 : i1 to i32
      %cond3A_446 = arith.constant 0 : i32
      %cond3A_447 = arith.cmpi ne, %convert_element_type3A_445, %cond3A_446 : i32
      scf.if %cond3A_447 {
        %add3A_448 = arith.constant 3 : i32
        %add3A_449 = arith.addi %mul3A_391, %add3A_448 : i32
        %dma_start3A_450 = arith.constant 0 : i32
        %dma_start3A_451 = arith.constant 0 : i32
        %dma_start3A_452 = tpu.memref_slice %arg11[%dma_start3A_450, %dma_start3A_451] : memref<128x128xf32, #tpu.memory_space<vmem>> -> memref<64x128xf32, #tpu.memory_space<vmem>>
        %dma_start3A_453 = arith.constant 0 : i32
        %dma_start3A_454 = tpu.memref_slice %arg7[%add3A_449, %dma_start3A_453] : memref<16x128xi32, #tpu.memory_space<vmem>> -> memref<1x64xi32, #tpu.memory_space<vmem>>
        %dma_start3A_455 = tpu.memref_squeeze %dma_start3A_454 : memref<1x64xi32, #tpu.memory_space<vmem>> -> memref<64xi32, #tpu.memory_space<vmem>>
        %dma_start3A_456 = arith.constant 0 : i32
        %dma_start3A_457 = arith.constant 0 : i32
        %dma_start3A_458 = tpu.memref_slice %arg2[%dma_start3A_456, %dma_start3A_457] : memref<10000x128xf32, #tpu.memory_space<hbm>> -> memref<10000x128xf32, #tpu.memory_space<hbm>>
        tpu.enqueue_indirect_dma source(%dma_start3A_458 : memref<10000x128xf32, #tpu.memory_space<hbm>>) target(%dma_start3A_452 : memref<64x128xf32, #tpu.memory_space<vmem>>) offsets(%dma_start3A_455 : memref<64xi32, #tpu.memory_space<vmem>>) semaphore(%arg14 : memref<!tpu.dma_semaphore, #tpu.memory_space<semaphore_mem>>)
        %dma_start3A_459 = arith.constant 64 : i32
        %dma_start3A_460 = arith.constant 0 : i32
        %dma_start3A_461 = tpu.memref_slice %arg11[%dma_start3A_459, %dma_start3A_460] : memref<128x128xf32, #tpu.memory_space<vmem>> -> memref<64x128xf32, #tpu.memory_space<vmem>>
        %dma_start3A_462 = arith.constant 64 : i32
        %dma_start3A_463 = tpu.memref_slice %arg7[%add3A_449, %dma_start3A_462] : memref<16x128xi32, #tpu.memory_space<vmem>> -> memref<1x64xi32, #tpu.memory_space<vmem>>
        %dma_start3A_464 = tpu.memref_squeeze %dma_start3A_463 : memref<1x64xi32, #tpu.memory_space<vmem>> -> memref<64xi32, #tpu.memory_space<vmem>>
        %dma_start3A_465 = arith.constant 0 : i32
        %dma_start3A_466 = arith.constant 0 : i32
        %dma_start3A_467 = tpu.memref_slice %arg2[%dma_start3A_465, %dma_start3A_466] : memref<10000x128xf32, #tpu.memory_space<hbm>> -> memref<10000x128xf32, #tpu.memory_space<hbm>>
        tpu.enqueue_indirect_dma source(%dma_start3A_467 : memref<10000x128xf32, #tpu.memory_space<hbm>>) target(%dma_start3A_461 : memref<64x128xf32, #tpu.memory_space<vmem>>) offsets(%dma_start3A_464 : memref<64xi32, #tpu.memory_space<vmem>>) semaphore(%arg14 : memref<!tpu.dma_semaphore, #tpu.memory_space<semaphore_mem>>)
      } else {
      }
    }
    %scan3A_89 = arith.constant 8 : i32
    %add3A_90 = arith.constant 16 : i32
    %add3A_91 = arith.addi %mul3A_19, %add3A_90 : i32
    %dma_start3A_92 = arith.constant 0 : i32
    %dma_start3A_93 = tpu.memref_slice %arg3[%add3A_91, %dma_start3A_92] : memref<2560x128xi32, #tpu.memory_space<hbm>> -> memref<16x128xi32, #tpu.memory_space<hbm>>
    %dma_start3A_94 = arith.constant 0 : i32
    %dma_start3A_95 = tpu.memref_slice %arg3[%add3A_91, %dma_start3A_94] : memref<2560x128xi32, #tpu.memory_space<hbm>> -> memref<16x128xi32, #tpu.memory_space<hbm>>
    tpu.enqueue_dma source(%dma_start3A_95 : memref<16x128xi32, #tpu.memory_space<hbm>>) target(%arg7 : memref<16x128xi32, #tpu.memory_space<vmem>>) target_semaphore(%arg15 : memref<!tpu.dma_semaphore, #tpu.memory_space<semaphore_mem>>)
    %dma_start3A_96 = arith.constant 0 : i32
    %dma_start3A_97 = tpu.memref_slice %arg4[%add3A_91, %dma_start3A_96] : memref<2560x128xi32, #tpu.memory_space<hbm>> -> memref<16x128xi32, #tpu.memory_space<hbm>>
    %dma_start3A_98 = arith.constant 0 : i32
    %dma_start3A_99 = tpu.memref_slice %arg4[%add3A_91, %dma_start3A_98] : memref<2560x128xi32, #tpu.memory_space<hbm>> -> memref<16x128xi32, #tpu.memory_space<hbm>>
    tpu.enqueue_dma source(%dma_start3A_99 : memref<16x128xi32, #tpu.memory_space<hbm>>) target(%arg8 : memref<16x128xi32, #tpu.memory_space<vmem>>) target_semaphore(%arg15 : memref<!tpu.dma_semaphore, #tpu.memory_space<semaphore_mem>>)
    %dma_start3A_100 = arith.constant 0 : i32
    %dma_start3A_101 = tpu.memref_slice %arg5[%add3A_91, %dma_start3A_100] : memref<2560x128xf32, #tpu.memory_space<hbm>> -> memref<16x128xf32, #tpu.memory_space<hbm>>
    %dma_start3A_102 = arith.constant 0 : i32
    %dma_start3A_103 = tpu.memref_slice %arg5[%add3A_91, %dma_start3A_102] : memref<2560x128xf32, #tpu.memory_space<hbm>> -> memref<16x128xf32, #tpu.memory_space<hbm>>
    tpu.enqueue_dma source(%dma_start3A_103 : memref<16x128xf32, #tpu.memory_space<hbm>>) target(%arg9 : memref<16x128xf32, #tpu.memory_space<vmem>>) target_semaphore(%arg15 : memref<!tpu.dma_semaphore, #tpu.memory_space<semaphore_mem>>)
    %dma_wait3A_104 = arith.constant 0 : i32
    %dma_wait3A_105 = tpu.memref_slice %arg3[%add3A_91, %dma_wait3A_104] : memref<2560x128xi32, #tpu.memory_space<hbm>> -> memref<16x128xi32, #tpu.memory_space<hbm>>
    %dma_wait3A_106 = arith.constant 0 : i32
    %dma_wait3A_107 = tpu.memref_slice %arg3[%add3A_91, %dma_wait3A_106] : memref<2560x128xi32, #tpu.memory_space<hbm>> -> memref<16x128xi32, #tpu.memory_space<hbm>>
    tpu.wait_dma2 semaphore(%arg15 : memref<!tpu.dma_semaphore, #tpu.memory_space<semaphore_mem>>) src(%dma_wait3A_107 : memref<16x128xi32, #tpu.memory_space<hbm>>) dst(%arg7 : memref<16x128xi32, #tpu.memory_space<vmem>>)
    %dma_wait3A_108 = arith.constant 0 : i32
    %dma_wait3A_109 = tpu.memref_slice %arg4[%add3A_91, %dma_wait3A_108] : memref<2560x128xi32, #tpu.memory_space<hbm>> -> memref<16x128xi32, #tpu.memory_space<hbm>>
    %dma_wait3A_110 = arith.constant 0 : i32
    %dma_wait3A_111 = tpu.memref_slice %arg4[%add3A_91, %dma_wait3A_110] : memref<2560x128xi32, #tpu.memory_space<hbm>> -> memref<16x128xi32, #tpu.memory_space<hbm>>
    tpu.wait_dma2 semaphore(%arg15 : memref<!tpu.dma_semaphore, #tpu.memory_space<semaphore_mem>>) src(%dma_wait3A_111 : memref<16x128xi32, #tpu.memory_space<hbm>>) dst(%arg8 : memref<16x128xi32, #tpu.memory_space<vmem>>)
    %dma_wait3A_112 = arith.constant 0 : i32
    %dma_wait3A_113 = tpu.memref_slice %arg5[%add3A_91, %dma_wait3A_112] : memref<2560x128xf32, #tpu.memory_space<hbm>> -> memref<16x128xf32, #tpu.memory_space<hbm>>
    %dma_wait3A_114 = arith.constant 0 : i32
    %dma_wait3A_115 = tpu.memref_slice %arg5[%add3A_91, %dma_wait3A_114] : memref<2560x128xf32, #tpu.memory_space<hbm>> -> memref<16x128xf32, #tpu.memory_space<hbm>>
    tpu.wait_dma2 semaphore(%arg15 : memref<!tpu.dma_semaphore, #tpu.memory_space<semaphore_mem>>) src(%dma_wait3A_115 : memref<16x128xf32, #tpu.memory_space<hbm>>) dst(%arg9 : memref<16x128xf32, #tpu.memory_space<vmem>>)
    %dma_start3A_116 = arith.constant 0 : i32
    %dma_start3A_117 = arith.constant 0 : i32
    %dma_start3A_118 = arith.constant 0 : i32
    %dma_start3A_119 = tpu.memref_slice %arg10[%dma_start3A_117, %dma_start3A_118] : memref<128x128xf32, #tpu.memory_space<vmem>> -> memref<64x128xf32, #tpu.memory_space<vmem>>
    %dma_start3A_120 = arith.constant 0 : i32
    %dma_start3A_121 = tpu.memref_slice %arg7[%dma_start3A_116, %dma_start3A_120] : memref<16x128xi32, #tpu.memory_space<vmem>> -> memref<1x64xi32, #tpu.memory_space<vmem>>
    %dma_start3A_122 = tpu.memref_squeeze %dma_start3A_121 : memref<1x64xi32, #tpu.memory_space<vmem>> -> memref<64xi32, #tpu.memory_space<vmem>>
    %dma_start3A_123 = arith.constant 0 : i32
    %dma_start3A_124 = arith.constant 0 : i32
    %dma_start3A_125 = tpu.memref_slice %arg2[%dma_start3A_123, %dma_start3A_124] : memref<10000x128xf32, #tpu.memory_space<hbm>> -> memref<10000x128xf32, #tpu.memory_space<hbm>>
    tpu.enqueue_indirect_dma source(%dma_start3A_125 : memref<10000x128xf32, #tpu.memory_space<hbm>>) target(%dma_start3A_119 : memref<64x128xf32, #tpu.memory_space<vmem>>) offsets(%dma_start3A_122 : memref<64xi32, #tpu.memory_space<vmem>>) semaphore(%arg13 : memref<!tpu.dma_semaphore, #tpu.memory_space<semaphore_mem>>)
    %dma_start3A_126 = arith.constant 0 : i32
    %dma_start3A_127 = arith.constant 64 : i32
    %dma_start3A_128 = arith.constant 0 : i32
    %dma_start3A_129 = tpu.memref_slice %arg10[%dma_start3A_127, %dma_start3A_128] : memref<128x128xf32, #tpu.memory_space<vmem>> -> memref<64x128xf32, #tpu.memory_space<vmem>>
    %dma_start3A_130 = arith.constant 64 : i32
    %dma_start3A_131 = tpu.memref_slice %arg7[%dma_start3A_126, %dma_start3A_130] : memref<16x128xi32, #tpu.memory_space<vmem>> -> memref<1x64xi32, #tpu.memory_space<vmem>>
    %dma_start3A_132 = tpu.memref_squeeze %dma_start3A_131 : memref<1x64xi32, #tpu.memory_space<vmem>> -> memref<64xi32, #tpu.memory_space<vmem>>
    %dma_start3A_133 = arith.constant 0 : i32
    %dma_start3A_134 = arith.constant 0 : i32
    %dma_start3A_135 = tpu.memref_slice %arg2[%dma_start3A_133, %dma_start3A_134] : memref<10000x128xf32, #tpu.memory_space<hbm>> -> memref<10000x128xf32, #tpu.memory_space<hbm>>
    tpu.enqueue_indirect_dma source(%dma_start3A_135 : memref<10000x128xf32, #tpu.memory_space<hbm>>) target(%dma_start3A_129 : memref<64x128xf32, #tpu.memory_space<vmem>>) offsets(%dma_start3A_132 : memref<64xi32, #tpu.memory_space<vmem>>) semaphore(%arg13 : memref<!tpu.dma_semaphore, #tpu.memory_space<semaphore_mem>>)
    %dma_start3A_136 = arith.constant 1 : i32
    %dma_start3A_137 = arith.constant 0 : i32
    %dma_start3A_138 = arith.constant 0 : i32
    %dma_start3A_139 = tpu.memref_slice %arg11[%dma_start3A_137, %dma_start3A_138] : memref<128x128xf32, #tpu.memory_space<vmem>> -> memref<64x128xf32, #tpu.memory_space<vmem>>
    %dma_start3A_140 = arith.constant 0 : i32
    %dma_start3A_141 = tpu.memref_slice %arg7[%dma_start3A_136, %dma_start3A_140] : memref<16x128xi32, #tpu.memory_space<vmem>> -> memref<1x64xi32, #tpu.memory_space<vmem>>
    %dma_start3A_142 = tpu.memref_squeeze %dma_start3A_141 : memref<1x64xi32, #tpu.memory_space<vmem>> -> memref<64xi32, #tpu.memory_space<vmem>>
    %dma_start3A_143 = arith.constant 0 : i32
    %dma_start3A_144 = arith.constant 0 : i32
    %dma_start3A_145 = tpu.memref_slice %arg2[%dma_start3A_143, %dma_start3A_144] : memref<10000x128xf32, #tpu.memory_space<hbm>> -> memref<10000x128xf32, #tpu.memory_space<hbm>>
    tpu.enqueue_indirect_dma source(%dma_start3A_145 : memref<10000x128xf32, #tpu.memory_space<hbm>>) target(%dma_start3A_139 : memref<64x128xf32, #tpu.memory_space<vmem>>) offsets(%dma_start3A_142 : memref<64xi32, #tpu.memory_space<vmem>>) semaphore(%arg14 : memref<!tpu.dma_semaphore, #tpu.memory_space<semaphore_mem>>)
    %dma_start3A_146 = arith.constant 1 : i32
    %dma_start3A_147 = arith.constant 64 : i32
    %dma_start3A_148 = arith.constant 0 : i32
    %dma_start3A_149 = tpu.memref_slice %arg11[%dma_start3A_147, %dma_start3A_148] : memref<128x128xf32, #tpu.memory_space<vmem>> -> memref<64x128xf32, #tpu.memory_space<vmem>>
    %dma_start3A_150 = arith.constant 64 : i32
    %dma_start3A_151 = tpu.memref_slice %arg7[%dma_start3A_146, %dma_start3A_150] : memref<16x128xi32, #tpu.memory_space<vmem>> -> memref<1x64xi32, #tpu.memory_space<vmem>>
    %dma_start3A_152 = tpu.memref_squeeze %dma_start3A_151 : memref<1x64xi32, #tpu.memory_space<vmem>> -> memref<64xi32, #tpu.memory_space<vmem>>
    %dma_start3A_153 = arith.constant 0 : i32
    %dma_start3A_154 = arith.constant 0 : i32
    %dma_start3A_155 = tpu.memref_slice %arg2[%dma_start3A_153, %dma_start3A_154] : memref<10000x128xf32, #tpu.memory_space<hbm>> -> memref<10000x128xf32, #tpu.memory_space<hbm>>
    tpu.enqueue_indirect_dma source(%dma_start3A_155 : memref<10000x128xf32, #tpu.memory_space<hbm>>) target(%dma_start3A_149 : memref<64x128xf32, #tpu.memory_space<vmem>>) offsets(%dma_start3A_152 : memref<64xi32, #tpu.memory_space<vmem>>) semaphore(%arg14 : memref<!tpu.dma_semaphore, #tpu.memory_space<semaphore_mem>>)
    %scan3A_156 = arith.constant 0 : i32
    %scan3A_157 = arith.constant 0 : i32
    %scan3A_158 = arith.constant 8 : i32
    %scan3A_159 = arith.addi %scan3A_157, %scan3A_158 : i32
    %scan3A_160 = arith.constant 1 : i32
    scf.for %scan3A_389 = %scan3A_157 to %scan3A_159 step %scan3A_160  : i32 {
      %mul3A_390 = arith.constant 2 : i32
      %mul3A_391 = arith.muli %mul3A_390, %scan3A_389 : i32
      %dma_wait3A_392 = arith.constant 0 : i32
      %dma_wait3A_393 = arith.constant 0 : i32
      %dma_wait3A_394 = tpu.memref_slice %arg10[%dma_wait3A_392, %dma_wait3A_393] : memref<128x128xf32, #tpu.memory_space<vmem>> -> memref<64x128xf32, #tpu.memory_space<vmem>>
      %dma_wait3A_395 = arith.constant 0 : i32
      %dma_wait3A_396 = tpu.memref_slice %arg7[%mul3A_391, %dma_wait3A_395] : memref<16x128xi32, #tpu.memory_space<vmem>> -> memref<1x64xi32, #tpu.memory_space<vmem>>
      %dma_wait3A_397 = tpu.memref_squeeze %dma_wait3A_396 : memref<1x64xi32, #tpu.memory_space<vmem>> -> memref<64xi32, #tpu.memory_space<vmem>>
      %dma_wait3A_398 = arith.constant 0 : i32
      %dma_wait3A_399 = arith.constant 0 : i32
      %dma_wait3A_400 = tpu.memref_slice %arg2[%dma_wait3A_398, %dma_wait3A_399] : memref<10000x128xf32, #tpu.memory_space<hbm>> -> memref<10000x128xf32, #tpu.memory_space<hbm>>
      tpu.wait_indirect_dma semaphore(%arg13 : memref<!tpu.dma_semaphore, #tpu.memory_space<semaphore_mem>>) src(%dma_wait3A_400 : memref<10000x128xf32, #tpu.memory_space<hbm>>) dst(%dma_wait3A_394 : memref<64x128xf32, #tpu.memory_space<vmem>>)
      %dma_wait3A_401 = arith.constant 64 : i32
      %dma_wait3A_402 = arith.constant 0 : i32
      %dma_wait3A_403 = tpu.memref_slice %arg10[%dma_wait3A_401, %dma_wait3A_402] : memref<128x128xf32, #tpu.memory_space<vmem>> -> memref<64x128xf32, #tpu.memory_space<vmem>>
      %dma_wait3A_404 = arith.constant 64 : i32
      %dma_wait3A_405 = tpu.memref_slice %arg7[%mul3A_391, %dma_wait3A_404] : memref<16x128xi32, #tpu.memory_space<vmem>> -> memref<1x64xi32, #tpu.memory_space<vmem>>
      %dma_wait3A_406 = tpu.memref_squeeze %dma_wait3A_405 : memref<1x64xi32, #tpu.memory_space<vmem>> -> memref<64xi32, #tpu.memory_space<vmem>>
      %dma_wait3A_407 = arith.constant 0 : i32
      %dma_wait3A_408 = arith.constant 0 : i32
      %dma_wait3A_409 = tpu.memref_slice %arg2[%dma_wait3A_407, %dma_wait3A_408] : memref<10000x128xf32, #tpu.memory_space<hbm>> -> memref<10000x128xf32, #tpu.memory_space<hbm>>
      tpu.wait_indirect_dma semaphore(%arg13 : memref<!tpu.dma_semaphore, #tpu.memory_space<semaphore_mem>>) src(%dma_wait3A_409 : memref<10000x128xf32, #tpu.memory_space<hbm>>) dst(%dma_wait3A_403 : memref<64x128xf32, #tpu.memory_space<vmem>>)
      %parallel_loop3A = arith.constant 0 : i32
      %parallel_loop3A_410 = arith.constant 128 : i32
      %parallel_loop3A_411 = arith.constant 1 : i32
      scf.for %parallel_loop3A_448 = %parallel_loop3A to %parallel_loop3A_410 step %parallel_loop3A_411  : i32 {
        %parallel_loop3A_449 = arith.constant 16 : i32
        %parallel_loop3A_450 = arith.divsi %parallel_loop3A_448, %parallel_loop3A_449 : i32
        %parallel_loop3A_451 = arith.constant 0 : i32
        %parallel_loop3A_452 = arith.cmpi sgt, %parallel_loop3A_448, %parallel_loop3A_451 : i32
        %parallel_loop3A_453 = arith.extui %parallel_loop3A_452 : i1 to i32
        %parallel_loop3A_454 = arith.constant 0 : i32
        %parallel_loop3A_455 = arith.cmpi slt, %parallel_loop3A_448, %parallel_loop3A_454 : i32
        %parallel_loop3A_456 = arith.extui %parallel_loop3A_455 : i1 to i32
        %parallel_loop3A_457 = arith.subi %parallel_loop3A_453, %parallel_loop3A_456 : i32
        %parallel_loop3A_458 = arith.constant 0 : i32
        %parallel_loop3A_459 = arith.cmpi sgt, %parallel_loop3A_449, %parallel_loop3A_458 : i32
        %parallel_loop3A_460 = arith.extui %parallel_loop3A_459 : i1 to i32
        %parallel_loop3A_461 = arith.constant 0 : i32
        %parallel_loop3A_462 = arith.cmpi slt, %parallel_loop3A_449, %parallel_loop3A_461 : i32
        %parallel_loop3A_463 = arith.extui %parallel_loop3A_462 : i1 to i32
        %parallel_loop3A_464 = arith.subi %parallel_loop3A_460, %parallel_loop3A_463 : i32
        %parallel_loop3A_465 = arith.cmpi ne, %parallel_loop3A_457, %parallel_loop3A_464 : i32
        %parallel_loop3A_466 = arith.remsi %parallel_loop3A_448, %parallel_loop3A_449 : i32
        %parallel_loop3A_467 = arith.constant 0 : i32
        %parallel_loop3A_468 = arith.cmpi ne, %parallel_loop3A_466, %parallel_loop3A_467 : i32
        %parallel_loop3A_469 = arith.andi %parallel_loop3A_465, %parallel_loop3A_468 : i1
        %parallel_loop3A_470 = arith.constant 1 : i32
        %parallel_loop3A_471 = arith.subi %parallel_loop3A_450, %parallel_loop3A_470 : i32
        %parallel_loop3A_472 = arith.select %parallel_loop3A_469, %parallel_loop3A_471, %parallel_loop3A_450 : i32
        %parallel_loop3A_473 = arith.constant 16 : i32
        %parallel_loop3A_474 = arith.muli %parallel_loop3A_472, %parallel_loop3A_473 : i32
        %parallel_loop3A_475 = arith.index_cast %mul3A_391 : i32 to index
        %parallel_loop3A_476 = arith.index_cast %parallel_loop3A_474 : i32 to index
        %parallel_loop3A_477 = tpu.vector_load %arg9[%parallel_loop3A_475, %parallel_loop3A_476] {strides = array<i32>} : memref<16x128xf32, #tpu.memory_space<vmem>>, vector<1x16xf32>,
        %parallel_loop3A_478 = vector.shape_cast %parallel_loop3A_477 : vector<1x16xf32> to vector<16xf32>
        %parallel_loop3A_479 = arith.constant 16 : i32
        %parallel_loop3A_480 = arith.constant 0 : i32
        %parallel_loop3A_481 = arith.cmpi eq, %parallel_loop3A_479, %parallel_loop3A_480 : i32
        %parallel_loop3A_482 = arith.constant 1 : i32
        %parallel_loop3A_483 = arith.select %parallel_loop3A_481, %parallel_loop3A_482, %parallel_loop3A_479 : i32
        %parallel_loop3A_484 = arith.remsi %parallel_loop3A_448, %parallel_loop3A_483 : i32
        %parallel_loop3A_485 = arith.constant 0 : i32
        %parallel_loop3A_486 = arith.cmpi ne, %parallel_loop3A_484, %parallel_loop3A_485 : i32
        %parallel_loop3A_487 = arith.constant 0 : i32
        %parallel_loop3A_488 = arith.cmpi slt, %parallel_loop3A_484, %parallel_loop3A_487 : i32
        %parallel_loop3A_489 = arith.constant 0 : i32
        %parallel_loop3A_490 = arith.cmpi slt, %parallel_loop3A_483, %parallel_loop3A_489 : i32
        %parallel_loop3A_491 = arith.xori %parallel_loop3A_488, %parallel_loop3A_490 : i1
        %parallel_loop3A_492 = arith.andi %parallel_loop3A_491, %parallel_loop3A_486 : i1
        %parallel_loop3A_493 = arith.addi %parallel_loop3A_484, %parallel_loop3A_483 : i32
        %parallel_loop3A_494 = arith.select %parallel_loop3A_492, %parallel_loop3A_493, %parallel_loop3A_484 : i32
        %parallel_loop3A_495 = vector.broadcast %parallel_loop3A_494 : i32 to vector<16x1xi32>
        %parallel_loop3A_496 = vector.shape_cast %parallel_loop3A_495 : vector<16x1xi32> to vector<16xi32>
        %parallel_loop3A_497 = tpu.dynamic_gather %parallel_loop3A_478[%parallel_loop3A_496] in [0] : vector<16xf32>, vector<16xi32> -> vector<16xf32>
        %parallel_loop3A_498 = arith.index_cast %parallel_loop3A_448 : i32 to index
        %parallel_loop3A_499 = arith.constant 0 : index
        %parallel_loop3A_500 = tpu.vector_load %arg10[%parallel_loop3A_498, %parallel_loop3A_499] {strides = array<i32>} : memref<128x128xf32, #tpu.memory_space<vmem>>, vector<1x16xf32>,
        %parallel_loop3A_501 = vector.shape_cast %parallel_loop3A_500 : vector<1x16xf32> to vector<16xf32>
        %parallel_loop3A_502 = arith.mulf %parallel_loop3A_501, %parallel_loop3A_497 : vector<16xf32>
        %parallel_loop3A_503 = arith.index_cast %parallel_loop3A_448 : i32 to index
        %parallel_loop3A_504 = arith.constant 0 : index
        %parallel_loop3A_505 = tpu.vector_load %arg10[%parallel_loop3A_503, %parallel_loop3A_504] {strides = array<i32>} : memref<128x128xf32, #tpu.memory_space<vmem>>, vector<1x16xf32>,
        %parallel_loop3A_506 = vector.shape_cast %parallel_loop3A_505 : vector<1x16xf32> to vector<16xf32>
        %parallel_loop3A_507 = vector.shape_cast %parallel_loop3A_502 : vector<16xf32> to vector<1x16xf32>
        tpu.vector_store %arg10[%parallel_loop3A_503, %parallel_loop3A_504], %parallel_loop3A_507 {strides = array<i32>} : memref<128x128xf32, #tpu.memory_space<vmem>>, vector<1x16xf32>,
        %parallel_loop3A_508 = arith.index_cast %parallel_loop3A_448 : i32 to index
        %parallel_loop3A_509 = arith.constant 16 : index
        %parallel_loop3A_510 = tpu.vector_load %arg10[%parallel_loop3A_508, %parallel_loop3A_509] {strides = array<i32>} : memref<128x128xf32, #tpu.memory_space<vmem>>, vector<1x16xf32>,
        %parallel_loop3A_511 = vector.shape_cast %parallel_loop3A_510 : vector<1x16xf32> to vector<16xf32>
        %parallel_loop3A_512 = arith.mulf %parallel_loop3A_511, %parallel_loop3A_497 : vector<16xf32>
        %parallel_loop3A_513 = arith.index_cast %parallel_loop3A_448 : i32 to index
        %parallel_loop3A_514 = arith.constant 16 : index
        %parallel_loop3A_515 = tpu.vector_load %arg10[%parallel_loop3A_513, %parallel_loop3A_514] {strides = array<i32>} : memref<128x128xf32, #tpu.memory_space<vmem>>, vector<1x16xf32>,
        %parallel_loop3A_516 = vector.shape_cast %parallel_loop3A_515 : vector<1x16xf32> to vector<16xf32>
        %parallel_loop3A_517 = vector.shape_cast %parallel_loop3A_512 : vector<16xf32> to vector<1x16xf32>
        tpu.vector_store %arg10[%parallel_loop3A_513, %parallel_loop3A_514], %parallel_loop3A_517 {strides = array<i32>} : memref<128x128xf32, #tpu.memory_space<vmem>>, vector<1x16xf32>,
        %parallel_loop3A_518 = arith.index_cast %parallel_loop3A_448 : i32 to index
        %parallel_loop3A_519 = arith.constant 32 : index
        %parallel_loop3A_520 = tpu.vector_load %arg10[%parallel_loop3A_518, %parallel_loop3A_519] {strides = array<i32>} : memref<128x128xf32, #tpu.memory_space<vmem>>, vector<1x16xf32>,
        %parallel_loop3A_521 = vector.shape_cast %parallel_loop3A_520 : vector<1x16xf32> to vector<16xf32>
        %parallel_loop3A_522 = arith.mulf %parallel_loop3A_521, %parallel_loop3A_497 : vector<16xf32>
        %parallel_loop3A_523 = arith.index_cast %parallel_loop3A_448 : i32 to index
        %parallel_loop3A_524 = arith.constant 32 : index
        %parallel_loop3A_525 = tpu.vector_load %arg10[%parallel_loop3A_523, %parallel_loop3A_524] {strides = array<i32>} : memref<128x128xf32, #tpu.memory_space<vmem>>, vector<1x16xf32>,
        %parallel_loop3A_526 = vector.shape_cast %parallel_loop3A_525 : vector<1x16xf32> to vector<16xf32>
        %parallel_loop3A_527 = vector.shape_cast %parallel_loop3A_522 : vector<16xf32> to vector<1x16xf32>
        tpu.vector_store %arg10[%parallel_loop3A_523, %parallel_loop3A_524], %parallel_loop3A_527 {strides = array<i32>} : memref<128x128xf32, #tpu.memory_space<vmem>>, vector<1x16xf32>,
        %parallel_loop3A_528 = arith.index_cast %parallel_loop3A_448 : i32 to index
        %parallel_loop3A_529 = arith.constant 48 : index
        %parallel_loop3A_530 = tpu.vector_load %arg10[%parallel_loop3A_528, %parallel_loop3A_529] {strides = array<i32>} : memref<128x128xf32, #tpu.memory_space<vmem>>, vector<1x16xf32>,
        %parallel_loop3A_531 = vector.shape_cast %parallel_loop3A_530 : vector<1x16xf32> to vector<16xf32>
        %parallel_loop3A_532 = arith.mulf %parallel_loop3A_531, %parallel_loop3A_497 : vector<16xf32>
        %parallel_loop3A_533 = arith.index_cast %parallel_loop3A_448 : i32 to index
        %parallel_loop3A_534 = arith.constant 48 : index
        %parallel_loop3A_535 = tpu.vector_load %arg10[%parallel_loop3A_533, %parallel_loop3A_534] {strides = array<i32>} : memref<128x128xf32, #tpu.memory_space<vmem>>, vector<1x16xf32>,
        %parallel_loop3A_536 = vector.shape_cast %parallel_loop3A_535 : vector<1x16xf32> to vector<16xf32>
        %parallel_loop3A_537 = vector.shape_cast %parallel_loop3A_532 : vector<16xf32> to vector<1x16xf32>
        tpu.vector_store %arg10[%parallel_loop3A_533, %parallel_loop3A_534], %parallel_loop3A_537 {strides = array<i32>} : memref<128x128xf32, #tpu.memory_space<vmem>>, vector<1x16xf32>,
        %parallel_loop3A_538 = arith.index_cast %parallel_loop3A_448 : i32 to index
        %parallel_loop3A_539 = arith.constant 64 : index
        %parallel_loop3A_540 = tpu.vector_load %arg10[%parallel_loop3A_538, %parallel_loop3A_539] {strides = array<i32>} : memref<128x128xf32, #tpu.memory_space<vmem>>, vector<1x16xf32>,
        %parallel_loop3A_541 = vector.shape_cast %parallel_loop3A_540 : vector<1x16xf32> to vector<16xf32>
        %parallel_loop3A_542 = arith.mulf %parallel_loop3A_541, %parallel_loop3A_497 : vector<16xf32>
        %parallel_loop3A_543 = arith.index_cast %parallel_loop3A_448 : i32 to index
        %parallel_loop3A_544 = arith.constant 64 : index
        %parallel_loop3A_545 = tpu.vector_load %arg10[%parallel_loop3A_543, %parallel_loop3A_544] {strides = array<i32>} : memref<128x128xf32, #tpu.memory_space<vmem>>, vector<1x16xf32>,
        %parallel_loop3A_546 = vector.shape_cast %parallel_loop3A_545 : vector<1x16xf32> to vector<16xf32>
        %parallel_loop3A_547 = vector.shape_cast %parallel_loop3A_542 : vector<16xf32> to vector<1x16xf32>
        tpu.vector_store %arg10[%parallel_loop3A_543, %parallel_loop3A_544], %parallel_loop3A_547 {strides = array<i32>} : memref<128x128xf32, #tpu.memory_space<vmem>>, vector<1x16xf32>,
        %parallel_loop3A_548 = arith.index_cast %parallel_loop3A_448 : i32 to index
        %parallel_loop3A_549 = arith.constant 80 : index
        %parallel_loop3A_550 = tpu.vector_load %arg10[%parallel_loop3A_548, %parallel_loop3A_549] {strides = array<i32>} : memref<128x128xf32, #tpu.memory_space<vmem>>, vector<1x16xf32>,
        %parallel_loop3A_551 = vector.shape_cast %parallel_loop3A_550 : vector<1x16xf32> to vector<16xf32>
        %parallel_loop3A_552 = arith.mulf %parallel_loop3A_551, %parallel_loop3A_497 : vector<16xf32>
        %parallel_loop3A_553 = arith.index_cast %parallel_loop3A_448 : i32 to index
        %parallel_loop3A_554 = arith.constant 80 : index
        %parallel_loop3A_555 = tpu.vector_load %arg10[%parallel_loop3A_553, %parallel_loop3A_554] {strides = array<i32>} : memref<128x128xf32, #tpu.memory_space<vmem>>, vector<1x16xf32>,
        %parallel_loop3A_556 = vector.shape_cast %parallel_loop3A_555 : vector<1x16xf32> to vector<16xf32>
        %parallel_loop3A_557 = vector.shape_cast %parallel_loop3A_552 : vector<16xf32> to vector<1x16xf32>
        tpu.vector_store %arg10[%parallel_loop3A_553, %parallel_loop3A_554], %parallel_loop3A_557 {strides = array<i32>} : memref<128x128xf32, #tpu.memory_space<vmem>>, vector<1x16xf32>,
        %parallel_loop3A_558 = arith.index_cast %parallel_loop3A_448 : i32 to index
        %parallel_loop3A_559 = arith.constant 96 : index
        %parallel_loop3A_560 = tpu.vector_load %arg10[%parallel_loop3A_558, %parallel_loop3A_559] {strides = array<i32>} : memref<128x128xf32, #tpu.memory_space<vmem>>, vector<1x16xf32>,
        %parallel_loop3A_561 = vector.shape_cast %parallel_loop3A_560 : vector<1x16xf32> to vector<16xf32>
        %parallel_loop3A_562 = arith.mulf %parallel_loop3A_561, %parallel_loop3A_497 : vector<16xf32>
        %parallel_loop3A_563 = arith.index_cast %parallel_loop3A_448 : i32 to index
        %parallel_loop3A_564 = arith.constant 96 : index
        %parallel_loop3A_565 = tpu.vector_load %arg10[%parallel_loop3A_563, %parallel_loop3A_564] {strides = array<i32>} : memref<128x128xf32, #tpu.memory_space<vmem>>, vector<1x16xf32>,
        %parallel_loop3A_566 = vector.shape_cast %parallel_loop3A_565 : vector<1x16xf32> to vector<16xf32>
        %parallel_loop3A_567 = vector.shape_cast %parallel_loop3A_562 : vector<16xf32> to vector<1x16xf32>
        tpu.vector_store %arg10[%parallel_loop3A_563, %parallel_loop3A_564], %parallel_loop3A_567 {strides = array<i32>} : memref<128x128xf32, #tpu.memory_space<vmem>>, vector<1x16xf32>,
        %parallel_loop3A_568 = arith.index_cast %parallel_loop3A_448 : i32 to index
        %parallel_loop3A_569 = arith.constant 112 : index
        %parallel_loop3A_570 = tpu.vector_load %arg10[%parallel_loop3A_568, %parallel_loop3A_569] {strides = array<i32>} : memref<128x128xf32, #tpu.memory_space<vmem>>, vector<1x16xf32>,
        %parallel_loop3A_571 = vector.shape_cast %parallel_loop3A_570 : vector<1x16xf32> to vector<16xf32>
        %parallel_loop3A_572 = arith.mulf %parallel_loop3A_571, %parallel_loop3A_497 : vector<16xf32>
        %parallel_loop3A_573 = arith.index_cast %parallel_loop3A_448 : i32 to index
        %parallel_loop3A_574 = arith.constant 112 : index
        %parallel_loop3A_575 = tpu.vector_load %arg10[%parallel_loop3A_573, %parallel_loop3A_574] {strides = array<i32>} : memref<128x128xf32, #tpu.memory_space<vmem>>, vector<1x16xf32>,
        %parallel_loop3A_576 = vector.shape_cast %parallel_loop3A_575 : vector<1x16xf32> to vector<16xf32>
        %parallel_loop3A_577 = vector.shape_cast %parallel_loop3A_572 : vector<16xf32> to vector<1x16xf32>
        tpu.vector_store %arg10[%parallel_loop3A_573, %parallel_loop3A_574], %parallel_loop3A_577 {strides = array<i32>} : memref<128x128xf32, #tpu.memory_space<vmem>>, vector<1x16xf32>,
      } {sc.loop_unroll_factor = 2 : i64, sc.parallel_access}
      "tpu.region"() ({
        %run_scoped3A = tpu.sem_alloc : memref<!tpu.dma_semaphore, #tpu.memory_space<semaphore_mem>>
        %dma_start3A_448 = arith.constant 0 : i32
        %dma_start3A_449 = tpu.memref_slice %arg8[%mul3A_391, %dma_start3A_448] : memref<16x128xi32, #tpu.memory_space<vmem>> -> memref<1x128xi32, #tpu.memory_space<vmem>>
        %dma_start3A_450 = tpu.memref_squeeze %dma_start3A_449 : memref<1x128xi32, #tpu.memory_space<vmem>> -> memref<128xi32, #tpu.memory_space<vmem>>
        %dma_start3A_451 = arith.constant 0 : i32
        %dma_start3A_452 = arith.constant 0 : i32
        %dma_start3A_453 = tpu.memref_slice %arg12[%dma_start3A_451, %dma_start3A_452] : memref<10000x128xf32, #tpu.memory_space<vmem_shared>> -> memref<10000x128xf32, #tpu.memory_space<vmem_shared>>
        tpu.enqueue_indirect_dma source(%arg10 : memref<128x128xf32, #tpu.memory_space<vmem>>) target(%dma_start3A_453 : memref<10000x128xf32, #tpu.memory_space<vmem_shared>>) offsets(%dma_start3A_450 : memref<128xi32, #tpu.memory_space<vmem>>) semaphore(%run_scoped3A : memref<!tpu.dma_semaphore, #tpu.memory_space<semaphore_mem>>) {add = true}
        %dma_wait3A_454 = arith.constant 0 : i32
        %dma_wait3A_455 = tpu.memref_slice %arg8[%mul3A_391, %dma_wait3A_454] : memref<16x128xi32, #tpu.memory_space<vmem>> -> memref<1x128xi32, #tpu.memory_space<vmem>>
        %dma_wait3A_456 = tpu.memref_squeeze %dma_wait3A_455 : memref<1x128xi32, #tpu.memory_space<vmem>> -> memref<128xi32, #tpu.memory_space<vmem>>
        %dma_wait3A_457 = arith.constant 0 : i32
        %dma_wait3A_458 = arith.constant 0 : i32
        %dma_wait3A_459 = tpu.memref_slice %arg12[%dma_wait3A_457, %dma_wait3A_458] : memref<10000x128xf32, #tpu.memory_space<vmem_shared>> -> memref<10000x128xf32, #tpu.memory_space<vmem_shared>>
        tpu.wait_indirect_dma semaphore(%run_scoped3A : memref<!tpu.dma_semaphore, #tpu.memory_space<semaphore_mem>>) src(%arg10 : memref<128x128xf32, #tpu.memory_space<vmem>>) dst(%dma_wait3A_459 : memref<10000x128xf32, #tpu.memory_space<vmem_shared>>)
        tpu.yield
      }) : () -> ()
      %add3A_412 = arith.constant 1 : i32
      %add3A_413 = arith.addi %scan3A_389, %add3A_412 : i32
      %lt3A = arith.constant 8 : i32
      %lt3A_414 = arith.cmpi slt, %add3A_413, %lt3A : i32
      %convert_element_type3A = arith.extui %lt3A_414 : i1 to i32
      %cond3A = arith.constant 0 : i32
      %cond3A_415 = arith.cmpi ne, %convert_element_type3A, %cond3A : i32
      scf.if %cond3A_415 {
        %add3A_448 = arith.constant 2 : i32
        %add3A_449 = arith.addi %mul3A_391, %add3A_448 : i32
        %dma_start3A_450 = arith.constant 0 : i32
        %dma_start3A_451 = arith.constant 0 : i32
        %dma_start3A_452 = tpu.memref_slice %arg10[%dma_start3A_450, %dma_start3A_451] : memref<128x128xf32, #tpu.memory_space<vmem>> -> memref<64x128xf32, #tpu.memory_space<vmem>>
        %dma_start3A_453 = arith.constant 0 : i32
        %dma_start3A_454 = tpu.memref_slice %arg7[%add3A_449, %dma_start3A_453] : memref<16x128xi32, #tpu.memory_space<vmem>> -> memref<1x64xi32, #tpu.memory_space<vmem>>
        %dma_start3A_455 = tpu.memref_squeeze %dma_start3A_454 : memref<1x64xi32, #tpu.memory_space<vmem>> -> memref<64xi32, #tpu.memory_space<vmem>>
        %dma_start3A_456 = arith.constant 0 : i32
        %dma_start3A_457 = arith.constant 0 : i32
        %dma_start3A_458 = tpu.memref_slice %arg2[%dma_start3A_456, %dma_start3A_457] : memref<10000x128xf32, #tpu.memory_space<hbm>> -> memref<10000x128xf32, #tpu.memory_space<hbm>>
        tpu.enqueue_indirect_dma source(%dma_start3A_458 : memref<10000x128xf32, #tpu.memory_space<hbm>>) target(%dma_start3A_452 : memref<64x128xf32, #tpu.memory_space<vmem>>) offsets(%dma_start3A_455 : memref<64xi32, #tpu.memory_space<vmem>>) semaphore(%arg13 : memref<!tpu.dma_semaphore, #tpu.memory_space<semaphore_mem>>)
        %dma_start3A_459 = arith.constant 64 : i32
        %dma_start3A_460 = arith.constant 0 : i32
        %dma_start3A_461 = tpu.memref_slice %arg10[%dma_start3A_459, %dma_start3A_460] : memref<128x128xf32, #tpu.memory_space<vmem>> -> memref<64x128xf32, #tpu.memory_space<vmem>>
        %dma_start3A_462 = arith.constant 64 : i32
        %dma_start3A_463 = tpu.memref_slice %arg7[%add3A_449, %dma_start3A_462] : memref<16x128xi32, #tpu.memory_space<vmem>> -> memref<1x64xi32, #tpu.memory_space<vmem>>
        %dma_start3A_464 = tpu.memref_squeeze %dma_start3A_463 : memref<1x64xi32, #tpu.memory_space<vmem>> -> memref<64xi32, #tpu.memory_space<vmem>>
        %dma_start3A_465 = arith.constant 0 : i32
        %dma_start3A_466 = arith.constant 0 : i32
        %dma_start3A_467 = tpu.memref_slice %arg2[%dma_start3A_465, %dma_start3A_466] : memref<10000x128xf32, #tpu.memory_space<hbm>> -> memref<10000x128xf32, #tpu.memory_space<hbm>>
        tpu.enqueue_indirect_dma source(%dma_start3A_467 : memref<10000x128xf32, #tpu.memory_space<hbm>>) target(%dma_start3A_461 : memref<64x128xf32, #tpu.memory_space<vmem>>) offsets(%dma_start3A_464 : memref<64xi32, #tpu.memory_space<vmem>>) semaphore(%arg13 : memref<!tpu.dma_semaphore, #tpu.memory_space<semaphore_mem>>)
      } else {
      }
      %add3A_416 = arith.constant 1 : i32
      %add3A_417 = arith.addi %mul3A_391, %add3A_416 : i32
      %dma_wait3A_418 = arith.constant 0 : i32
      %dma_wait3A_419 = arith.constant 0 : i32
      %dma_wait3A_420 = tpu.memref_slice %arg11[%dma_wait3A_418, %dma_wait3A_419] : memref<128x128xf32, #tpu.memory_space<vmem>> -> memref<64x128xf32, #tpu.memory_space<vmem>>
      %dma_wait3A_421 = arith.constant 0 : i32
      %dma_wait3A_422 = tpu.memref_slice %arg7[%add3A_417, %dma_wait3A_421] : memref<16x128xi32, #tpu.memory_space<vmem>> -> memref<1x64xi32, #tpu.memory_space<vmem>>
      %dma_wait3A_423 = tpu.memref_squeeze %dma_wait3A_422 : memref<1x64xi32, #tpu.memory_space<vmem>> -> memref<64xi32, #tpu.memory_space<vmem>>
      %dma_wait3A_424 = arith.constant 0 : i32
      %dma_wait3A_425 = arith.constant 0 : i32
      %dma_wait3A_426 = tpu.memref_slice %arg2[%dma_wait3A_424, %dma_wait3A_425] : memref<10000x128xf32, #tpu.memory_space<hbm>> -> memref<10000x128xf32, #tpu.memory_space<hbm>>
      tpu.wait_indirect_dma semaphore(%arg14 : memref<!tpu.dma_semaphore, #tpu.memory_space<semaphore_mem>>) src(%dma_wait3A_426 : memref<10000x128xf32, #tpu.memory_space<hbm>>) dst(%dma_wait3A_420 : memref<64x128xf32, #tpu.memory_space<vmem>>)
      %dma_wait3A_427 = arith.constant 64 : i32
      %dma_wait3A_428 = arith.constant 0 : i32
      %dma_wait3A_429 = tpu.memref_slice %arg11[%dma_wait3A_427, %dma_wait3A_428] : memref<128x128xf32, #tpu.memory_space<vmem>> -> memref<64x128xf32, #tpu.memory_space<vmem>>
      %dma_wait3A_430 = arith.constant 64 : i32
      %dma_wait3A_431 = tpu.memref_slice %arg7[%add3A_417, %dma_wait3A_430] : memref<16x128xi32, #tpu.memory_space<vmem>> -> memref<1x64xi32, #tpu.memory_space<vmem>>
      %dma_wait3A_432 = tpu.memref_squeeze %dma_wait3A_431 : memref<1x64xi32, #tpu.memory_space<vmem>> -> memref<64xi32, #tpu.memory_space<vmem>>
      %dma_wait3A_433 = arith.constant 0 : i32
      %dma_wait3A_434 = arith.constant 0 : i32
      %dma_wait3A_435 = tpu.memref_slice %arg2[%dma_wait3A_433, %dma_wait3A_434] : memref<10000x128xf32, #tpu.memory_space<hbm>> -> memref<10000x128xf32, #tpu.memory_space<hbm>>
      tpu.wait_indirect_dma semaphore(%arg14 : memref<!tpu.dma_semaphore, #tpu.memory_space<semaphore_mem>>) src(%dma_wait3A_435 : memref<10000x128xf32, #tpu.memory_space<hbm>>) dst(%dma_wait3A_429 : memref<64x128xf32, #tpu.memory_space<vmem>>)
      %add3A_436 = arith.constant 1 : i32
      %add3A_437 = arith.addi %mul3A_391, %add3A_436 : i32
      %parallel_loop3A_438 = arith.constant 0 : i32
      %parallel_loop3A_439 = arith.constant 128 : i32
      %parallel_loop3A_440 = arith.constant 1 : i32
      scf.for %parallel_loop3A_448 = %parallel_loop3A_438 to %parallel_loop3A_439 step %parallel_loop3A_440  : i32 {
        %parallel_loop3A_449 = arith.constant 16 : i32
        %parallel_loop3A_450 = arith.divsi %parallel_loop3A_448, %parallel_loop3A_449 : i32
        %parallel_loop3A_451 = arith.constant 0 : i32
        %parallel_loop3A_452 = arith.cmpi sgt, %parallel_loop3A_448, %parallel_loop3A_451 : i32
        %parallel_loop3A_453 = arith.extui %parallel_loop3A_452 : i1 to i32
        %parallel_loop3A_454 = arith.constant 0 : i32
        %parallel_loop3A_455 = arith.cmpi slt, %parallel_loop3A_448, %parallel_loop3A_454 : i32
        %parallel_loop3A_456 = arith.extui %parallel_loop3A_455 : i1 to i32
        %parallel_loop3A_457 = arith.subi %parallel_loop3A_453, %parallel_loop3A_456 : i32
        %parallel_loop3A_458 = arith.constant 0 : i32
        %parallel_loop3A_459 = arith.cmpi sgt, %parallel_loop3A_449, %parallel_loop3A_458 : i32
        %parallel_loop3A_460 = arith.extui %parallel_loop3A_459 : i1 to i32
        %parallel_loop3A_461 = arith.constant 0 : i32
        %parallel_loop3A_462 = arith.cmpi slt, %parallel_loop3A_449, %parallel_loop3A_461 : i32
        %parallel_loop3A_463 = arith.extui %parallel_loop3A_462 : i1 to i32
        %parallel_loop3A_464 = arith.subi %parallel_loop3A_460, %parallel_loop3A_463 : i32
        %parallel_loop3A_465 = arith.cmpi ne, %parallel_loop3A_457, %parallel_loop3A_464 : i32
        %parallel_loop3A_466 = arith.remsi %parallel_loop3A_448, %parallel_loop3A_449 : i32
        %parallel_loop3A_467 = arith.constant 0 : i32
        %parallel_loop3A_468 = arith.cmpi ne, %parallel_loop3A_466, %parallel_loop3A_467 : i32
        %parallel_loop3A_469 = arith.andi %parallel_loop3A_465, %parallel_loop3A_468 : i1
        %parallel_loop3A_470 = arith.constant 1 : i32
        %parallel_loop3A_471 = arith.subi %parallel_loop3A_450, %parallel_loop3A_470 : i32
        %parallel_loop3A_472 = arith.select %parallel_loop3A_469, %parallel_loop3A_471, %parallel_loop3A_450 : i32
        %parallel_loop3A_473 = arith.constant 16 : i32
        %parallel_loop3A_474 = arith.muli %parallel_loop3A_472, %parallel_loop3A_473 : i32
        %parallel_loop3A_475 = arith.index_cast %add3A_437 : i32 to index
        %parallel_loop3A_476 = arith.index_cast %parallel_loop3A_474 : i32 to index
        %parallel_loop3A_477 = tpu.vector_load %arg9[%parallel_loop3A_475, %parallel_loop3A_476] {strides = array<i32>} : memref<16x128xf32, #tpu.memory_space<vmem>>, vector<1x16xf32>,
        %parallel_loop3A_478 = vector.shape_cast %parallel_loop3A_477 : vector<1x16xf32> to vector<16xf32>
        %parallel_loop3A_479 = arith.constant 16 : i32
        %parallel_loop3A_480 = arith.constant 0 : i32
        %parallel_loop3A_481 = arith.cmpi eq, %parallel_loop3A_479, %parallel_loop3A_480 : i32
        %parallel_loop3A_482 = arith.constant 1 : i32
        %parallel_loop3A_483 = arith.select %parallel_loop3A_481, %parallel_loop3A_482, %parallel_loop3A_479 : i32
        %parallel_loop3A_484 = arith.remsi %parallel_loop3A_448, %parallel_loop3A_483 : i32
        %parallel_loop3A_485 = arith.constant 0 : i32
        %parallel_loop3A_486 = arith.cmpi ne, %parallel_loop3A_484, %parallel_loop3A_485 : i32
        %parallel_loop3A_487 = arith.constant 0 : i32
        %parallel_loop3A_488 = arith.cmpi slt, %parallel_loop3A_484, %parallel_loop3A_487 : i32
        %parallel_loop3A_489 = arith.constant 0 : i32
        %parallel_loop3A_490 = arith.cmpi slt, %parallel_loop3A_483, %parallel_loop3A_489 : i32
        %parallel_loop3A_491 = arith.xori %parallel_loop3A_488, %parallel_loop3A_490 : i1
        %parallel_loop3A_492 = arith.andi %parallel_loop3A_491, %parallel_loop3A_486 : i1
        %parallel_loop3A_493 = arith.addi %parallel_loop3A_484, %parallel_loop3A_483 : i32
        %parallel_loop3A_494 = arith.select %parallel_loop3A_492, %parallel_loop3A_493, %parallel_loop3A_484 : i32
        %parallel_loop3A_495 = vector.broadcast %parallel_loop3A_494 : i32 to vector<16x1xi32>
        %parallel_loop3A_496 = vector.shape_cast %parallel_loop3A_495 : vector<16x1xi32> to vector<16xi32>
        %parallel_loop3A_497 = tpu.dynamic_gather %parallel_loop3A_478[%parallel_loop3A_496] in [0] : vector<16xf32>, vector<16xi32> -> vector<16xf32>
        %parallel_loop3A_498 = arith.index_cast %parallel_loop3A_448 : i32 to index
        %parallel_loop3A_499 = arith.constant 0 : index
        %parallel_loop3A_500 = tpu.vector_load %arg11[%parallel_loop3A_498, %parallel_loop3A_499] {strides = array<i32>} : memref<128x128xf32, #tpu.memory_space<vmem>>, vector<1x16xf32>,
        %parallel_loop3A_501 = vector.shape_cast %parallel_loop3A_500 : vector<1x16xf32> to vector<16xf32>
        %parallel_loop3A_502 = arith.mulf %parallel_loop3A_501, %parallel_loop3A_497 : vector<16xf32>
        %parallel_loop3A_503 = arith.index_cast %parallel_loop3A_448 : i32 to index
        %parallel_loop3A_504 = arith.constant 0 : index
        %parallel_loop3A_505 = tpu.vector_load %arg11[%parallel_loop3A_503, %parallel_loop3A_504] {strides = array<i32>} : memref<128x128xf32, #tpu.memory_space<vmem>>, vector<1x16xf32>,
        %parallel_loop3A_506 = vector.shape_cast %parallel_loop3A_505 : vector<1x16xf32> to vector<16xf32>
        %parallel_loop3A_507 = vector.shape_cast %parallel_loop3A_502 : vector<16xf32> to vector<1x16xf32>
        tpu.vector_store %arg11[%parallel_loop3A_503, %parallel_loop3A_504], %parallel_loop3A_507 {strides = array<i32>} : memref<128x128xf32, #tpu.memory_space<vmem>>, vector<1x16xf32>,
        %parallel_loop3A_508 = arith.index_cast %parallel_loop3A_448 : i32 to index
        %parallel_loop3A_509 = arith.constant 16 : index
        %parallel_loop3A_510 = tpu.vector_load %arg11[%parallel_loop3A_508, %parallel_loop3A_509] {strides = array<i32>} : memref<128x128xf32, #tpu.memory_space<vmem>>, vector<1x16xf32>,
        %parallel_loop3A_511 = vector.shape_cast %parallel_loop3A_510 : vector<1x16xf32> to vector<16xf32>
        %parallel_loop3A_512 = arith.mulf %parallel_loop3A_511, %parallel_loop3A_497 : vector<16xf32>
        %parallel_loop3A_513 = arith.index_cast %parallel_loop3A_448 : i32 to index
        %parallel_loop3A_514 = arith.constant 16 : index
        %parallel_loop3A_515 = tpu.vector_load %arg11[%parallel_loop3A_513, %parallel_loop3A_514] {strides = array<i32>} : memref<128x128xf32, #tpu.memory_space<vmem>>, vector<1x16xf32>,
        %parallel_loop3A_516 = vector.shape_cast %parallel_loop3A_515 : vector<1x16xf32> to vector<16xf32>
        %parallel_loop3A_517 = vector.shape_cast %parallel_loop3A_512 : vector<16xf32> to vector<1x16xf32>
        tpu.vector_store %arg11[%parallel_loop3A_513, %parallel_loop3A_514], %parallel_loop3A_517 {strides = array<i32>} : memref<128x128xf32, #tpu.memory_space<vmem>>, vector<1x16xf32>,
        %parallel_loop3A_518 = arith.index_cast %parallel_loop3A_448 : i32 to index
        %parallel_loop3A_519 = arith.constant 32 : index
        %parallel_loop3A_520 = tpu.vector_load %arg11[%parallel_loop3A_518, %parallel_loop3A_519] {strides = array<i32>} : memref<128x128xf32, #tpu.memory_space<vmem>>, vector<1x16xf32>,
        %parallel_loop3A_521 = vector.shape_cast %parallel_loop3A_520 : vector<1x16xf32> to vector<16xf32>
        %parallel_loop3A_522 = arith.mulf %parallel_loop3A_521, %parallel_loop3A_497 : vector<16xf32>
        %parallel_loop3A_523 = arith.index_cast %parallel_loop3A_448 : i32 to index
        %parallel_loop3A_524 = arith.constant 32 : index
        %parallel_loop3A_525 = tpu.vector_load %arg11[%parallel_loop3A_523, %parallel_loop3A_524] {strides = array<i32>} : memref<128x128xf32, #tpu.memory_space<vmem>>, vector<1x16xf32>,
        %parallel_loop3A_526 = vector.shape_cast %parallel_loop3A_525 : vector<1x16xf32> to vector<16xf32>
        %parallel_loop3A_527 = vector.shape_cast %parallel_loop3A_522 : vector<16xf32> to vector<1x16xf32>
        tpu.vector_store %arg11[%parallel_loop3A_523, %parallel_loop3A_524], %parallel_loop3A_527 {strides = array<i32>} : memref<128x128xf32, #tpu.memory_space<vmem>>, vector<1x16xf32>,
        %parallel_loop3A_528 = arith.index_cast %parallel_loop3A_448 : i32 to index
        %parallel_loop3A_529 = arith.constant 48 : index
        %parallel_loop3A_530 = tpu.vector_load %arg11[%parallel_loop3A_528, %parallel_loop3A_529] {strides = array<i32>} : memref<128x128xf32, #tpu.memory_space<vmem>>, vector<1x16xf32>,
        %parallel_loop3A_531 = vector.shape_cast %parallel_loop3A_530 : vector<1x16xf32> to vector<16xf32>
        %parallel_loop3A_532 = arith.mulf %parallel_loop3A_531, %parallel_loop3A_497 : vector<16xf32>
        %parallel_loop3A_533 = arith.index_cast %parallel_loop3A_448 : i32 to index
        %parallel_loop3A_534 = arith.constant 48 : index
        %parallel_loop3A_535 = tpu.vector_load %arg11[%parallel_loop3A_533, %parallel_loop3A_534] {strides = array<i32>} : memref<128x128xf32, #tpu.memory_space<vmem>>, vector<1x16xf32>,
        %parallel_loop3A_536 = vector.shape_cast %parallel_loop3A_535 : vector<1x16xf32> to vector<16xf32>
        %parallel_loop3A_537 = vector.shape_cast %parallel_loop3A_532 : vector<16xf32> to vector<1x16xf32>
        tpu.vector_store %arg11[%parallel_loop3A_533, %parallel_loop3A_534], %parallel_loop3A_537 {strides = array<i32>} : memref<128x128xf32, #tpu.memory_space<vmem>>, vector<1x16xf32>,
        %parallel_loop3A_538 = arith.index_cast %parallel_loop3A_448 : i32 to index
        %parallel_loop3A_539 = arith.constant 64 : index
        %parallel_loop3A_540 = tpu.vector_load %arg11[%parallel_loop3A_538, %parallel_loop3A_539] {strides = array<i32>} : memref<128x128xf32, #tpu.memory_space<vmem>>, vector<1x16xf32>,
        %parallel_loop3A_541 = vector.shape_cast %parallel_loop3A_540 : vector<1x16xf32> to vector<16xf32>
        %parallel_loop3A_542 = arith.mulf %parallel_loop3A_541, %parallel_loop3A_497 : vector<16xf32>
        %parallel_loop3A_543 = arith.index_cast %parallel_loop3A_448 : i32 to index
        %parallel_loop3A_544 = arith.constant 64 : index
        %parallel_loop3A_545 = tpu.vector_load %arg11[%parallel_loop3A_543, %parallel_loop3A_544] {strides = array<i32>} : memref<128x128xf32, #tpu.memory_space<vmem>>, vector<1x16xf32>,
        %parallel_loop3A_546 = vector.shape_cast %parallel_loop3A_545 : vector<1x16xf32> to vector<16xf32>
        %parallel_loop3A_547 = vector.shape_cast %parallel_loop3A_542 : vector<16xf32> to vector<1x16xf32>
        tpu.vector_store %arg11[%parallel_loop3A_543, %parallel_loop3A_544], %parallel_loop3A_547 {strides = array<i32>} : memref<128x128xf32, #tpu.memory_space<vmem>>, vector<1x16xf32>,
        %parallel_loop3A_548 = arith.index_cast %parallel_loop3A_448 : i32 to index
        %parallel_loop3A_549 = arith.constant 80 : index
        %parallel_loop3A_550 = tpu.vector_load %arg11[%parallel_loop3A_548, %parallel_loop3A_549] {strides = array<i32>} : memref<128x128xf32, #tpu.memory_space<vmem>>, vector<1x16xf32>,
        %parallel_loop3A_551 = vector.shape_cast %parallel_loop3A_550 : vector<1x16xf32> to vector<16xf32>
        %parallel_loop3A_552 = arith.mulf %parallel_loop3A_551, %parallel_loop3A_497 : vector<16xf32>
        %parallel_loop3A_553 = arith.index_cast %parallel_loop3A_448 : i32 to index
        %parallel_loop3A_554 = arith.constant 80 : index
        %parallel_loop3A_555 = tpu.vector_load %arg11[%parallel_loop3A_553, %parallel_loop3A_554] {strides = array<i32>} : memref<128x128xf32, #tpu.memory_space<vmem>>, vector<1x16xf32>,
        %parallel_loop3A_556 = vector.shape_cast %parallel_loop3A_555 : vector<1x16xf32> to vector<16xf32>
        %parallel_loop3A_557 = vector.shape_cast %parallel_loop3A_552 : vector<16xf32> to vector<1x16xf32>
        tpu.vector_store %arg11[%parallel_loop3A_553, %parallel_loop3A_554], %parallel_loop3A_557 {strides = array<i32>} : memref<128x128xf32, #tpu.memory_space<vmem>>, vector<1x16xf32>,
        %parallel_loop3A_558 = arith.index_cast %parallel_loop3A_448 : i32 to index
        %parallel_loop3A_559 = arith.constant 96 : index
        %parallel_loop3A_560 = tpu.vector_load %arg11[%parallel_loop3A_558, %parallel_loop3A_559] {strides = array<i32>} : memref<128x128xf32, #tpu.memory_space<vmem>>, vector<1x16xf32>,
        %parallel_loop3A_561 = vector.shape_cast %parallel_loop3A_560 : vector<1x16xf32> to vector<16xf32>
        %parallel_loop3A_562 = arith.mulf %parallel_loop3A_561, %parallel_loop3A_497 : vector<16xf32>
        %parallel_loop3A_563 = arith.index_cast %parallel_loop3A_448 : i32 to index
        %parallel_loop3A_564 = arith.constant 96 : index
        %parallel_loop3A_565 = tpu.vector_load %arg11[%parallel_loop3A_563, %parallel_loop3A_564] {strides = array<i32>} : memref<128x128xf32, #tpu.memory_space<vmem>>, vector<1x16xf32>,
        %parallel_loop3A_566 = vector.shape_cast %parallel_loop3A_565 : vector<1x16xf32> to vector<16xf32>
        %parallel_loop3A_567 = vector.shape_cast %parallel_loop3A_562 : vector<16xf32> to vector<1x16xf32>
        tpu.vector_store %arg11[%parallel_loop3A_563, %parallel_loop3A_564], %parallel_loop3A_567 {strides = array<i32>} : memref<128x128xf32, #tpu.memory_space<vmem>>, vector<1x16xf32>,
        %parallel_loop3A_568 = arith.index_cast %parallel_loop3A_448 : i32 to index
        %parallel_loop3A_569 = arith.constant 112 : index
        %parallel_loop3A_570 = tpu.vector_load %arg11[%parallel_loop3A_568, %parallel_loop3A_569] {strides = array<i32>} : memref<128x128xf32, #tpu.memory_space<vmem>>, vector<1x16xf32>,
        %parallel_loop3A_571 = vector.shape_cast %parallel_loop3A_570 : vector<1x16xf32> to vector<16xf32>
        %parallel_loop3A_572 = arith.mulf %parallel_loop3A_571, %parallel_loop3A_497 : vector<16xf32>
        %parallel_loop3A_573 = arith.index_cast %parallel_loop3A_448 : i32 to index
        %parallel_loop3A_574 = arith.constant 112 : index
        %parallel_loop3A_575 = tpu.vector_load %arg11[%parallel_loop3A_573, %parallel_loop3A_574] {strides = array<i32>} : memref<128x128xf32, #tpu.memory_space<vmem>>, vector<1x16xf32>,
        %parallel_loop3A_576 = vector.shape_cast %parallel_loop3A_575 : vector<1x16xf32> to vector<16xf32>
        %parallel_loop3A_577 = vector.shape_cast %parallel_loop3A_572 : vector<16xf32> to vector<1x16xf32>
        tpu.vector_store %arg11[%parallel_loop3A_573, %parallel_loop3A_574], %parallel_loop3A_577 {strides = array<i32>} : memref<128x128xf32, #tpu.memory_space<vmem>>, vector<1x16xf32>,
      } {sc.loop_unroll_factor = 2 : i64, sc.parallel_access}
      "tpu.region"() ({
        %run_scoped3A = tpu.sem_alloc : memref<!tpu.dma_semaphore, #tpu.memory_space<semaphore_mem>>
        %dma_start3A_448 = arith.constant 0 : i32
        %dma_start3A_449 = tpu.memref_slice %arg8[%add3A_437, %dma_start3A_448] : memref<16x128xi32, #tpu.memory_space<vmem>> -> memref<1x128xi32, #tpu.memory_space<vmem>>
        %dma_start3A_450 = tpu.memref_squeeze %dma_start3A_449 : memref<1x128xi32, #tpu.memory_space<vmem>> -> memref<128xi32, #tpu.memory_space<vmem>>
        %dma_start3A_451 = arith.constant 0 : i32
        %dma_start3A_452 = arith.constant 0 : i32
        %dma_start3A_453 = tpu.memref_slice %arg12[%dma_start3A_451, %dma_start3A_452] : memref<10000x128xf32, #tpu.memory_space<vmem_shared>> -> memref<10000x128xf32, #tpu.memory_space<vmem_shared>>
        tpu.enqueue_indirect_dma source(%arg11 : memref<128x128xf32, #tpu.memory_space<vmem>>) target(%dma_start3A_453 : memref<10000x128xf32, #tpu.memory_space<vmem_shared>>) offsets(%dma_start3A_450 : memref<128xi32, #tpu.memory_space<vmem>>) semaphore(%run_scoped3A : memref<!tpu.dma_semaphore, #tpu.memory_space<semaphore_mem>>) {add = true}
        %dma_wait3A_454 = arith.constant 0 : i32
        %dma_wait3A_455 = tpu.memref_slice %arg8[%add3A_437, %dma_wait3A_454] : memref<16x128xi32, #tpu.memory_space<vmem>> -> memref<1x128xi32, #tpu.memory_space<vmem>>
        %dma_wait3A_456 = tpu.memref_squeeze %dma_wait3A_455 : memref<1x128xi32, #tpu.memory_space<vmem>> -> memref<128xi32, #tpu.memory_space<vmem>>
        %dma_wait3A_457 = arith.constant 0 : i32
        %dma_wait3A_458 = arith.constant 0 : i32
        %dma_wait3A_459 = tpu.memref_slice %arg12[%dma_wait3A_457, %dma_wait3A_458] : memref<10000x128xf32, #tpu.memory_space<vmem_shared>> -> memref<10000x128xf32, #tpu.memory_space<vmem_shared>>
        tpu.wait_indirect_dma semaphore(%run_scoped3A : memref<!tpu.dma_semaphore, #tpu.memory_space<semaphore_mem>>) src(%arg11 : memref<128x128xf32, #tpu.memory_space<vmem>>) dst(%dma_wait3A_459 : memref<10000x128xf32, #tpu.memory_space<vmem_shared>>)
        tpu.yield
      }) : () -> ()
      %add3A_441 = arith.constant 1 : i32
      %add3A_442 = arith.addi %scan3A_389, %add3A_441 : i32
      %lt3A_443 = arith.constant 8 : i32
      %lt3A_444 = arith.cmpi slt, %add3A_442, %lt3A_443 : i32
      %convert_element_type3A_445 = arith.extui %lt3A_444 : i1 to i32
      %cond3A_446 = arith.constant 0 : i32
      %cond3A_447 = arith.cmpi ne, %convert_element_type3A_445, %cond3A_446 : i32
      scf.if %cond3A_447 {
        %add3A_448 = arith.constant 3 : i32
        %add3A_449 = arith.addi %mul3A_391, %add3A_448 : i32
        %dma_start3A_450 = arith.constant 0 : i32
        %dma_start3A_451 = arith.constant 0 : i32
        %dma_start3A_452 = tpu.memref_slice %arg11[%dma_start3A_450, %dma_start3A_451] : memref<128x128xf32, #tpu.memory_space<vmem>> -> memref<64x128xf32, #tpu.memory_space<vmem>>
        %dma_start3A_453 = arith.constant 0 : i32
        %dma_start3A_454 = tpu.memref_slice %arg7[%add3A_449, %dma_start3A_453] : memref<16x128xi32, #tpu.memory_space<vmem>> -> memref<1x64xi32, #tpu.memory_space<vmem>>
        %dma_start3A_455 = tpu.memref_squeeze %dma_start3A_454 : memref<1x64xi32, #tpu.memory_space<vmem>> -> memref<64xi32, #tpu.memory_space<vmem>>
        %dma_start3A_456 = arith.constant 0 : i32
        %dma_start3A_457 = arith.constant 0 : i32
        %dma_start3A_458 = tpu.memref_slice %arg2[%dma_start3A_456, %dma_start3A_457] : memref<10000x128xf32, #tpu.memory_space<hbm>> -> memref<10000x128xf32, #tpu.memory_space<hbm>>
        tpu.enqueue_indirect_dma source(%dma_start3A_458 : memref<10000x128xf32, #tpu.memory_space<hbm>>) target(%dma_start3A_452 : memref<64x128xf32, #tpu.memory_space<vmem>>) offsets(%dma_start3A_455 : memref<64xi32, #tpu.memory_space<vmem>>) semaphore(%arg14 : memref<!tpu.dma_semaphore, #tpu.memory_space<semaphore_mem>>)
        %dma_start3A_459 = arith.constant 64 : i32
        %dma_start3A_460 = arith.constant 0 : i32
        %dma_start3A_461 = tpu.memref_slice %arg11[%dma_start3A_459, %dma_start3A_460] : memref<128x128xf32, #tpu.memory_space<vmem>> -> memref<64x128xf32, #tpu.memory_space<vmem>>
        %dma_start3A_462 = arith.constant 64 : i32
        %dma_start3A_463 = tpu.memref_slice %arg7[%add3A_449, %dma_start3A_462] : memref<16x128xi32, #tpu.memory_space<vmem>> -> memref<1x64xi32, #tpu.memory_space<vmem>>
        %dma_start3A_464 = tpu.memref_squeeze %dma_start3A_463 : memref<1x64xi32, #tpu.memory_space<vmem>> -> memref<64xi32, #tpu.memory_space<vmem>>
        %dma_start3A_465 = arith.constant 0 : i32
        %dma_start3A_466 = arith.constant 0 : i32
        %dma_start3A_467 = tpu.memref_slice %arg2[%dma_start3A_465, %dma_start3A_466] : memref<10000x128xf32, #tpu.memory_space<hbm>> -> memref<10000x128xf32, #tpu.memory_space<hbm>>
        tpu.enqueue_indirect_dma source(%dma_start3A_467 : memref<10000x128xf32, #tpu.memory_space<hbm>>) target(%dma_start3A_461 : memref<64x128xf32, #tpu.memory_space<vmem>>) offsets(%dma_start3A_464 : memref<64xi32, #tpu.memory_space<vmem>>) semaphore(%arg14 : memref<!tpu.dma_semaphore, #tpu.memory_space<semaphore_mem>>)
      } else {
      }
    }
    %scan3A_161 = arith.constant 8 : i32
    %add3A_162 = arith.constant 32 : i32
    %add3A_163 = arith.addi %mul3A_19, %add3A_162 : i32
    %dma_start3A_164 = arith.constant 0 : i32
    %dma_start3A_165 = tpu.memref_slice %arg3[%add3A_163, %dma_start3A_164] : memref<2560x128xi32, #tpu.memory_space<hbm>> -> memref<16x128xi32, #tpu.memory_space<hbm>>
    %dma_start3A_166 = arith.constant 0 : i32
    %dma_start3A_167 = tpu.memref_slice %arg3[%add3A_163, %dma_start3A_166] : memref<2560x128xi32, #tpu.memory_space<hbm>> -> memref<16x128xi32, #tpu.memory_space<hbm>>
    tpu.enqueue_dma source(%dma_start3A_167 : memref<16x128xi32, #tpu.memory_space<hbm>>) target(%arg7 : memref<16x128xi32, #tpu.memory_space<vmem>>) target_semaphore(%arg15 : memref<!tpu.dma_semaphore, #tpu.memory_space<semaphore_mem>>)
    %dma_start3A_168 = arith.constant 0 : i32
    %dma_start3A_169 = tpu.memref_slice %arg4[%add3A_163, %dma_start3A_168] : memref<2560x128xi32, #tpu.memory_space<hbm>> -> memref<16x128xi32, #tpu.memory_space<hbm>>
    %dma_start3A_170 = arith.constant 0 : i32
    %dma_start3A_171 = tpu.memref_slice %arg4[%add3A_163, %dma_start3A_170] : memref<2560x128xi32, #tpu.memory_space<hbm>> -> memref<16x128xi32, #tpu.memory_space<hbm>>
    tpu.enqueue_dma source(%dma_start3A_171 : memref<16x128xi32, #tpu.memory_space<hbm>>) target(%arg8 : memref<16x128xi32, #tpu.memory_space<vmem>>) target_semaphore(%arg15 : memref<!tpu.dma_semaphore, #tpu.memory_space<semaphore_mem>>)
    %dma_start3A_172 = arith.constant 0 : i32
    %dma_start3A_173 = tpu.memref_slice %arg5[%add3A_163, %dma_start3A_172] : memref<2560x128xf32, #tpu.memory_space<hbm>> -> memref<16x128xf32, #tpu.memory_space<hbm>>
    %dma_start3A_174 = arith.constant 0 : i32
    %dma_start3A_175 = tpu.memref_slice %arg5[%add3A_163, %dma_start3A_174] : memref<2560x128xf32, #tpu.memory_space<hbm>> -> memref<16x128xf32, #tpu.memory_space<hbm>>
    tpu.enqueue_dma source(%dma_start3A_175 : memref<16x128xf32, #tpu.memory_space<hbm>>) target(%arg9 : memref<16x128xf32, #tpu.memory_space<vmem>>) target_semaphore(%arg15 : memref<!tpu.dma_semaphore, #tpu.memory_space<semaphore_mem>>)
    %dma_wait3A_176 = arith.constant 0 : i32
    %dma_wait3A_177 = tpu.memref_slice %arg3[%add3A_163, %dma_wait3A_176] : memref<2560x128xi32, #tpu.memory_space<hbm>> -> memref<16x128xi32, #tpu.memory_space<hbm>>
    %dma_wait3A_178 = arith.constant 0 : i32
    %dma_wait3A_179 = tpu.memref_slice %arg3[%add3A_163, %dma_wait3A_178] : memref<2560x128xi32, #tpu.memory_space<hbm>> -> memref<16x128xi32, #tpu.memory_space<hbm>>
    tpu.wait_dma2 semaphore(%arg15 : memref<!tpu.dma_semaphore, #tpu.memory_space<semaphore_mem>>) src(%dma_wait3A_179 : memref<16x128xi32, #tpu.memory_space<hbm>>) dst(%arg7 : memref<16x128xi32, #tpu.memory_space<vmem>>)
    %dma_wait3A_180 = arith.constant 0 : i32
    %dma_wait3A_181 = tpu.memref_slice %arg4[%add3A_163, %dma_wait3A_180] : memref<2560x128xi32, #tpu.memory_space<hbm>> -> memref<16x128xi32, #tpu.memory_space<hbm>>
    %dma_wait3A_182 = arith.constant 0 : i32
    %dma_wait3A_183 = tpu.memref_slice %arg4[%add3A_163, %dma_wait3A_182] : memref<2560x128xi32, #tpu.memory_space<hbm>> -> memref<16x128xi32, #tpu.memory_space<hbm>>
    tpu.wait_dma2 semaphore(%arg15 : memref<!tpu.dma_semaphore, #tpu.memory_space<semaphore_mem>>) src(%dma_wait3A_183 : memref<16x128xi32, #tpu.memory_space<hbm>>) dst(%arg8 : memref<16x128xi32, #tpu.memory_space<vmem>>)
    %dma_wait3A_184 = arith.constant 0 : i32
    %dma_wait3A_185 = tpu.memref_slice %arg5[%add3A_163, %dma_wait3A_184] : memref<2560x128xf32, #tpu.memory_space<hbm>> -> memref<16x128xf32, #tpu.memory_space<hbm>>
    %dma_wait3A_186 = arith.constant 0 : i32
    %dma_wait3A_187 = tpu.memref_slice %arg5[%add3A_163, %dma_wait3A_186] : memref<2560x128xf32, #tpu.memory_space<hbm>> -> memref<16x128xf32, #tpu.memory_space<hbm>>
    tpu.wait_dma2 semaphore(%arg15 : memref<!tpu.dma_semaphore, #tpu.memory_space<semaphore_mem>>) src(%dma_wait3A_187 : memref<16x128xf32, #tpu.memory_space<hbm>>) dst(%arg9 : memref<16x128xf32, #tpu.memory_space<vmem>>)
    %dma_start3A_188 = arith.constant 0 : i32
    %dma_start3A_189 = arith.constant 0 : i32
    %dma_start3A_190 = arith.constant 0 : i32
    %dma_start3A_191 = tpu.memref_slice %arg10[%dma_start3A_189, %dma_start3A_190] : memref<128x128xf32, #tpu.memory_space<vmem>> -> memref<64x128xf32, #tpu.memory_space<vmem>>
    %dma_start3A_192 = arith.constant 0 : i32
    %dma_start3A_193 = tpu.memref_slice %arg7[%dma_start3A_188, %dma_start3A_192] : memref<16x128xi32, #tpu.memory_space<vmem>> -> memref<1x64xi32, #tpu.memory_space<vmem>>
    %dma_start3A_194 = tpu.memref_squeeze %dma_start3A_193 : memref<1x64xi32, #tpu.memory_space<vmem>> -> memref<64xi32, #tpu.memory_space<vmem>>
    %dma_start3A_195 = arith.constant 0 : i32
    %dma_start3A_196 = arith.constant 0 : i32
    %dma_start3A_197 = tpu.memref_slice %arg2[%dma_start3A_195, %dma_start3A_196] : memref<10000x128xf32, #tpu.memory_space<hbm>> -> memref<10000x128xf32, #tpu.memory_space<hbm>>
    tpu.enqueue_indirect_dma source(%dma_start3A_197 : memref<10000x128xf32, #tpu.memory_space<hbm>>) target(%dma_start3A_191 : memref<64x128xf32, #tpu.memory_space<vmem>>) offsets(%dma_start3A_194 : memref<64xi32, #tpu.memory_space<vmem>>) semaphore(%arg13 : memref<!tpu.dma_semaphore, #tpu.memory_space<semaphore_mem>>)
    %dma_start3A_198 = arith.constant 0 : i32
    %dma_start3A_199 = arith.constant 64 : i32
    %dma_start3A_200 = arith.constant 0 : i32
    %dma_start3A_201 = tpu.memref_slice %arg10[%dma_start3A_199, %dma_start3A_200] : memref<128x128xf32, #tpu.memory_space<vmem>> -> memref<64x128xf32, #tpu.memory_space<vmem>>
    %dma_start3A_202 = arith.constant 64 : i32
    %dma_start3A_203 = tpu.memref_slice %arg7[%dma_start3A_198, %dma_start3A_202] : memref<16x128xi32, #tpu.memory_space<vmem>> -> memref<1x64xi32, #tpu.memory_space<vmem>>
    %dma_start3A_204 = tpu.memref_squeeze %dma_start3A_203 : memref<1x64xi32, #tpu.memory_space<vmem>> -> memref<64xi32, #tpu.memory_space<vmem>>
    %dma_start3A_205 = arith.constant 0 : i32
    %dma_start3A_206 = arith.constant 0 : i32
    %dma_start3A_207 = tpu.memref_slice %arg2[%dma_start3A_205, %dma_start3A_206] : memref<10000x128xf32, #tpu.memory_space<hbm>> -> memref<10000x128xf32, #tpu.memory_space<hbm>>
    tpu.enqueue_indirect_dma source(%dma_start3A_207 : memref<10000x128xf32, #tpu.memory_space<hbm>>) target(%dma_start3A_201 : memref<64x128xf32, #tpu.memory_space<vmem>>) offsets(%dma_start3A_204 : memref<64xi32, #tpu.memory_space<vmem>>) semaphore(%arg13 : memref<!tpu.dma_semaphore, #tpu.memory_space<semaphore_mem>>)
    %dma_start3A_208 = arith.constant 1 : i32
    %dma_start3A_209 = arith.constant 0 : i32
    %dma_start3A_210 = arith.constant 0 : i32
    %dma_start3A_211 = tpu.memref_slice %arg11[%dma_start3A_209, %dma_start3A_210] : memref<128x128xf32, #tpu.memory_space<vmem>> -> memref<64x128xf32, #tpu.memory_space<vmem>>
    %dma_start3A_212 = arith.constant 0 : i32
    %dma_start3A_213 = tpu.memref_slice %arg7[%dma_start3A_208, %dma_start3A_212] : memref<16x128xi32, #tpu.memory_space<vmem>> -> memref<1x64xi32, #tpu.memory_space<vmem>>
    %dma_start3A_214 = tpu.memref_squeeze %dma_start3A_213 : memref<1x64xi32, #tpu.memory_space<vmem>> -> memref<64xi32, #tpu.memory_space<vmem>>
    %dma_start3A_215 = arith.constant 0 : i32
    %dma_start3A_216 = arith.constant 0 : i32
    %dma_start3A_217 = tpu.memref_slice %arg2[%dma_start3A_215, %dma_start3A_216] : memref<10000x128xf32, #tpu.memory_space<hbm>> -> memref<10000x128xf32, #tpu.memory_space<hbm>>
    tpu.enqueue_indirect_dma source(%dma_start3A_217 : memref<10000x128xf32, #tpu.memory_space<hbm>>) target(%dma_start3A_211 : memref<64x128xf32, #tpu.memory_space<vmem>>) offsets(%dma_start3A_214 : memref<64xi32, #tpu.memory_space<vmem>>) semaphore(%arg14 : memref<!tpu.dma_semaphore, #tpu.memory_space<semaphore_mem>>)
    %dma_start3A_218 = arith.constant 1 : i32
    %dma_start3A_219 = arith.constant 64 : i32
    %dma_start3A_220 = arith.constant 0 : i32
    %dma_start3A_221 = tpu.memref_slice %arg11[%dma_start3A_219, %dma_start3A_220] : memref<128x128xf32, #tpu.memory_space<vmem>> -> memref<64x128xf32, #tpu.memory_space<vmem>>
    %dma_start3A_222 = arith.constant 64 : i32
    %dma_start3A_223 = tpu.memref_slice %arg7[%dma_start3A_218, %dma_start3A_222] : memref<16x128xi32, #tpu.memory_space<vmem>> -> memref<1x64xi32, #tpu.memory_space<vmem>>
    %dma_start3A_224 = tpu.memref_squeeze %dma_start3A_223 : memref<1x64xi32, #tpu.memory_space<vmem>> -> memref<64xi32, #tpu.memory_space<vmem>>
    %dma_start3A_225 = arith.constant 0 : i32
    %dma_start3A_226 = arith.constant 0 : i32
    %dma_start3A_227 = tpu.memref_slice %arg2[%dma_start3A_225, %dma_start3A_226] : memref<10000x128xf32, #tpu.memory_space<hbm>> -> memref<10000x128xf32, #tpu.memory_space<hbm>>
    tpu.enqueue_indirect_dma source(%dma_start3A_227 : memref<10000x128xf32, #tpu.memory_space<hbm>>) target(%dma_start3A_221 : memref<64x128xf32, #tpu.memory_space<vmem>>) offsets(%dma_start3A_224 : memref<64xi32, #tpu.memory_space<vmem>>) semaphore(%arg14 : memref<!tpu.dma_semaphore, #tpu.memory_space<semaphore_mem>>)
    %scan3A_228 = arith.constant 0 : i32
    %scan3A_229 = arith.constant 0 : i32
    %scan3A_230 = arith.constant 8 : i32
    %scan3A_231 = arith.addi %scan3A_229, %scan3A_230 : i32
    %scan3A_232 = arith.constant 1 : i32
    scf.for %scan3A_389 = %scan3A_229 to %scan3A_231 step %scan3A_232  : i32 {
      %mul3A_390 = arith.constant 2 : i32
      %mul3A_391 = arith.muli %mul3A_390, %scan3A_389 : i32
      %dma_wait3A_392 = arith.constant 0 : i32
      %dma_wait3A_393 = arith.constant 0 : i32
      %dma_wait3A_394 = tpu.memref_slice %arg10[%dma_wait3A_392, %dma_wait3A_393] : memref<128x128xf32, #tpu.memory_space<vmem>> -> memref<64x128xf32, #tpu.memory_space<vmem>>
      %dma_wait3A_395 = arith.constant 0 : i32
      %dma_wait3A_396 = tpu.memref_slice %arg7[%mul3A_391, %dma_wait3A_395] : memref<16x128xi32, #tpu.memory_space<vmem>> -> memref<1x64xi32, #tpu.memory_space<vmem>>
      %dma_wait3A_397 = tpu.memref_squeeze %dma_wait3A_396 : memref<1x64xi32, #tpu.memory_space<vmem>> -> memref<64xi32, #tpu.memory_space<vmem>>
      %dma_wait3A_398 = arith.constant 0 : i32
      %dma_wait3A_399 = arith.constant 0 : i32
      %dma_wait3A_400 = tpu.memref_slice %arg2[%dma_wait3A_398, %dma_wait3A_399] : memref<10000x128xf32, #tpu.memory_space<hbm>> -> memref<10000x128xf32, #tpu.memory_space<hbm>>
      tpu.wait_indirect_dma semaphore(%arg13 : memref<!tpu.dma_semaphore, #tpu.memory_space<semaphore_mem>>) src(%dma_wait3A_400 : memref<10000x128xf32, #tpu.memory_space<hbm>>) dst(%dma_wait3A_394 : memref<64x128xf32, #tpu.memory_space<vmem>>)
      %dma_wait3A_401 = arith.constant 64 : i32
      %dma_wait3A_402 = arith.constant 0 : i32
      %dma_wait3A_403 = tpu.memref_slice %arg10[%dma_wait3A_401, %dma_wait3A_402] : memref<128x128xf32, #tpu.memory_space<vmem>> -> memref<64x128xf32, #tpu.memory_space<vmem>>
      %dma_wait3A_404 = arith.constant 64 : i32
      %dma_wait3A_405 = tpu.memref_slice %arg7[%mul3A_391, %dma_wait3A_404] : memref<16x128xi32, #tpu.memory_space<vmem>> -> memref<1x64xi32, #tpu.memory_space<vmem>>
      %dma_wait3A_406 = tpu.memref_squeeze %dma_wait3A_405 : memref<1x64xi32, #tpu.memory_space<vmem>> -> memref<64xi32, #tpu.memory_space<vmem>>
      %dma_wait3A_407 = arith.constant 0 : i32
      %dma_wait3A_408 = arith.constant 0 : i32
      %dma_wait3A_409 = tpu.memref_slice %arg2[%dma_wait3A_407, %dma_wait3A_408] : memref<10000x128xf32, #tpu.memory_space<hbm>> -> memref<10000x128xf32, #tpu.memory_space<hbm>>
      tpu.wait_indirect_dma semaphore(%arg13 : memref<!tpu.dma_semaphore, #tpu.memory_space<semaphore_mem>>) src(%dma_wait3A_409 : memref<10000x128xf32, #tpu.memory_space<hbm>>) dst(%dma_wait3A_403 : memref<64x128xf32, #tpu.memory_space<vmem>>)
      %parallel_loop3A = arith.constant 0 : i32
      %parallel_loop3A_410 = arith.constant 128 : i32
      %parallel_loop3A_411 = arith.constant 1 : i32
      scf.for %parallel_loop3A_448 = %parallel_loop3A to %parallel_loop3A_410 step %parallel_loop3A_411  : i32 {
        %parallel_loop3A_449 = arith.constant 16 : i32
        %parallel_loop3A_450 = arith.divsi %parallel_loop3A_448, %parallel_loop3A_449 : i32
        %parallel_loop3A_451 = arith.constant 0 : i32
        %parallel_loop3A_452 = arith.cmpi sgt, %parallel_loop3A_448, %parallel_loop3A_451 : i32
        %parallel_loop3A_453 = arith.extui %parallel_loop3A_452 : i1 to i32
        %parallel_loop3A_454 = arith.constant 0 : i32
        %parallel_loop3A_455 = arith.cmpi slt, %parallel_loop3A_448, %parallel_loop3A_454 : i32
        %parallel_loop3A_456 = arith.extui %parallel_loop3A_455 : i1 to i32
        %parallel_loop3A_457 = arith.subi %parallel_loop3A_453, %parallel_loop3A_456 : i32
        %parallel_loop3A_458 = arith.constant 0 : i32
        %parallel_loop3A_459 = arith.cmpi sgt, %parallel_loop3A_449, %parallel_loop3A_458 : i32
        %parallel_loop3A_460 = arith.extui %parallel_loop3A_459 : i1 to i32
        %parallel_loop3A_461 = arith.constant 0 : i32
        %parallel_loop3A_462 = arith.cmpi slt, %parallel_loop3A_449, %parallel_loop3A_461 : i32
        %parallel_loop3A_463 = arith.extui %parallel_loop3A_462 : i1 to i32
        %parallel_loop3A_464 = arith.subi %parallel_loop3A_460, %parallel_loop3A_463 : i32
        %parallel_loop3A_465 = arith.cmpi ne, %parallel_loop3A_457, %parallel_loop3A_464 : i32
        %parallel_loop3A_466 = arith.remsi %parallel_loop3A_448, %parallel_loop3A_449 : i32
        %parallel_loop3A_467 = arith.constant 0 : i32
        %parallel_loop3A_468 = arith.cmpi ne, %parallel_loop3A_466, %parallel_loop3A_467 : i32
        %parallel_loop3A_469 = arith.andi %parallel_loop3A_465, %parallel_loop3A_468 : i1
        %parallel_loop3A_470 = arith.constant 1 : i32
        %parallel_loop3A_471 = arith.subi %parallel_loop3A_450, %parallel_loop3A_470 : i32
        %parallel_loop3A_472 = arith.select %parallel_loop3A_469, %parallel_loop3A_471, %parallel_loop3A_450 : i32
        %parallel_loop3A_473 = arith.constant 16 : i32
        %parallel_loop3A_474 = arith.muli %parallel_loop3A_472, %parallel_loop3A_473 : i32
        %parallel_loop3A_475 = arith.index_cast %mul3A_391 : i32 to index
        %parallel_loop3A_476 = arith.index_cast %parallel_loop3A_474 : i32 to index
        %parallel_loop3A_477 = tpu.vector_load %arg9[%parallel_loop3A_475, %parallel_loop3A_476] {strides = array<i32>} : memref<16x128xf32, #tpu.memory_space<vmem>>, vector<1x16xf32>,
        %parallel_loop3A_478 = vector.shape_cast %parallel_loop3A_477 : vector<1x16xf32> to vector<16xf32>
        %parallel_loop3A_479 = arith.constant 16 : i32
        %parallel_loop3A_480 = arith.constant 0 : i32
        %parallel_loop3A_481 = arith.cmpi eq, %parallel_loop3A_479, %parallel_loop3A_480 : i32
        %parallel_loop3A_482 = arith.constant 1 : i32
        %parallel_loop3A_483 = arith.select %parallel_loop3A_481, %parallel_loop3A_482, %parallel_loop3A_479 : i32
        %parallel_loop3A_484 = arith.remsi %parallel_loop3A_448, %parallel_loop3A_483 : i32
        %parallel_loop3A_485 = arith.constant 0 : i32
        %parallel_loop3A_486 = arith.cmpi ne, %parallel_loop3A_484, %parallel_loop3A_485 : i32
        %parallel_loop3A_487 = arith.constant 0 : i32
        %parallel_loop3A_488 = arith.cmpi slt, %parallel_loop3A_484, %parallel_loop3A_487 : i32
        %parallel_loop3A_489 = arith.constant 0 : i32
        %parallel_loop3A_490 = arith.cmpi slt, %parallel_loop3A_483, %parallel_loop3A_489 : i32
        %parallel_loop3A_491 = arith.xori %parallel_loop3A_488, %parallel_loop3A_490 : i1
        %parallel_loop3A_492 = arith.andi %parallel_loop3A_491, %parallel_loop3A_486 : i1
        %parallel_loop3A_493 = arith.addi %parallel_loop3A_484, %parallel_loop3A_483 : i32
        %parallel_loop3A_494 = arith.select %parallel_loop3A_492, %parallel_loop3A_493, %parallel_loop3A_484 : i32
        %parallel_loop3A_495 = vector.broadcast %parallel_loop3A_494 : i32 to vector<16x1xi32>
        %parallel_loop3A_496 = vector.shape_cast %parallel_loop3A_495 : vector<16x1xi32> to vector<16xi32>
        %parallel_loop3A_497 = tpu.dynamic_gather %parallel_loop3A_478[%parallel_loop3A_496] in [0] : vector<16xf32>, vector<16xi32> -> vector<16xf32>
        %parallel_loop3A_498 = arith.index_cast %parallel_loop3A_448 : i32 to index
        %parallel_loop3A_499 = arith.constant 0 : index
        %parallel_loop3A_500 = tpu.vector_load %arg10[%parallel_loop3A_498, %parallel_loop3A_499] {strides = array<i32>} : memref<128x128xf32, #tpu.memory_space<vmem>>, vector<1x16xf32>,
        %parallel_loop3A_501 = vector.shape_cast %parallel_loop3A_500 : vector<1x16xf32> to vector<16xf32>
        %parallel_loop3A_502 = arith.mulf %parallel_loop3A_501, %parallel_loop3A_497 : vector<16xf32>
        %parallel_loop3A_503 = arith.index_cast %parallel_loop3A_448 : i32 to index
        %parallel_loop3A_504 = arith.constant 0 : index
        %parallel_loop3A_505 = tpu.vector_load %arg10[%parallel_loop3A_503, %parallel_loop3A_504] {strides = array<i32>} : memref<128x128xf32, #tpu.memory_space<vmem>>, vector<1x16xf32>,
        %parallel_loop3A_506 = vector.shape_cast %parallel_loop3A_505 : vector<1x16xf32> to vector<16xf32>
        %parallel_loop3A_507 = vector.shape_cast %parallel_loop3A_502 : vector<16xf32> to vector<1x16xf32>
        tpu.vector_store %arg10[%parallel_loop3A_503, %parallel_loop3A_504], %parallel_loop3A_507 {strides = array<i32>} : memref<128x128xf32, #tpu.memory_space<vmem>>, vector<1x16xf32>,
        %parallel_loop3A_508 = arith.index_cast %parallel_loop3A_448 : i32 to index
        %parallel_loop3A_509 = arith.constant 16 : index
        %parallel_loop3A_510 = tpu.vector_load %arg10[%parallel_loop3A_508, %parallel_loop3A_509] {strides = array<i32>} : memref<128x128xf32, #tpu.memory_space<vmem>>, vector<1x16xf32>,
        %parallel_loop3A_511 = vector.shape_cast %parallel_loop3A_510 : vector<1x16xf32> to vector<16xf32>
        %parallel_loop3A_512 = arith.mulf %parallel_loop3A_511, %parallel_loop3A_497 : vector<16xf32>
        %parallel_loop3A_513 = arith.index_cast %parallel_loop3A_448 : i32 to index
        %parallel_loop3A_514 = arith.constant 16 : index
        %parallel_loop3A_515 = tpu.vector_load %arg10[%parallel_loop3A_513, %parallel_loop3A_514] {strides = array<i32>} : memref<128x128xf32, #tpu.memory_space<vmem>>, vector<1x16xf32>,
        %parallel_loop3A_516 = vector.shape_cast %parallel_loop3A_515 : vector<1x16xf32> to vector<16xf32>
        %parallel_loop3A_517 = vector.shape_cast %parallel_loop3A_512 : vector<16xf32> to vector<1x16xf32>
        tpu.vector_store %arg10[%parallel_loop3A_513, %parallel_loop3A_514], %parallel_loop3A_517 {strides = array<i32>} : memref<128x128xf32, #tpu.memory_space<vmem>>, vector<1x16xf32>,
        %parallel_loop3A_518 = arith.index_cast %parallel_loop3A_448 : i32 to index
        %parallel_loop3A_519 = arith.constant 32 : index
        %parallel_loop3A_520 = tpu.vector_load %arg10[%parallel_loop3A_518, %parallel_loop3A_519] {strides = array<i32>} : memref<128x128xf32, #tpu.memory_space<vmem>>, vector<1x16xf32>,
        %parallel_loop3A_521 = vector.shape_cast %parallel_loop3A_520 : vector<1x16xf32> to vector<16xf32>
        %parallel_loop3A_522 = arith.mulf %parallel_loop3A_521, %parallel_loop3A_497 : vector<16xf32>
        %parallel_loop3A_523 = arith.index_cast %parallel_loop3A_448 : i32 to index
        %parallel_loop3A_524 = arith.constant 32 : index
        %parallel_loop3A_525 = tpu.vector_load %arg10[%parallel_loop3A_523, %parallel_loop3A_524] {strides = array<i32>} : memref<128x128xf32, #tpu.memory_space<vmem>>, vector<1x16xf32>,
        %parallel_loop3A_526 = vector.shape_cast %parallel_loop3A_525 : vector<1x16xf32> to vector<16xf32>
        %parallel_loop3A_527 = vector.shape_cast %parallel_loop3A_522 : vector<16xf32> to vector<1x16xf32>
        tpu.vector_store %arg10[%parallel_loop3A_523, %parallel_loop3A_524], %parallel_loop3A_527 {strides = array<i32>} : memref<128x128xf32, #tpu.memory_space<vmem>>, vector<1x16xf32>,
        %parallel_loop3A_528 = arith.index_cast %parallel_loop3A_448 : i32 to index
        %parallel_loop3A_529 = arith.constant 48 : index
        %parallel_loop3A_530 = tpu.vector_load %arg10[%parallel_loop3A_528, %parallel_loop3A_529] {strides = array<i32>} : memref<128x128xf32, #tpu.memory_space<vmem>>, vector<1x16xf32>,
        %parallel_loop3A_531 = vector.shape_cast %parallel_loop3A_530 : vector<1x16xf32> to vector<16xf32>
        %parallel_loop3A_532 = arith.mulf %parallel_loop3A_531, %parallel_loop3A_497 : vector<16xf32>
        %parallel_loop3A_533 = arith.index_cast %parallel_loop3A_448 : i32 to index
        %parallel_loop3A_534 = arith.constant 48 : index
        %parallel_loop3A_535 = tpu.vector_load %arg10[%parallel_loop3A_533, %parallel_loop3A_534] {strides = array<i32>} : memref<128x128xf32, #tpu.memory_space<vmem>>, vector<1x16xf32>,
        %parallel_loop3A_536 = vector.shape_cast %parallel_loop3A_535 : vector<1x16xf32> to vector<16xf32>
        %parallel_loop3A_537 = vector.shape_cast %parallel_loop3A_532 : vector<16xf32> to vector<1x16xf32>
        tpu.vector_store %arg10[%parallel_loop3A_533, %parallel_loop3A_534], %parallel_loop3A_537 {strides = array<i32>} : memref<128x128xf32, #tpu.memory_space<vmem>>, vector<1x16xf32>,
        %parallel_loop3A_538 = arith.index_cast %parallel_loop3A_448 : i32 to index
        %parallel_loop3A_539 = arith.constant 64 : index
        %parallel_loop3A_540 = tpu.vector_load %arg10[%parallel_loop3A_538, %parallel_loop3A_539] {strides = array<i32>} : memref<128x128xf32, #tpu.memory_space<vmem>>, vector<1x16xf32>,
        %parallel_loop3A_541 = vector.shape_cast %parallel_loop3A_540 : vector<1x16xf32> to vector<16xf32>
        %parallel_loop3A_542 = arith.mulf %parallel_loop3A_541, %parallel_loop3A_497 : vector<16xf32>
        %parallel_loop3A_543 = arith.index_cast %parallel_loop3A_448 : i32 to index
        %parallel_loop3A_544 = arith.constant 64 : index
        %parallel_loop3A_545 = tpu.vector_load %arg10[%parallel_loop3A_543, %parallel_loop3A_544] {strides = array<i32>} : memref<128x128xf32, #tpu.memory_space<vmem>>, vector<1x16xf32>,
        %parallel_loop3A_546 = vector.shape_cast %parallel_loop3A_545 : vector<1x16xf32> to vector<16xf32>
        %parallel_loop3A_547 = vector.shape_cast %parallel_loop3A_542 : vector<16xf32> to vector<1x16xf32>
        tpu.vector_store %arg10[%parallel_loop3A_543, %parallel_loop3A_544], %parallel_loop3A_547 {strides = array<i32>} : memref<128x128xf32, #tpu.memory_space<vmem>>, vector<1x16xf32>,
        %parallel_loop3A_548 = arith.index_cast %parallel_loop3A_448 : i32 to index
        %parallel_loop3A_549 = arith.constant 80 : index
        %parallel_loop3A_550 = tpu.vector_load %arg10[%parallel_loop3A_548, %parallel_loop3A_549] {strides = array<i32>} : memref<128x128xf32, #tpu.memory_space<vmem>>, vector<1x16xf32>,
        %parallel_loop3A_551 = vector.shape_cast %parallel_loop3A_550 : vector<1x16xf32> to vector<16xf32>
        %parallel_loop3A_552 = arith.mulf %parallel_loop3A_551, %parallel_loop3A_497 : vector<16xf32>
        %parallel_loop3A_553 = arith.index_cast %parallel_loop3A_448 : i32 to index
        %parallel_loop3A_554 = arith.constant 80 : index
        %parallel_loop3A_555 = tpu.vector_load %arg10[%parallel_loop3A_553, %parallel_loop3A_554] {strides = array<i32>} : memref<128x128xf32, #tpu.memory_space<vmem>>, vector<1x16xf32>,
        %parallel_loop3A_556 = vector.shape_cast %parallel_loop3A_555 : vector<1x16xf32> to vector<16xf32>
        %parallel_loop3A_557 = vector.shape_cast %parallel_loop3A_552 : vector<16xf32> to vector<1x16xf32>
        tpu.vector_store %arg10[%parallel_loop3A_553, %parallel_loop3A_554], %parallel_loop3A_557 {strides = array<i32>} : memref<128x128xf32, #tpu.memory_space<vmem>>, vector<1x16xf32>,
        %parallel_loop3A_558 = arith.index_cast %parallel_loop3A_448 : i32 to index
        %parallel_loop3A_559 = arith.constant 96 : index
        %parallel_loop3A_560 = tpu.vector_load %arg10[%parallel_loop3A_558, %parallel_loop3A_559] {strides = array<i32>} : memref<128x128xf32, #tpu.memory_space<vmem>>, vector<1x16xf32>,
        %parallel_loop3A_561 = vector.shape_cast %parallel_loop3A_560 : vector<1x16xf32> to vector<16xf32>
        %parallel_loop3A_562 = arith.mulf %parallel_loop3A_561, %parallel_loop3A_497 : vector<16xf32>
        %parallel_loop3A_563 = arith.index_cast %parallel_loop3A_448 : i32 to index
        %parallel_loop3A_564 = arith.constant 96 : index
        %parallel_loop3A_565 = tpu.vector_load %arg10[%parallel_loop3A_563, %parallel_loop3A_564] {strides = array<i32>} : memref<128x128xf32, #tpu.memory_space<vmem>>, vector<1x16xf32>,
        %parallel_loop3A_566 = vector.shape_cast %parallel_loop3A_565 : vector<1x16xf32> to vector<16xf32>
        %parallel_loop3A_567 = vector.shape_cast %parallel_loop3A_562 : vector<16xf32> to vector<1x16xf32>
        tpu.vector_store %arg10[%parallel_loop3A_563, %parallel_loop3A_564], %parallel_loop3A_567 {strides = array<i32>} : memref<128x128xf32, #tpu.memory_space<vmem>>, vector<1x16xf32>,
        %parallel_loop3A_568 = arith.index_cast %parallel_loop3A_448 : i32 to index
        %parallel_loop3A_569 = arith.constant 112 : index
        %parallel_loop3A_570 = tpu.vector_load %arg10[%parallel_loop3A_568, %parallel_loop3A_569] {strides = array<i32>} : memref<128x128xf32, #tpu.memory_space<vmem>>, vector<1x16xf32>,
        %parallel_loop3A_571 = vector.shape_cast %parallel_loop3A_570 : vector<1x16xf32> to vector<16xf32>
        %parallel_loop3A_572 = arith.mulf %parallel_loop3A_571, %parallel_loop3A_497 : vector<16xf32>
        %parallel_loop3A_573 = arith.index_cast %parallel_loop3A_448 : i32 to index
        %parallel_loop3A_574 = arith.constant 112 : index
        %parallel_loop3A_575 = tpu.vector_load %arg10[%parallel_loop3A_573, %parallel_loop3A_574] {strides = array<i32>} : memref<128x128xf32, #tpu.memory_space<vmem>>, vector<1x16xf32>,
        %parallel_loop3A_576 = vector.shape_cast %parallel_loop3A_575 : vector<1x16xf32> to vector<16xf32>
        %parallel_loop3A_577 = vector.shape_cast %parallel_loop3A_572 : vector<16xf32> to vector<1x16xf32>
        tpu.vector_store %arg10[%parallel_loop3A_573, %parallel_loop3A_574], %parallel_loop3A_577 {strides = array<i32>} : memref<128x128xf32, #tpu.memory_space<vmem>>, vector<1x16xf32>,
      } {sc.loop_unroll_factor = 2 : i64, sc.parallel_access}
      "tpu.region"() ({
        %run_scoped3A = tpu.sem_alloc : memref<!tpu.dma_semaphore, #tpu.memory_space<semaphore_mem>>
        %dma_start3A_448 = arith.constant 0 : i32
        %dma_start3A_449 = tpu.memref_slice %arg8[%mul3A_391, %dma_start3A_448] : memref<16x128xi32, #tpu.memory_space<vmem>> -> memref<1x128xi32, #tpu.memory_space<vmem>>
        %dma_start3A_450 = tpu.memref_squeeze %dma_start3A_449 : memref<1x128xi32, #tpu.memory_space<vmem>> -> memref<128xi32, #tpu.memory_space<vmem>>
        %dma_start3A_451 = arith.constant 0 : i32
        %dma_start3A_452 = arith.constant 0 : i32
        %dma_start3A_453 = tpu.memref_slice %arg12[%dma_start3A_451, %dma_start3A_452] : memref<10000x128xf32, #tpu.memory_space<vmem_shared>> -> memref<10000x128xf32, #tpu.memory_space<vmem_shared>>
        tpu.enqueue_indirect_dma source(%arg10 : memref<128x128xf32, #tpu.memory_space<vmem>>) target(%dma_start3A_453 : memref<10000x128xf32, #tpu.memory_space<vmem_shared>>) offsets(%dma_start3A_450 : memref<128xi32, #tpu.memory_space<vmem>>) semaphore(%run_scoped3A : memref<!tpu.dma_semaphore, #tpu.memory_space<semaphore_mem>>) {add = true}
        %dma_wait3A_454 = arith.constant 0 : i32
        %dma_wait3A_455 = tpu.memref_slice %arg8[%mul3A_391, %dma_wait3A_454] : memref<16x128xi32, #tpu.memory_space<vmem>> -> memref<1x128xi32, #tpu.memory_space<vmem>>
        %dma_wait3A_456 = tpu.memref_squeeze %dma_wait3A_455 : memref<1x128xi32, #tpu.memory_space<vmem>> -> memref<128xi32, #tpu.memory_space<vmem>>
        %dma_wait3A_457 = arith.constant 0 : i32
        %dma_wait3A_458 = arith.constant 0 : i32
        %dma_wait3A_459 = tpu.memref_slice %arg12[%dma_wait3A_457, %dma_wait3A_458] : memref<10000x128xf32, #tpu.memory_space<vmem_shared>> -> memref<10000x128xf32, #tpu.memory_space<vmem_shared>>
        tpu.wait_indirect_dma semaphore(%run_scoped3A : memref<!tpu.dma_semaphore, #tpu.memory_space<semaphore_mem>>) src(%arg10 : memref<128x128xf32, #tpu.memory_space<vmem>>) dst(%dma_wait3A_459 : memref<10000x128xf32, #tpu.memory_space<vmem_shared>>)
        tpu.yield
      }) : () -> ()
      %add3A_412 = arith.constant 1 : i32
      %add3A_413 = arith.addi %scan3A_389, %add3A_412 : i32
      %lt3A = arith.constant 8 : i32
      %lt3A_414 = arith.cmpi slt, %add3A_413, %lt3A : i32
      %convert_element_type3A = arith.extui %lt3A_414 : i1 to i32
      %cond3A = arith.constant 0 : i32
      %cond3A_415 = arith.cmpi ne, %convert_element_type3A, %cond3A : i32
      scf.if %cond3A_415 {
        %add3A_448 = arith.constant 2 : i32
        %add3A_449 = arith.addi %mul3A_391, %add3A_448 : i32
        %dma_start3A_450 = arith.constant 0 : i32
        %dma_start3A_451 = arith.constant 0 : i32
        %dma_start3A_452 = tpu.memref_slice %arg10[%dma_start3A_450, %dma_start3A_451] : memref<128x128xf32, #tpu.memory_space<vmem>> -> memref<64x128xf32, #tpu.memory_space<vmem>>
        %dma_start3A_453 = arith.constant 0 : i32
        %dma_start3A_454 = tpu.memref_slice %arg7[%add3A_449, %dma_start3A_453] : memref<16x128xi32, #tpu.memory_space<vmem>> -> memref<1x64xi32, #tpu.memory_space<vmem>>
        %dma_start3A_455 = tpu.memref_squeeze %dma_start3A_454 : memref<1x64xi32, #tpu.memory_space<vmem>> -> memref<64xi32, #tpu.memory_space<vmem>>
        %dma_start3A_456 = arith.constant 0 : i32
        %dma_start3A_457 = arith.constant 0 : i32
        %dma_start3A_458 = tpu.memref_slice %arg2[%dma_start3A_456, %dma_start3A_457] : memref<10000x128xf32, #tpu.memory_space<hbm>> -> memref<10000x128xf32, #tpu.memory_space<hbm>>
        tpu.enqueue_indirect_dma source(%dma_start3A_458 : memref<10000x128xf32, #tpu.memory_space<hbm>>) target(%dma_start3A_452 : memref<64x128xf32, #tpu.memory_space<vmem>>) offsets(%dma_start3A_455 : memref<64xi32, #tpu.memory_space<vmem>>) semaphore(%arg13 : memref<!tpu.dma_semaphore, #tpu.memory_space<semaphore_mem>>)
        %dma_start3A_459 = arith.constant 64 : i32
        %dma_start3A_460 = arith.constant 0 : i32
        %dma_start3A_461 = tpu.memref_slice %arg10[%dma_start3A_459, %dma_start3A_460] : memref<128x128xf32, #tpu.memory_space<vmem>> -> memref<64x128xf32, #tpu.memory_space<vmem>>
        %dma_start3A_462 = arith.constant 64 : i32
        %dma_start3A_463 = tpu.memref_slice %arg7[%add3A_449, %dma_start3A_462] : memref<16x128xi32, #tpu.memory_space<vmem>> -> memref<1x64xi32, #tpu.memory_space<vmem>>
        %dma_start3A_464 = tpu.memref_squeeze %dma_start3A_463 : memref<1x64xi32, #tpu.memory_space<vmem>> -> memref<64xi32, #tpu.memory_space<vmem>>
        %dma_start3A_465 = arith.constant 0 : i32
        %dma_start3A_466 = arith.constant 0 : i32
        %dma_start3A_467 = tpu.memref_slice %arg2[%dma_start3A_465, %dma_start3A_466] : memref<10000x128xf32, #tpu.memory_space<hbm>> -> memref<10000x128xf32, #tpu.memory_space<hbm>>
        tpu.enqueue_indirect_dma source(%dma_start3A_467 : memref<10000x128xf32, #tpu.memory_space<hbm>>) target(%dma_start3A_461 : memref<64x128xf32, #tpu.memory_space<vmem>>) offsets(%dma_start3A_464 : memref<64xi32, #tpu.memory_space<vmem>>) semaphore(%arg13 : memref<!tpu.dma_semaphore, #tpu.memory_space<semaphore_mem>>)
      } else {
      }
      %add3A_416 = arith.constant 1 : i32
      %add3A_417 = arith.addi %mul3A_391, %add3A_416 : i32
      %dma_wait3A_418 = arith.constant 0 : i32
      %dma_wait3A_419 = arith.constant 0 : i32
      %dma_wait3A_420 = tpu.memref_slice %arg11[%dma_wait3A_418, %dma_wait3A_419] : memref<128x128xf32, #tpu.memory_space<vmem>> -> memref<64x128xf32, #tpu.memory_space<vmem>>
      %dma_wait3A_421 = arith.constant 0 : i32
      %dma_wait3A_422 = tpu.memref_slice %arg7[%add3A_417, %dma_wait3A_421] : memref<16x128xi32, #tpu.memory_space<vmem>> -> memref<1x64xi32, #tpu.memory_space<vmem>>
      %dma_wait3A_423 = tpu.memref_squeeze %dma_wait3A_422 : memref<1x64xi32, #tpu.memory_space<vmem>> -> memref<64xi32, #tpu.memory_space<vmem>>
      %dma_wait3A_424 = arith.constant 0 : i32
      %dma_wait3A_425 = arith.constant 0 : i32
      %dma_wait3A_426 = tpu.memref_slice %arg2[%dma_wait3A_424, %dma_wait3A_425] : memref<10000x128xf32, #tpu.memory_space<hbm>> -> memref<10000x128xf32, #tpu.memory_space<hbm>>
      tpu.wait_indirect_dma semaphore(%arg14 : memref<!tpu.dma_semaphore, #tpu.memory_space<semaphore_mem>>) src(%dma_wait3A_426 : memref<10000x128xf32, #tpu.memory_space<hbm>>) dst(%dma_wait3A_420 : memref<64x128xf32, #tpu.memory_space<vmem>>)
      %dma_wait3A_427 = arith.constant 64 : i32
      %dma_wait3A_428 = arith.constant 0 : i32
      %dma_wait3A_429 = tpu.memref_slice %arg11[%dma_wait3A_427, %dma_wait3A_428] : memref<128x128xf32, #tpu.memory_space<vmem>> -> memref<64x128xf32, #tpu.memory_space<vmem>>
      %dma_wait3A_430 = arith.constant 64 : i32
      %dma_wait3A_431 = tpu.memref_slice %arg7[%add3A_417, %dma_wait3A_430] : memref<16x128xi32, #tpu.memory_space<vmem>> -> memref<1x64xi32, #tpu.memory_space<vmem>>
      %dma_wait3A_432 = tpu.memref_squeeze %dma_wait3A_431 : memref<1x64xi32, #tpu.memory_space<vmem>> -> memref<64xi32, #tpu.memory_space<vmem>>
      %dma_wait3A_433 = arith.constant 0 : i32
      %dma_wait3A_434 = arith.constant 0 : i32
      %dma_wait3A_435 = tpu.memref_slice %arg2[%dma_wait3A_433, %dma_wait3A_434] : memref<10000x128xf32, #tpu.memory_space<hbm>> -> memref<10000x128xf32, #tpu.memory_space<hbm>>
      tpu.wait_indirect_dma semaphore(%arg14 : memref<!tpu.dma_semaphore, #tpu.memory_space<semaphore_mem>>) src(%dma_wait3A_435 : memref<10000x128xf32, #tpu.memory_space<hbm>>) dst(%dma_wait3A_429 : memref<64x128xf32, #tpu.memory_space<vmem>>)
      %add3A_436 = arith.constant 1 : i32
      %add3A_437 = arith.addi %mul3A_391, %add3A_436 : i32
      %parallel_loop3A_438 = arith.constant 0 : i32
      %parallel_loop3A_439 = arith.constant 128 : i32
      %parallel_loop3A_440 = arith.constant 1 : i32
      scf.for %parallel_loop3A_448 = %parallel_loop3A_438 to %parallel_loop3A_439 step %parallel_loop3A_440  : i32 {
        %parallel_loop3A_449 = arith.constant 16 : i32
        %parallel_loop3A_450 = arith.divsi %parallel_loop3A_448, %parallel_loop3A_449 : i32
        %parallel_loop3A_451 = arith.constant 0 : i32
        %parallel_loop3A_452 = arith.cmpi sgt, %parallel_loop3A_448, %parallel_loop3A_451 : i32
        %parallel_loop3A_453 = arith.extui %parallel_loop3A_452 : i1 to i32
        %parallel_loop3A_454 = arith.constant 0 : i32
        %parallel_loop3A_455 = arith.cmpi slt, %parallel_loop3A_448, %parallel_loop3A_454 : i32
        %parallel_loop3A_456 = arith.extui %parallel_loop3A_455 : i1 to i32
        %parallel_loop3A_457 = arith.subi %parallel_loop3A_453, %parallel_loop3A_456 : i32
        %parallel_loop3A_458 = arith.constant 0 : i32
        %parallel_loop3A_459 = arith.cmpi sgt, %parallel_loop3A_449, %parallel_loop3A_458 : i32
        %parallel_loop3A_460 = arith.extui %parallel_loop3A_459 : i1 to i32
        %parallel_loop3A_461 = arith.constant 0 : i32
        %parallel_loop3A_462 = arith.cmpi slt, %parallel_loop3A_449, %parallel_loop3A_461 : i32
        %parallel_loop3A_463 = arith.extui %parallel_loop3A_462 : i1 to i32
        %parallel_loop3A_464 = arith.subi %parallel_loop3A_460, %parallel_loop3A_463 : i32
        %parallel_loop3A_465 = arith.cmpi ne, %parallel_loop3A_457, %parallel_loop3A_464 : i32
        %parallel_loop3A_466 = arith.remsi %parallel_loop3A_448, %parallel_loop3A_449 : i32
        %parallel_loop3A_467 = arith.constant 0 : i32
        %parallel_loop3A_468 = arith.cmpi ne, %parallel_loop3A_466, %parallel_loop3A_467 : i32
        %parallel_loop3A_469 = arith.andi %parallel_loop3A_465, %parallel_loop3A_468 : i1
        %parallel_loop3A_470 = arith.constant 1 : i32
        %parallel_loop3A_471 = arith.subi %parallel_loop3A_450, %parallel_loop3A_470 : i32
        %parallel_loop3A_472 = arith.select %parallel_loop3A_469, %parallel_loop3A_471, %parallel_loop3A_450 : i32
        %parallel_loop3A_473 = arith.constant 16 : i32
        %parallel_loop3A_474 = arith.muli %parallel_loop3A_472, %parallel_loop3A_473 : i32
        %parallel_loop3A_475 = arith.index_cast %add3A_437 : i32 to index
        %parallel_loop3A_476 = arith.index_cast %parallel_loop3A_474 : i32 to index
        %parallel_loop3A_477 = tpu.vector_load %arg9[%parallel_loop3A_475, %parallel_loop3A_476] {strides = array<i32>} : memref<16x128xf32, #tpu.memory_space<vmem>>, vector<1x16xf32>,
        %parallel_loop3A_478 = vector.shape_cast %parallel_loop3A_477 : vector<1x16xf32> to vector<16xf32>
        %parallel_loop3A_479 = arith.constant 16 : i32
        %parallel_loop3A_480 = arith.constant 0 : i32
        %parallel_loop3A_481 = arith.cmpi eq, %parallel_loop3A_479, %parallel_loop3A_480 : i32
        %parallel_loop3A_482 = arith.constant 1 : i32
        %parallel_loop3A_483 = arith.select %parallel_loop3A_481, %parallel_loop3A_482, %parallel_loop3A_479 : i32
        %parallel_loop3A_484 = arith.remsi %parallel_loop3A_448, %parallel_loop3A_483 : i32
        %parallel_loop3A_485 = arith.constant 0 : i32
        %parallel_loop3A_486 = arith.cmpi ne, %parallel_loop3A_484, %parallel_loop3A_485 : i32
        %parallel_loop3A_487 = arith.constant 0 : i32
        %parallel_loop3A_488 = arith.cmpi slt, %parallel_loop3A_484, %parallel_loop3A_487 : i32
        %parallel_loop3A_489 = arith.constant 0 : i32
        %parallel_loop3A_490 = arith.cmpi slt, %parallel_loop3A_483, %parallel_loop3A_489 : i32
        %parallel_loop3A_491 = arith.xori %parallel_loop3A_488, %parallel_loop3A_490 : i1
        %parallel_loop3A_492 = arith.andi %parallel_loop3A_491, %parallel_loop3A_486 : i1
        %parallel_loop3A_493 = arith.addi %parallel_loop3A_484, %parallel_loop3A_483 : i32
        %parallel_loop3A_494 = arith.select %parallel_loop3A_492, %parallel_loop3A_493, %parallel_loop3A_484 : i32
        %parallel_loop3A_495 = vector.broadcast %parallel_loop3A_494 : i32 to vector<16x1xi32>
        %parallel_loop3A_496 = vector.shape_cast %parallel_loop3A_495 : vector<16x1xi32> to vector<16xi32>
        %parallel_loop3A_497 = tpu.dynamic_gather %parallel_loop3A_478[%parallel_loop3A_496] in [0] : vector<16xf32>, vector<16xi32> -> vector<16xf32>
        %parallel_loop3A_498 = arith.index_cast %parallel_loop3A_448 : i32 to index
        %parallel_loop3A_499 = arith.constant 0 : index
        %parallel_loop3A_500 = tpu.vector_load %arg11[%parallel_loop3A_498, %parallel_loop3A_499] {strides = array<i32>} : memref<128x128xf32, #tpu.memory_space<vmem>>, vector<1x16xf32>,
        %parallel_loop3A_501 = vector.shape_cast %parallel_loop3A_500 : vector<1x16xf32> to vector<16xf32>
        %parallel_loop3A_502 = arith.mulf %parallel_loop3A_501, %parallel_loop3A_497 : vector<16xf32>
        %parallel_loop3A_503 = arith.index_cast %parallel_loop3A_448 : i32 to index
        %parallel_loop3A_504 = arith.constant 0 : index
        %parallel_loop3A_505 = tpu.vector_load %arg11[%parallel_loop3A_503, %parallel_loop3A_504] {strides = array<i32>} : memref<128x128xf32, #tpu.memory_space<vmem>>, vector<1x16xf32>,
        %parallel_loop3A_506 = vector.shape_cast %parallel_loop3A_505 : vector<1x16xf32> to vector<16xf32>
        %parallel_loop3A_507 = vector.shape_cast %parallel_loop3A_502 : vector<16xf32> to vector<1x16xf32>
        tpu.vector_store %arg11[%parallel_loop3A_503, %parallel_loop3A_504], %parallel_loop3A_507 {strides = array<i32>} : memref<128x128xf32, #tpu.memory_space<vmem>>, vector<1x16xf32>,
        %parallel_loop3A_508 = arith.index_cast %parallel_loop3A_448 : i32 to index
        %parallel_loop3A_509 = arith.constant 16 : index
        %parallel_loop3A_510 = tpu.vector_load %arg11[%parallel_loop3A_508, %parallel_loop3A_509] {strides = array<i32>} : memref<128x128xf32, #tpu.memory_space<vmem>>, vector<1x16xf32>,
        %parallel_loop3A_511 = vector.shape_cast %parallel_loop3A_510 : vector<1x16xf32> to vector<16xf32>
        %parallel_loop3A_512 = arith.mulf %parallel_loop3A_511, %parallel_loop3A_497 : vector<16xf32>
        %parallel_loop3A_513 = arith.index_cast %parallel_loop3A_448 : i32 to index
        %parallel_loop3A_514 = arith.constant 16 : index
        %parallel_loop3A_515 = tpu.vector_load %arg11[%parallel_loop3A_513, %parallel_loop3A_514] {strides = array<i32>} : memref<128x128xf32, #tpu.memory_space<vmem>>, vector<1x16xf32>,
        %parallel_loop3A_516 = vector.shape_cast %parallel_loop3A_515 : vector<1x16xf32> to vector<16xf32>
        %parallel_loop3A_517 = vector.shape_cast %parallel_loop3A_512 : vector<16xf32> to vector<1x16xf32>
        tpu.vector_store %arg11[%parallel_loop3A_513, %parallel_loop3A_514], %parallel_loop3A_517 {strides = array<i32>} : memref<128x128xf32, #tpu.memory_space<vmem>>, vector<1x16xf32>,
        %parallel_loop3A_518 = arith.index_cast %parallel_loop3A_448 : i32 to index
        %parallel_loop3A_519 = arith.constant 32 : index
        %parallel_loop3A_520 = tpu.vector_load %arg11[%parallel_loop3A_518, %parallel_loop3A_519] {strides = array<i32>} : memref<128x128xf32, #tpu.memory_space<vmem>>, vector<1x16xf32>,
        %parallel_loop3A_521 = vector.shape_cast %parallel_loop3A_520 : vector<1x16xf32> to vector<16xf32>
        %parallel_loop3A_522 = arith.mulf %parallel_loop3A_521, %parallel_loop3A_497 : vector<16xf32>
        %parallel_loop3A_523 = arith.index_cast %parallel_loop3A_448 : i32 to index
        %parallel_loop3A_524 = arith.constant 32 : index
        %parallel_loop3A_525 = tpu.vector_load %arg11[%parallel_loop3A_523, %parallel_loop3A_524] {strides = array<i32>} : memref<128x128xf32, #tpu.memory_space<vmem>>, vector<1x16xf32>,
        %parallel_loop3A_526 = vector.shape_cast %parallel_loop3A_525 : vector<1x16xf32> to vector<16xf32>
        %parallel_loop3A_527 = vector.shape_cast %parallel_loop3A_522 : vector<16xf32> to vector<1x16xf32>
        tpu.vector_store %arg11[%parallel_loop3A_523, %parallel_loop3A_524], %parallel_loop3A_527 {strides = array<i32>} : memref<128x128xf32, #tpu.memory_space<vmem>>, vector<1x16xf32>,
        %parallel_loop3A_528 = arith.index_cast %parallel_loop3A_448 : i32 to index
        %parallel_loop3A_529 = arith.constant 48 : index
        %parallel_loop3A_530 = tpu.vector_load %arg11[%parallel_loop3A_528, %parallel_loop3A_529] {strides = array<i32>} : memref<128x128xf32, #tpu.memory_space<vmem>>, vector<1x16xf32>,
        %parallel_loop3A_531 = vector.shape_cast %parallel_loop3A_530 : vector<1x16xf32> to vector<16xf32>
        %parallel_loop3A_532 = arith.mulf %parallel_loop3A_531, %parallel_loop3A_497 : vector<16xf32>
        %parallel_loop3A_533 = arith.index_cast %parallel_loop3A_448 : i32 to index
        %parallel_loop3A_534 = arith.constant 48 : index
        %parallel_loop3A_535 = tpu.vector_load %arg11[%parallel_loop3A_533, %parallel_loop3A_534] {strides = array<i32>} : memref<128x128xf32, #tpu.memory_space<vmem>>, vector<1x16xf32>,
        %parallel_loop3A_536 = vector.shape_cast %parallel_loop3A_535 : vector<1x16xf32> to vector<16xf32>
        %parallel_loop3A_537 = vector.shape_cast %parallel_loop3A_532 : vector<16xf32> to vector<1x16xf32>
        tpu.vector_store %arg11[%parallel_loop3A_533, %parallel_loop3A_534], %parallel_loop3A_537 {strides = array<i32>} : memref<128x128xf32, #tpu.memory_space<vmem>>, vector<1x16xf32>,
        %parallel_loop3A_538 = arith.index_cast %parallel_loop3A_448 : i32 to index
        %parallel_loop3A_539 = arith.constant 64 : index
        %parallel_loop3A_540 = tpu.vector_load %arg11[%parallel_loop3A_538, %parallel_loop3A_539] {strides = array<i32>} : memref<128x128xf32, #tpu.memory_space<vmem>>, vector<1x16xf32>,
        %parallel_loop3A_541 = vector.shape_cast %parallel_loop3A_540 : vector<1x16xf32> to vector<16xf32>
        %parallel_loop3A_542 = arith.mulf %parallel_loop3A_541, %parallel_loop3A_497 : vector<16xf32>
        %parallel_loop3A_543 = arith.index_cast %parallel_loop3A_448 : i32 to index
        %parallel_loop3A_544 = arith.constant 64 : index
        %parallel_loop3A_545 = tpu.vector_load %arg11[%parallel_loop3A_543, %parallel_loop3A_544] {strides = array<i32>} : memref<128x128xf32, #tpu.memory_space<vmem>>, vector<1x16xf32>,
        %parallel_loop3A_546 = vector.shape_cast %parallel_loop3A_545 : vector<1x16xf32> to vector<16xf32>
        %parallel_loop3A_547 = vector.shape_cast %parallel_loop3A_542 : vector<16xf32> to vector<1x16xf32>
        tpu.vector_store %arg11[%parallel_loop3A_543, %parallel_loop3A_544], %parallel_loop3A_547 {strides = array<i32>} : memref<128x128xf32, #tpu.memory_space<vmem>>, vector<1x16xf32>,
        %parallel_loop3A_548 = arith.index_cast %parallel_loop3A_448 : i32 to index
        %parallel_loop3A_549 = arith.constant 80 : index
        %parallel_loop3A_550 = tpu.vector_load %arg11[%parallel_loop3A_548, %parallel_loop3A_549] {strides = array<i32>} : memref<128x128xf32, #tpu.memory_space<vmem>>, vector<1x16xf32>,
        %parallel_loop3A_551 = vector.shape_cast %parallel_loop3A_550 : vector<1x16xf32> to vector<16xf32>
        %parallel_loop3A_552 = arith.mulf %parallel_loop3A_551, %parallel_loop3A_497 : vector<16xf32>
        %parallel_loop3A_553 = arith.index_cast %parallel_loop3A_448 : i32 to index
        %parallel_loop3A_554 = arith.constant 80 : index
        %parallel_loop3A_555 = tpu.vector_load %arg11[%parallel_loop3A_553, %parallel_loop3A_554] {strides = array<i32>} : memref<128x128xf32, #tpu.memory_space<vmem>>, vector<1x16xf32>,
        %parallel_loop3A_556 = vector.shape_cast %parallel_loop3A_555 : vector<1x16xf32> to vector<16xf32>
        %parallel_loop3A_557 = vector.shape_cast %parallel_loop3A_552 : vector<16xf32> to vector<1x16xf32>
        tpu.vector_store %arg11[%parallel_loop3A_553, %parallel_loop3A_554], %parallel_loop3A_557 {strides = array<i32>} : memref<128x128xf32, #tpu.memory_space<vmem>>, vector<1x16xf32>,
        %parallel_loop3A_558 = arith.index_cast %parallel_loop3A_448 : i32 to index
        %parallel_loop3A_559 = arith.constant 96 : index
        %parallel_loop3A_560 = tpu.vector_load %arg11[%parallel_loop3A_558, %parallel_loop3A_559] {strides = array<i32>} : memref<128x128xf32, #tpu.memory_space<vmem>>, vector<1x16xf32>,
        %parallel_loop3A_561 = vector.shape_cast %parallel_loop3A_560 : vector<1x16xf32> to vector<16xf32>
        %parallel_loop3A_562 = arith.mulf %parallel_loop3A_561, %parallel_loop3A_497 : vector<16xf32>
        %parallel_loop3A_563 = arith.index_cast %parallel_loop3A_448 : i32 to index
        %parallel_loop3A_564 = arith.constant 96 : index
        %parallel_loop3A_565 = tpu.vector_load %arg11[%parallel_loop3A_563, %parallel_loop3A_564] {strides = array<i32>} : memref<128x128xf32, #tpu.memory_space<vmem>>, vector<1x16xf32>,
        %parallel_loop3A_566 = vector.shape_cast %parallel_loop3A_565 : vector<1x16xf32> to vector<16xf32>
        %parallel_loop3A_567 = vector.shape_cast %parallel_loop3A_562 : vector<16xf32> to vector<1x16xf32>
        tpu.vector_store %arg11[%parallel_loop3A_563, %parallel_loop3A_564], %parallel_loop3A_567 {strides = array<i32>} : memref<128x128xf32, #tpu.memory_space<vmem>>, vector<1x16xf32>,
        %parallel_loop3A_568 = arith.index_cast %parallel_loop3A_448 : i32 to index
        %parallel_loop3A_569 = arith.constant 112 : index
        %parallel_loop3A_570 = tpu.vector_load %arg11[%parallel_loop3A_568, %parallel_loop3A_569] {strides = array<i32>} : memref<128x128xf32, #tpu.memory_space<vmem>>, vector<1x16xf32>,
        %parallel_loop3A_571 = vector.shape_cast %parallel_loop3A_570 : vector<1x16xf32> to vector<16xf32>
        %parallel_loop3A_572 = arith.mulf %parallel_loop3A_571, %parallel_loop3A_497 : vector<16xf32>
        %parallel_loop3A_573 = arith.index_cast %parallel_loop3A_448 : i32 to index
        %parallel_loop3A_574 = arith.constant 112 : index
        %parallel_loop3A_575 = tpu.vector_load %arg11[%parallel_loop3A_573, %parallel_loop3A_574] {strides = array<i32>} : memref<128x128xf32, #tpu.memory_space<vmem>>, vector<1x16xf32>,
        %parallel_loop3A_576 = vector.shape_cast %parallel_loop3A_575 : vector<1x16xf32> to vector<16xf32>
        %parallel_loop3A_577 = vector.shape_cast %parallel_loop3A_572 : vector<16xf32> to vector<1x16xf32>
        tpu.vector_store %arg11[%parallel_loop3A_573, %parallel_loop3A_574], %parallel_loop3A_577 {strides = array<i32>} : memref<128x128xf32, #tpu.memory_space<vmem>>, vector<1x16xf32>,
      } {sc.loop_unroll_factor = 2 : i64, sc.parallel_access}
      "tpu.region"() ({
        %run_scoped3A = tpu.sem_alloc : memref<!tpu.dma_semaphore, #tpu.memory_space<semaphore_mem>>
        %dma_start3A_448 = arith.constant 0 : i32
        %dma_start3A_449 = tpu.memref_slice %arg8[%add3A_437, %dma_start3A_448] : memref<16x128xi32, #tpu.memory_space<vmem>> -> memref<1x128xi32, #tpu.memory_space<vmem>>
        %dma_start3A_450 = tpu.memref_squeeze %dma_start3A_449 : memref<1x128xi32, #tpu.memory_space<vmem>> -> memref<128xi32, #tpu.memory_space<vmem>>
        %dma_start3A_451 = arith.constant 0 : i32
        %dma_start3A_452 = arith.constant 0 : i32
        %dma_start3A_453 = tpu.memref_slice %arg12[%dma_start3A_451, %dma_start3A_452] : memref<10000x128xf32, #tpu.memory_space<vmem_shared>> -> memref<10000x128xf32, #tpu.memory_space<vmem_shared>>
        tpu.enqueue_indirect_dma source(%arg11 : memref<128x128xf32, #tpu.memory_space<vmem>>) target(%dma_start3A_453 : memref<10000x128xf32, #tpu.memory_space<vmem_shared>>) offsets(%dma_start3A_450 : memref<128xi32, #tpu.memory_space<vmem>>) semaphore(%run_scoped3A : memref<!tpu.dma_semaphore, #tpu.memory_space<semaphore_mem>>) {add = true}
        %dma_wait3A_454 = arith.constant 0 : i32
        %dma_wait3A_455 = tpu.memref_slice %arg8[%add3A_437, %dma_wait3A_454] : memref<16x128xi32, #tpu.memory_space<vmem>> -> memref<1x128xi32, #tpu.memory_space<vmem>>
        %dma_wait3A_456 = tpu.memref_squeeze %dma_wait3A_455 : memref<1x128xi32, #tpu.memory_space<vmem>> -> memref<128xi32, #tpu.memory_space<vmem>>
        %dma_wait3A_457 = arith.constant 0 : i32
        %dma_wait3A_458 = arith.constant 0 : i32
        %dma_wait3A_459 = tpu.memref_slice %arg12[%dma_wait3A_457, %dma_wait3A_458] : memref<10000x128xf32, #tpu.memory_space<vmem_shared>> -> memref<10000x128xf32, #tpu.memory_space<vmem_shared>>
        tpu.wait_indirect_dma semaphore(%run_scoped3A : memref<!tpu.dma_semaphore, #tpu.memory_space<semaphore_mem>>) src(%arg11 : memref<128x128xf32, #tpu.memory_space<vmem>>) dst(%dma_wait3A_459 : memref<10000x128xf32, #tpu.memory_space<vmem_shared>>)
        tpu.yield
      }) : () -> ()
      %add3A_441 = arith.constant 1 : i32
      %add3A_442 = arith.addi %scan3A_389, %add3A_441 : i32
      %lt3A_443 = arith.constant 8 : i32
      %lt3A_444 = arith.cmpi slt, %add3A_442, %lt3A_443 : i32
      %convert_element_type3A_445 = arith.extui %lt3A_444 : i1 to i32
      %cond3A_446 = arith.constant 0 : i32
      %cond3A_447 = arith.cmpi ne, %convert_element_type3A_445, %cond3A_446 : i32
      scf.if %cond3A_447 {
        %add3A_448 = arith.constant 3 : i32
        %add3A_449 = arith.addi %mul3A_391, %add3A_448 : i32
        %dma_start3A_450 = arith.constant 0 : i32
        %dma_start3A_451 = arith.constant 0 : i32
        %dma_start3A_452 = tpu.memref_slice %arg11[%dma_start3A_450, %dma_start3A_451] : memref<128x128xf32, #tpu.memory_space<vmem>> -> memref<64x128xf32, #tpu.memory_space<vmem>>
        %dma_start3A_453 = arith.constant 0 : i32
        %dma_start3A_454 = tpu.memref_slice %arg7[%add3A_449, %dma_start3A_453] : memref<16x128xi32, #tpu.memory_space<vmem>> -> memref<1x64xi32, #tpu.memory_space<vmem>>
        %dma_start3A_455 = tpu.memref_squeeze %dma_start3A_454 : memref<1x64xi32, #tpu.memory_space<vmem>> -> memref<64xi32, #tpu.memory_space<vmem>>
        %dma_start3A_456 = arith.constant 0 : i32
        %dma_start3A_457 = arith.constant 0 : i32
        %dma_start3A_458 = tpu.memref_slice %arg2[%dma_start3A_456, %dma_start3A_457] : memref<10000x128xf32, #tpu.memory_space<hbm>> -> memref<10000x128xf32, #tpu.memory_space<hbm>>
        tpu.enqueue_indirect_dma source(%dma_start3A_458 : memref<10000x128xf32, #tpu.memory_space<hbm>>) target(%dma_start3A_452 : memref<64x128xf32, #tpu.memory_space<vmem>>) offsets(%dma_start3A_455 : memref<64xi32, #tpu.memory_space<vmem>>) semaphore(%arg14 : memref<!tpu.dma_semaphore, #tpu.memory_space<semaphore_mem>>)
        %dma_start3A_459 = arith.constant 64 : i32
        %dma_start3A_460 = arith.constant 0 : i32
        %dma_start3A_461 = tpu.memref_slice %arg11[%dma_start3A_459, %dma_start3A_460] : memref<128x128xf32, #tpu.memory_space<vmem>> -> memref<64x128xf32, #tpu.memory_space<vmem>>
        %dma_start3A_462 = arith.constant 64 : i32
        %dma_start3A_463 = tpu.memref_slice %arg7[%add3A_449, %dma_start3A_462] : memref<16x128xi32, #tpu.memory_space<vmem>> -> memref<1x64xi32, #tpu.memory_space<vmem>>
        %dma_start3A_464 = tpu.memref_squeeze %dma_start3A_463 : memref<1x64xi32, #tpu.memory_space<vmem>> -> memref<64xi32, #tpu.memory_space<vmem>>
        %dma_start3A_465 = arith.constant 0 : i32
        %dma_start3A_466 = arith.constant 0 : i32
        %dma_start3A_467 = tpu.memref_slice %arg2[%dma_start3A_465, %dma_start3A_466] : memref<10000x128xf32, #tpu.memory_space<hbm>> -> memref<10000x128xf32, #tpu.memory_space<hbm>>
        tpu.enqueue_indirect_dma source(%dma_start3A_467 : memref<10000x128xf32, #tpu.memory_space<hbm>>) target(%dma_start3A_461 : memref<64x128xf32, #tpu.memory_space<vmem>>) offsets(%dma_start3A_464 : memref<64xi32, #tpu.memory_space<vmem>>) semaphore(%arg14 : memref<!tpu.dma_semaphore, #tpu.memory_space<semaphore_mem>>)
      } else {
      }
    }
    %scan3A_233 = arith.constant 8 : i32
    %add3A_234 = arith.constant 48 : i32
    %add3A_235 = arith.addi %mul3A_19, %add3A_234 : i32
    %dma_start3A_236 = arith.constant 0 : i32
    %dma_start3A_237 = tpu.memref_slice %arg3[%add3A_235, %dma_start3A_236] : memref<2560x128xi32, #tpu.memory_space<hbm>> -> memref<16x128xi32, #tpu.memory_space<hbm>>
    %dma_start3A_238 = arith.constant 0 : i32
    %dma_start3A_239 = tpu.memref_slice %arg3[%add3A_235, %dma_start3A_238] : memref<2560x128xi32, #tpu.memory_space<hbm>> -> memref<16x128xi32, #tpu.memory_space<hbm>>
    tpu.enqueue_dma source(%dma_start3A_239 : memref<16x128xi32, #tpu.memory_space<hbm>>) target(%arg7 : memref<16x128xi32, #tpu.memory_space<vmem>>) target_semaphore(%arg15 : memref<!tpu.dma_semaphore, #tpu.memory_space<semaphore_mem>>)
    %dma_start3A_240 = arith.constant 0 : i32
    %dma_start3A_241 = tpu.memref_slice %arg4[%add3A_235, %dma_start3A_240] : memref<2560x128xi32, #tpu.memory_space<hbm>> -> memref<16x128xi32, #tpu.memory_space<hbm>>
    %dma_start3A_242 = arith.constant 0 : i32
    %dma_start3A_243 = tpu.memref_slice %arg4[%add3A_235, %dma_start3A_242] : memref<2560x128xi32, #tpu.memory_space<hbm>> -> memref<16x128xi32, #tpu.memory_space<hbm>>
    tpu.enqueue_dma source(%dma_start3A_243 : memref<16x128xi32, #tpu.memory_space<hbm>>) target(%arg8 : memref<16x128xi32, #tpu.memory_space<vmem>>) target_semaphore(%arg15 : memref<!tpu.dma_semaphore, #tpu.memory_space<semaphore_mem>>)
    %dma_start3A_244 = arith.constant 0 : i32
    %dma_start3A_245 = tpu.memref_slice %arg5[%add3A_235, %dma_start3A_244] : memref<2560x128xf32, #tpu.memory_space<hbm>> -> memref<16x128xf32, #tpu.memory_space<hbm>>
    %dma_start3A_246 = arith.constant 0 : i32
    %dma_start3A_247 = tpu.memref_slice %arg5[%add3A_235, %dma_start3A_246] : memref<2560x128xf32, #tpu.memory_space<hbm>> -> memref<16x128xf32, #tpu.memory_space<hbm>>
    tpu.enqueue_dma source(%dma_start3A_247 : memref<16x128xf32, #tpu.memory_space<hbm>>) target(%arg9 : memref<16x128xf32, #tpu.memory_space<vmem>>) target_semaphore(%arg15 : memref<!tpu.dma_semaphore, #tpu.memory_space<semaphore_mem>>)
    %dma_wait3A_248 = arith.constant 0 : i32
    %dma_wait3A_249 = tpu.memref_slice %arg3[%add3A_235, %dma_wait3A_248] : memref<2560x128xi32, #tpu.memory_space<hbm>> -> memref<16x128xi32, #tpu.memory_space<hbm>>
    %dma_wait3A_250 = arith.constant 0 : i32
    %dma_wait3A_251 = tpu.memref_slice %arg3[%add3A_235, %dma_wait3A_250] : memref<2560x128xi32, #tpu.memory_space<hbm>> -> memref<16x128xi32, #tpu.memory_space<hbm>>
    tpu.wait_dma2 semaphore(%arg15 : memref<!tpu.dma_semaphore, #tpu.memory_space<semaphore_mem>>) src(%dma_wait3A_251 : memref<16x128xi32, #tpu.memory_space<hbm>>) dst(%arg7 : memref<16x128xi32, #tpu.memory_space<vmem>>)
    %dma_wait3A_252 = arith.constant 0 : i32
    %dma_wait3A_253 = tpu.memref_slice %arg4[%add3A_235, %dma_wait3A_252] : memref<2560x128xi32, #tpu.memory_space<hbm>> -> memref<16x128xi32, #tpu.memory_space<hbm>>
    %dma_wait3A_254 = arith.constant 0 : i32
    %dma_wait3A_255 = tpu.memref_slice %arg4[%add3A_235, %dma_wait3A_254] : memref<2560x128xi32, #tpu.memory_space<hbm>> -> memref<16x128xi32, #tpu.memory_space<hbm>>
    tpu.wait_dma2 semaphore(%arg15 : memref<!tpu.dma_semaphore, #tpu.memory_space<semaphore_mem>>) src(%dma_wait3A_255 : memref<16x128xi32, #tpu.memory_space<hbm>>) dst(%arg8 : memref<16x128xi32, #tpu.memory_space<vmem>>)
    %dma_wait3A_256 = arith.constant 0 : i32
    %dma_wait3A_257 = tpu.memref_slice %arg5[%add3A_235, %dma_wait3A_256] : memref<2560x128xf32, #tpu.memory_space<hbm>> -> memref<16x128xf32, #tpu.memory_space<hbm>>
    %dma_wait3A_258 = arith.constant 0 : i32
    %dma_wait3A_259 = tpu.memref_slice %arg5[%add3A_235, %dma_wait3A_258] : memref<2560x128xf32, #tpu.memory_space<hbm>> -> memref<16x128xf32, #tpu.memory_space<hbm>>
    tpu.wait_dma2 semaphore(%arg15 : memref<!tpu.dma_semaphore, #tpu.memory_space<semaphore_mem>>) src(%dma_wait3A_259 : memref<16x128xf32, #tpu.memory_space<hbm>>) dst(%arg9 : memref<16x128xf32, #tpu.memory_space<vmem>>)
    %dma_start3A_260 = arith.constant 0 : i32
    %dma_start3A_261 = arith.constant 0 : i32
    %dma_start3A_262 = arith.constant 0 : i32
    %dma_start3A_263 = tpu.memref_slice %arg10[%dma_start3A_261, %dma_start3A_262] : memref<128x128xf32, #tpu.memory_space<vmem>> -> memref<64x128xf32, #tpu.memory_space<vmem>>
    %dma_start3A_264 = arith.constant 0 : i32
    %dma_start3A_265 = tpu.memref_slice %arg7[%dma_start3A_260, %dma_start3A_264] : memref<16x128xi32, #tpu.memory_space<vmem>> -> memref<1x64xi32, #tpu.memory_space<vmem>>
    %dma_start3A_266 = tpu.memref_squeeze %dma_start3A_265 : memref<1x64xi32, #tpu.memory_space<vmem>> -> memref<64xi32, #tpu.memory_space<vmem>>
    %dma_start3A_267 = arith.constant 0 : i32
    %dma_start3A_268 = arith.constant 0 : i32
    %dma_start3A_269 = tpu.memref_slice %arg2[%dma_start3A_267, %dma_start3A_268] : memref<10000x128xf32, #tpu.memory_space<hbm>> -> memref<10000x128xf32, #tpu.memory_space<hbm>>
    tpu.enqueue_indirect_dma source(%dma_start3A_269 : memref<10000x128xf32, #tpu.memory_space<hbm>>) target(%dma_start3A_263 : memref<64x128xf32, #tpu.memory_space<vmem>>) offsets(%dma_start3A_266 : memref<64xi32, #tpu.memory_space<vmem>>) semaphore(%arg13 : memref<!tpu.dma_semaphore, #tpu.memory_space<semaphore_mem>>)
    %dma_start3A_270 = arith.constant 0 : i32
    %dma_start3A_271 = arith.constant 64 : i32
    %dma_start3A_272 = arith.constant 0 : i32
    %dma_start3A_273 = tpu.memref_slice %arg10[%dma_start3A_271, %dma_start3A_272] : memref<128x128xf32, #tpu.memory_space<vmem>> -> memref<64x128xf32, #tpu.memory_space<vmem>>
    %dma_start3A_274 = arith.constant 64 : i32
    %dma_start3A_275 = tpu.memref_slice %arg7[%dma_start3A_270, %dma_start3A_274] : memref<16x128xi32, #tpu.memory_space<vmem>> -> memref<1x64xi32, #tpu.memory_space<vmem>>
    %dma_start3A_276 = tpu.memref_squeeze %dma_start3A_275 : memref<1x64xi32, #tpu.memory_space<vmem>> -> memref<64xi32, #tpu.memory_space<vmem>>
    %dma_start3A_277 = arith.constant 0 : i32
    %dma_start3A_278 = arith.constant 0 : i32
    %dma_start3A_279 = tpu.memref_slice %arg2[%dma_start3A_277, %dma_start3A_278] : memref<10000x128xf32, #tpu.memory_space<hbm>> -> memref<10000x128xf32, #tpu.memory_space<hbm>>
    tpu.enqueue_indirect_dma source(%dma_start3A_279 : memref<10000x128xf32, #tpu.memory_space<hbm>>) target(%dma_start3A_273 : memref<64x128xf32, #tpu.memory_space<vmem>>) offsets(%dma_start3A_276 : memref<64xi32, #tpu.memory_space<vmem>>) semaphore(%arg13 : memref<!tpu.dma_semaphore, #tpu.memory_space<semaphore_mem>>)
    %dma_start3A_280 = arith.constant 1 : i32
    %dma_start3A_281 = arith.constant 0 : i32
    %dma_start3A_282 = arith.constant 0 : i32
    %dma_start3A_283 = tpu.memref_slice %arg11[%dma_start3A_281, %dma_start3A_282] : memref<128x128xf32, #tpu.memory_space<vmem>> -> memref<64x128xf32, #tpu.memory_space<vmem>>
    %dma_start3A_284 = arith.constant 0 : i32
    %dma_start3A_285 = tpu.memref_slice %arg7[%dma_start3A_280, %dma_start3A_284] : memref<16x128xi32, #tpu.memory_space<vmem>> -> memref<1x64xi32, #tpu.memory_space<vmem>>
    %dma_start3A_286 = tpu.memref_squeeze %dma_start3A_285 : memref<1x64xi32, #tpu.memory_space<vmem>> -> memref<64xi32, #tpu.memory_space<vmem>>
    %dma_start3A_287 = arith.constant 0 : i32
    %dma_start3A_288 = arith.constant 0 : i32
    %dma_start3A_289 = tpu.memref_slice %arg2[%dma_start3A_287, %dma_start3A_288] : memref<10000x128xf32, #tpu.memory_space<hbm>> -> memref<10000x128xf32, #tpu.memory_space<hbm>>
    tpu.enqueue_indirect_dma source(%dma_start3A_289 : memref<10000x128xf32, #tpu.memory_space<hbm>>) target(%dma_start3A_283 : memref<64x128xf32, #tpu.memory_space<vmem>>) offsets(%dma_start3A_286 : memref<64xi32, #tpu.memory_space<vmem>>) semaphore(%arg14 : memref<!tpu.dma_semaphore, #tpu.memory_space<semaphore_mem>>)
    %dma_start3A_290 = arith.constant 1 : i32
    %dma_start3A_291 = arith.constant 64 : i32
    %dma_start3A_292 = arith.constant 0 : i32
    %dma_start3A_293 = tpu.memref_slice %arg11[%dma_start3A_291, %dma_start3A_292] : memref<128x128xf32, #tpu.memory_space<vmem>> -> memref<64x128xf32, #tpu.memory_space<vmem>>
    %dma_start3A_294 = arith.constant 64 : i32
    %dma_start3A_295 = tpu.memref_slice %arg7[%dma_start3A_290, %dma_start3A_294] : memref<16x128xi32, #tpu.memory_space<vmem>> -> memref<1x64xi32, #tpu.memory_space<vmem>>
    %dma_start3A_296 = tpu.memref_squeeze %dma_start3A_295 : memref<1x64xi32, #tpu.memory_space<vmem>> -> memref<64xi32, #tpu.memory_space<vmem>>
    %dma_start3A_297 = arith.constant 0 : i32
    %dma_start3A_298 = arith.constant 0 : i32
    %dma_start3A_299 = tpu.memref_slice %arg2[%dma_start3A_297, %dma_start3A_298] : memref<10000x128xf32, #tpu.memory_space<hbm>> -> memref<10000x128xf32, #tpu.memory_space<hbm>>
    tpu.enqueue_indirect_dma source(%dma_start3A_299 : memref<10000x128xf32, #tpu.memory_space<hbm>>) target(%dma_start3A_293 : memref<64x128xf32, #tpu.memory_space<vmem>>) offsets(%dma_start3A_296 : memref<64xi32, #tpu.memory_space<vmem>>) semaphore(%arg14 : memref<!tpu.dma_semaphore, #tpu.memory_space<semaphore_mem>>)
    %scan3A_300 = arith.constant 0 : i32
    %scan3A_301 = arith.constant 0 : i32
    %scan3A_302 = arith.constant 8 : i32
    %scan3A_303 = arith.addi %scan3A_301, %scan3A_302 : i32
    %scan3A_304 = arith.constant 1 : i32
    scf.for %scan3A_389 = %scan3A_301 to %scan3A_303 step %scan3A_304  : i32 {
      %mul3A_390 = arith.constant 2 : i32
      %mul3A_391 = arith.muli %mul3A_390, %scan3A_389 : i32
      %dma_wait3A_392 = arith.constant 0 : i32
      %dma_wait3A_393 = arith.constant 0 : i32
      %dma_wait3A_394 = tpu.memref_slice %arg10[%dma_wait3A_392, %dma_wait3A_393] : memref<128x128xf32, #tpu.memory_space<vmem>> -> memref<64x128xf32, #tpu.memory_space<vmem>>
      %dma_wait3A_395 = arith.constant 0 : i32
      %dma_wait3A_396 = tpu.memref_slice %arg7[%mul3A_391, %dma_wait3A_395] : memref<16x128xi32, #tpu.memory_space<vmem>> -> memref<1x64xi32, #tpu.memory_space<vmem>>
      %dma_wait3A_397 = tpu.memref_squeeze %dma_wait3A_396 : memref<1x64xi32, #tpu.memory_space<vmem>> -> memref<64xi32, #tpu.memory_space<vmem>>
      %dma_wait3A_398 = arith.constant 0 : i32
      %dma_wait3A_399 = arith.constant 0 : i32
      %dma_wait3A_400 = tpu.memref_slice %arg2[%dma_wait3A_398, %dma_wait3A_399] : memref<10000x128xf32, #tpu.memory_space<hbm>> -> memref<10000x128xf32, #tpu.memory_space<hbm>>
      tpu.wait_indirect_dma semaphore(%arg13 : memref<!tpu.dma_semaphore, #tpu.memory_space<semaphore_mem>>) src(%dma_wait3A_400 : memref<10000x128xf32, #tpu.memory_space<hbm>>) dst(%dma_wait3A_394 : memref<64x128xf32, #tpu.memory_space<vmem>>)
      %dma_wait3A_401 = arith.constant 64 : i32
      %dma_wait3A_402 = arith.constant 0 : i32
      %dma_wait3A_403 = tpu.memref_slice %arg10[%dma_wait3A_401, %dma_wait3A_402] : memref<128x128xf32, #tpu.memory_space<vmem>> -> memref<64x128xf32, #tpu.memory_space<vmem>>
      %dma_wait3A_404 = arith.constant 64 : i32
      %dma_wait3A_405 = tpu.memref_slice %arg7[%mul3A_391, %dma_wait3A_404] : memref<16x128xi32, #tpu.memory_space<vmem>> -> memref<1x64xi32, #tpu.memory_space<vmem>>
      %dma_wait3A_406 = tpu.memref_squeeze %dma_wait3A_405 : memref<1x64xi32, #tpu.memory_space<vmem>> -> memref<64xi32, #tpu.memory_space<vmem>>
      %dma_wait3A_407 = arith.constant 0 : i32
      %dma_wait3A_408 = arith.constant 0 : i32
      %dma_wait3A_409 = tpu.memref_slice %arg2[%dma_wait3A_407, %dma_wait3A_408] : memref<10000x128xf32, #tpu.memory_space<hbm>> -> memref<10000x128xf32, #tpu.memory_space<hbm>>
      tpu.wait_indirect_dma semaphore(%arg13 : memref<!tpu.dma_semaphore, #tpu.memory_space<semaphore_mem>>) src(%dma_wait3A_409 : memref<10000x128xf32, #tpu.memory_space<hbm>>) dst(%dma_wait3A_403 : memref<64x128xf32, #tpu.memory_space<vmem>>)
      %parallel_loop3A = arith.constant 0 : i32
      %parallel_loop3A_410 = arith.constant 128 : i32
      %parallel_loop3A_411 = arith.constant 1 : i32
      scf.for %parallel_loop3A_448 = %parallel_loop3A to %parallel_loop3A_410 step %parallel_loop3A_411  : i32 {
        %parallel_loop3A_449 = arith.constant 16 : i32
        %parallel_loop3A_450 = arith.divsi %parallel_loop3A_448, %parallel_loop3A_449 : i32
        %parallel_loop3A_451 = arith.constant 0 : i32
        %parallel_loop3A_452 = arith.cmpi sgt, %parallel_loop3A_448, %parallel_loop3A_451 : i32
        %parallel_loop3A_453 = arith.extui %parallel_loop3A_452 : i1 to i32
        %parallel_loop3A_454 = arith.constant 0 : i32
        %parallel_loop3A_455 = arith.cmpi slt, %parallel_loop3A_448, %parallel_loop3A_454 : i32
        %parallel_loop3A_456 = arith.extui %parallel_loop3A_455 : i1 to i32
        %parallel_loop3A_457 = arith.subi %parallel_loop3A_453, %parallel_loop3A_456 : i32
        %parallel_loop3A_458 = arith.constant 0 : i32
        %parallel_loop3A_459 = arith.cmpi sgt, %parallel_loop3A_449, %parallel_loop3A_458 : i32
        %parallel_loop3A_460 = arith.extui %parallel_loop3A_459 : i1 to i32
        %parallel_loop3A_461 = arith.constant 0 : i32
        %parallel_loop3A_462 = arith.cmpi slt, %parallel_loop3A_449, %parallel_loop3A_461 : i32
        %parallel_loop3A_463 = arith.extui %parallel_loop3A_462 : i1 to i32
        %parallel_loop3A_464 = arith.subi %parallel_loop3A_460, %parallel_loop3A_463 : i32
        %parallel_loop3A_465 = arith.cmpi ne, %parallel_loop3A_457, %parallel_loop3A_464 : i32
        %parallel_loop3A_466 = arith.remsi %parallel_loop3A_448, %parallel_loop3A_449 : i32
        %parallel_loop3A_467 = arith.constant 0 : i32
        %parallel_loop3A_468 = arith.cmpi ne, %parallel_loop3A_466, %parallel_loop3A_467 : i32
        %parallel_loop3A_469 = arith.andi %parallel_loop3A_465, %parallel_loop3A_468 : i1
        %parallel_loop3A_470 = arith.constant 1 : i32
        %parallel_loop3A_471 = arith.subi %parallel_loop3A_450, %parallel_loop3A_470 : i32
        %parallel_loop3A_472 = arith.select %parallel_loop3A_469, %parallel_loop3A_471, %parallel_loop3A_450 : i32
        %parallel_loop3A_473 = arith.constant 16 : i32
        %parallel_loop3A_474 = arith.muli %parallel_loop3A_472, %parallel_loop3A_473 : i32
        %parallel_loop3A_475 = arith.index_cast %mul3A_391 : i32 to index
        %parallel_loop3A_476 = arith.index_cast %parallel_loop3A_474 : i32 to index
        %parallel_loop3A_477 = tpu.vector_load %arg9[%parallel_loop3A_475, %parallel_loop3A_476] {strides = array<i32>} : memref<16x128xf32, #tpu.memory_space<vmem>>, vector<1x16xf32>,
        %parallel_loop3A_478 = vector.shape_cast %parallel_loop3A_477 : vector<1x16xf32> to vector<16xf32>
        %parallel_loop3A_479 = arith.constant 16 : i32
        %parallel_loop3A_480 = arith.constant 0 : i32
        %parallel_loop3A_481 = arith.cmpi eq, %parallel_loop3A_479, %parallel_loop3A_480 : i32
        %parallel_loop3A_482 = arith.constant 1 : i32
        %parallel_loop3A_483 = arith.select %parallel_loop3A_481, %parallel_loop3A_482, %parallel_loop3A_479 : i32
        %parallel_loop3A_484 = arith.remsi %parallel_loop3A_448, %parallel_loop3A_483 : i32
        %parallel_loop3A_485 = arith.constant 0 : i32
        %parallel_loop3A_486 = arith.cmpi ne, %parallel_loop3A_484, %parallel_loop3A_485 : i32
        %parallel_loop3A_487 = arith.constant 0 : i32
        %parallel_loop3A_488 = arith.cmpi slt, %parallel_loop3A_484, %parallel_loop3A_487 : i32
        %parallel_loop3A_489 = arith.constant 0 : i32
        %parallel_loop3A_490 = arith.cmpi slt, %parallel_loop3A_483, %parallel_loop3A_489 : i32
        %parallel_loop3A_491 = arith.xori %parallel_loop3A_488, %parallel_loop3A_490 : i1
        %parallel_loop3A_492 = arith.andi %parallel_loop3A_491, %parallel_loop3A_486 : i1
        %parallel_loop3A_493 = arith.addi %parallel_loop3A_484, %parallel_loop3A_483 : i32
        %parallel_loop3A_494 = arith.select %parallel_loop3A_492, %parallel_loop3A_493, %parallel_loop3A_484 : i32
        %parallel_loop3A_495 = vector.broadcast %parallel_loop3A_494 : i32 to vector<16x1xi32>
        %parallel_loop3A_496 = vector.shape_cast %parallel_loop3A_495 : vector<16x1xi32> to vector<16xi32>
        %parallel_loop3A_497 = tpu.dynamic_gather %parallel_loop3A_478[%parallel_loop3A_496] in [0] : vector<16xf32>, vector<16xi32> -> vector<16xf32>
        %parallel_loop3A_498 = arith.index_cast %parallel_loop3A_448 : i32 to index
        %parallel_loop3A_499 = arith.constant 0 : index
        %parallel_loop3A_500 = tpu.vector_load %arg10[%parallel_loop3A_498, %parallel_loop3A_499] {strides = array<i32>} : memref<128x128xf32, #tpu.memory_space<vmem>>, vector<1x16xf32>,
        %parallel_loop3A_501 = vector.shape_cast %parallel_loop3A_500 : vector<1x16xf32> to vector<16xf32>
        %parallel_loop3A_502 = arith.mulf %parallel_loop3A_501, %parallel_loop3A_497 : vector<16xf32>
        %parallel_loop3A_503 = arith.index_cast %parallel_loop3A_448 : i32 to index
        %parallel_loop3A_504 = arith.constant 0 : index
        %parallel_loop3A_505 = tpu.vector_load %arg10[%parallel_loop3A_503, %parallel_loop3A_504] {strides = array<i32>} : memref<128x128xf32, #tpu.memory_space<vmem>>, vector<1x16xf32>,
        %parallel_loop3A_506 = vector.shape_cast %parallel_loop3A_505 : vector<1x16xf32> to vector<16xf32>
        %parallel_loop3A_507 = vector.shape_cast %parallel_loop3A_502 : vector<16xf32> to vector<1x16xf32>
        tpu.vector_store %arg10[%parallel_loop3A_503, %parallel_loop3A_504], %parallel_loop3A_507 {strides = array<i32>} : memref<128x128xf32, #tpu.memory_space<vmem>>, vector<1x16xf32>,
        %parallel_loop3A_508 = arith.index_cast %parallel_loop3A_448 : i32 to index
        %parallel_loop3A_509 = arith.constant 16 : index
        %parallel_loop3A_510 = tpu.vector_load %arg10[%parallel_loop3A_508, %parallel_loop3A_509] {strides = array<i32>} : memref<128x128xf32, #tpu.memory_space<vmem>>, vector<1x16xf32>,
        %parallel_loop3A_511 = vector.shape_cast %parallel_loop3A_510 : vector<1x16xf32> to vector<16xf32>
        %parallel_loop3A_512 = arith.mulf %parallel_loop3A_511, %parallel_loop3A_497 : vector<16xf32>
        %parallel_loop3A_513 = arith.index_cast %parallel_loop3A_448 : i32 to index
        %parallel_loop3A_514 = arith.constant 16 : index
        %parallel_loop3A_515 = tpu.vector_load %arg10[%parallel_loop3A_513, %parallel_loop3A_514] {strides = array<i32>} : memref<128x128xf32, #tpu.memory_space<vmem>>, vector<1x16xf32>,
        %parallel_loop3A_516 = vector.shape_cast %parallel_loop3A_515 : vector<1x16xf32> to vector<16xf32>
        %parallel_loop3A_517 = vector.shape_cast %parallel_loop3A_512 : vector<16xf32> to vector<1x16xf32>
        tpu.vector_store %arg10[%parallel_loop3A_513, %parallel_loop3A_514], %parallel_loop3A_517 {strides = array<i32>} : memref<128x128xf32, #tpu.memory_space<vmem>>, vector<1x16xf32>,
        %parallel_loop3A_518 = arith.index_cast %parallel_loop3A_448 : i32 to index
        %parallel_loop3A_519 = arith.constant 32 : index
        %parallel_loop3A_520 = tpu.vector_load %arg10[%parallel_loop3A_518, %parallel_loop3A_519] {strides = array<i32>} : memref<128x128xf32, #tpu.memory_space<vmem>>, vector<1x16xf32>,
        %parallel_loop3A_521 = vector.shape_cast %parallel_loop3A_520 : vector<1x16xf32> to vector<16xf32>
        %parallel_loop3A_522 = arith.mulf %parallel_loop3A_521, %parallel_loop3A_497 : vector<16xf32>
        %parallel_loop3A_523 = arith.index_cast %parallel_loop3A_448 : i32 to index
        %parallel_loop3A_524 = arith.constant 32 : index
        %parallel_loop3A_525 = tpu.vector_load %arg10[%parallel_loop3A_523, %parallel_loop3A_524] {strides = array<i32>} : memref<128x128xf32, #tpu.memory_space<vmem>>, vector<1x16xf32>,
        %parallel_loop3A_526 = vector.shape_cast %parallel_loop3A_525 : vector<1x16xf32> to vector<16xf32>
        %parallel_loop3A_527 = vector.shape_cast %parallel_loop3A_522 : vector<16xf32> to vector<1x16xf32>
        tpu.vector_store %arg10[%parallel_loop3A_523, %parallel_loop3A_524], %parallel_loop3A_527 {strides = array<i32>} : memref<128x128xf32, #tpu.memory_space<vmem>>, vector<1x16xf32>,
        %parallel_loop3A_528 = arith.index_cast %parallel_loop3A_448 : i32 to index
        %parallel_loop3A_529 = arith.constant 48 : index
        %parallel_loop3A_530 = tpu.vector_load %arg10[%parallel_loop3A_528, %parallel_loop3A_529] {strides = array<i32>} : memref<128x128xf32, #tpu.memory_space<vmem>>, vector<1x16xf32>,
        %parallel_loop3A_531 = vector.shape_cast %parallel_loop3A_530 : vector<1x16xf32> to vector<16xf32>
        %parallel_loop3A_532 = arith.mulf %parallel_loop3A_531, %parallel_loop3A_497 : vector<16xf32>
        %parallel_loop3A_533 = arith.index_cast %parallel_loop3A_448 : i32 to index
        %parallel_loop3A_534 = arith.constant 48 : index
        %parallel_loop3A_535 = tpu.vector_load %arg10[%parallel_loop3A_533, %parallel_loop3A_534] {strides = array<i32>} : memref<128x128xf32, #tpu.memory_space<vmem>>, vector<1x16xf32>,
        %parallel_loop3A_536 = vector.shape_cast %parallel_loop3A_535 : vector<1x16xf32> to vector<16xf32>
        %parallel_loop3A_537 = vector.shape_cast %parallel_loop3A_532 : vector<16xf32> to vector<1x16xf32>
        tpu.vector_store %arg10[%parallel_loop3A_533, %parallel_loop3A_534], %parallel_loop3A_537 {strides = array<i32>} : memref<128x128xf32, #tpu.memory_space<vmem>>, vector<1x16xf32>,
        %parallel_loop3A_538 = arith.index_cast %parallel_loop3A_448 : i32 to index
        %parallel_loop3A_539 = arith.constant 64 : index
        %parallel_loop3A_540 = tpu.vector_load %arg10[%parallel_loop3A_538, %parallel_loop3A_539] {strides = array<i32>} : memref<128x128xf32, #tpu.memory_space<vmem>>, vector<1x16xf32>,
        %parallel_loop3A_541 = vector.shape_cast %parallel_loop3A_540 : vector<1x16xf32> to vector<16xf32>
        %parallel_loop3A_542 = arith.mulf %parallel_loop3A_541, %parallel_loop3A_497 : vector<16xf32>
        %parallel_loop3A_543 = arith.index_cast %parallel_loop3A_448 : i32 to index
        %parallel_loop3A_544 = arith.constant 64 : index
        %parallel_loop3A_545 = tpu.vector_load %arg10[%parallel_loop3A_543, %parallel_loop3A_544] {strides = array<i32>} : memref<128x128xf32, #tpu.memory_space<vmem>>, vector<1x16xf32>,
        %parallel_loop3A_546 = vector.shape_cast %parallel_loop3A_545 : vector<1x16xf32> to vector<16xf32>
        %parallel_loop3A_547 = vector.shape_cast %parallel_loop3A_542 : vector<16xf32> to vector<1x16xf32>
        tpu.vector_store %arg10[%parallel_loop3A_543, %parallel_loop3A_544], %parallel_loop3A_547 {strides = array<i32>} : memref<128x128xf32, #tpu.memory_space<vmem>>, vector<1x16xf32>,
        %parallel_loop3A_548 = arith.index_cast %parallel_loop3A_448 : i32 to index
        %parallel_loop3A_549 = arith.constant 80 : index
        %parallel_loop3A_550 = tpu.vector_load %arg10[%parallel_loop3A_548, %parallel_loop3A_549] {strides = array<i32>} : memref<128x128xf32, #tpu.memory_space<vmem>>, vector<1x16xf32>,
        %parallel_loop3A_551 = vector.shape_cast %parallel_loop3A_550 : vector<1x16xf32> to vector<16xf32>
        %parallel_loop3A_552 = arith.mulf %parallel_loop3A_551, %parallel_loop3A_497 : vector<16xf32>
        %parallel_loop3A_553 = arith.index_cast %parallel_loop3A_448 : i32 to index
        %parallel_loop3A_554 = arith.constant 80 : index
        %parallel_loop3A_555 = tpu.vector_load %arg10[%parallel_loop3A_553, %parallel_loop3A_554] {strides = array<i32>} : memref<128x128xf32, #tpu.memory_space<vmem>>, vector<1x16xf32>,
        %parallel_loop3A_556 = vector.shape_cast %parallel_loop3A_555 : vector<1x16xf32> to vector<16xf32>
        %parallel_loop3A_557 = vector.shape_cast %parallel_loop3A_552 : vector<16xf32> to vector<1x16xf32>
        tpu.vector_store %arg10[%parallel_loop3A_553, %parallel_loop3A_554], %parallel_loop3A_557 {strides = array<i32>} : memref<128x128xf32, #tpu.memory_space<vmem>>, vector<1x16xf32>,
        %parallel_loop3A_558 = arith.index_cast %parallel_loop3A_448 : i32 to index
        %parallel_loop3A_559 = arith.constant 96 : index
        %parallel_loop3A_560 = tpu.vector_load %arg10[%parallel_loop3A_558, %parallel_loop3A_559] {strides = array<i32>} : memref<128x128xf32, #tpu.memory_space<vmem>>, vector<1x16xf32>,
        %parallel_loop3A_561 = vector.shape_cast %parallel_loop3A_560 : vector<1x16xf32> to vector<16xf32>
        %parallel_loop3A_562 = arith.mulf %parallel_loop3A_561, %parallel_loop3A_497 : vector<16xf32>
        %parallel_loop3A_563 = arith.index_cast %parallel_loop3A_448 : i32 to index
        %parallel_loop3A_564 = arith.constant 96 : index
        %parallel_loop3A_565 = tpu.vector_load %arg10[%parallel_loop3A_563, %parallel_loop3A_564] {strides = array<i32>} : memref<128x128xf32, #tpu.memory_space<vmem>>, vector<1x16xf32>,
        %parallel_loop3A_566 = vector.shape_cast %parallel_loop3A_565 : vector<1x16xf32> to vector<16xf32>
        %parallel_loop3A_567 = vector.shape_cast %parallel_loop3A_562 : vector<16xf32> to vector<1x16xf32>
        tpu.vector_store %arg10[%parallel_loop3A_563, %parallel_loop3A_564], %parallel_loop3A_567 {strides = array<i32>} : memref<128x128xf32, #tpu.memory_space<vmem>>, vector<1x16xf32>,
        %parallel_loop3A_568 = arith.index_cast %parallel_loop3A_448 : i32 to index
        %parallel_loop3A_569 = arith.constant 112 : index
        %parallel_loop3A_570 = tpu.vector_load %arg10[%parallel_loop3A_568, %parallel_loop3A_569] {strides = array<i32>} : memref<128x128xf32, #tpu.memory_space<vmem>>, vector<1x16xf32>,
        %parallel_loop3A_571 = vector.shape_cast %parallel_loop3A_570 : vector<1x16xf32> to vector<16xf32>
        %parallel_loop3A_572 = arith.mulf %parallel_loop3A_571, %parallel_loop3A_497 : vector<16xf32>
        %parallel_loop3A_573 = arith.index_cast %parallel_loop3A_448 : i32 to index
        %parallel_loop3A_574 = arith.constant 112 : index
        %parallel_loop3A_575 = tpu.vector_load %arg10[%parallel_loop3A_573, %parallel_loop3A_574] {strides = array<i32>} : memref<128x128xf32, #tpu.memory_space<vmem>>, vector<1x16xf32>,
        %parallel_loop3A_576 = vector.shape_cast %parallel_loop3A_575 : vector<1x16xf32> to vector<16xf32>
        %parallel_loop3A_577 = vector.shape_cast %parallel_loop3A_572 : vector<16xf32> to vector<1x16xf32>
        tpu.vector_store %arg10[%parallel_loop3A_573, %parallel_loop3A_574], %parallel_loop3A_577 {strides = array<i32>} : memref<128x128xf32, #tpu.memory_space<vmem>>, vector<1x16xf32>,
      } {sc.loop_unroll_factor = 2 : i64, sc.parallel_access}
      "tpu.region"() ({
        %run_scoped3A = tpu.sem_alloc : memref<!tpu.dma_semaphore, #tpu.memory_space<semaphore_mem>>
        %dma_start3A_448 = arith.constant 0 : i32
        %dma_start3A_449 = tpu.memref_slice %arg8[%mul3A_391, %dma_start3A_448] : memref<16x128xi32, #tpu.memory_space<vmem>> -> memref<1x128xi32, #tpu.memory_space<vmem>>
        %dma_start3A_450 = tpu.memref_squeeze %dma_start3A_449 : memref<1x128xi32, #tpu.memory_space<vmem>> -> memref<128xi32, #tpu.memory_space<vmem>>
        %dma_start3A_451 = arith.constant 0 : i32
        %dma_start3A_452 = arith.constant 0 : i32
        %dma_start3A_453 = tpu.memref_slice %arg12[%dma_start3A_451, %dma_start3A_452] : memref<10000x128xf32, #tpu.memory_space<vmem_shared>> -> memref<10000x128xf32, #tpu.memory_space<vmem_shared>>
        tpu.enqueue_indirect_dma source(%arg10 : memref<128x128xf32, #tpu.memory_space<vmem>>) target(%dma_start3A_453 : memref<10000x128xf32, #tpu.memory_space<vmem_shared>>) offsets(%dma_start3A_450 : memref<128xi32, #tpu.memory_space<vmem>>) semaphore(%run_scoped3A : memref<!tpu.dma_semaphore, #tpu.memory_space<semaphore_mem>>) {add = true}
        %dma_wait3A_454 = arith.constant 0 : i32
        %dma_wait3A_455 = tpu.memref_slice %arg8[%mul3A_391, %dma_wait3A_454] : memref<16x128xi32, #tpu.memory_space<vmem>> -> memref<1x128xi32, #tpu.memory_space<vmem>>
        %dma_wait3A_456 = tpu.memref_squeeze %dma_wait3A_455 : memref<1x128xi32, #tpu.memory_space<vmem>> -> memref<128xi32, #tpu.memory_space<vmem>>
        %dma_wait3A_457 = arith.constant 0 : i32
        %dma_wait3A_458 = arith.constant 0 : i32
        %dma_wait3A_459 = tpu.memref_slice %arg12[%dma_wait3A_457, %dma_wait3A_458] : memref<10000x128xf32, #tpu.memory_space<vmem_shared>> -> memref<10000x128xf32, #tpu.memory_space<vmem_shared>>
        tpu.wait_indirect_dma semaphore(%run_scoped3A : memref<!tpu.dma_semaphore, #tpu.memory_space<semaphore_mem>>) src(%arg10 : memref<128x128xf32, #tpu.memory_space<vmem>>) dst(%dma_wait3A_459 : memref<10000x128xf32, #tpu.memory_space<vmem_shared>>)
        tpu.yield
      }) : () -> ()
      %add3A_412 = arith.constant 1 : i32
      %add3A_413 = arith.addi %scan3A_389, %add3A_412 : i32
      %lt3A = arith.constant 8 : i32
      %lt3A_414 = arith.cmpi slt, %add3A_413, %lt3A : i32
      %convert_element_type3A = arith.extui %lt3A_414 : i1 to i32
      %cond3A = arith.constant 0 : i32
      %cond3A_415 = arith.cmpi ne, %convert_element_type3A, %cond3A : i32
      scf.if %cond3A_415 {
        %add3A_448 = arith.constant 2 : i32
        %add3A_449 = arith.addi %mul3A_391, %add3A_448 : i32
        %dma_start3A_450 = arith.constant 0 : i32
        %dma_start3A_451 = arith.constant 0 : i32
        %dma_start3A_452 = tpu.memref_slice %arg10[%dma_start3A_450, %dma_start3A_451] : memref<128x128xf32, #tpu.memory_space<vmem>> -> memref<64x128xf32, #tpu.memory_space<vmem>>
        %dma_start3A_453 = arith.constant 0 : i32
        %dma_start3A_454 = tpu.memref_slice %arg7[%add3A_449, %dma_start3A_453] : memref<16x128xi32, #tpu.memory_space<vmem>> -> memref<1x64xi32, #tpu.memory_space<vmem>>
        %dma_start3A_455 = tpu.memref_squeeze %dma_start3A_454 : memref<1x64xi32, #tpu.memory_space<vmem>> -> memref<64xi32, #tpu.memory_space<vmem>>
        %dma_start3A_456 = arith.constant 0 : i32
        %dma_start3A_457 = arith.constant 0 : i32
        %dma_start3A_458 = tpu.memref_slice %arg2[%dma_start3A_456, %dma_start3A_457] : memref<10000x128xf32, #tpu.memory_space<hbm>> -> memref<10000x128xf32, #tpu.memory_space<hbm>>
        tpu.enqueue_indirect_dma source(%dma_start3A_458 : memref<10000x128xf32, #tpu.memory_space<hbm>>) target(%dma_start3A_452 : memref<64x128xf32, #tpu.memory_space<vmem>>) offsets(%dma_start3A_455 : memref<64xi32, #tpu.memory_space<vmem>>) semaphore(%arg13 : memref<!tpu.dma_semaphore, #tpu.memory_space<semaphore_mem>>)
        %dma_start3A_459 = arith.constant 64 : i32
        %dma_start3A_460 = arith.constant 0 : i32
        %dma_start3A_461 = tpu.memref_slice %arg10[%dma_start3A_459, %dma_start3A_460] : memref<128x128xf32, #tpu.memory_space<vmem>> -> memref<64x128xf32, #tpu.memory_space<vmem>>
        %dma_start3A_462 = arith.constant 64 : i32
        %dma_start3A_463 = tpu.memref_slice %arg7[%add3A_449, %dma_start3A_462] : memref<16x128xi32, #tpu.memory_space<vmem>> -> memref<1x64xi32, #tpu.memory_space<vmem>>
        %dma_start3A_464 = tpu.memref_squeeze %dma_start3A_463 : memref<1x64xi32, #tpu.memory_space<vmem>> -> memref<64xi32, #tpu.memory_space<vmem>>
        %dma_start3A_465 = arith.constant 0 : i32
        %dma_start3A_466 = arith.constant 0 : i32
        %dma_start3A_467 = tpu.memref_slice %arg2[%dma_start3A_465, %dma_start3A_466] : memref<10000x128xf32, #tpu.memory_space<hbm>> -> memref<10000x128xf32, #tpu.memory_space<hbm>>
        tpu.enqueue_indirect_dma source(%dma_start3A_467 : memref<10000x128xf32, #tpu.memory_space<hbm>>) target(%dma_start3A_461 : memref<64x128xf32, #tpu.memory_space<vmem>>) offsets(%dma_start3A_464 : memref<64xi32, #tpu.memory_space<vmem>>) semaphore(%arg13 : memref<!tpu.dma_semaphore, #tpu.memory_space<semaphore_mem>>)
      } else {
      }
      %add3A_416 = arith.constant 1 : i32
      %add3A_417 = arith.addi %mul3A_391, %add3A_416 : i32
      %dma_wait3A_418 = arith.constant 0 : i32
      %dma_wait3A_419 = arith.constant 0 : i32
      %dma_wait3A_420 = tpu.memref_slice %arg11[%dma_wait3A_418, %dma_wait3A_419] : memref<128x128xf32, #tpu.memory_space<vmem>> -> memref<64x128xf32, #tpu.memory_space<vmem>>
      %dma_wait3A_421 = arith.constant 0 : i32
      %dma_wait3A_422 = tpu.memref_slice %arg7[%add3A_417, %dma_wait3A_421] : memref<16x128xi32, #tpu.memory_space<vmem>> -> memref<1x64xi32, #tpu.memory_space<vmem>>
      %dma_wait3A_423 = tpu.memref_squeeze %dma_wait3A_422 : memref<1x64xi32, #tpu.memory_space<vmem>> -> memref<64xi32, #tpu.memory_space<vmem>>
      %dma_wait3A_424 = arith.constant 0 : i32
      %dma_wait3A_425 = arith.constant 0 : i32
      %dma_wait3A_426 = tpu.memref_slice %arg2[%dma_wait3A_424, %dma_wait3A_425] : memref<10000x128xf32, #tpu.memory_space<hbm>> -> memref<10000x128xf32, #tpu.memory_space<hbm>>
      tpu.wait_indirect_dma semaphore(%arg14 : memref<!tpu.dma_semaphore, #tpu.memory_space<semaphore_mem>>) src(%dma_wait3A_426 : memref<10000x128xf32, #tpu.memory_space<hbm>>) dst(%dma_wait3A_420 : memref<64x128xf32, #tpu.memory_space<vmem>>)
      %dma_wait3A_427 = arith.constant 64 : i32
      %dma_wait3A_428 = arith.constant 0 : i32
      %dma_wait3A_429 = tpu.memref_slice %arg11[%dma_wait3A_427, %dma_wait3A_428] : memref<128x128xf32, #tpu.memory_space<vmem>> -> memref<64x128xf32, #tpu.memory_space<vmem>>
      %dma_wait3A_430 = arith.constant 64 : i32
      %dma_wait3A_431 = tpu.memref_slice %arg7[%add3A_417, %dma_wait3A_430] : memref<16x128xi32, #tpu.memory_space<vmem>> -> memref<1x64xi32, #tpu.memory_space<vmem>>
      %dma_wait3A_432 = tpu.memref_squeeze %dma_wait3A_431 : memref<1x64xi32, #tpu.memory_space<vmem>> -> memref<64xi32, #tpu.memory_space<vmem>>
      %dma_wait3A_433 = arith.constant 0 : i32
      %dma_wait3A_434 = arith.constant 0 : i32
      %dma_wait3A_435 = tpu.memref_slice %arg2[%dma_wait3A_433, %dma_wait3A_434] : memref<10000x128xf32, #tpu.memory_space<hbm>> -> memref<10000x128xf32, #tpu.memory_space<hbm>>
      tpu.wait_indirect_dma semaphore(%arg14 : memref<!tpu.dma_semaphore, #tpu.memory_space<semaphore_mem>>) src(%dma_wait3A_435 : memref<10000x128xf32, #tpu.memory_space<hbm>>) dst(%dma_wait3A_429 : memref<64x128xf32, #tpu.memory_space<vmem>>)
      %add3A_436 = arith.constant 1 : i32
      %add3A_437 = arith.addi %mul3A_391, %add3A_436 : i32
      %parallel_loop3A_438 = arith.constant 0 : i32
      %parallel_loop3A_439 = arith.constant 128 : i32
      %parallel_loop3A_440 = arith.constant 1 : i32
      scf.for %parallel_loop3A_448 = %parallel_loop3A_438 to %parallel_loop3A_439 step %parallel_loop3A_440  : i32 {
        %parallel_loop3A_449 = arith.constant 16 : i32
        %parallel_loop3A_450 = arith.divsi %parallel_loop3A_448, %parallel_loop3A_449 : i32
        %parallel_loop3A_451 = arith.constant 0 : i32
        %parallel_loop3A_452 = arith.cmpi sgt, %parallel_loop3A_448, %parallel_loop3A_451 : i32
        %parallel_loop3A_453 = arith.extui %parallel_loop3A_452 : i1 to i32
        %parallel_loop3A_454 = arith.constant 0 : i32
        %parallel_loop3A_455 = arith.cmpi slt, %parallel_loop3A_448, %parallel_loop3A_454 : i32
        %parallel_loop3A_456 = arith.extui %parallel_loop3A_455 : i1 to i32
        %parallel_loop3A_457 = arith.subi %parallel_loop3A_453, %parallel_loop3A_456 : i32
        %parallel_loop3A_458 = arith.constant 0 : i32
        %parallel_loop3A_459 = arith.cmpi sgt, %parallel_loop3A_449, %parallel_loop3A_458 : i32
        %parallel_loop3A_460 = arith.extui %parallel_loop3A_459 : i1 to i32
        %parallel_loop3A_461 = arith.constant 0 : i32
        %parallel_loop3A_462 = arith.cmpi slt, %parallel_loop3A_449, %parallel_loop3A_461 : i32
        %parallel_loop3A_463 = arith.extui %parallel_loop3A_462 : i1 to i32
        %parallel_loop3A_464 = arith.subi %parallel_loop3A_460, %parallel_loop3A_463 : i32
        %parallel_loop3A_465 = arith.cmpi ne, %parallel_loop3A_457, %parallel_loop3A_464 : i32
        %parallel_loop3A_466 = arith.remsi %parallel_loop3A_448, %parallel_loop3A_449 : i32
        %parallel_loop3A_467 = arith.constant 0 : i32
        %parallel_loop3A_468 = arith.cmpi ne, %parallel_loop3A_466, %parallel_loop3A_467 : i32
        %parallel_loop3A_469 = arith.andi %parallel_loop3A_465, %parallel_loop3A_468 : i1
        %parallel_loop3A_470 = arith.constant 1 : i32
        %parallel_loop3A_471 = arith.subi %parallel_loop3A_450, %parallel_loop3A_470 : i32
        %parallel_loop3A_472 = arith.select %parallel_loop3A_469, %parallel_loop3A_471, %parallel_loop3A_450 : i32
        %parallel_loop3A_473 = arith.constant 16 : i32
        %parallel_loop3A_474 = arith.muli %parallel_loop3A_472, %parallel_loop3A_473 : i32
        %parallel_loop3A_475 = arith.index_cast %add3A_437 : i32 to index
        %parallel_loop3A_476 = arith.index_cast %parallel_loop3A_474 : i32 to index
        %parallel_loop3A_477 = tpu.vector_load %arg9[%parallel_loop3A_475, %parallel_loop3A_476] {strides = array<i32>} : memref<16x128xf32, #tpu.memory_space<vmem>>, vector<1x16xf32>,
        %parallel_loop3A_478 = vector.shape_cast %parallel_loop3A_477 : vector<1x16xf32> to vector<16xf32>
        %parallel_loop3A_479 = arith.constant 16 : i32
        %parallel_loop3A_480 = arith.constant 0 : i32
        %parallel_loop3A_481 = arith.cmpi eq, %parallel_loop3A_479, %parallel_loop3A_480 : i32
        %parallel_loop3A_482 = arith.constant 1 : i32
        %parallel_loop3A_483 = arith.select %parallel_loop3A_481, %parallel_loop3A_482, %parallel_loop3A_479 : i32
        %parallel_loop3A_484 = arith.remsi %parallel_loop3A_448, %parallel_loop3A_483 : i32
        %parallel_loop3A_485 = arith.constant 0 : i32
        %parallel_loop3A_486 = arith.cmpi ne, %parallel_loop3A_484, %parallel_loop3A_485 : i32
        %parallel_loop3A_487 = arith.constant 0 : i32
        %parallel_loop3A_488 = arith.cmpi slt, %parallel_loop3A_484, %parallel_loop3A_487 : i32
        %parallel_loop3A_489 = arith.constant 0 : i32
        %parallel_loop3A_490 = arith.cmpi slt, %parallel_loop3A_483, %parallel_loop3A_489 : i32
        %parallel_loop3A_491 = arith.xori %parallel_loop3A_488, %parallel_loop3A_490 : i1
        %parallel_loop3A_492 = arith.andi %parallel_loop3A_491, %parallel_loop3A_486 : i1
        %parallel_loop3A_493 = arith.addi %parallel_loop3A_484, %parallel_loop3A_483 : i32
        %parallel_loop3A_494 = arith.select %parallel_loop3A_492, %parallel_loop3A_493, %parallel_loop3A_484 : i32
        %parallel_loop3A_495 = vector.broadcast %parallel_loop3A_494 : i32 to vector<16x1xi32>
        %parallel_loop3A_496 = vector.shape_cast %parallel_loop3A_495 : vector<16x1xi32> to vector<16xi32>
        %parallel_loop3A_497 = tpu.dynamic_gather %parallel_loop3A_478[%parallel_loop3A_496] in [0] : vector<16xf32>, vector<16xi32> -> vector<16xf32>
        %parallel_loop3A_498 = arith.index_cast %parallel_loop3A_448 : i32 to index
        %parallel_loop3A_499 = arith.constant 0 : index
        %parallel_loop3A_500 = tpu.vector_load %arg11[%parallel_loop3A_498, %parallel_loop3A_499] {strides = array<i32>} : memref<128x128xf32, #tpu.memory_space<vmem>>, vector<1x16xf32>,
        %parallel_loop3A_501 = vector.shape_cast %parallel_loop3A_500 : vector<1x16xf32> to vector<16xf32>
        %parallel_loop3A_502 = arith.mulf %parallel_loop3A_501, %parallel_loop3A_497 : vector<16xf32>
        %parallel_loop3A_503 = arith.index_cast %parallel_loop3A_448 : i32 to index
        %parallel_loop3A_504 = arith.constant 0 : index
        %parallel_loop3A_505 = tpu.vector_load %arg11[%parallel_loop3A_503, %parallel_loop3A_504] {strides = array<i32>} : memref<128x128xf32, #tpu.memory_space<vmem>>, vector<1x16xf32>,
        %parallel_loop3A_506 = vector.shape_cast %parallel_loop3A_505 : vector<1x16xf32> to vector<16xf32>
        %parallel_loop3A_507 = vector.shape_cast %parallel_loop3A_502 : vector<16xf32> to vector<1x16xf32>
        tpu.vector_store %arg11[%parallel_loop3A_503, %parallel_loop3A_504], %parallel_loop3A_507 {strides = array<i32>} : memref<128x128xf32, #tpu.memory_space<vmem>>, vector<1x16xf32>,
        %parallel_loop3A_508 = arith.index_cast %parallel_loop3A_448 : i32 to index
        %parallel_loop3A_509 = arith.constant 16 : index
        %parallel_loop3A_510 = tpu.vector_load %arg11[%parallel_loop3A_508, %parallel_loop3A_509] {strides = array<i32>} : memref<128x128xf32, #tpu.memory_space<vmem>>, vector<1x16xf32>,
        %parallel_loop3A_511 = vector.shape_cast %parallel_loop3A_510 : vector<1x16xf32> to vector<16xf32>
        %parallel_loop3A_512 = arith.mulf %parallel_loop3A_511, %parallel_loop3A_497 : vector<16xf32>
        %parallel_loop3A_513 = arith.index_cast %parallel_loop3A_448 : i32 to index
        %parallel_loop3A_514 = arith.constant 16 : index
        %parallel_loop3A_515 = tpu.vector_load %arg11[%parallel_loop3A_513, %parallel_loop3A_514] {strides = array<i32>} : memref<128x128xf32, #tpu.memory_space<vmem>>, vector<1x16xf32>,
        %parallel_loop3A_516 = vector.shape_cast %parallel_loop3A_515 : vector<1x16xf32> to vector<16xf32>
        %parallel_loop3A_517 = vector.shape_cast %parallel_loop3A_512 : vector<16xf32> to vector<1x16xf32>
        tpu.vector_store %arg11[%parallel_loop3A_513, %parallel_loop3A_514], %parallel_loop3A_517 {strides = array<i32>} : memref<128x128xf32, #tpu.memory_space<vmem>>, vector<1x16xf32>,
        %parallel_loop3A_518 = arith.index_cast %parallel_loop3A_448 : i32 to index
        %parallel_loop3A_519 = arith.constant 32 : index
        %parallel_loop3A_520 = tpu.vector_load %arg11[%parallel_loop3A_518, %parallel_loop3A_519] {strides = array<i32>} : memref<128x128xf32, #tpu.memory_space<vmem>>, vector<1x16xf32>,
        %parallel_loop3A_521 = vector.shape_cast %parallel_loop3A_520 : vector<1x16xf32> to vector<16xf32>
        %parallel_loop3A_522 = arith.mulf %parallel_loop3A_521, %parallel_loop3A_497 : vector<16xf32>
        %parallel_loop3A_523 = arith.index_cast %parallel_loop3A_448 : i32 to index
        %parallel_loop3A_524 = arith.constant 32 : index
        %parallel_loop3A_525 = tpu.vector_load %arg11[%parallel_loop3A_523, %parallel_loop3A_524] {strides = array<i32>} : memref<128x128xf32, #tpu.memory_space<vmem>>, vector<1x16xf32>,
        %parallel_loop3A_526 = vector.shape_cast %parallel_loop3A_525 : vector<1x16xf32> to vector<16xf32>
        %parallel_loop3A_527 = vector.shape_cast %parallel_loop3A_522 : vector<16xf32> to vector<1x16xf32>
        tpu.vector_store %arg11[%parallel_loop3A_523, %parallel_loop3A_524], %parallel_loop3A_527 {strides = array<i32>} : memref<128x128xf32, #tpu.memory_space<vmem>>, vector<1x16xf32>,
        %parallel_loop3A_528 = arith.index_cast %parallel_loop3A_448 : i32 to index
        %parallel_loop3A_529 = arith.constant 48 : index
        %parallel_loop3A_530 = tpu.vector_load %arg11[%parallel_loop3A_528, %parallel_loop3A_529] {strides = array<i32>} : memref<128x128xf32, #tpu.memory_space<vmem>>, vector<1x16xf32>,
        %parallel_loop3A_531 = vector.shape_cast %parallel_loop3A_530 : vector<1x16xf32> to vector<16xf32>
        %parallel_loop3A_532 = arith.mulf %parallel_loop3A_531, %parallel_loop3A_497 : vector<16xf32>
        %parallel_loop3A_533 = arith.index_cast %parallel_loop3A_448 : i32 to index
        %parallel_loop3A_534 = arith.constant 48 : index
        %parallel_loop3A_535 = tpu.vector_load %arg11[%parallel_loop3A_533, %parallel_loop3A_534] {strides = array<i32>} : memref<128x128xf32, #tpu.memory_space<vmem>>, vector<1x16xf32>,
        %parallel_loop3A_536 = vector.shape_cast %parallel_loop3A_535 : vector<1x16xf32> to vector<16xf32>
        %parallel_loop3A_537 = vector.shape_cast %parallel_loop3A_532 : vector<16xf32> to vector<1x16xf32>
        tpu.vector_store %arg11[%parallel_loop3A_533, %parallel_loop3A_534], %parallel_loop3A_537 {strides = array<i32>} : memref<128x128xf32, #tpu.memory_space<vmem>>, vector<1x16xf32>,
        %parallel_loop3A_538 = arith.index_cast %parallel_loop3A_448 : i32 to index
        %parallel_loop3A_539 = arith.constant 64 : index
        %parallel_loop3A_540 = tpu.vector_load %arg11[%parallel_loop3A_538, %parallel_loop3A_539] {strides = array<i32>} : memref<128x128xf32, #tpu.memory_space<vmem>>, vector<1x16xf32>,
        %parallel_loop3A_541 = vector.shape_cast %parallel_loop3A_540 : vector<1x16xf32> to vector<16xf32>
        %parallel_loop3A_542 = arith.mulf %parallel_loop3A_541, %parallel_loop3A_497 : vector<16xf32>
        %parallel_loop3A_543 = arith.index_cast %parallel_loop3A_448 : i32 to index
        %parallel_loop3A_544 = arith.constant 64 : index
        %parallel_loop3A_545 = tpu.vector_load %arg11[%parallel_loop3A_543, %parallel_loop3A_544] {strides = array<i32>} : memref<128x128xf32, #tpu.memory_space<vmem>>, vector<1x16xf32>,
        %parallel_loop3A_546 = vector.shape_cast %parallel_loop3A_545 : vector<1x16xf32> to vector<16xf32>
        %parallel_loop3A_547 = vector.shape_cast %parallel_loop3A_542 : vector<16xf32> to vector<1x16xf32>
        tpu.vector_store %arg11[%parallel_loop3A_543, %parallel_loop3A_544], %parallel_loop3A_547 {strides = array<i32>} : memref<128x128xf32, #tpu.memory_space<vmem>>, vector<1x16xf32>,
        %parallel_loop3A_548 = arith.index_cast %parallel_loop3A_448 : i32 to index
        %parallel_loop3A_549 = arith.constant 80 : index
        %parallel_loop3A_550 = tpu.vector_load %arg11[%parallel_loop3A_548, %parallel_loop3A_549] {strides = array<i32>} : memref<128x128xf32, #tpu.memory_space<vmem>>, vector<1x16xf32>,
        %parallel_loop3A_551 = vector.shape_cast %parallel_loop3A_550 : vector<1x16xf32> to vector<16xf32>
        %parallel_loop3A_552 = arith.mulf %parallel_loop3A_551, %parallel_loop3A_497 : vector<16xf32>
        %parallel_loop3A_553 = arith.index_cast %parallel_loop3A_448 : i32 to index
        %parallel_loop3A_554 = arith.constant 80 : index
        %parallel_loop3A_555 = tpu.vector_load %arg11[%parallel_loop3A_553, %parallel_loop3A_554] {strides = array<i32>} : memref<128x128xf32, #tpu.memory_space<vmem>>, vector<1x16xf32>,
        %parallel_loop3A_556 = vector.shape_cast %parallel_loop3A_555 : vector<1x16xf32> to vector<16xf32>
        %parallel_loop3A_557 = vector.shape_cast %parallel_loop3A_552 : vector<16xf32> to vector<1x16xf32>
        tpu.vector_store %arg11[%parallel_loop3A_553, %parallel_loop3A_554], %parallel_loop3A_557 {strides = array<i32>} : memref<128x128xf32, #tpu.memory_space<vmem>>, vector<1x16xf32>,
        %parallel_loop3A_558 = arith.index_cast %parallel_loop3A_448 : i32 to index
        %parallel_loop3A_559 = arith.constant 96 : index
        %parallel_loop3A_560 = tpu.vector_load %arg11[%parallel_loop3A_558, %parallel_loop3A_559] {strides = array<i32>} : memref<128x128xf32, #tpu.memory_space<vmem>>, vector<1x16xf32>,
        %parallel_loop3A_561 = vector.shape_cast %parallel_loop3A_560 : vector<1x16xf32> to vector<16xf32>
        %parallel_loop3A_562 = arith.mulf %parallel_loop3A_561, %parallel_loop3A_497 : vector<16xf32>
        %parallel_loop3A_563 = arith.index_cast %parallel_loop3A_448 : i32 to index
        %parallel_loop3A_564 = arith.constant 96 : index
        %parallel_loop3A_565 = tpu.vector_load %arg11[%parallel_loop3A_563, %parallel_loop3A_564] {strides = array<i32>} : memref<128x128xf32, #tpu.memory_space<vmem>>, vector<1x16xf32>,
        %parallel_loop3A_566 = vector.shape_cast %parallel_loop3A_565 : vector<1x16xf32> to vector<16xf32>
        %parallel_loop3A_567 = vector.shape_cast %parallel_loop3A_562 : vector<16xf32> to vector<1x16xf32>
        tpu.vector_store %arg11[%parallel_loop3A_563, %parallel_loop3A_564], %parallel_loop3A_567 {strides = array<i32>} : memref<128x128xf32, #tpu.memory_space<vmem>>, vector<1x16xf32>,
        %parallel_loop3A_568 = arith.index_cast %parallel_loop3A_448 : i32 to index
        %parallel_loop3A_569 = arith.constant 112 : index
        %parallel_loop3A_570 = tpu.vector_load %arg11[%parallel_loop3A_568, %parallel_loop3A_569] {strides = array<i32>} : memref<128x128xf32, #tpu.memory_space<vmem>>, vector<1x16xf32>,
        %parallel_loop3A_571 = vector.shape_cast %parallel_loop3A_570 : vector<1x16xf32> to vector<16xf32>
        %parallel_loop3A_572 = arith.mulf %parallel_loop3A_571, %parallel_loop3A_497 : vector<16xf32>
        %parallel_loop3A_573 = arith.index_cast %parallel_loop3A_448 : i32 to index
        %parallel_loop3A_574 = arith.constant 112 : index
        %parallel_loop3A_575 = tpu.vector_load %arg11[%parallel_loop3A_573, %parallel_loop3A_574] {strides = array<i32>} : memref<128x128xf32, #tpu.memory_space<vmem>>, vector<1x16xf32>,
        %parallel_loop3A_576 = vector.shape_cast %parallel_loop3A_575 : vector<1x16xf32> to vector<16xf32>
        %parallel_loop3A_577 = vector.shape_cast %parallel_loop3A_572 : vector<16xf32> to vector<1x16xf32>
        tpu.vector_store %arg11[%parallel_loop3A_573, %parallel_loop3A_574], %parallel_loop3A_577 {strides = array<i32>} : memref<128x128xf32, #tpu.memory_space<vmem>>, vector<1x16xf32>,
      } {sc.loop_unroll_factor = 2 : i64, sc.parallel_access}
      "tpu.region"() ({
        %run_scoped3A = tpu.sem_alloc : memref<!tpu.dma_semaphore, #tpu.memory_space<semaphore_mem>>
        %dma_start3A_448 = arith.constant 0 : i32
        %dma_start3A_449 = tpu.memref_slice %arg8[%add3A_437, %dma_start3A_448] : memref<16x128xi32, #tpu.memory_space<vmem>> -> memref<1x128xi32, #tpu.memory_space<vmem>>
        %dma_start3A_450 = tpu.memref_squeeze %dma_start3A_449 : memref<1x128xi32, #tpu.memory_space<vmem>> -> memref<128xi32, #tpu.memory_space<vmem>>
        %dma_start3A_451 = arith.constant 0 : i32
        %dma_start3A_452 = arith.constant 0 : i32
        %dma_start3A_453 = tpu.memref_slice %arg12[%dma_start3A_451, %dma_start3A_452] : memref<10000x128xf32, #tpu.memory_space<vmem_shared>> -> memref<10000x128xf32, #tpu.memory_space<vmem_shared>>
        tpu.enqueue_indirect_dma source(%arg11 : memref<128x128xf32, #tpu.memory_space<vmem>>) target(%dma_start3A_453 : memref<10000x128xf32, #tpu.memory_space<vmem_shared>>) offsets(%dma_start3A_450 : memref<128xi32, #tpu.memory_space<vmem>>) semaphore(%run_scoped3A : memref<!tpu.dma_semaphore, #tpu.memory_space<semaphore_mem>>) {add = true}
        %dma_wait3A_454 = arith.constant 0 : i32
        %dma_wait3A_455 = tpu.memref_slice %arg8[%add3A_437, %dma_wait3A_454] : memref<16x128xi32, #tpu.memory_space<vmem>> -> memref<1x128xi32, #tpu.memory_space<vmem>>
        %dma_wait3A_456 = tpu.memref_squeeze %dma_wait3A_455 : memref<1x128xi32, #tpu.memory_space<vmem>> -> memref<128xi32, #tpu.memory_space<vmem>>
        %dma_wait3A_457 = arith.constant 0 : i32
        %dma_wait3A_458 = arith.constant 0 : i32
        %dma_wait3A_459 = tpu.memref_slice %arg12[%dma_wait3A_457, %dma_wait3A_458] : memref<10000x128xf32, #tpu.memory_space<vmem_shared>> -> memref<10000x128xf32, #tpu.memory_space<vmem_shared>>
        tpu.wait_indirect_dma semaphore(%run_scoped3A : memref<!tpu.dma_semaphore, #tpu.memory_space<semaphore_mem>>) src(%arg11 : memref<128x128xf32, #tpu.memory_space<vmem>>) dst(%dma_wait3A_459 : memref<10000x128xf32, #tpu.memory_space<vmem_shared>>)
        tpu.yield
      }) : () -> ()
      %add3A_441 = arith.constant 1 : i32
      %add3A_442 = arith.addi %scan3A_389, %add3A_441 : i32
      %lt3A_443 = arith.constant 8 : i32
      %lt3A_444 = arith.cmpi slt, %add3A_442, %lt3A_443 : i32
      %convert_element_type3A_445 = arith.extui %lt3A_444 : i1 to i32
      %cond3A_446 = arith.constant 0 : i32
      %cond3A_447 = arith.cmpi ne, %convert_element_type3A_445, %cond3A_446 : i32
      scf.if %cond3A_447 {
        %add3A_448 = arith.constant 3 : i32
        %add3A_449 = arith.addi %mul3A_391, %add3A_448 : i32
        %dma_start3A_450 = arith.constant 0 : i32
        %dma_start3A_451 = arith.constant 0 : i32
        %dma_start3A_452 = tpu.memref_slice %arg11[%dma_start3A_450, %dma_start3A_451] : memref<128x128xf32, #tpu.memory_space<vmem>> -> memref<64x128xf32, #tpu.memory_space<vmem>>
        %dma_start3A_453 = arith.constant 0 : i32
        %dma_start3A_454 = tpu.memref_slice %arg7[%add3A_449, %dma_start3A_453] : memref<16x128xi32, #tpu.memory_space<vmem>> -> memref<1x64xi32, #tpu.memory_space<vmem>>
        %dma_start3A_455 = tpu.memref_squeeze %dma_start3A_454 : memref<1x64xi32, #tpu.memory_space<vmem>> -> memref<64xi32, #tpu.memory_space<vmem>>
        %dma_start3A_456 = arith.constant 0 : i32
        %dma_start3A_457 = arith.constant 0 : i32
        %dma_start3A_458 = tpu.memref_slice %arg2[%dma_start3A_456, %dma_start3A_457] : memref<10000x128xf32, #tpu.memory_space<hbm>> -> memref<10000x128xf32, #tpu.memory_space<hbm>>
        tpu.enqueue_indirect_dma source(%dma_start3A_458 : memref<10000x128xf32, #tpu.memory_space<hbm>>) target(%dma_start3A_452 : memref<64x128xf32, #tpu.memory_space<vmem>>) offsets(%dma_start3A_455 : memref<64xi32, #tpu.memory_space<vmem>>) semaphore(%arg14 : memref<!tpu.dma_semaphore, #tpu.memory_space<semaphore_mem>>)
        %dma_start3A_459 = arith.constant 64 : i32
        %dma_start3A_460 = arith.constant 0 : i32
        %dma_start3A_461 = tpu.memref_slice %arg11[%dma_start3A_459, %dma_start3A_460] : memref<128x128xf32, #tpu.memory_space<vmem>> -> memref<64x128xf32, #tpu.memory_space<vmem>>
        %dma_start3A_462 = arith.constant 64 : i32
        %dma_start3A_463 = tpu.memref_slice %arg7[%add3A_449, %dma_start3A_462] : memref<16x128xi32, #tpu.memory_space<vmem>> -> memref<1x64xi32, #tpu.memory_space<vmem>>
        %dma_start3A_464 = tpu.memref_squeeze %dma_start3A_463 : memref<1x64xi32, #tpu.memory_space<vmem>> -> memref<64xi32, #tpu.memory_space<vmem>>
        %dma_start3A_465 = arith.constant 0 : i32
        %dma_start3A_466 = arith.constant 0 : i32
        %dma_start3A_467 = tpu.memref_slice %arg2[%dma_start3A_465, %dma_start3A_466] : memref<10000x128xf32, #tpu.memory_space<hbm>> -> memref<10000x128xf32, #tpu.memory_space<hbm>>
        tpu.enqueue_indirect_dma source(%dma_start3A_467 : memref<10000x128xf32, #tpu.memory_space<hbm>>) target(%dma_start3A_461 : memref<64x128xf32, #tpu.memory_space<vmem>>) offsets(%dma_start3A_464 : memref<64xi32, #tpu.memory_space<vmem>>) semaphore(%arg14 : memref<!tpu.dma_semaphore, #tpu.memory_space<semaphore_mem>>)
      } else {
      }
    }
    %scan3A_305 = arith.constant 8 : i32
    %add3A_306 = arith.constant 64 : i32
    %add3A_307 = arith.addi %mul3A_19, %add3A_306 : i32
    %dma_start3A_308 = arith.constant 0 : i32
    %dma_start3A_309 = tpu.memref_slice %arg3[%add3A_307, %dma_start3A_308] : memref<2560x128xi32, #tpu.memory_space<hbm>> -> memref<16x128xi32, #tpu.memory_space<hbm>>
    %dma_start3A_310 = arith.constant 0 : i32
    %dma_start3A_311 = tpu.memref_slice %arg3[%add3A_307, %dma_start3A_310] : memref<2560x128xi32, #tpu.memory_space<hbm>> -> memref<16x128xi32, #tpu.memory_space<hbm>>
    tpu.enqueue_dma source(%dma_start3A_311 : memref<16x128xi32, #tpu.memory_space<hbm>>) target(%arg7 : memref<16x128xi32, #tpu.memory_space<vmem>>) target_semaphore(%arg15 : memref<!tpu.dma_semaphore, #tpu.memory_space<semaphore_mem>>)
    %dma_start3A_312 = arith.constant 0 : i32
    %dma_start3A_313 = tpu.memref_slice %arg4[%add3A_307, %dma_start3A_312] : memref<2560x128xi32, #tpu.memory_space<hbm>> -> memref<16x128xi32, #tpu.memory_space<hbm>>
    %dma_start3A_314 = arith.constant 0 : i32
    %dma_start3A_315 = tpu.memref_slice %arg4[%add3A_307, %dma_start3A_314] : memref<2560x128xi32, #tpu.memory_space<hbm>> -> memref<16x128xi32, #tpu.memory_space<hbm>>
    tpu.enqueue_dma source(%dma_start3A_315 : memref<16x128xi32, #tpu.memory_space<hbm>>) target(%arg8 : memref<16x128xi32, #tpu.memory_space<vmem>>) target_semaphore(%arg15 : memref<!tpu.dma_semaphore, #tpu.memory_space<semaphore_mem>>)
    %dma_start3A_316 = arith.constant 0 : i32
    %dma_start3A_317 = tpu.memref_slice %arg5[%add3A_307, %dma_start3A_316] : memref<2560x128xf32, #tpu.memory_space<hbm>> -> memref<16x128xf32, #tpu.memory_space<hbm>>
    %dma_start3A_318 = arith.constant 0 : i32
    %dma_start3A_319 = tpu.memref_slice %arg5[%add3A_307, %dma_start3A_318] : memref<2560x128xf32, #tpu.memory_space<hbm>> -> memref<16x128xf32, #tpu.memory_space<hbm>>
    tpu.enqueue_dma source(%dma_start3A_319 : memref<16x128xf32, #tpu.memory_space<hbm>>) target(%arg9 : memref<16x128xf32, #tpu.memory_space<vmem>>) target_semaphore(%arg15 : memref<!tpu.dma_semaphore, #tpu.memory_space<semaphore_mem>>)
    %dma_wait3A_320 = arith.constant 0 : i32
    %dma_wait3A_321 = tpu.memref_slice %arg3[%add3A_307, %dma_wait3A_320] : memref<2560x128xi32, #tpu.memory_space<hbm>> -> memref<16x128xi32, #tpu.memory_space<hbm>>
    %dma_wait3A_322 = arith.constant 0 : i32
    %dma_wait3A_323 = tpu.memref_slice %arg3[%add3A_307, %dma_wait3A_322] : memref<2560x128xi32, #tpu.memory_space<hbm>> -> memref<16x128xi32, #tpu.memory_space<hbm>>
    tpu.wait_dma2 semaphore(%arg15 : memref<!tpu.dma_semaphore, #tpu.memory_space<semaphore_mem>>) src(%dma_wait3A_323 : memref<16x128xi32, #tpu.memory_space<hbm>>) dst(%arg7 : memref<16x128xi32, #tpu.memory_space<vmem>>)
    %dma_wait3A_324 = arith.constant 0 : i32
    %dma_wait3A_325 = tpu.memref_slice %arg4[%add3A_307, %dma_wait3A_324] : memref<2560x128xi32, #tpu.memory_space<hbm>> -> memref<16x128xi32, #tpu.memory_space<hbm>>
    %dma_wait3A_326 = arith.constant 0 : i32
    %dma_wait3A_327 = tpu.memref_slice %arg4[%add3A_307, %dma_wait3A_326] : memref<2560x128xi32, #tpu.memory_space<hbm>> -> memref<16x128xi32, #tpu.memory_space<hbm>>
    tpu.wait_dma2 semaphore(%arg15 : memref<!tpu.dma_semaphore, #tpu.memory_space<semaphore_mem>>) src(%dma_wait3A_327 : memref<16x128xi32, #tpu.memory_space<hbm>>) dst(%arg8 : memref<16x128xi32, #tpu.memory_space<vmem>>)
    %dma_wait3A_328 = arith.constant 0 : i32
    %dma_wait3A_329 = tpu.memref_slice %arg5[%add3A_307, %dma_wait3A_328] : memref<2560x128xf32, #tpu.memory_space<hbm>> -> memref<16x128xf32, #tpu.memory_space<hbm>>
    %dma_wait3A_330 = arith.constant 0 : i32
    %dma_wait3A_331 = tpu.memref_slice %arg5[%add3A_307, %dma_wait3A_330] : memref<2560x128xf32, #tpu.memory_space<hbm>> -> memref<16x128xf32, #tpu.memory_space<hbm>>
    tpu.wait_dma2 semaphore(%arg15 : memref<!tpu.dma_semaphore, #tpu.memory_space<semaphore_mem>>) src(%dma_wait3A_331 : memref<16x128xf32, #tpu.memory_space<hbm>>) dst(%arg9 : memref<16x128xf32, #tpu.memory_space<vmem>>)
    %dma_start3A_332 = arith.constant 0 : i32
    %dma_start3A_333 = arith.constant 0 : i32
    %dma_start3A_334 = arith.constant 0 : i32
    %dma_start3A_335 = tpu.memref_slice %arg10[%dma_start3A_333, %dma_start3A_334] : memref<128x128xf32, #tpu.memory_space<vmem>> -> memref<64x128xf32, #tpu.memory_space<vmem>>
    %dma_start3A_336 = arith.constant 0 : i32
    %dma_start3A_337 = tpu.memref_slice %arg7[%dma_start3A_332, %dma_start3A_336] : memref<16x128xi32, #tpu.memory_space<vmem>> -> memref<1x64xi32, #tpu.memory_space<vmem>>
    %dma_start3A_338 = tpu.memref_squeeze %dma_start3A_337 : memref<1x64xi32, #tpu.memory_space<vmem>> -> memref<64xi32, #tpu.memory_space<vmem>>
    %dma_start3A_339 = arith.constant 0 : i32
    %dma_start3A_340 = arith.constant 0 : i32
    %dma_start3A_341 = tpu.memref_slice %arg2[%dma_start3A_339, %dma_start3A_340] : memref<10000x128xf32, #tpu.memory_space<hbm>> -> memref<10000x128xf32, #tpu.memory_space<hbm>>
    tpu.enqueue_indirect_dma source(%dma_start3A_341 : memref<10000x128xf32, #tpu.memory_space<hbm>>) target(%dma_start3A_335 : memref<64x128xf32, #tpu.memory_space<vmem>>) offsets(%dma_start3A_338 : memref<64xi32, #tpu.memory_space<vmem>>) semaphore(%arg13 : memref<!tpu.dma_semaphore, #tpu.memory_space<semaphore_mem>>)
    %dma_start3A_342 = arith.constant 0 : i32
    %dma_start3A_343 = arith.constant 64 : i32
    %dma_start3A_344 = arith.constant 0 : i32
    %dma_start3A_345 = tpu.memref_slice %arg10[%dma_start3A_343, %dma_start3A_344] : memref<128x128xf32, #tpu.memory_space<vmem>> -> memref<64x128xf32, #tpu.memory_space<vmem>>
    %dma_start3A_346 = arith.constant 64 : i32
    %dma_start3A_347 = tpu.memref_slice %arg7[%dma_start3A_342, %dma_start3A_346] : memref<16x128xi32, #tpu.memory_space<vmem>> -> memref<1x64xi32, #tpu.memory_space<vmem>>
    %dma_start3A_348 = tpu.memref_squeeze %dma_start3A_347 : memref<1x64xi32, #tpu.memory_space<vmem>> -> memref<64xi32, #tpu.memory_space<vmem>>
    %dma_start3A_349 = arith.constant 0 : i32
    %dma_start3A_350 = arith.constant 0 : i32
    %dma_start3A_351 = tpu.memref_slice %arg2[%dma_start3A_349, %dma_start3A_350] : memref<10000x128xf32, #tpu.memory_space<hbm>> -> memref<10000x128xf32, #tpu.memory_space<hbm>>
    tpu.enqueue_indirect_dma source(%dma_start3A_351 : memref<10000x128xf32, #tpu.memory_space<hbm>>) target(%dma_start3A_345 : memref<64x128xf32, #tpu.memory_space<vmem>>) offsets(%dma_start3A_348 : memref<64xi32, #tpu.memory_space<vmem>>) semaphore(%arg13 : memref<!tpu.dma_semaphore, #tpu.memory_space<semaphore_mem>>)
    %dma_start3A_352 = arith.constant 1 : i32
    %dma_start3A_353 = arith.constant 0 : i32
    %dma_start3A_354 = arith.constant 0 : i32
    %dma_start3A_355 = tpu.memref_slice %arg11[%dma_start3A_353, %dma_start3A_354] : memref<128x128xf32, #tpu.memory_space<vmem>> -> memref<64x128xf32, #tpu.memory_space<vmem>>
    %dma_start3A_356 = arith.constant 0 : i32
    %dma_start3A_357 = tpu.memref_slice %arg7[%dma_start3A_352, %dma_start3A_356] : memref<16x128xi32, #tpu.memory_space<vmem>> -> memref<1x64xi32, #tpu.memory_space<vmem>>
    %dma_start3A_358 = tpu.memref_squeeze %dma_start3A_357 : memref<1x64xi32, #tpu.memory_space<vmem>> -> memref<64xi32, #tpu.memory_space<vmem>>
    %dma_start3A_359 = arith.constant 0 : i32
    %dma_start3A_360 = arith.constant 0 : i32
    %dma_start3A_361 = tpu.memref_slice %arg2[%dma_start3A_359, %dma_start3A_360] : memref<10000x128xf32, #tpu.memory_space<hbm>> -> memref<10000x128xf32, #tpu.memory_space<hbm>>
    tpu.enqueue_indirect_dma source(%dma_start3A_361 : memref<10000x128xf32, #tpu.memory_space<hbm>>) target(%dma_start3A_355 : memref<64x128xf32, #tpu.memory_space<vmem>>) offsets(%dma_start3A_358 : memref<64xi32, #tpu.memory_space<vmem>>) semaphore(%arg14 : memref<!tpu.dma_semaphore, #tpu.memory_space<semaphore_mem>>)
    %dma_start3A_362 = arith.constant 1 : i32
    %dma_start3A_363 = arith.constant 64 : i32
    %dma_start3A_364 = arith.constant 0 : i32
    %dma_start3A_365 = tpu.memref_slice %arg11[%dma_start3A_363, %dma_start3A_364] : memref<128x128xf32, #tpu.memory_space<vmem>> -> memref<64x128xf32, #tpu.memory_space<vmem>>
    %dma_start3A_366 = arith.constant 64 : i32
    %dma_start3A_367 = tpu.memref_slice %arg7[%dma_start3A_362, %dma_start3A_366] : memref<16x128xi32, #tpu.memory_space<vmem>> -> memref<1x64xi32, #tpu.memory_space<vmem>>
    %dma_start3A_368 = tpu.memref_squeeze %dma_start3A_367 : memref<1x64xi32, #tpu.memory_space<vmem>> -> memref<64xi32, #tpu.memory_space<vmem>>
    %dma_start3A_369 = arith.constant 0 : i32
    %dma_start3A_370 = arith.constant 0 : i32
    %dma_start3A_371 = tpu.memref_slice %arg2[%dma_start3A_369, %dma_start3A_370] : memref<10000x128xf32, #tpu.memory_space<hbm>> -> memref<10000x128xf32, #tpu.memory_space<hbm>>
    tpu.enqueue_indirect_dma source(%dma_start3A_371 : memref<10000x128xf32, #tpu.memory_space<hbm>>) target(%dma_start3A_365 : memref<64x128xf32, #tpu.memory_space<vmem>>) offsets(%dma_start3A_368 : memref<64xi32, #tpu.memory_space<vmem>>) semaphore(%arg14 : memref<!tpu.dma_semaphore, #tpu.memory_space<semaphore_mem>>)
    %scan3A_372 = arith.constant 0 : i32
    %scan3A_373 = arith.constant 0 : i32
    %scan3A_374 = arith.constant 8 : i32
    %scan3A_375 = arith.addi %scan3A_373, %scan3A_374 : i32
    %scan3A_376 = arith.constant 1 : i32
    scf.for %scan3A_389 = %scan3A_373 to %scan3A_375 step %scan3A_376  : i32 {
      %mul3A_390 = arith.constant 2 : i32
      %mul3A_391 = arith.muli %mul3A_390, %scan3A_389 : i32
      %dma_wait3A_392 = arith.constant 0 : i32
      %dma_wait3A_393 = arith.constant 0 : i32
      %dma_wait3A_394 = tpu.memref_slice %arg10[%dma_wait3A_392, %dma_wait3A_393] : memref<128x128xf32, #tpu.memory_space<vmem>> -> memref<64x128xf32, #tpu.memory_space<vmem>>
      %dma_wait3A_395 = arith.constant 0 : i32
      %dma_wait3A_396 = tpu.memref_slice %arg7[%mul3A_391, %dma_wait3A_395] : memref<16x128xi32, #tpu.memory_space<vmem>> -> memref<1x64xi32, #tpu.memory_space<vmem>>
      %dma_wait3A_397 = tpu.memref_squeeze %dma_wait3A_396 : memref<1x64xi32, #tpu.memory_space<vmem>> -> memref<64xi32, #tpu.memory_space<vmem>>
      %dma_wait3A_398 = arith.constant 0 : i32
      %dma_wait3A_399 = arith.constant 0 : i32
      %dma_wait3A_400 = tpu.memref_slice %arg2[%dma_wait3A_398, %dma_wait3A_399] : memref<10000x128xf32, #tpu.memory_space<hbm>> -> memref<10000x128xf32, #tpu.memory_space<hbm>>
      tpu.wait_indirect_dma semaphore(%arg13 : memref<!tpu.dma_semaphore, #tpu.memory_space<semaphore_mem>>) src(%dma_wait3A_400 : memref<10000x128xf32, #tpu.memory_space<hbm>>) dst(%dma_wait3A_394 : memref<64x128xf32, #tpu.memory_space<vmem>>)
      %dma_wait3A_401 = arith.constant 64 : i32
      %dma_wait3A_402 = arith.constant 0 : i32
      %dma_wait3A_403 = tpu.memref_slice %arg10[%dma_wait3A_401, %dma_wait3A_402] : memref<128x128xf32, #tpu.memory_space<vmem>> -> memref<64x128xf32, #tpu.memory_space<vmem>>
      %dma_wait3A_404 = arith.constant 64 : i32
      %dma_wait3A_405 = tpu.memref_slice %arg7[%mul3A_391, %dma_wait3A_404] : memref<16x128xi32, #tpu.memory_space<vmem>> -> memref<1x64xi32, #tpu.memory_space<vmem>>
      %dma_wait3A_406 = tpu.memref_squeeze %dma_wait3A_405 : memref<1x64xi32, #tpu.memory_space<vmem>> -> memref<64xi32, #tpu.memory_space<vmem>>
      %dma_wait3A_407 = arith.constant 0 : i32
      %dma_wait3A_408 = arith.constant 0 : i32
      %dma_wait3A_409 = tpu.memref_slice %arg2[%dma_wait3A_407, %dma_wait3A_408] : memref<10000x128xf32, #tpu.memory_space<hbm>> -> memref<10000x128xf32, #tpu.memory_space<hbm>>
      tpu.wait_indirect_dma semaphore(%arg13 : memref<!tpu.dma_semaphore, #tpu.memory_space<semaphore_mem>>) src(%dma_wait3A_409 : memref<10000x128xf32, #tpu.memory_space<hbm>>) dst(%dma_wait3A_403 : memref<64x128xf32, #tpu.memory_space<vmem>>)
      %parallel_loop3A = arith.constant 0 : i32
      %parallel_loop3A_410 = arith.constant 128 : i32
      %parallel_loop3A_411 = arith.constant 1 : i32
      scf.for %parallel_loop3A_448 = %parallel_loop3A to %parallel_loop3A_410 step %parallel_loop3A_411  : i32 {
        %parallel_loop3A_449 = arith.constant 16 : i32
        %parallel_loop3A_450 = arith.divsi %parallel_loop3A_448, %parallel_loop3A_449 : i32
        %parallel_loop3A_451 = arith.constant 0 : i32
        %parallel_loop3A_452 = arith.cmpi sgt, %parallel_loop3A_448, %parallel_loop3A_451 : i32
        %parallel_loop3A_453 = arith.extui %parallel_loop3A_452 : i1 to i32
        %parallel_loop3A_454 = arith.constant 0 : i32
        %parallel_loop3A_455 = arith.cmpi slt, %parallel_loop3A_448, %parallel_loop3A_454 : i32
        %parallel_loop3A_456 = arith.extui %parallel_loop3A_455 : i1 to i32
        %parallel_loop3A_457 = arith.subi %parallel_loop3A_453, %parallel_loop3A_456 : i32
        %parallel_loop3A_458 = arith.constant 0 : i32
        %parallel_loop3A_459 = arith.cmpi sgt, %parallel_loop3A_449, %parallel_loop3A_458 : i32
        %parallel_loop3A_460 = arith.extui %parallel_loop3A_459 : i1 to i32
        %parallel_loop3A_461 = arith.constant 0 : i32
        %parallel_loop3A_462 = arith.cmpi slt, %parallel_loop3A_449, %parallel_loop3A_461 : i32
        %parallel_loop3A_463 = arith.extui %parallel_loop3A_462 : i1 to i32
        %parallel_loop3A_464 = arith.subi %parallel_loop3A_460, %parallel_loop3A_463 : i32
        %parallel_loop3A_465 = arith.cmpi ne, %parallel_loop3A_457, %parallel_loop3A_464 : i32
        %parallel_loop3A_466 = arith.remsi %parallel_loop3A_448, %parallel_loop3A_449 : i32
        %parallel_loop3A_467 = arith.constant 0 : i32
        %parallel_loop3A_468 = arith.cmpi ne, %parallel_loop3A_466, %parallel_loop3A_467 : i32
        %parallel_loop3A_469 = arith.andi %parallel_loop3A_465, %parallel_loop3A_468 : i1
        %parallel_loop3A_470 = arith.constant 1 : i32
        %parallel_loop3A_471 = arith.subi %parallel_loop3A_450, %parallel_loop3A_470 : i32
        %parallel_loop3A_472 = arith.select %parallel_loop3A_469, %parallel_loop3A_471, %parallel_loop3A_450 : i32
        %parallel_loop3A_473 = arith.constant 16 : i32
        %parallel_loop3A_474 = arith.muli %parallel_loop3A_472, %parallel_loop3A_473 : i32
        %parallel_loop3A_475 = arith.index_cast %mul3A_391 : i32 to index
        %parallel_loop3A_476 = arith.index_cast %parallel_loop3A_474 : i32 to index
        %parallel_loop3A_477 = tpu.vector_load %arg9[%parallel_loop3A_475, %parallel_loop3A_476] {strides = array<i32>} : memref<16x128xf32, #tpu.memory_space<vmem>>, vector<1x16xf32>,
        %parallel_loop3A_478 = vector.shape_cast %parallel_loop3A_477 : vector<1x16xf32> to vector<16xf32>
        %parallel_loop3A_479 = arith.constant 16 : i32
        %parallel_loop3A_480 = arith.constant 0 : i32
        %parallel_loop3A_481 = arith.cmpi eq, %parallel_loop3A_479, %parallel_loop3A_480 : i32
        %parallel_loop3A_482 = arith.constant 1 : i32
        %parallel_loop3A_483 = arith.select %parallel_loop3A_481, %parallel_loop3A_482, %parallel_loop3A_479 : i32
        %parallel_loop3A_484 = arith.remsi %parallel_loop3A_448, %parallel_loop3A_483 : i32
        %parallel_loop3A_485 = arith.constant 0 : i32
        %parallel_loop3A_486 = arith.cmpi ne, %parallel_loop3A_484, %parallel_loop3A_485 : i32
        %parallel_loop3A_487 = arith.constant 0 : i32
        %parallel_loop3A_488 = arith.cmpi slt, %parallel_loop3A_484, %parallel_loop3A_487 : i32
        %parallel_loop3A_489 = arith.constant 0 : i32
        %parallel_loop3A_490 = arith.cmpi slt, %parallel_loop3A_483, %parallel_loop3A_489 : i32
        %parallel_loop3A_491 = arith.xori %parallel_loop3A_488, %parallel_loop3A_490 : i1
        %parallel_loop3A_492 = arith.andi %parallel_loop3A_491, %parallel_loop3A_486 : i1
        %parallel_loop3A_493 = arith.addi %parallel_loop3A_484, %parallel_loop3A_483 : i32
        %parallel_loop3A_494 = arith.select %parallel_loop3A_492, %parallel_loop3A_493, %parallel_loop3A_484 : i32
        %parallel_loop3A_495 = vector.broadcast %parallel_loop3A_494 : i32 to vector<16x1xi32>
        %parallel_loop3A_496 = vector.shape_cast %parallel_loop3A_495 : vector<16x1xi32> to vector<16xi32>
        %parallel_loop3A_497 = tpu.dynamic_gather %parallel_loop3A_478[%parallel_loop3A_496] in [0] : vector<16xf32>, vector<16xi32> -> vector<16xf32>
        %parallel_loop3A_498 = arith.index_cast %parallel_loop3A_448 : i32 to index
        %parallel_loop3A_499 = arith.constant 0 : index
        %parallel_loop3A_500 = tpu.vector_load %arg10[%parallel_loop3A_498, %parallel_loop3A_499] {strides = array<i32>} : memref<128x128xf32, #tpu.memory_space<vmem>>, vector<1x16xf32>,
        %parallel_loop3A_501 = vector.shape_cast %parallel_loop3A_500 : vector<1x16xf32> to vector<16xf32>
        %parallel_loop3A_502 = arith.mulf %parallel_loop3A_501, %parallel_loop3A_497 : vector<16xf32>
        %parallel_loop3A_503 = arith.index_cast %parallel_loop3A_448 : i32 to index
        %parallel_loop3A_504 = arith.constant 0 : index
        %parallel_loop3A_505 = tpu.vector_load %arg10[%parallel_loop3A_503, %parallel_loop3A_504] {strides = array<i32>} : memref<128x128xf32, #tpu.memory_space<vmem>>, vector<1x16xf32>,
        %parallel_loop3A_506 = vector.shape_cast %parallel_loop3A_505 : vector<1x16xf32> to vector<16xf32>
        %parallel_loop3A_507 = vector.shape_cast %parallel_loop3A_502 : vector<16xf32> to vector<1x16xf32>
        tpu.vector_store %arg10[%parallel_loop3A_503, %parallel_loop3A_504], %parallel_loop3A_507 {strides = array<i32>} : memref<128x128xf32, #tpu.memory_space<vmem>>, vector<1x16xf32>,
        %parallel_loop3A_508 = arith.index_cast %parallel_loop3A_448 : i32 to index
        %parallel_loop3A_509 = arith.constant 16 : index
        %parallel_loop3A_510 = tpu.vector_load %arg10[%parallel_loop3A_508, %parallel_loop3A_509] {strides = array<i32>} : memref<128x128xf32, #tpu.memory_space<vmem>>, vector<1x16xf32>,
        %parallel_loop3A_511 = vector.shape_cast %parallel_loop3A_510 : vector<1x16xf32> to vector<16xf32>
        %parallel_loop3A_512 = arith.mulf %parallel_loop3A_511, %parallel_loop3A_497 : vector<16xf32>
        %parallel_loop3A_513 = arith.index_cast %parallel_loop3A_448 : i32 to index
        %parallel_loop3A_514 = arith.constant 16 : index
        %parallel_loop3A_515 = tpu.vector_load %arg10[%parallel_loop3A_513, %parallel_loop3A_514] {strides = array<i32>} : memref<128x128xf32, #tpu.memory_space<vmem>>, vector<1x16xf32>,
        %parallel_loop3A_516 = vector.shape_cast %parallel_loop3A_515 : vector<1x16xf32> to vector<16xf32>
        %parallel_loop3A_517 = vector.shape_cast %parallel_loop3A_512 : vector<16xf32> to vector<1x16xf32>
        tpu.vector_store %arg10[%parallel_loop3A_513, %parallel_loop3A_514], %parallel_loop3A_517 {strides = array<i32>} : memref<128x128xf32, #tpu.memory_space<vmem>>, vector<1x16xf32>,
        %parallel_loop3A_518 = arith.index_cast %parallel_loop3A_448 : i32 to index
        %parallel_loop3A_519 = arith.constant 32 : index
        %parallel_loop3A_520 = tpu.vector_load %arg10[%parallel_loop3A_518, %parallel_loop3A_519] {strides = array<i32>} : memref<128x128xf32, #tpu.memory_space<vmem>>, vector<1x16xf32>,
        %parallel_loop3A_521 = vector.shape_cast %parallel_loop3A_520 : vector<1x16xf32> to vector<16xf32>
        %parallel_loop3A_522 = arith.mulf %parallel_loop3A_521, %parallel_loop3A_497 : vector<16xf32>
        %parallel_loop3A_523 = arith.index_cast %parallel_loop3A_448 : i32 to index
        %parallel_loop3A_524 = arith.constant 32 : index
        %parallel_loop3A_525 = tpu.vector_load %arg10[%parallel_loop3A_523, %parallel_loop3A_524] {strides = array<i32>} : memref<128x128xf32, #tpu.memory_space<vmem>>, vector<1x16xf32>,
        %parallel_loop3A_526 = vector.shape_cast %parallel_loop3A_525 : vector<1x16xf32> to vector<16xf32>
        %parallel_loop3A_527 = vector.shape_cast %parallel_loop3A_522 : vector<16xf32> to vector<1x16xf32>
        tpu.vector_store %arg10[%parallel_loop3A_523, %parallel_loop3A_524], %parallel_loop3A_527 {strides = array<i32>} : memref<128x128xf32, #tpu.memory_space<vmem>>, vector<1x16xf32>,
        %parallel_loop3A_528 = arith.index_cast %parallel_loop3A_448 : i32 to index
        %parallel_loop3A_529 = arith.constant 48 : index
        %parallel_loop3A_530 = tpu.vector_load %arg10[%parallel_loop3A_528, %parallel_loop3A_529] {strides = array<i32>} : memref<128x128xf32, #tpu.memory_space<vmem>>, vector<1x16xf32>,
        %parallel_loop3A_531 = vector.shape_cast %parallel_loop3A_530 : vector<1x16xf32> to vector<16xf32>
        %parallel_loop3A_532 = arith.mulf %parallel_loop3A_531, %parallel_loop3A_497 : vector<16xf32>
        %parallel_loop3A_533 = arith.index_cast %parallel_loop3A_448 : i32 to index
        %parallel_loop3A_534 = arith.constant 48 : index
        %parallel_loop3A_535 = tpu.vector_load %arg10[%parallel_loop3A_533, %parallel_loop3A_534] {strides = array<i32>} : memref<128x128xf32, #tpu.memory_space<vmem>>, vector<1x16xf32>,
        %parallel_loop3A_536 = vector.shape_cast %parallel_loop3A_535 : vector<1x16xf32> to vector<16xf32>
        %parallel_loop3A_537 = vector.shape_cast %parallel_loop3A_532 : vector<16xf32> to vector<1x16xf32>
        tpu.vector_store %arg10[%parallel_loop3A_533, %parallel_loop3A_534], %parallel_loop3A_537 {strides = array<i32>} : memref<128x128xf32, #tpu.memory_space<vmem>>, vector<1x16xf32>,
        %parallel_loop3A_538 = arith.index_cast %parallel_loop3A_448 : i32 to index
        %parallel_loop3A_539 = arith.constant 64 : index
        %parallel_loop3A_540 = tpu.vector_load %arg10[%parallel_loop3A_538, %parallel_loop3A_539] {strides = array<i32>} : memref<128x128xf32, #tpu.memory_space<vmem>>, vector<1x16xf32>,
        %parallel_loop3A_541 = vector.shape_cast %parallel_loop3A_540 : vector<1x16xf32> to vector<16xf32>
        %parallel_loop3A_542 = arith.mulf %parallel_loop3A_541, %parallel_loop3A_497 : vector<16xf32>
        %parallel_loop3A_543 = arith.index_cast %parallel_loop3A_448 : i32 to index
        %parallel_loop3A_544 = arith.constant 64 : index
        %parallel_loop3A_545 = tpu.vector_load %arg10[%parallel_loop3A_543, %parallel_loop3A_544] {strides = array<i32>} : memref<128x128xf32, #tpu.memory_space<vmem>>, vector<1x16xf32>,
        %parallel_loop3A_546 = vector.shape_cast %parallel_loop3A_545 : vector<1x16xf32> to vector<16xf32>
        %parallel_loop3A_547 = vector.shape_cast %parallel_loop3A_542 : vector<16xf32> to vector<1x16xf32>
        tpu.vector_store %arg10[%parallel_loop3A_543, %parallel_loop3A_544], %parallel_loop3A_547 {strides = array<i32>} : memref<128x128xf32, #tpu.memory_space<vmem>>, vector<1x16xf32>,
        %parallel_loop3A_548 = arith.index_cast %parallel_loop3A_448 : i32 to index
        %parallel_loop3A_549 = arith.constant 80 : index
        %parallel_loop3A_550 = tpu.vector_load %arg10[%parallel_loop3A_548, %parallel_loop3A_549] {strides = array<i32>} : memref<128x128xf32, #tpu.memory_space<vmem>>, vector<1x16xf32>,
        %parallel_loop3A_551 = vector.shape_cast %parallel_loop3A_550 : vector<1x16xf32> to vector<16xf32>
        %parallel_loop3A_552 = arith.mulf %parallel_loop3A_551, %parallel_loop3A_497 : vector<16xf32>
        %parallel_loop3A_553 = arith.index_cast %parallel_loop3A_448 : i32 to index
        %parallel_loop3A_554 = arith.constant 80 : index
        %parallel_loop3A_555 = tpu.vector_load %arg10[%parallel_loop3A_553, %parallel_loop3A_554] {strides = array<i32>} : memref<128x128xf32, #tpu.memory_space<vmem>>, vector<1x16xf32>,
        %parallel_loop3A_556 = vector.shape_cast %parallel_loop3A_555 : vector<1x16xf32> to vector<16xf32>
        %parallel_loop3A_557 = vector.shape_cast %parallel_loop3A_552 : vector<16xf32> to vector<1x16xf32>
        tpu.vector_store %arg10[%parallel_loop3A_553, %parallel_loop3A_554], %parallel_loop3A_557 {strides = array<i32>} : memref<128x128xf32, #tpu.memory_space<vmem>>, vector<1x16xf32>,
        %parallel_loop3A_558 = arith.index_cast %parallel_loop3A_448 : i32 to index
        %parallel_loop3A_559 = arith.constant 96 : index
        %parallel_loop3A_560 = tpu.vector_load %arg10[%parallel_loop3A_558, %parallel_loop3A_559] {strides = array<i32>} : memref<128x128xf32, #tpu.memory_space<vmem>>, vector<1x16xf32>,
        %parallel_loop3A_561 = vector.shape_cast %parallel_loop3A_560 : vector<1x16xf32> to vector<16xf32>
        %parallel_loop3A_562 = arith.mulf %parallel_loop3A_561, %parallel_loop3A_497 : vector<16xf32>
        %parallel_loop3A_563 = arith.index_cast %parallel_loop3A_448 : i32 to index
        %parallel_loop3A_564 = arith.constant 96 : index
        %parallel_loop3A_565 = tpu.vector_load %arg10[%parallel_loop3A_563, %parallel_loop3A_564] {strides = array<i32>} : memref<128x128xf32, #tpu.memory_space<vmem>>, vector<1x16xf32>,
        %parallel_loop3A_566 = vector.shape_cast %parallel_loop3A_565 : vector<1x16xf32> to vector<16xf32>
        %parallel_loop3A_567 = vector.shape_cast %parallel_loop3A_562 : vector<16xf32> to vector<1x16xf32>
        tpu.vector_store %arg10[%parallel_loop3A_563, %parallel_loop3A_564], %parallel_loop3A_567 {strides = array<i32>} : memref<128x128xf32, #tpu.memory_space<vmem>>, vector<1x16xf32>,
        %parallel_loop3A_568 = arith.index_cast %parallel_loop3A_448 : i32 to index
        %parallel_loop3A_569 = arith.constant 112 : index
        %parallel_loop3A_570 = tpu.vector_load %arg10[%parallel_loop3A_568, %parallel_loop3A_569] {strides = array<i32>} : memref<128x128xf32, #tpu.memory_space<vmem>>, vector<1x16xf32>,
        %parallel_loop3A_571 = vector.shape_cast %parallel_loop3A_570 : vector<1x16xf32> to vector<16xf32>
        %parallel_loop3A_572 = arith.mulf %parallel_loop3A_571, %parallel_loop3A_497 : vector<16xf32>
        %parallel_loop3A_573 = arith.index_cast %parallel_loop3A_448 : i32 to index
        %parallel_loop3A_574 = arith.constant 112 : index
        %parallel_loop3A_575 = tpu.vector_load %arg10[%parallel_loop3A_573, %parallel_loop3A_574] {strides = array<i32>} : memref<128x128xf32, #tpu.memory_space<vmem>>, vector<1x16xf32>,
        %parallel_loop3A_576 = vector.shape_cast %parallel_loop3A_575 : vector<1x16xf32> to vector<16xf32>
        %parallel_loop3A_577 = vector.shape_cast %parallel_loop3A_572 : vector<16xf32> to vector<1x16xf32>
        tpu.vector_store %arg10[%parallel_loop3A_573, %parallel_loop3A_574], %parallel_loop3A_577 {strides = array<i32>} : memref<128x128xf32, #tpu.memory_space<vmem>>, vector<1x16xf32>,
      } {sc.loop_unroll_factor = 2 : i64, sc.parallel_access}
      "tpu.region"() ({
        %run_scoped3A = tpu.sem_alloc : memref<!tpu.dma_semaphore, #tpu.memory_space<semaphore_mem>>
        %dma_start3A_448 = arith.constant 0 : i32
        %dma_start3A_449 = tpu.memref_slice %arg8[%mul3A_391, %dma_start3A_448] : memref<16x128xi32, #tpu.memory_space<vmem>> -> memref<1x128xi32, #tpu.memory_space<vmem>>
        %dma_start3A_450 = tpu.memref_squeeze %dma_start3A_449 : memref<1x128xi32, #tpu.memory_space<vmem>> -> memref<128xi32, #tpu.memory_space<vmem>>
        %dma_start3A_451 = arith.constant 0 : i32
        %dma_start3A_452 = arith.constant 0 : i32
        %dma_start3A_453 = tpu.memref_slice %arg12[%dma_start3A_451, %dma_start3A_452] : memref<10000x128xf32, #tpu.memory_space<vmem_shared>> -> memref<10000x128xf32, #tpu.memory_space<vmem_shared>>
        tpu.enqueue_indirect_dma source(%arg10 : memref<128x128xf32, #tpu.memory_space<vmem>>) target(%dma_start3A_453 : memref<10000x128xf32, #tpu.memory_space<vmem_shared>>) offsets(%dma_start3A_450 : memref<128xi32, #tpu.memory_space<vmem>>) semaphore(%run_scoped3A : memref<!tpu.dma_semaphore, #tpu.memory_space<semaphore_mem>>) {add = true}
        %dma_wait3A_454 = arith.constant 0 : i32
        %dma_wait3A_455 = tpu.memref_slice %arg8[%mul3A_391, %dma_wait3A_454] : memref<16x128xi32, #tpu.memory_space<vmem>> -> memref<1x128xi32, #tpu.memory_space<vmem>>
        %dma_wait3A_456 = tpu.memref_squeeze %dma_wait3A_455 : memref<1x128xi32, #tpu.memory_space<vmem>> -> memref<128xi32, #tpu.memory_space<vmem>>
        %dma_wait3A_457 = arith.constant 0 : i32
        %dma_wait3A_458 = arith.constant 0 : i32
        %dma_wait3A_459 = tpu.memref_slice %arg12[%dma_wait3A_457, %dma_wait3A_458] : memref<10000x128xf32, #tpu.memory_space<vmem_shared>> -> memref<10000x128xf32, #tpu.memory_space<vmem_shared>>
        tpu.wait_indirect_dma semaphore(%run_scoped3A : memref<!tpu.dma_semaphore, #tpu.memory_space<semaphore_mem>>) src(%arg10 : memref<128x128xf32, #tpu.memory_space<vmem>>) dst(%dma_wait3A_459 : memref<10000x128xf32, #tpu.memory_space<vmem_shared>>)
        tpu.yield
      }) : () -> ()
      %add3A_412 = arith.constant 1 : i32
      %add3A_413 = arith.addi %scan3A_389, %add3A_412 : i32
      %lt3A = arith.constant 8 : i32
      %lt3A_414 = arith.cmpi slt, %add3A_413, %lt3A : i32
      %convert_element_type3A = arith.extui %lt3A_414 : i1 to i32
      %cond3A = arith.constant 0 : i32
      %cond3A_415 = arith.cmpi ne, %convert_element_type3A, %cond3A : i32
      scf.if %cond3A_415 {
        %add3A_448 = arith.constant 2 : i32
        %add3A_449 = arith.addi %mul3A_391, %add3A_448 : i32
        %dma_start3A_450 = arith.constant 0 : i32
        %dma_start3A_451 = arith.constant 0 : i32
        %dma_start3A_452 = tpu.memref_slice %arg10[%dma_start3A_450, %dma_start3A_451] : memref<128x128xf32, #tpu.memory_space<vmem>> -> memref<64x128xf32, #tpu.memory_space<vmem>>
        %dma_start3A_453 = arith.constant 0 : i32
        %dma_start3A_454 = tpu.memref_slice %arg7[%add3A_449, %dma_start3A_453] : memref<16x128xi32, #tpu.memory_space<vmem>> -> memref<1x64xi32, #tpu.memory_space<vmem>>
        %dma_start3A_455 = tpu.memref_squeeze %dma_start3A_454 : memref<1x64xi32, #tpu.memory_space<vmem>> -> memref<64xi32, #tpu.memory_space<vmem>>
        %dma_start3A_456 = arith.constant 0 : i32
        %dma_start3A_457 = arith.constant 0 : i32
        %dma_start3A_458 = tpu.memref_slice %arg2[%dma_start3A_456, %dma_start3A_457] : memref<10000x128xf32, #tpu.memory_space<hbm>> -> memref<10000x128xf32, #tpu.memory_space<hbm>>
        tpu.enqueue_indirect_dma source(%dma_start3A_458 : memref<10000x128xf32, #tpu.memory_space<hbm>>) target(%dma_start3A_452 : memref<64x128xf32, #tpu.memory_space<vmem>>) offsets(%dma_start3A_455 : memref<64xi32, #tpu.memory_space<vmem>>) semaphore(%arg13 : memref<!tpu.dma_semaphore, #tpu.memory_space<semaphore_mem>>)
        %dma_start3A_459 = arith.constant 64 : i32
        %dma_start3A_460 = arith.constant 0 : i32
        %dma_start3A_461 = tpu.memref_slice %arg10[%dma_start3A_459, %dma_start3A_460] : memref<128x128xf32, #tpu.memory_space<vmem>> -> memref<64x128xf32, #tpu.memory_space<vmem>>
        %dma_start3A_462 = arith.constant 64 : i32
        %dma_start3A_463 = tpu.memref_slice %arg7[%add3A_449, %dma_start3A_462] : memref<16x128xi32, #tpu.memory_space<vmem>> -> memref<1x64xi32, #tpu.memory_space<vmem>>
        %dma_start3A_464 = tpu.memref_squeeze %dma_start3A_463 : memref<1x64xi32, #tpu.memory_space<vmem>> -> memref<64xi32, #tpu.memory_space<vmem>>
        %dma_start3A_465 = arith.constant 0 : i32
        %dma_start3A_466 = arith.constant 0 : i32
        %dma_start3A_467 = tpu.memref_slice %arg2[%dma_start3A_465, %dma_start3A_466] : memref<10000x128xf32, #tpu.memory_space<hbm>> -> memref<10000x128xf32, #tpu.memory_space<hbm>>
        tpu.enqueue_indirect_dma source(%dma_start3A_467 : memref<10000x128xf32, #tpu.memory_space<hbm>>) target(%dma_start3A_461 : memref<64x128xf32, #tpu.memory_space<vmem>>) offsets(%dma_start3A_464 : memref<64xi32, #tpu.memory_space<vmem>>) semaphore(%arg13 : memref<!tpu.dma_semaphore, #tpu.memory_space<semaphore_mem>>)
      } else {
      }
      %add3A_416 = arith.constant 1 : i32
      %add3A_417 = arith.addi %mul3A_391, %add3A_416 : i32
      %dma_wait3A_418 = arith.constant 0 : i32
      %dma_wait3A_419 = arith.constant 0 : i32
      %dma_wait3A_420 = tpu.memref_slice %arg11[%dma_wait3A_418, %dma_wait3A_419] : memref<128x128xf32, #tpu.memory_space<vmem>> -> memref<64x128xf32, #tpu.memory_space<vmem>>
      %dma_wait3A_421 = arith.constant 0 : i32
      %dma_wait3A_422 = tpu.memref_slice %arg7[%add3A_417, %dma_wait3A_421] : memref<16x128xi32, #tpu.memory_space<vmem>> -> memref<1x64xi32, #tpu.memory_space<vmem>>
      %dma_wait3A_423 = tpu.memref_squeeze %dma_wait3A_422 : memref<1x64xi32, #tpu.memory_space<vmem>> -> memref<64xi32, #tpu.memory_space<vmem>>
      %dma_wait3A_424 = arith.constant 0 : i32
      %dma_wait3A_425 = arith.constant 0 : i32
      %dma_wait3A_426 = tpu.memref_slice %arg2[%dma_wait3A_424, %dma_wait3A_425] : memref<10000x128xf32, #tpu.memory_space<hbm>> -> memref<10000x128xf32, #tpu.memory_space<hbm>>
      tpu.wait_indirect_dma semaphore(%arg14 : memref<!tpu.dma_semaphore, #tpu.memory_space<semaphore_mem>>) src(%dma_wait3A_426 : memref<10000x128xf32, #tpu.memory_space<hbm>>) dst(%dma_wait3A_420 : memref<64x128xf32, #tpu.memory_space<vmem>>)
      %dma_wait3A_427 = arith.constant 64 : i32
      %dma_wait3A_428 = arith.constant 0 : i32
      %dma_wait3A_429 = tpu.memref_slice %arg11[%dma_wait3A_427, %dma_wait3A_428] : memref<128x128xf32, #tpu.memory_space<vmem>> -> memref<64x128xf32, #tpu.memory_space<vmem>>
      %dma_wait3A_430 = arith.constant 64 : i32
      %dma_wait3A_431 = tpu.memref_slice %arg7[%add3A_417, %dma_wait3A_430] : memref<16x128xi32, #tpu.memory_space<vmem>> -> memref<1x64xi32, #tpu.memory_space<vmem>>
      %dma_wait3A_432 = tpu.memref_squeeze %dma_wait3A_431 : memref<1x64xi32, #tpu.memory_space<vmem>> -> memref<64xi32, #tpu.memory_space<vmem>>
      %dma_wait3A_433 = arith.constant 0 : i32
      %dma_wait3A_434 = arith.constant 0 : i32
      %dma_wait3A_435 = tpu.memref_slice %arg2[%dma_wait3A_433, %dma_wait3A_434] : memref<10000x128xf32, #tpu.memory_space<hbm>> -> memref<10000x128xf32, #tpu.memory_space<hbm>>
      tpu.wait_indirect_dma semaphore(%arg14 : memref<!tpu.dma_semaphore, #tpu.memory_space<semaphore_mem>>) src(%dma_wait3A_435 : memref<10000x128xf32, #tpu.memory_space<hbm>>) dst(%dma_wait3A_429 : memref<64x128xf32, #tpu.memory_space<vmem>>)
      %add3A_436 = arith.constant 1 : i32
      %add3A_437 = arith.addi %mul3A_391, %add3A_436 : i32
      %parallel_loop3A_438 = arith.constant 0 : i32
      %parallel_loop3A_439 = arith.constant 128 : i32
      %parallel_loop3A_440 = arith.constant 1 : i32
      scf.for %parallel_loop3A_448 = %parallel_loop3A_438 to %parallel_loop3A_439 step %parallel_loop3A_440  : i32 {
        %parallel_loop3A_449 = arith.constant 16 : i32
        %parallel_loop3A_450 = arith.divsi %parallel_loop3A_448, %parallel_loop3A_449 : i32
        %parallel_loop3A_451 = arith.constant 0 : i32
        %parallel_loop3A_452 = arith.cmpi sgt, %parallel_loop3A_448, %parallel_loop3A_451 : i32
        %parallel_loop3A_453 = arith.extui %parallel_loop3A_452 : i1 to i32
        %parallel_loop3A_454 = arith.constant 0 : i32
        %parallel_loop3A_455 = arith.cmpi slt, %parallel_loop3A_448, %parallel_loop3A_454 : i32
        %parallel_loop3A_456 = arith.extui %parallel_loop3A_455 : i1 to i32
        %parallel_loop3A_457 = arith.subi %parallel_loop3A_453, %parallel_loop3A_456 : i32
        %parallel_loop3A_458 = arith.constant 0 : i32
        %parallel_loop3A_459 = arith.cmpi sgt, %parallel_loop3A_449, %parallel_loop3A_458 : i32
        %parallel_loop3A_460 = arith.extui %parallel_loop3A_459 : i1 to i32
        %parallel_loop3A_461 = arith.constant 0 : i32
        %parallel_loop3A_462 = arith.cmpi slt, %parallel_loop3A_449, %parallel_loop3A_461 : i32
        %parallel_loop3A_463 = arith.extui %parallel_loop3A_462 : i1 to i32
        %parallel_loop3A_464 = arith.subi %parallel_loop3A_460, %parallel_loop3A_463 : i32
        %parallel_loop3A_465 = arith.cmpi ne, %parallel_loop3A_457, %parallel_loop3A_464 : i32
        %parallel_loop3A_466 = arith.remsi %parallel_loop3A_448, %parallel_loop3A_449 : i32
        %parallel_loop3A_467 = arith.constant 0 : i32
        %parallel_loop3A_468 = arith.cmpi ne, %parallel_loop3A_466, %parallel_loop3A_467 : i32
        %parallel_loop3A_469 = arith.andi %parallel_loop3A_465, %parallel_loop3A_468 : i1
        %parallel_loop3A_470 = arith.constant 1 : i32
        %parallel_loop3A_471 = arith.subi %parallel_loop3A_450, %parallel_loop3A_470 : i32
        %parallel_loop3A_472 = arith.select %parallel_loop3A_469, %parallel_loop3A_471, %parallel_loop3A_450 : i32
        %parallel_loop3A_473 = arith.constant 16 : i32
        %parallel_loop3A_474 = arith.muli %parallel_loop3A_472, %parallel_loop3A_473 : i32
        %parallel_loop3A_475 = arith.index_cast %add3A_437 : i32 to index
        %parallel_loop3A_476 = arith.index_cast %parallel_loop3A_474 : i32 to index
        %parallel_loop3A_477 = tpu.vector_load %arg9[%parallel_loop3A_475, %parallel_loop3A_476] {strides = array<i32>} : memref<16x128xf32, #tpu.memory_space<vmem>>, vector<1x16xf32>,
        %parallel_loop3A_478 = vector.shape_cast %parallel_loop3A_477 : vector<1x16xf32> to vector<16xf32>
        %parallel_loop3A_479 = arith.constant 16 : i32
        %parallel_loop3A_480 = arith.constant 0 : i32
        %parallel_loop3A_481 = arith.cmpi eq, %parallel_loop3A_479, %parallel_loop3A_480 : i32
        %parallel_loop3A_482 = arith.constant 1 : i32
        %parallel_loop3A_483 = arith.select %parallel_loop3A_481, %parallel_loop3A_482, %parallel_loop3A_479 : i32
        %parallel_loop3A_484 = arith.remsi %parallel_loop3A_448, %parallel_loop3A_483 : i32
        %parallel_loop3A_485 = arith.constant 0 : i32
        %parallel_loop3A_486 = arith.cmpi ne, %parallel_loop3A_484, %parallel_loop3A_485 : i32
        %parallel_loop3A_487 = arith.constant 0 : i32
        %parallel_loop3A_488 = arith.cmpi slt, %parallel_loop3A_484, %parallel_loop3A_487 : i32
        %parallel_loop3A_489 = arith.constant 0 : i32
        %parallel_loop3A_490 = arith.cmpi slt, %parallel_loop3A_483, %parallel_loop3A_489 : i32
        %parallel_loop3A_491 = arith.xori %parallel_loop3A_488, %parallel_loop3A_490 : i1
        %parallel_loop3A_492 = arith.andi %parallel_loop3A_491, %parallel_loop3A_486 : i1
        %parallel_loop3A_493 = arith.addi %parallel_loop3A_484, %parallel_loop3A_483 : i32
        %parallel_loop3A_494 = arith.select %parallel_loop3A_492, %parallel_loop3A_493, %parallel_loop3A_484 : i32
        %parallel_loop3A_495 = vector.broadcast %parallel_loop3A_494 : i32 to vector<16x1xi32>
        %parallel_loop3A_496 = vector.shape_cast %parallel_loop3A_495 : vector<16x1xi32> to vector<16xi32>
        %parallel_loop3A_497 = tpu.dynamic_gather %parallel_loop3A_478[%parallel_loop3A_496] in [0] : vector<16xf32>, vector<16xi32> -> vector<16xf32>
        %parallel_loop3A_498 = arith.index_cast %parallel_loop3A_448 : i32 to index
        %parallel_loop3A_499 = arith.constant 0 : index
        %parallel_loop3A_500 = tpu.vector_load %arg11[%parallel_loop3A_498, %parallel_loop3A_499] {strides = array<i32>} : memref<128x128xf32, #tpu.memory_space<vmem>>, vector<1x16xf32>,
        %parallel_loop3A_501 = vector.shape_cast %parallel_loop3A_500 : vector<1x16xf32> to vector<16xf32>
        %parallel_loop3A_502 = arith.mulf %parallel_loop3A_501, %parallel_loop3A_497 : vector<16xf32>
        %parallel_loop3A_503 = arith.index_cast %parallel_loop3A_448 : i32 to index
        %parallel_loop3A_504 = arith.constant 0 : index
        %parallel_loop3A_505 = tpu.vector_load %arg11[%parallel_loop3A_503, %parallel_loop3A_504] {strides = array<i32>} : memref<128x128xf32, #tpu.memory_space<vmem>>, vector<1x16xf32>,
        %parallel_loop3A_506 = vector.shape_cast %parallel_loop3A_505 : vector<1x16xf32> to vector<16xf32>
        %parallel_loop3A_507 = vector.shape_cast %parallel_loop3A_502 : vector<16xf32> to vector<1x16xf32>
        tpu.vector_store %arg11[%parallel_loop3A_503, %parallel_loop3A_504], %parallel_loop3A_507 {strides = array<i32>} : memref<128x128xf32, #tpu.memory_space<vmem>>, vector<1x16xf32>,
        %parallel_loop3A_508 = arith.index_cast %parallel_loop3A_448 : i32 to index
        %parallel_loop3A_509 = arith.constant 16 : index
        %parallel_loop3A_510 = tpu.vector_load %arg11[%parallel_loop3A_508, %parallel_loop3A_509] {strides = array<i32>} : memref<128x128xf32, #tpu.memory_space<vmem>>, vector<1x16xf32>,
        %parallel_loop3A_511 = vector.shape_cast %parallel_loop3A_510 : vector<1x16xf32> to vector<16xf32>
        %parallel_loop3A_512 = arith.mulf %parallel_loop3A_511, %parallel_loop3A_497 : vector<16xf32>
        %parallel_loop3A_513 = arith.index_cast %parallel_loop3A_448 : i32 to index
        %parallel_loop3A_514 = arith.constant 16 : index
        %parallel_loop3A_515 = tpu.vector_load %arg11[%parallel_loop3A_513, %parallel_loop3A_514] {strides = array<i32>} : memref<128x128xf32, #tpu.memory_space<vmem>>, vector<1x16xf32>,
        %parallel_loop3A_516 = vector.shape_cast %parallel_loop3A_515 : vector<1x16xf32> to vector<16xf32>
        %parallel_loop3A_517 = vector.shape_cast %parallel_loop3A_512 : vector<16xf32> to vector<1x16xf32>
        tpu.vector_store %arg11[%parallel_loop3A_513, %parallel_loop3A_514], %parallel_loop3A_517 {strides = array<i32>} : memref<128x128xf32, #tpu.memory_space<vmem>>, vector<1x16xf32>,
        %parallel_loop3A_518 = arith.index_cast %parallel_loop3A_448 : i32 to index
        %parallel_loop3A_519 = arith.constant 32 : index
        %parallel_loop3A_520 = tpu.vector_load %arg11[%parallel_loop3A_518, %parallel_loop3A_519] {strides = array<i32>} : memref<128x128xf32, #tpu.memory_space<vmem>>, vector<1x16xf32>,
        %parallel_loop3A_521 = vector.shape_cast %parallel_loop3A_520 : vector<1x16xf32> to vector<16xf32>
        %parallel_loop3A_522 = arith.mulf %parallel_loop3A_521, %parallel_loop3A_497 : vector<16xf32>
        %parallel_loop3A_523 = arith.index_cast %parallel_loop3A_448 : i32 to index
        %parallel_loop3A_524 = arith.constant 32 : index
        %parallel_loop3A_525 = tpu.vector_load %arg11[%parallel_loop3A_523, %parallel_loop3A_524] {strides = array<i32>} : memref<128x128xf32, #tpu.memory_space<vmem>>, vector<1x16xf32>,
        %parallel_loop3A_526 = vector.shape_cast %parallel_loop3A_525 : vector<1x16xf32> to vector<16xf32>
        %parallel_loop3A_527 = vector.shape_cast %parallel_loop3A_522 : vector<16xf32> to vector<1x16xf32>
        tpu.vector_store %arg11[%parallel_loop3A_523, %parallel_loop3A_524], %parallel_loop3A_527 {strides = array<i32>} : memref<128x128xf32, #tpu.memory_space<vmem>>, vector<1x16xf32>,
        %parallel_loop3A_528 = arith.index_cast %parallel_loop3A_448 : i32 to index
        %parallel_loop3A_529 = arith.constant 48 : index
        %parallel_loop3A_530 = tpu.vector_load %arg11[%parallel_loop3A_528, %parallel_loop3A_529] {strides = array<i32>} : memref<128x128xf32, #tpu.memory_space<vmem>>, vector<1x16xf32>,
        %parallel_loop3A_531 = vector.shape_cast %parallel_loop3A_530 : vector<1x16xf32> to vector<16xf32>
        %parallel_loop3A_532 = arith.mulf %parallel_loop3A_531, %parallel_loop3A_497 : vector<16xf32>
        %parallel_loop3A_533 = arith.index_cast %parallel_loop3A_448 : i32 to index
        %parallel_loop3A_534 = arith.constant 48 : index
        %parallel_loop3A_535 = tpu.vector_load %arg11[%parallel_loop3A_533, %parallel_loop3A_534] {strides = array<i32>} : memref<128x128xf32, #tpu.memory_space<vmem>>, vector<1x16xf32>,
        %parallel_loop3A_536 = vector.shape_cast %parallel_loop3A_535 : vector<1x16xf32> to vector<16xf32>
        %parallel_loop3A_537 = vector.shape_cast %parallel_loop3A_532 : vector<16xf32> to vector<1x16xf32>
        tpu.vector_store %arg11[%parallel_loop3A_533, %parallel_loop3A_534], %parallel_loop3A_537 {strides = array<i32>} : memref<128x128xf32, #tpu.memory_space<vmem>>, vector<1x16xf32>,
        %parallel_loop3A_538 = arith.index_cast %parallel_loop3A_448 : i32 to index
        %parallel_loop3A_539 = arith.constant 64 : index
        %parallel_loop3A_540 = tpu.vector_load %arg11[%parallel_loop3A_538, %parallel_loop3A_539] {strides = array<i32>} : memref<128x128xf32, #tpu.memory_space<vmem>>, vector<1x16xf32>,
        %parallel_loop3A_541 = vector.shape_cast %parallel_loop3A_540 : vector<1x16xf32> to vector<16xf32>
        %parallel_loop3A_542 = arith.mulf %parallel_loop3A_541, %parallel_loop3A_497 : vector<16xf32>
        %parallel_loop3A_543 = arith.index_cast %parallel_loop3A_448 : i32 to index
        %parallel_loop3A_544 = arith.constant 64 : index
        %parallel_loop3A_545 = tpu.vector_load %arg11[%parallel_loop3A_543, %parallel_loop3A_544] {strides = array<i32>} : memref<128x128xf32, #tpu.memory_space<vmem>>, vector<1x16xf32>,
        %parallel_loop3A_546 = vector.shape_cast %parallel_loop3A_545 : vector<1x16xf32> to vector<16xf32>
        %parallel_loop3A_547 = vector.shape_cast %parallel_loop3A_542 : vector<16xf32> to vector<1x16xf32>
        tpu.vector_store %arg11[%parallel_loop3A_543, %parallel_loop3A_544], %parallel_loop3A_547 {strides = array<i32>} : memref<128x128xf32, #tpu.memory_space<vmem>>, vector<1x16xf32>,
        %parallel_loop3A_548 = arith.index_cast %parallel_loop3A_448 : i32 to index
        %parallel_loop3A_549 = arith.constant 80 : index
        %parallel_loop3A_550 = tpu.vector_load %arg11[%parallel_loop3A_548, %parallel_loop3A_549] {strides = array<i32>} : memref<128x128xf32, #tpu.memory_space<vmem>>, vector<1x16xf32>,
        %parallel_loop3A_551 = vector.shape_cast %parallel_loop3A_550 : vector<1x16xf32> to vector<16xf32>
        %parallel_loop3A_552 = arith.mulf %parallel_loop3A_551, %parallel_loop3A_497 : vector<16xf32>
        %parallel_loop3A_553 = arith.index_cast %parallel_loop3A_448 : i32 to index
        %parallel_loop3A_554 = arith.constant 80 : index
        %parallel_loop3A_555 = tpu.vector_load %arg11[%parallel_loop3A_553, %parallel_loop3A_554] {strides = array<i32>} : memref<128x128xf32, #tpu.memory_space<vmem>>, vector<1x16xf32>,
        %parallel_loop3A_556 = vector.shape_cast %parallel_loop3A_555 : vector<1x16xf32> to vector<16xf32>
        %parallel_loop3A_557 = vector.shape_cast %parallel_loop3A_552 : vector<16xf32> to vector<1x16xf32>
        tpu.vector_store %arg11[%parallel_loop3A_553, %parallel_loop3A_554], %parallel_loop3A_557 {strides = array<i32>} : memref<128x128xf32, #tpu.memory_space<vmem>>, vector<1x16xf32>,
        %parallel_loop3A_558 = arith.index_cast %parallel_loop3A_448 : i32 to index
        %parallel_loop3A_559 = arith.constant 96 : index
        %parallel_loop3A_560 = tpu.vector_load %arg11[%parallel_loop3A_558, %parallel_loop3A_559] {strides = array<i32>} : memref<128x128xf32, #tpu.memory_space<vmem>>, vector<1x16xf32>,
        %parallel_loop3A_561 = vector.shape_cast %parallel_loop3A_560 : vector<1x16xf32> to vector<16xf32>
        %parallel_loop3A_562 = arith.mulf %parallel_loop3A_561, %parallel_loop3A_497 : vector<16xf32>
        %parallel_loop3A_563 = arith.index_cast %parallel_loop3A_448 : i32 to index
        %parallel_loop3A_564 = arith.constant 96 : index
        %parallel_loop3A_565 = tpu.vector_load %arg11[%parallel_loop3A_563, %parallel_loop3A_564] {strides = array<i32>} : memref<128x128xf32, #tpu.memory_space<vmem>>, vector<1x16xf32>,
        %parallel_loop3A_566 = vector.shape_cast %parallel_loop3A_565 : vector<1x16xf32> to vector<16xf32>
        %parallel_loop3A_567 = vector.shape_cast %parallel_loop3A_562 : vector<16xf32> to vector<1x16xf32>
        tpu.vector_store %arg11[%parallel_loop3A_563, %parallel_loop3A_564], %parallel_loop3A_567 {strides = array<i32>} : memref<128x128xf32, #tpu.memory_space<vmem>>, vector<1x16xf32>,
        %parallel_loop3A_568 = arith.index_cast %parallel_loop3A_448 : i32 to index
        %parallel_loop3A_569 = arith.constant 112 : index
        %parallel_loop3A_570 = tpu.vector_load %arg11[%parallel_loop3A_568, %parallel_loop3A_569] {strides = array<i32>} : memref<128x128xf32, #tpu.memory_space<vmem>>, vector<1x16xf32>,
        %parallel_loop3A_571 = vector.shape_cast %parallel_loop3A_570 : vector<1x16xf32> to vector<16xf32>
        %parallel_loop3A_572 = arith.mulf %parallel_loop3A_571, %parallel_loop3A_497 : vector<16xf32>
        %parallel_loop3A_573 = arith.index_cast %parallel_loop3A_448 : i32 to index
        %parallel_loop3A_574 = arith.constant 112 : index
        %parallel_loop3A_575 = tpu.vector_load %arg11[%parallel_loop3A_573, %parallel_loop3A_574] {strides = array<i32>} : memref<128x128xf32, #tpu.memory_space<vmem>>, vector<1x16xf32>,
        %parallel_loop3A_576 = vector.shape_cast %parallel_loop3A_575 : vector<1x16xf32> to vector<16xf32>
        %parallel_loop3A_577 = vector.shape_cast %parallel_loop3A_572 : vector<16xf32> to vector<1x16xf32>
        tpu.vector_store %arg11[%parallel_loop3A_573, %parallel_loop3A_574], %parallel_loop3A_577 {strides = array<i32>} : memref<128x128xf32, #tpu.memory_space<vmem>>, vector<1x16xf32>,
      } {sc.loop_unroll_factor = 2 : i64, sc.parallel_access}
      "tpu.region"() ({
        %run_scoped3A = tpu.sem_alloc : memref<!tpu.dma_semaphore, #tpu.memory_space<semaphore_mem>>
        %dma_start3A_448 = arith.constant 0 : i32
        %dma_start3A_449 = tpu.memref_slice %arg8[%add3A_437, %dma_start3A_448] : memref<16x128xi32, #tpu.memory_space<vmem>> -> memref<1x128xi32, #tpu.memory_space<vmem>>
        %dma_start3A_450 = tpu.memref_squeeze %dma_start3A_449 : memref<1x128xi32, #tpu.memory_space<vmem>> -> memref<128xi32, #tpu.memory_space<vmem>>
        %dma_start3A_451 = arith.constant 0 : i32
        %dma_start3A_452 = arith.constant 0 : i32
        %dma_start3A_453 = tpu.memref_slice %arg12[%dma_start3A_451, %dma_start3A_452] : memref<10000x128xf32, #tpu.memory_space<vmem_shared>> -> memref<10000x128xf32, #tpu.memory_space<vmem_shared>>
        tpu.enqueue_indirect_dma source(%arg11 : memref<128x128xf32, #tpu.memory_space<vmem>>) target(%dma_start3A_453 : memref<10000x128xf32, #tpu.memory_space<vmem_shared>>) offsets(%dma_start3A_450 : memref<128xi32, #tpu.memory_space<vmem>>) semaphore(%run_scoped3A : memref<!tpu.dma_semaphore, #tpu.memory_space<semaphore_mem>>) {add = true}
        %dma_wait3A_454 = arith.constant 0 : i32
        %dma_wait3A_455 = tpu.memref_slice %arg8[%add3A_437, %dma_wait3A_454] : memref<16x128xi32, #tpu.memory_space<vmem>> -> memref<1x128xi32, #tpu.memory_space<vmem>>
        %dma_wait3A_456 = tpu.memref_squeeze %dma_wait3A_455 : memref<1x128xi32, #tpu.memory_space<vmem>> -> memref<128xi32, #tpu.memory_space<vmem>>
        %dma_wait3A_457 = arith.constant 0 : i32
        %dma_wait3A_458 = arith.constant 0 : i32
        %dma_wait3A_459 = tpu.memref_slice %arg12[%dma_wait3A_457, %dma_wait3A_458] : memref<10000x128xf32, #tpu.memory_space<vmem_shared>> -> memref<10000x128xf32, #tpu.memory_space<vmem_shared>>
        tpu.wait_indirect_dma semaphore(%run_scoped3A : memref<!tpu.dma_semaphore, #tpu.memory_space<semaphore_mem>>) src(%arg11 : memref<128x128xf32, #tpu.memory_space<vmem>>) dst(%dma_wait3A_459 : memref<10000x128xf32, #tpu.memory_space<vmem_shared>>)
        tpu.yield
      }) : () -> ()
      %add3A_441 = arith.constant 1 : i32
      %add3A_442 = arith.addi %scan3A_389, %add3A_441 : i32
      %lt3A_443 = arith.constant 8 : i32
      %lt3A_444 = arith.cmpi slt, %add3A_442, %lt3A_443 : i32
      %convert_element_type3A_445 = arith.extui %lt3A_444 : i1 to i32
      %cond3A_446 = arith.constant 0 : i32
      %cond3A_447 = arith.cmpi ne, %convert_element_type3A_445, %cond3A_446 : i32
      scf.if %cond3A_447 {
        %add3A_448 = arith.constant 3 : i32
        %add3A_449 = arith.addi %mul3A_391, %add3A_448 : i32
        %dma_start3A_450 = arith.constant 0 : i32
        %dma_start3A_451 = arith.constant 0 : i32
        %dma_start3A_452 = tpu.memref_slice %arg11[%dma_start3A_450, %dma_start3A_451] : memref<128x128xf32, #tpu.memory_space<vmem>> -> memref<64x128xf32, #tpu.memory_space<vmem>>
        %dma_start3A_453 = arith.constant 0 : i32
        %dma_start3A_454 = tpu.memref_slice %arg7[%add3A_449, %dma_start3A_453] : memref<16x128xi32, #tpu.memory_space<vmem>> -> memref<1x64xi32, #tpu.memory_space<vmem>>
        %dma_start3A_455 = tpu.memref_squeeze %dma_start3A_454 : memref<1x64xi32, #tpu.memory_space<vmem>> -> memref<64xi32, #tpu.memory_space<vmem>>
        %dma_start3A_456 = arith.constant 0 : i32
        %dma_start3A_457 = arith.constant 0 : i32
        %dma_start3A_458 = tpu.memref_slice %arg2[%dma_start3A_456, %dma_start3A_457] : memref<10000x128xf32, #tpu.memory_space<hbm>> -> memref<10000x128xf32, #tpu.memory_space<hbm>>
        tpu.enqueue_indirect_dma source(%dma_start3A_458 : memref<10000x128xf32, #tpu.memory_space<hbm>>) target(%dma_start3A_452 : memref<64x128xf32, #tpu.memory_space<vmem>>) offsets(%dma_start3A_455 : memref<64xi32, #tpu.memory_space<vmem>>) semaphore(%arg14 : memref<!tpu.dma_semaphore, #tpu.memory_space<semaphore_mem>>)
        %dma_start3A_459 = arith.constant 64 : i32
        %dma_start3A_460 = arith.constant 0 : i32
        %dma_start3A_461 = tpu.memref_slice %arg11[%dma_start3A_459, %dma_start3A_460] : memref<128x128xf32, #tpu.memory_space<vmem>> -> memref<64x128xf32, #tpu.memory_space<vmem>>
        %dma_start3A_462 = arith.constant 64 : i32
        %dma_start3A_463 = tpu.memref_slice %arg7[%add3A_449, %dma_start3A_462] : memref<16x128xi32, #tpu.memory_space<vmem>> -> memref<1x64xi32, #tpu.memory_space<vmem>>
        %dma_start3A_464 = tpu.memref_squeeze %dma_start3A_463 : memref<1x64xi32, #tpu.memory_space<vmem>> -> memref<64xi32, #tpu.memory_space<vmem>>
        %dma_start3A_465 = arith.constant 0 : i32
        %dma_start3A_466 = arith.constant 0 : i32
        %dma_start3A_467 = tpu.memref_slice %arg2[%dma_start3A_465, %dma_start3A_466] : memref<10000x128xf32, #tpu.memory_space<hbm>> -> memref<10000x128xf32, #tpu.memory_space<hbm>>
        tpu.enqueue_indirect_dma source(%dma_start3A_467 : memref<10000x128xf32, #tpu.memory_space<hbm>>) target(%dma_start3A_461 : memref<64x128xf32, #tpu.memory_space<vmem>>) offsets(%dma_start3A_464 : memref<64xi32, #tpu.memory_space<vmem>>) semaphore(%arg14 : memref<!tpu.dma_semaphore, #tpu.memory_space<semaphore_mem>>)
      } else {
      }
    }
    %scan3A_377 = arith.constant 8 : i32
    %barrier3A_378 = arith.constant 0 : index
    tpu.barrier barrier_id(%barrier3A_378)
    %add3A_379 = arith.constant 0 : i32
    %add3A_380 = arith.addi %mul3A_7, %add3A_379 : i32
    "tpu.region"() ({
      %run_scoped3A = tpu.sem_alloc : memref<!tpu.dma_semaphore, #tpu.memory_space<semaphore_mem>>
      %dma_start3A_389 = arith.constant 0 : i32
      %dma_start3A_390 = tpu.memref_slice %arg6[%arg0, %add3A_380, %dma_start3A_389] : memref<2x10000x128xf32, #tpu.memory_space<hbm>> -> memref<1x128x128xf32, #tpu.memory_space<hbm>>
      %dma_start3A_391 = tpu.memref_squeeze %dma_start3A_390 : memref<1x128x128xf32, #tpu.memory_space<hbm>> -> memref<128x128xf32, #tpu.memory_space<hbm>>
      %dma_start3A_392 = arith.constant 0 : i32
      %dma_start3A_393 = tpu.memref_slice %arg12[%add3A_380, %dma_start3A_392] : memref<10000x128xf32, #tpu.memory_space<vmem_shared>> -> memref<128x128xf32, #tpu.memory_space<vmem_shared>>
      tpu.enqueue_dma source(%dma_start3A_393 : memref<128x128xf32, #tpu.memory_space<vmem_shared>>) target(%dma_start3A_391 : memref<128x128xf32, #tpu.memory_space<hbm>>) target_semaphore(%run_scoped3A : memref<!tpu.dma_semaphore, #tpu.memory_space<semaphore_mem>>)
      %dma_wait3A_394 = arith.constant 0 : i32
      %dma_wait3A_395 = tpu.memref_slice %arg6[%arg0, %add3A_380, %dma_wait3A_394] : memref<2x10000x128xf32, #tpu.memory_space<hbm>> -> memref<1x128x128xf32, #tpu.memory_space<hbm>>
      %dma_wait3A_396 = tpu.memref_squeeze %dma_wait3A_395 : memref<1x128x128xf32, #tpu.memory_space<hbm>> -> memref<128x128xf32, #tpu.memory_space<hbm>>
      %dma_wait3A_397 = arith.constant 0 : i32
      %dma_wait3A_398 = tpu.memref_slice %arg12[%add3A_380, %dma_wait3A_397] : memref<10000x128xf32, #tpu.memory_space<vmem_shared>> -> memref<128x128xf32, #tpu.memory_space<vmem_shared>>
      tpu.wait_dma2 semaphore(%run_scoped3A : memref<!tpu.dma_semaphore, #tpu.memory_space<semaphore_mem>>) src(%dma_wait3A_398 : memref<128x128xf32, #tpu.memory_space<vmem_shared>>) dst(%dma_wait3A_396 : memref<128x128xf32, #tpu.memory_space<hbm>>)
      tpu.yield
    }) : () -> ()
    %add3A_381 = arith.constant 128 : i32
    %add3A_382 = arith.addi %mul3A_7, %add3A_381 : i32
    "tpu.region"() ({
      %run_scoped3A = tpu.sem_alloc : memref<!tpu.dma_semaphore, #tpu.memory_space<semaphore_mem>>
      %dma_start3A_389 = arith.constant 0 : i32
      %dma_start3A_390 = tpu.memref_slice %arg6[%arg0, %add3A_382, %dma_start3A_389] : memref<2x10000x128xf32, #tpu.memory_space<hbm>> -> memref<1x128x128xf32, #tpu.memory_space<hbm>>
      %dma_start3A_391 = tpu.memref_squeeze %dma_start3A_390 : memref<1x128x128xf32, #tpu.memory_space<hbm>> -> memref<128x128xf32, #tpu.memory_space<hbm>>
      %dma_start3A_392 = arith.constant 0 : i32
      %dma_start3A_393 = tpu.memref_slice %arg12[%add3A_382, %dma_start3A_392] : memref<10000x128xf32, #tpu.memory_space<vmem_shared>> -> memref<128x128xf32, #tpu.memory_space<vmem_shared>>
      tpu.enqueue_dma source(%dma_start3A_393 : memref<128x128xf32, #tpu.memory_space<vmem_shared>>) target(%dma_start3A_391 : memref<128x128xf32, #tpu.memory_space<hbm>>) target_semaphore(%run_scoped3A : memref<!tpu.dma_semaphore, #tpu.memory_space<semaphore_mem>>)
      %dma_wait3A_394 = arith.constant 0 : i32
      %dma_wait3A_395 = tpu.memref_slice %arg6[%arg0, %add3A_382, %dma_wait3A_394] : memref<2x10000x128xf32, #tpu.memory_space<hbm>> -> memref<1x128x128xf32, #tpu.memory_space<hbm>>
      %dma_wait3A_396 = tpu.memref_squeeze %dma_wait3A_395 : memref<1x128x128xf32, #tpu.memory_space<hbm>> -> memref<128x128xf32, #tpu.memory_space<hbm>>
      %dma_wait3A_397 = arith.constant 0 : i32
      %dma_wait3A_398 = tpu.memref_slice %arg12[%add3A_382, %dma_wait3A_397] : memref<10000x128xf32, #tpu.memory_space<vmem_shared>> -> memref<128x128xf32, #tpu.memory_space<vmem_shared>>
      tpu.wait_dma2 semaphore(%run_scoped3A : memref<!tpu.dma_semaphore, #tpu.memory_space<semaphore_mem>>) src(%dma_wait3A_398 : memref<128x128xf32, #tpu.memory_space<vmem_shared>>) dst(%dma_wait3A_396 : memref<128x128xf32, #tpu.memory_space<hbm>>)
      tpu.yield
    }) : () -> ()
    %add3A_383 = arith.constant 256 : i32
    %add3A_384 = arith.addi %mul3A_7, %add3A_383 : i32
    "tpu.region"() ({
      %run_scoped3A = tpu.sem_alloc : memref<!tpu.dma_semaphore, #tpu.memory_space<semaphore_mem>>
      %dma_start3A_389 = arith.constant 0 : i32
      %dma_start3A_390 = tpu.memref_slice %arg6[%arg0, %add3A_384, %dma_start3A_389] : memref<2x10000x128xf32, #tpu.memory_space<hbm>> -> memref<1x128x128xf32, #tpu.memory_space<hbm>>
      %dma_start3A_391 = tpu.memref_squeeze %dma_start3A_390 : memref<1x128x128xf32, #tpu.memory_space<hbm>> -> memref<128x128xf32, #tpu.memory_space<hbm>>
      %dma_start3A_392 = arith.constant 0 : i32
      %dma_start3A_393 = tpu.memref_slice %arg12[%add3A_384, %dma_start3A_392] : memref<10000x128xf32, #tpu.memory_space<vmem_shared>> -> memref<128x128xf32, #tpu.memory_space<vmem_shared>>
      tpu.enqueue_dma source(%dma_start3A_393 : memref<128x128xf32, #tpu.memory_space<vmem_shared>>) target(%dma_start3A_391 : memref<128x128xf32, #tpu.memory_space<hbm>>) target_semaphore(%run_scoped3A : memref<!tpu.dma_semaphore, #tpu.memory_space<semaphore_mem>>)
      %dma_wait3A_394 = arith.constant 0 : i32
      %dma_wait3A_395 = tpu.memref_slice %arg6[%arg0, %add3A_384, %dma_wait3A_394] : memref<2x10000x128xf32, #tpu.memory_space<hbm>> -> memref<1x128x128xf32, #tpu.memory_space<hbm>>
      %dma_wait3A_396 = tpu.memref_squeeze %dma_wait3A_395 : memref<1x128x128xf32, #tpu.memory_space<hbm>> -> memref<128x128xf32, #tpu.memory_space<hbm>>
      %dma_wait3A_397 = arith.constant 0 : i32
      %dma_wait3A_398 = tpu.memref_slice %arg12[%add3A_384, %dma_wait3A_397] : memref<10000x128xf32, #tpu.memory_space<vmem_shared>> -> memref<128x128xf32, #tpu.memory_space<vmem_shared>>
      tpu.wait_dma2 semaphore(%run_scoped3A : memref<!tpu.dma_semaphore, #tpu.memory_space<semaphore_mem>>) src(%dma_wait3A_398 : memref<128x128xf32, #tpu.memory_space<vmem_shared>>) dst(%dma_wait3A_396 : memref<128x128xf32, #tpu.memory_space<hbm>>)
      tpu.yield
    }) : () -> ()
    %add3A_385 = arith.constant 384 : i32
    %add3A_386 = arith.addi %mul3A_7, %add3A_385 : i32
    "tpu.region"() ({
      %run_scoped3A = tpu.sem_alloc : memref<!tpu.dma_semaphore, #tpu.memory_space<semaphore_mem>>
      %dma_start3A_389 = arith.constant 0 : i32
      %dma_start3A_390 = tpu.memref_slice %arg6[%arg0, %add3A_386, %dma_start3A_389] : memref<2x10000x128xf32, #tpu.memory_space<hbm>> -> memref<1x128x128xf32, #tpu.memory_space<hbm>>
      %dma_start3A_391 = tpu.memref_squeeze %dma_start3A_390 : memref<1x128x128xf32, #tpu.memory_space<hbm>> -> memref<128x128xf32, #tpu.memory_space<hbm>>
      %dma_start3A_392 = arith.constant 0 : i32
      %dma_start3A_393 = tpu.memref_slice %arg12[%add3A_386, %dma_start3A_392] : memref<10000x128xf32, #tpu.memory_space<vmem_shared>> -> memref<128x128xf32, #tpu.memory_space<vmem_shared>>
      tpu.enqueue_dma source(%dma_start3A_393 : memref<128x128xf32, #tpu.memory_space<vmem_shared>>) target(%dma_start3A_391 : memref<128x128xf32, #tpu.memory_space<hbm>>) target_semaphore(%run_scoped3A : memref<!tpu.dma_semaphore, #tpu.memory_space<semaphore_mem>>)
      %dma_wait3A_394 = arith.constant 0 : i32
      %dma_wait3A_395 = tpu.memref_slice %arg6[%arg0, %add3A_386, %dma_wait3A_394] : memref<2x10000x128xf32, #tpu.memory_space<hbm>> -> memref<1x128x128xf32, #tpu.memory_space<hbm>>
      %dma_wait3A_396 = tpu.memref_squeeze %dma_wait3A_395 : memref<1x128x128xf32, #tpu.memory_space<hbm>> -> memref<128x128xf32, #tpu.memory_space<hbm>>
      %dma_wait3A_397 = arith.constant 0 : i32
      %dma_wait3A_398 = tpu.memref_slice %arg12[%add3A_386, %dma_wait3A_397] : memref<10000x128xf32, #tpu.memory_space<vmem_shared>> -> memref<128x128xf32, #tpu.memory_space<vmem_shared>>
      tpu.wait_dma2 semaphore(%run_scoped3A : memref<!tpu.dma_semaphore, #tpu.memory_space<semaphore_mem>>) src(%dma_wait3A_398 : memref<128x128xf32, #tpu.memory_space<vmem_shared>>) dst(%dma_wait3A_396 : memref<128x128xf32, #tpu.memory_space<hbm>>)
      tpu.yield
    }) : () -> ()
    %add3A_387 = arith.constant 512 : i32
    %add3A_388 = arith.addi %mul3A_7, %add3A_387 : i32
    "tpu.region"() ({
      %run_scoped3A = tpu.sem_alloc : memref<!tpu.dma_semaphore, #tpu.memory_space<semaphore_mem>>
      %dma_start3A_389 = arith.constant 0 : i32
      %dma_start3A_390 = tpu.memref_slice %arg6[%arg0, %add3A_388, %dma_start3A_389] : memref<2x10000x128xf32, #tpu.memory_space<hbm>> -> memref<1x128x128xf32, #tpu.memory_space<hbm>>
      %dma_start3A_391 = tpu.memref_squeeze %dma_start3A_390 : memref<1x128x128xf32, #tpu.memory_space<hbm>> -> memref<128x128xf32, #tpu.memory_space<hbm>>
      %dma_start3A_392 = arith.constant 0 : i32
      %dma_start3A_393 = tpu.memref_slice %arg12[%add3A_388, %dma_start3A_392] : memref<10000x128xf32, #tpu.memory_space<vmem_shared>> -> memref<128x128xf32, #tpu.memory_space<vmem_shared>>
      tpu.enqueue_dma source(%dma_start3A_393 : memref<128x128xf32, #tpu.memory_space<vmem_shared>>) target(%dma_start3A_391 : memref<128x128xf32, #tpu.memory_space<hbm>>) target_semaphore(%run_scoped3A : memref<!tpu.dma_semaphore, #tpu.memory_space<semaphore_mem>>)
      %dma_wait3A_394 = arith.constant 0 : i32
      %dma_wait3A_395 = tpu.memref_slice %arg6[%arg0, %add3A_388, %dma_wait3A_394] : memref<2x10000x128xf32, #tpu.memory_space<hbm>> -> memref<1x128x128xf32, #tpu.memory_space<hbm>>
      %dma_wait3A_396 = tpu.memref_squeeze %dma_wait3A_395 : memref<1x128x128xf32, #tpu.memory_space<hbm>> -> memref<128x128xf32, #tpu.memory_space<hbm>>
      %dma_wait3A_397 = arith.constant 0 : i32
      %dma_wait3A_398 = tpu.memref_slice %arg12[%add3A_388, %dma_wait3A_397] : memref<10000x128xf32, #tpu.memory_space<vmem_shared>> -> memref<128x128xf32, #tpu.memory_space<vmem_shared>>
      tpu.wait_dma2 semaphore(%run_scoped3A : memref<!tpu.dma_semaphore, #tpu.memory_space<semaphore_mem>>) src(%dma_wait3A_398 : memref<128x128xf32, #tpu.memory_space<vmem_shared>>) dst(%dma_wait3A_396 : memref<128x128xf32, #tpu.memory_space<hbm>>)
      tpu.yield
    }) : () -> ()
    return
  }
}

module attributes {stable_mosaic.version = 14 : i64} {
  func.func @_linear_body(%arg0: i32, %arg1: memref<1000x128xf32, #tpu.memory_space<vmem>>, %arg2: memref<128x128xf32, #tpu.memory_space<vmem>>, %arg3: memref<1x128xf32, #tpu.memory_space<vmem>>, %arg4: memref<1000x128xf32, #tpu.memory_space<vmem>>) attributes {dimension_semantics = [#tpu.dimension_semantics<arbitrary>], iteration_bounds = array<i64: 10>, scalar_prefetch = 0 : i64, scratch_operands = 0 : i64, tpu.core_type = #tpu.core_type<tc>, window_params = [{transform_indices = @transform_0, window_bounds = array<i64: 1000, 128>}, {pipeline_mode = #tpu.pipeline_mode<synchronous>, transform_indices = @transform_1, window_bounds = array<i64: 128, 128>}, {pipeline_mode = #tpu.pipeline_mode<synchronous>, transform_indices = @transform_2, window_bounds = array<i64: 1, 128>}, {transform_indices = @transform_3, window_bounds = array<i64: 1000, 128>}]} {
    %get3A = arith.constant 0 : index
    %get3A_0 = arith.constant 0 : index
    %get3A_1 = vector.load %arg1[%get3A, %get3A_0] : memref<1000x128xf32, #tpu.memory_space<vmem>>, vector<1000x128xf32>
    %get3A_2 = arith.constant 0 : index
    %get3A_3 = arith.constant 0 : index
    %get3A_4 = vector.load %arg2[%get3A_2, %get3A_3] : memref<128x128xf32, #tpu.memory_space<vmem>>, vector<128x128xf32>
    %get3A_5 = arith.constant 0 : index
    %get3A_6 = arith.constant 0 : index
    %get3A_7 = vector.load %arg3[%get3A_5, %get3A_6] : memref<1x128xf32, #tpu.memory_space<vmem>>, vector<1x128xf32>
    %dot_general3A = arith.constant dense<0.000000e+00> : vector<1000x128xf32>
    %dot_general3A_8 = tpu.matmul %get3A_1, %get3A_4, %dot_general3A {dimension_numbers = #tpu.dot_dimension_numbers<[1], [1], [0], [0], [0, 0, 1, 0], [], []>, transpose_lhs_hint = false} : vector<1000x128xf32>, vector<128x128xf32>, vector<1000x128xf32> -> vector<1000x128xf32>
    %mul3A = arith.mulf %get3A_1, %get3A_1 : vector<1000x128xf32>
    %reduce_sum3A = arith.constant dense<0.000000e+00> : vector<1000xf32>
    %reduce_sum3A_9 = vector.multi_reduction <add>, %mul3A, %reduce_sum3A [1] : vector<1000x128xf32> to vector<1000xf32>
    %broadcast_in_dim3A = vector.shape_cast %reduce_sum3A_9 : vector<1000xf32> to vector<1000x1xf32>
    %sqrt3A = math.sqrt %broadcast_in_dim3A : vector<1000x1xf32>
    %max3A = arith.constant 1.000000e-15 : f32
    %max3A_10 = vector.broadcast %max3A : f32 to vector<1000x1xf32>
    %max3A_11 = arith.maximumf %sqrt3A, %max3A_10 : vector<1000x1xf32>
    %mul3A_12 = arith.mulf %dot_general3A_8, %dot_general3A_8 : vector<1000x128xf32>
    %reduce_sum3A_13 = arith.constant dense<0.000000e+00> : vector<1000xf32>
    %reduce_sum3A_14 = vector.multi_reduction <add>, %mul3A_12, %reduce_sum3A_13 [1] : vector<1000x128xf32> to vector<1000xf32>
    %broadcast_in_dim3A_15 = vector.shape_cast %reduce_sum3A_14 : vector<1000xf32> to vector<1000x1xf32>
    %sqrt3A_16 = math.sqrt %broadcast_in_dim3A_15 : vector<1000x1xf32>
    %max3A_17 = arith.constant 1.000000e-15 : f32
    %max3A_18 = vector.broadcast %max3A_17 : f32 to vector<1000x1xf32>
    %max3A_19 = arith.maximumf %sqrt3A_16, %max3A_18 : vector<1000x1xf32>
    %div3A = arith.divf %max3A_19, %max3A_11 : vector<1000x1xf32>
    %jit3A = arith.constant -0.99999988 : f32
    %jit3A_20 = arith.constant 0.99999988 : f32
    %max3A_21 = vector.broadcast %jit3A : f32 to vector<1000x1xf32>
    %max3A_22 = arith.maximumf %max3A_21, %max3A_11 : vector<1000x1xf32>
    %min3A = vector.broadcast %jit3A_20 : f32 to vector<1000x1xf32>
    %min3A_23 = arith.minimumf %min3A, %max3A_22 : vector<1000x1xf32>
    %log1p3A = math.log1p %min3A_23 : vector<1000x1xf32>
    %neg3A = arith.constant 0.000000e+00 : f32
    %neg3A_24 = vector.broadcast %neg3A : f32 to vector<1000x1xf32>
    %neg3A_25 = arith.subf %neg3A_24, %min3A_23 : vector<1000x1xf32>
    %log1p3A_26 = math.log1p %neg3A_25 : vector<1000x1xf32>
    %sub3A = arith.subf %log1p3A, %log1p3A_26 : vector<1000x1xf32>
    %mul3A_27 = arith.constant 5.000000e-01 : f32
    %mul3A_28 = vector.broadcast %mul3A_27 : f32 to vector<1000x1xf32>
    %mul3A_29 = arith.mulf %mul3A_28, %sub3A : vector<1000x1xf32>
    %mul3A_30 = arith.mulf %div3A, %mul3A_29 : vector<1000x1xf32>
    %tanh3A = math.tanh %mul3A_30 : vector<1000x1xf32>
    %mul3A_31 = vector.broadcast %tanh3A : vector<1000x1xf32> to vector<1000x128xf32>
    %mul3A_32 = arith.mulf %mul3A_31, %dot_general3A_8 : vector<1000x128xf32>
    %div3A_33 = vector.broadcast %max3A_19 : vector<1000x1xf32> to vector<1000x128xf32>
    %div3A_34 = arith.divf %mul3A_32, %div3A_33 : vector<1000x128xf32>
    %mul3A_35 = arith.mulf %div3A_34, %div3A_34 : vector<1000x128xf32>
    %reduce_sum3A_36 = arith.constant dense<0.000000e+00> : vector<1000xf32>
    %reduce_sum3A_37 = vector.multi_reduction <add>, %mul3A_35, %reduce_sum3A_36 [1] : vector<1000x128xf32> to vector<1000xf32>
    %broadcast_in_dim3A_38 = vector.shape_cast %reduce_sum3A_37 : vector<1000xf32> to vector<1000x1xf32>
    %sqrt3A_39 = math.sqrt %broadcast_in_dim3A_38 : vector<1000x1xf32>
    %max3A_40 = arith.constant 1.000000e-15 : f32
    %max3A_41 = vector.broadcast %max3A_40 : f32 to vector<1000x1xf32>
    %max3A_42 = arith.maximumf %sqrt3A_39, %max3A_41 : vector<1000x1xf32>
    %gt3A = arith.constant 0.999989986 : f32
    %gt3A_43 = vector.broadcast %gt3A : f32 to vector<1000x1xf32>
    %gt3A_44 = arith.cmpf ogt, %max3A_42, %gt3A_43 : vector<1000x1xf32>
    %div3A_45 = vector.broadcast %max3A_42 : vector<1000x1xf32> to vector<1000x128xf32>
    %div3A_46 = arith.divf %div3A_34, %div3A_45 : vector<1000x128xf32>
    %mul3A_47 = arith.constant 0.999989986 : f32
    %mul3A_48 = vector.broadcast %mul3A_47 : f32 to vector<1000x128xf32>
    %mul3A_49 = arith.mulf %div3A_46, %mul3A_48 : vector<1000x128xf32>
    %broadcast_in_dim3A_50 = vector.shape_cast %gt3A_44 : vector<1000x1xi1> to vector<1000x1xi1>
    %broadcast_in_dim3A_51 = vector.broadcast %broadcast_in_dim3A_50 : vector<1000x1xi1> to vector<1000x128xi1>
    %select_n3A = arith.select %broadcast_in_dim3A_51, %mul3A_49, %div3A_34 : vector<1000x128xi1>, vector<1000x128xf32>
    %mul3A_52 = arith.mulf %get3A_7, %get3A_7 : vector<1x128xf32>
    %reduce_sum3A_53 = arith.constant dense<0.000000e+00> : vector<1xf32>
    %reduce_sum3A_54 = vector.multi_reduction <add>, %mul3A_52, %reduce_sum3A_53 [1] : vector<1x128xf32> to vector<1xf32>
    %broadcast_in_dim3A_55 = vector.shape_cast %reduce_sum3A_54 : vector<1xf32> to vector<1x1xf32>
    %sqrt3A_56 = math.sqrt %broadcast_in_dim3A_55 : vector<1x1xf32>
    %max3A_57 = arith.constant 1.000000e-15 : f32
    %max3A_58 = vector.broadcast %max3A_57 : f32 to vector<1x1xf32>
    %max3A_59 = arith.maximumf %sqrt3A_56, %max3A_58 : vector<1x1xf32>
    %tanh3A_60 = math.tanh %max3A_59 : vector<1x1xf32>
    %mul3A_61 = vector.broadcast %tanh3A_60 : vector<1x1xf32> to vector<1x128xf32>
    %mul3A_62 = arith.mulf %mul3A_61, %get3A_7 : vector<1x128xf32>
    %div3A_63 = vector.broadcast %max3A_59 : vector<1x1xf32> to vector<1x128xf32>
    %div3A_64 = arith.divf %mul3A_62, %div3A_63 : vector<1x128xf32>
    %mul3A_65 = arith.mulf %div3A_64, %div3A_64 : vector<1x128xf32>
    %reduce_sum3A_66 = arith.constant dense<0.000000e+00> : vector<1xf32>
    %reduce_sum3A_67 = vector.multi_reduction <add>, %mul3A_65, %reduce_sum3A_66 [1] : vector<1x128xf32> to vector<1xf32>
    %broadcast_in_dim3A_68 = vector.shape_cast %reduce_sum3A_67 : vector<1xf32> to vector<1x1xf32>
    %sqrt3A_69 = math.sqrt %broadcast_in_dim3A_68 : vector<1x1xf32>
    %max3A_70 = arith.constant 1.000000e-15 : f32
    %max3A_71 = vector.broadcast %max3A_70 : f32 to vector<1x1xf32>
    %max3A_72 = arith.maximumf %sqrt3A_69, %max3A_71 : vector<1x1xf32>
    %gt3A_73 = arith.constant 0.999989986 : f32
    %gt3A_74 = vector.broadcast %gt3A_73 : f32 to vector<1x1xf32>
    %gt3A_75 = arith.cmpf ogt, %max3A_72, %gt3A_74 : vector<1x1xf32>
    %div3A_76 = vector.broadcast %max3A_72 : vector<1x1xf32> to vector<1x128xf32>
    %div3A_77 = arith.divf %div3A_64, %div3A_76 : vector<1x128xf32>
    %mul3A_78 = arith.constant 0.999989986 : f32
    %mul3A_79 = vector.broadcast %mul3A_78 : f32 to vector<1x128xf32>
    %mul3A_80 = arith.mulf %div3A_77, %mul3A_79 : vector<1x128xf32>
    %broadcast_in_dim3A_81 = vector.shape_cast %gt3A_75 : vector<1x1xi1> to vector<1x1xi1>
    %broadcast_in_dim3A_82 = vector.broadcast %broadcast_in_dim3A_81 : vector<1x1xi1> to vector<1x128xi1>
    %select_n3A_83 = arith.select %broadcast_in_dim3A_82, %mul3A_80, %div3A_64 : vector<1x128xi1>, vector<1x128xf32>
    %mul3A_84 = arith.mulf %select_n3A, %select_n3A : vector<1000x128xf32>
    %reduce_sum3A_85 = arith.constant dense<0.000000e+00> : vector<1000xf32>
    %reduce_sum3A_86 = vector.multi_reduction <add>, %mul3A_84, %reduce_sum3A_85 [1] : vector<1000x128xf32> to vector<1000xf32>
    %broadcast_in_dim3A_87 = vector.shape_cast %reduce_sum3A_86 : vector<1000xf32> to vector<1000x1xf32>
    %mul3A_88 = arith.mulf %select_n3A_83, %select_n3A_83 : vector<1x128xf32>
    %reduce_sum3A_89 = arith.constant dense<0.000000e+00> : vector<1xf32>
    %reduce_sum3A_90 = vector.multi_reduction <add>, %mul3A_88, %reduce_sum3A_89 [1] : vector<1x128xf32> to vector<1xf32>
    %broadcast_in_dim3A_91 = vector.shape_cast %reduce_sum3A_90 : vector<1xf32> to vector<1x1xf32>
    %mul3A_92 = vector.broadcast %select_n3A_83 : vector<1x128xf32> to vector<1000x128xf32>
    %mul3A_93 = arith.mulf %select_n3A, %mul3A_92 : vector<1000x128xf32>
    %reduce_sum3A_94 = arith.constant dense<0.000000e+00> : vector<1000xf32>
    %reduce_sum3A_95 = vector.multi_reduction <add>, %mul3A_93, %reduce_sum3A_94 [1] : vector<1000x128xf32> to vector<1000xf32>
    %broadcast_in_dim3A_96 = vector.shape_cast %reduce_sum3A_95 : vector<1000xf32> to vector<1000x1xf32>
    %mul3A_97 = arith.constant 2.000000e+00 : f32
    %mul3A_98 = vector.broadcast %mul3A_97 : f32 to vector<1000x1xf32>
    %mul3A_99 = arith.mulf %mul3A_98, %broadcast_in_dim3A_96 : vector<1000x1xf32>
    %add3A = arith.constant 1.000000e+00 : f32
    %add3A_100 = vector.broadcast %add3A : f32 to vector<1000x1xf32>
    %add3A_101 = arith.addf %add3A_100, %mul3A_99 : vector<1000x1xf32>
    %add3A_102 = vector.broadcast %broadcast_in_dim3A_91 : vector<1x1xf32> to vector<1000x1xf32>
    %add3A_103 = arith.addf %add3A_101, %add3A_102 : vector<1000x1xf32>
    %mul3A_104 = vector.broadcast %add3A_103 : vector<1000x1xf32> to vector<1000x128xf32>
    %mul3A_105 = arith.mulf %mul3A_104, %select_n3A : vector<1000x128xf32>
    %sub3A_106 = arith.constant 1.000000e+00 : f32
    %sub3A_107 = vector.broadcast %sub3A_106 : f32 to vector<1000x1xf32>
    %sub3A_108 = arith.subf %sub3A_107, %broadcast_in_dim3A_87 : vector<1000x1xf32>
    %mul3A_109 = vector.broadcast %sub3A_108 : vector<1000x1xf32> to vector<1000x128xf32>
    %mul3A_110 = vector.broadcast %select_n3A_83 : vector<1x128xf32> to vector<1000x128xf32>
    %mul3A_111 = arith.mulf %mul3A_109, %mul3A_110 : vector<1000x128xf32>
    %add3A_112 = arith.addf %mul3A_105, %mul3A_111 : vector<1000x128xf32>
    %mul3A_113 = arith.constant 2.000000e+00 : f32
    %mul3A_114 = vector.broadcast %mul3A_113 : f32 to vector<1000x1xf32>
    %mul3A_115 = arith.mulf %mul3A_114, %broadcast_in_dim3A_96 : vector<1000x1xf32>
    %add3A_116 = arith.constant 1.000000e+00 : f32
    %add3A_117 = vector.broadcast %add3A_116 : f32 to vector<1000x1xf32>
    %add3A_118 = arith.addf %add3A_117, %mul3A_115 : vector<1000x1xf32>
    %mul3A_119 = vector.broadcast %broadcast_in_dim3A_91 : vector<1x1xf32> to vector<1000x1xf32>
    %mul3A_120 = arith.mulf %broadcast_in_dim3A_87, %mul3A_119 : vector<1000x1xf32>
    %add3A_121 = arith.addf %add3A_118, %mul3A_120 : vector<1000x1xf32>
    %max3A_122 = arith.constant 1.000000e-15 : f32
    %max3A_123 = vector.broadcast %max3A_122 : f32 to vector<1000x1xf32>
    %max3A_124 = arith.maximumf %add3A_121, %max3A_123 : vector<1000x1xf32>
    %div3A_125 = vector.broadcast %max3A_124 : vector<1000x1xf32> to vector<1000x128xf32>
    %div3A_126 = arith.divf %add3A_112, %div3A_125 : vector<1000x128xf32>
    %mul3A_127 = arith.mulf %div3A_126, %div3A_126 : vector<1000x128xf32>
    %reduce_sum3A_128 = arith.constant dense<0.000000e+00> : vector<1000xf32>
    %reduce_sum3A_129 = vector.multi_reduction <add>, %mul3A_127, %reduce_sum3A_128 [1] : vector<1000x128xf32> to vector<1000xf32>
    %broadcast_in_dim3A_130 = vector.shape_cast %reduce_sum3A_129 : vector<1000xf32> to vector<1000x1xf32>
    %sqrt3A_131 = math.sqrt %broadcast_in_dim3A_130 : vector<1000x1xf32>
    %max3A_132 = arith.constant 1.000000e-15 : f32
    %max3A_133 = vector.broadcast %max3A_132 : f32 to vector<1000x1xf32>
    %max3A_134 = arith.maximumf %sqrt3A_131, %max3A_133 : vector<1000x1xf32>
    %gt3A_135 = arith.constant 0.999989986 : f32
    %gt3A_136 = vector.broadcast %gt3A_135 : f32 to vector<1000x1xf32>
    %gt3A_137 = arith.cmpf ogt, %max3A_134, %gt3A_136 : vector<1000x1xf32>
    %div3A_138 = vector.broadcast %max3A_134 : vector<1000x1xf32> to vector<1000x128xf32>
    %div3A_139 = arith.divf %div3A_126, %div3A_138 : vector<1000x128xf32>
    %mul3A_140 = arith.constant 0.999989986 : f32
    %mul3A_141 = vector.broadcast %mul3A_140 : f32 to vector<1000x128xf32>
    %mul3A_142 = arith.mulf %div3A_139, %mul3A_141 : vector<1000x128xf32>
    %broadcast_in_dim3A_143 = vector.shape_cast %gt3A_137 : vector<1000x1xi1> to vector<1000x1xi1>
    %broadcast_in_dim3A_144 = vector.broadcast %broadcast_in_dim3A_143 : vector<1000x1xi1> to vector<1000x128xi1>
    %select_n3A_145 = arith.select %broadcast_in_dim3A_144, %mul3A_142, %div3A_126 : vector<1000x128xi1>, vector<1000x128xf32>
    %mul3A_146 = arith.mulf %select_n3A_145, %select_n3A_145 : vector<1000x128xf32>
    %reduce_sum3A_147 = arith.constant dense<0.000000e+00> : vector<1000xf32>
    %reduce_sum3A_148 = vector.multi_reduction <add>, %mul3A_146, %reduce_sum3A_147 [1] : vector<1000x128xf32> to vector<1000xf32>
    %broadcast_in_dim3A_149 = vector.shape_cast %reduce_sum3A_148 : vector<1000xf32> to vector<1000x1xf32>
    %sqrt3A_150 = math.sqrt %broadcast_in_dim3A_149 : vector<1000x1xf32>
    %max3A_151 = arith.constant 1.000000e-15 : f32
    %max3A_152 = vector.broadcast %max3A_151 : f32 to vector<1000x1xf32>
    %max3A_153 = arith.maximumf %sqrt3A_150, %max3A_152 : vector<1000x1xf32>
    %div3A_154 = vector.broadcast %max3A_153 : vector<1000x1xf32> to vector<1000x128xf32>
    %div3A_155 = arith.divf %select_n3A_145, %div3A_154 : vector<1000x128xf32>
    %jit3A_156 = arith.constant -0.99999988 : f32
    %jit3A_157 = arith.constant 0.99999988 : f32
    %max3A_158 = vector.broadcast %jit3A_156 : f32 to vector<1000x1xf32>
    %max3A_159 = arith.maximumf %max3A_158, %max3A_153 : vector<1000x1xf32>
    %min3A_160 = vector.broadcast %jit3A_157 : f32 to vector<1000x1xf32>
    %min3A_161 = arith.minimumf %min3A_160, %max3A_159 : vector<1000x1xf32>
    %log1p3A_162 = math.log1p %min3A_161 : vector<1000x1xf32>
    %neg3A_163 = arith.constant 0.000000e+00 : f32
    %neg3A_164 = vector.broadcast %neg3A_163 : f32 to vector<1000x1xf32>
    %neg3A_165 = arith.subf %neg3A_164, %min3A_161 : vector<1000x1xf32>
    %log1p3A_166 = math.log1p %neg3A_165 : vector<1000x1xf32>
    %sub3A_167 = arith.subf %log1p3A_162, %log1p3A_166 : vector<1000x1xf32>
    %mul3A_168 = arith.constant 5.000000e-01 : f32
    %mul3A_169 = vector.broadcast %mul3A_168 : f32 to vector<1000x1xf32>
    %mul3A_170 = arith.mulf %mul3A_169, %sub3A_167 : vector<1000x1xf32>
    %mul3A_171 = vector.broadcast %mul3A_170 : vector<1000x1xf32> to vector<1000x128xf32>
    %mul3A_172 = arith.mulf %div3A_155, %mul3A_171 : vector<1000x128xf32>
    %swap3A = arith.constant 0 : index
    %swap3A_173 = arith.constant 0 : index
    %swap3A_174 = vector.load %arg4[%swap3A, %swap3A_173] : memref<1000x128xf32, #tpu.memory_space<vmem>>, vector<1000x128xf32>
    tpu.vector_store %arg4[%swap3A, %swap3A_173], %mul3A_172 {strides = array<i32>} : memref<1000x128xf32, #tpu.memory_space<vmem>>, vector<1000x128xf32>,
    return
  }
  func.func @transform_0(%arg0: i32) -> (i32, i32) {
    %c0_i32 = arith.constant 0 : i32
    %c0_i32_0 = arith.constant 0 : i32
    return %arg0, %c0_i32 : i32, i32
  }
  func.func @transform_1(%arg0: i32) -> (i32, i32) {
    %c0_i32 = arith.constant 0 : i32
    %c0_i32_0 = arith.constant 0 : i32
    %c0_i32_1 = arith.constant 0 : i32
    return %c0_i32, %c0_i32_0 : i32, i32
  }
  func.func @transform_2(%arg0: i32) -> (i32, i32) {
    %c0_i32 = arith.constant 0 : i32
    %c0_i32_0 = arith.constant 0 : i32
    %c0_i32_1 = arith.constant 0 : i32
    return %c0_i32, %c0_i32_0 : i32, i32
  }
  func.func @transform_3(%arg0: i32) -> (i32, i32) {
    %c0_i32 = arith.constant 0 : i32
    %c0_i32_0 = arith.constant 0 : i32
    return %arg0, %c0_i32 : i32, i32
  }
}

module attributes {stable_mosaic.version = 14 : i64} {
  func.func @_epilogue_body(%arg0: i32, %arg1: memref<1000x128xf32, #tpu.memory_space<vmem>>, %arg2: memref<1000x128xf32, #tpu.memory_space<vmem>>, %arg3: memref<1000x128xf32, #tpu.memory_space<vmem>>) attributes {dimension_semantics = [#tpu.dimension_semantics<arbitrary>], iteration_bounds = array<i64: 10>, scalar_prefetch = 0 : i64, scratch_operands = 0 : i64, tpu.core_type = #tpu.core_type<tc>, window_params = [{transform_indices = @transform_0, window_bounds = array<i64: 1000, 128>}, {transform_indices = @transform_1, window_bounds = array<i64: 1000, 128>}, {transform_indices = @transform_2, window_bounds = array<i64: 1000, 128>}]} {
    %get3A = arith.constant 0 : index
    %get3A_0 = arith.constant 0 : index
    %get3A_1 = vector.load %arg1[%get3A, %get3A_0] : memref<1000x128xf32, #tpu.memory_space<vmem>>, vector<1000x128xf32>
    %get3A_2 = arith.constant 0 : index
    %get3A_3 = arith.constant 0 : index
    %get3A_4 = vector.load %arg2[%get3A_2, %get3A_3] : memref<1000x128xf32, #tpu.memory_space<vmem>>, vector<1000x128xf32>
    %add3A = arith.addf %get3A_1, %get3A_4 : vector<1000x128xf32>
    %mul3A = arith.mulf %add3A, %add3A : vector<1000x128xf32>
    %reduce_sum3A = arith.constant dense<0.000000e+00> : vector<1000xf32>
    %reduce_sum3A_5 = vector.multi_reduction <add>, %mul3A, %reduce_sum3A [1] : vector<1000x128xf32> to vector<1000xf32>
    %broadcast_in_dim3A = vector.shape_cast %reduce_sum3A_5 : vector<1000xf32> to vector<1000x1xf32>
    %sqrt3A = math.sqrt %broadcast_in_dim3A : vector<1000x1xf32>
    %max3A = arith.constant 1.000000e-15 : f32
    %max3A_6 = vector.broadcast %max3A : f32 to vector<1000x1xf32>
    %max3A_7 = arith.maximumf %sqrt3A, %max3A_6 : vector<1000x1xf32>
    %tanh3A = math.tanh %max3A_7 : vector<1000x1xf32>
    %mul3A_8 = vector.broadcast %tanh3A : vector<1000x1xf32> to vector<1000x128xf32>
    %mul3A_9 = arith.mulf %mul3A_8, %add3A : vector<1000x128xf32>
    %div3A = vector.broadcast %max3A_7 : vector<1000x1xf32> to vector<1000x128xf32>
    %div3A_10 = arith.divf %mul3A_9, %div3A : vector<1000x128xf32>
    %mul3A_11 = arith.mulf %div3A_10, %div3A_10 : vector<1000x128xf32>
    %reduce_sum3A_12 = arith.constant dense<0.000000e+00> : vector<1000xf32>
    %reduce_sum3A_13 = vector.multi_reduction <add>, %mul3A_11, %reduce_sum3A_12 [1] : vector<1000x128xf32> to vector<1000xf32>
    %broadcast_in_dim3A_14 = vector.shape_cast %reduce_sum3A_13 : vector<1000xf32> to vector<1000x1xf32>
    %sqrt3A_15 = math.sqrt %broadcast_in_dim3A_14 : vector<1000x1xf32>
    %max3A_16 = arith.constant 1.000000e-15 : f32
    %max3A_17 = vector.broadcast %max3A_16 : f32 to vector<1000x1xf32>
    %max3A_18 = arith.maximumf %sqrt3A_15, %max3A_17 : vector<1000x1xf32>
    %gt3A = arith.constant 0.999989986 : f32
    %gt3A_19 = vector.broadcast %gt3A : f32 to vector<1000x1xf32>
    %gt3A_20 = arith.cmpf ogt, %max3A_18, %gt3A_19 : vector<1000x1xf32>
    %div3A_21 = vector.broadcast %max3A_18 : vector<1000x1xf32> to vector<1000x128xf32>
    %div3A_22 = arith.divf %div3A_10, %div3A_21 : vector<1000x128xf32>
    %mul3A_23 = arith.constant 0.999989986 : f32
    %mul3A_24 = vector.broadcast %mul3A_23 : f32 to vector<1000x128xf32>
    %mul3A_25 = arith.mulf %div3A_22, %mul3A_24 : vector<1000x128xf32>
    %broadcast_in_dim3A_26 = vector.shape_cast %gt3A_20 : vector<1000x1xi1> to vector<1000x1xi1>
    %broadcast_in_dim3A_27 = vector.broadcast %broadcast_in_dim3A_26 : vector<1000x1xi1> to vector<1000x128xi1>
    %select_n3A = arith.select %broadcast_in_dim3A_27, %mul3A_25, %div3A_10 : vector<1000x128xi1>, vector<1000x128xf32>
    %mul3A_28 = arith.mulf %select_n3A, %select_n3A : vector<1000x128xf32>
    %reduce_sum3A_29 = arith.constant dense<0.000000e+00> : vector<1000xf32>
    %reduce_sum3A_30 = vector.multi_reduction <add>, %mul3A_28, %reduce_sum3A_29 [1] : vector<1000x128xf32> to vector<1000xf32>
    %broadcast_in_dim3A_31 = vector.shape_cast %reduce_sum3A_30 : vector<1000xf32> to vector<1000x1xf32>
    %sqrt3A_32 = math.sqrt %broadcast_in_dim3A_31 : vector<1000x1xf32>
    %max3A_33 = arith.constant 1.000000e-15 : f32
    %max3A_34 = vector.broadcast %max3A_33 : f32 to vector<1000x1xf32>
    %max3A_35 = arith.maximumf %sqrt3A_32, %max3A_34 : vector<1000x1xf32>
    %div3A_36 = vector.broadcast %max3A_35 : vector<1000x1xf32> to vector<1000x128xf32>
    %div3A_37 = arith.divf %select_n3A, %div3A_36 : vector<1000x128xf32>
    %jit3A = arith.constant -0.99999988 : f32
    %jit3A_38 = arith.constant 0.99999988 : f32
    %max3A_39 = vector.broadcast %jit3A : f32 to vector<1000x1xf32>
    %max3A_40 = arith.maximumf %max3A_39, %max3A_35 : vector<1000x1xf32>
    %min3A = vector.broadcast %jit3A_38 : f32 to vector<1000x1xf32>
    %min3A_41 = arith.minimumf %min3A, %max3A_40 : vector<1000x1xf32>
    %log1p3A = math.log1p %min3A_41 : vector<1000x1xf32>
    %neg3A = arith.constant 0.000000e+00 : f32
    %neg3A_42 = vector.broadcast %neg3A : f32 to vector<1000x1xf32>
    %neg3A_43 = arith.subf %neg3A_42, %min3A_41 : vector<1000x1xf32>
    %log1p3A_44 = math.log1p %neg3A_43 : vector<1000x1xf32>
    %sub3A = arith.subf %log1p3A, %log1p3A_44 : vector<1000x1xf32>
    %mul3A_45 = arith.constant 5.000000e-01 : f32
    %mul3A_46 = vector.broadcast %mul3A_45 : f32 to vector<1000x1xf32>
    %mul3A_47 = arith.mulf %mul3A_46, %sub3A : vector<1000x1xf32>
    %mul3A_48 = vector.broadcast %mul3A_47 : vector<1000x1xf32> to vector<1000x128xf32>
    %mul3A_49 = arith.mulf %div3A_37, %mul3A_48 : vector<1000x128xf32>
    %max3A_50 = arith.constant 0.000000e+00 : f32
    %max3A_51 = vector.broadcast %max3A_50 : f32 to vector<1000x128xf32>
    %max3A_52 = arith.maximumf %mul3A_49, %max3A_51 : vector<1000x128xf32>
    %mul3A_53 = arith.mulf %max3A_52, %max3A_52 : vector<1000x128xf32>
    %reduce_sum3A_54 = arith.constant dense<0.000000e+00> : vector<1000xf32>
    %reduce_sum3A_55 = vector.multi_reduction <add>, %mul3A_53, %reduce_sum3A_54 [1] : vector<1000x128xf32> to vector<1000xf32>
    %broadcast_in_dim3A_56 = vector.shape_cast %reduce_sum3A_55 : vector<1000xf32> to vector<1000x1xf32>
    %sqrt3A_57 = math.sqrt %broadcast_in_dim3A_56 : vector<1000x1xf32>
    %max3A_58 = arith.constant 1.000000e-15 : f32
    %max3A_59 = vector.broadcast %max3A_58 : f32 to vector<1000x1xf32>
    %max3A_60 = arith.maximumf %sqrt3A_57, %max3A_59 : vector<1000x1xf32>
    %tanh3A_61 = math.tanh %max3A_60 : vector<1000x1xf32>
    %mul3A_62 = vector.broadcast %tanh3A_61 : vector<1000x1xf32> to vector<1000x128xf32>
    %mul3A_63 = arith.mulf %mul3A_62, %max3A_52 : vector<1000x128xf32>
    %div3A_64 = vector.broadcast %max3A_60 : vector<1000x1xf32> to vector<1000x128xf32>
    %div3A_65 = arith.divf %mul3A_63, %div3A_64 : vector<1000x128xf32>
    %mul3A_66 = arith.mulf %div3A_65, %div3A_65 : vector<1000x128xf32>
    %reduce_sum3A_67 = arith.constant dense<0.000000e+00> : vector<1000xf32>
    %reduce_sum3A_68 = vector.multi_reduction <add>, %mul3A_66, %reduce_sum3A_67 [1] : vector<1000x128xf32> to vector<1000xf32>
    %broadcast_in_dim3A_69 = vector.shape_cast %reduce_sum3A_68 : vector<1000xf32> to vector<1000x1xf32>
    %sqrt3A_70 = math.sqrt %broadcast_in_dim3A_69 : vector<1000x1xf32>
    %max3A_71 = arith.constant 1.000000e-15 : f32
    %max3A_72 = vector.broadcast %max3A_71 : f32 to vector<1000x1xf32>
    %max3A_73 = arith.maximumf %sqrt3A_70, %max3A_72 : vector<1000x1xf32>
    %gt3A_74 = arith.constant 0.999989986 : f32
    %gt3A_75 = vector.broadcast %gt3A_74 : f32 to vector<1000x1xf32>
    %gt3A_76 = arith.cmpf ogt, %max3A_73, %gt3A_75 : vector<1000x1xf32>
    %div3A_77 = vector.broadcast %max3A_73 : vector<1000x1xf32> to vector<1000x128xf32>
    %div3A_78 = arith.divf %div3A_65, %div3A_77 : vector<1000x128xf32>
    %mul3A_79 = arith.constant 0.999989986 : f32
    %mul3A_80 = vector.broadcast %mul3A_79 : f32 to vector<1000x128xf32>
    %mul3A_81 = arith.mulf %div3A_78, %mul3A_80 : vector<1000x128xf32>
    %broadcast_in_dim3A_82 = vector.shape_cast %gt3A_76 : vector<1000x1xi1> to vector<1000x1xi1>
    %broadcast_in_dim3A_83 = vector.broadcast %broadcast_in_dim3A_82 : vector<1000x1xi1> to vector<1000x128xi1>
    %select_n3A_84 = arith.select %broadcast_in_dim3A_83, %mul3A_81, %div3A_65 : vector<1000x128xi1>, vector<1000x128xf32>
    %swap3A = arith.constant 0 : index
    %swap3A_85 = arith.constant 0 : index
    %swap3A_86 = vector.load %arg3[%swap3A, %swap3A_85] : memref<1000x128xf32, #tpu.memory_space<vmem>>, vector<1000x128xf32>
    tpu.vector_store %arg3[%swap3A, %swap3A_85], %select_n3A_84 {strides = array<i32>} : memref<1000x128xf32, #tpu.memory_space<vmem>>, vector<1000x128xf32>,
    return
  }
  func.func @transform_0(%arg0: i32) -> (i32, i32) {
    %c0_i32 = arith.constant 0 : i32
    %c0_i32_0 = arith.constant 0 : i32
    return %arg0, %c0_i32 : i32, i32
  }
  func.func @transform_1(%arg0: i32) -> (i32, i32) {
    %c0_i32 = arith.constant 0 : i32
    %c0_i32_0 = arith.constant 0 : i32
    return %arg0, %c0_i32 : i32, i32
  }
  func.func @transform_2(%arg0: i32) -> (i32, i32) {
    %c0_i32 = arith.constant 0 : i32
    %c0_i32_0 = arith.constant 0 : i32
    return %arg0, %c0_i32 : i32, i32
  }
}

</mosaic_0001>

<sc_bundles>
// kernel: kernel.5.cloned.1.call-start
scs
__scs_entry_jumppad:
0x0: {  	(pc) =	sbr.rel $0x88, $3  }
0x1: {  	(tag) =	ssettag $0x0;
	lr =	simm.s32 $0x1  }
0x2: {  	[smem:$0x3F9C] =	sst lr;
	_ =	strace $0xD0000000  }
0x3: {  	_ = 	snop  }
0x4: {  	_ = 	snop  }
0x5: {  	_ = 	snop  }
0x6: {  	_ = 	snop  }
0x7: {  	_ = 	snop  }
__scs_overlays_trampoline_lowered:
0x8: {  	[smem:$0x3FAB] =	sst s0  }
0x9: {  	[smem:$0x3FAC] =	sst s1  }
0xa: {  	[smem:$0x3FAD] =	sst s2  }
0xb: {  	[smem:$0x3FAE] =	sst s3  }
0xc: {  	[smem:$0x3FAF] =	sst s4  }
0xd: {  	[smem:$0x3FB0] =	sst s5  }
0xe: {  	[smem:$0x3FB1] =	sst s6  }
0xf: {  	[smem:$0x3FB2] =	sst s7  }
0x10: {  	[smem:$0x3FB3] =	sst s8  }
0x11: {  	[smem:$0x3FB4] =	sst s9;
	s0 =	simm.s32 @!p0 $0x0  }
0x12: {  	s1 =	sld [smem:$0x3F9A];
	s0 =	simm.s32 @p0 $0x1  }
0x13: {  	[smem:$0x3FB5] =	sst s0;
	s0 =	simm.s32 @!p1 $0x0  }
0x14: {  	s2 =	sld [smem:$0x3F99];
	s0 =	simm.s32 @p1 $0x1  }
0x15: {  	[smem:$0x3FB6] =	sst s0;
	s0 =	simm.s32 @!p2 $0x0  }
0x16: {  	s3 =	sld [smem:$0x3FDB];
	s0 =	simm.s32 @p2 $0x1  }
0x17: {  	s4 =	simm.s32 $0x1BF5;
	[smem:$0x3FB8] =	sst s0  }
0x18: {  	s0 =	sld [smem:$0x3F9B];
	_ =	swait.ge [sflag:s4], $0x0  }
0x19: {  	s7 =	sld [smem:$0x3F9C]  }
0x1a: {  	s8 =	sadd.s32 $0xFFFFE003, lr  }
0x1b: {  	s9 =	sadd.s32 $0xFFFFFEF7, lr;
	s5 =	simm.s32 $0xFFFFFFFF;
	p2 =	slt.u32 s8, $0xFFFFF086  }
0x1c: {  	p1 =	slt.u32 s9, $0xF7A;
	s5 =	simm.s32 @!p2 $0x0  }
0x1d: {  	s5 =	simm.s32 @p1 $0x1;
	p0 =	seq.s32 s7, s2  }
0x1e: {  	s7 =	smul.u32 @!p0 $0xF7A, s2;
	p2 =	seq.s32 @!p0 s5, $0x0  }
0x1f: {  	s9 =	smul.u32 $0xF7A, s1;
	s8 =	simm.s32 @!p0 $0x1BF5;
	p2 =	por !p2, p0  }
0x20: {  	[sflag:s8] =	ssyncset.s32 @!p0 $0xFFFFF086;
	s6 =	sadd.s32 @!p0 s3, s7;
	s7 =	simm.s32 @!p0 $0x108  }
0x21: {  	s3 =	sadd.s32 s3, s9;
	s6 =	sadd.s32 @!p0 $0x88, s6;
	s7 =	simm.s32 @p2 $0x1082  }
0x22: {  	[simem:s7], [sflag:s8] =	dma.local @!p0 [hbm:s6], $0xF7A  }
0x23: {  	s9 =	sor.u32 $0xD0000000, s2;
	s6 =	simm.s32 $0x108;
	_ =	swait.ge @!p0 [sflag:s8], $0x0  }
0x24: {  	s3 =	sadd.s32 $0x88, s3;
	s6 =	simm.s32 @!p1 $0x1082;
	[sflag:s4] =	ssyncset.s32 $0xFFFFF086  }
0x25: {  	[simem:s6], [sflag:s4] =	dma.local [hbm:s3], $0xF7A  }
0x26: {  	[smem:$0x3F9C] =	sst s1;
	(tag) =	ssettag s2;
	_ =	strace s9  }
0x27: {  	s1 =	sld [smem:$0x3FAC]  }
0x28: {  	s2 =	sld [smem:$0x3FAD]  }
0x29: {  	s4 =	sld [smem:$0x3FAF]  }
0x2a: {  	p0 =	seq.s32 s5, $0x0;
	s5 =	sld [smem:$0x3FB0]  }
0x2b: {  	s6 =	sld [smem:$0x3FB1]  }
0x2c: {  	s7 =	sld [smem:$0x3FB2]  }
0x2d: {  	s3 =	simm.s32 $0x108;
	s8 =	sld [smem:$0x3FB3]  }
0x2e: {  	s3 =	simm.s32 @!p0 $0x1082;
	s9 =	sld [smem:$0x3FB4]  }
0x2f: {  	lr =	sadd.s32 s0, s3;
	s0 =	sld [smem:$0x3FAB]  }
0x30: {  	s3 =	sld [smem:$0x3FAE]  }
0x31: {  	[smem:$0x3FB7] =	sst s10  }
0x32: {  	s10 =	sld [smem:$0x3FB5];
	_ =	sdelay $0x3  }
0x33: {  	p0 =	seq.s32 s10, $0x1;
	s10 =	sld [smem:$0x3FB7];
	_ =	sdelay $0x3  }
0x34: {  	[smem:$0x3FB7] =	sst s10  }
0x35: {  	s10 =	sld [smem:$0x3FB6];
	_ =	sdelay $0x3  }
0x36: {  	p1 =	seq.s32 s10, $0x1;
	s10 =	sld [smem:$0x3FB7];
	_ =	sdelay $0x3  }
0x37: {  	[smem:$0x3FB7] =	sst s10  }
0x38: {  	s10 =	sld [smem:$0x3FB8]  }
0x39: {  	_ = 	snop;
	(pc) =	sbr.ind lr, $3  }
0x3a: {  	_ = 	snop  }
0x3b: {  	_ = 	snop  }
0x3c: {  	p2 =	seq.s32 s10, $0x1;
	s10 =	sld [smem:$0x3FB7]  }
0x3d: {  	_ =	shalt  }
0x3e: {  	_ =	shalt  }
0x3f: {  	_ =	shalt  }
0x40: {  	_ =	shalt  }
0x41: {  	_ =	shalt  }
0x42: {  	_ =	shalt  }
0x43: {  	_ =	shalt  }
0x44: {  	_ =	shalt  }
0x45: {  	_ =	shalt  }
0x46: {  	_ =	shalt  }
0x47: {  	_ =	shalt  }
0x48: {  	_ =	shalt  }
0x49: {  	_ =	shalt  }
0x4a: {  	_ =	shalt  }
0x4b: {  	_ =	shalt  }
0x4c: {  	_ =	shalt  }
0x4d: {  	_ =	shalt  }
0x4e: {  	_ =	shalt  }
0x4f: {  	_ =	shalt  }
0x50: {  	_ =	shalt  }
0x51: {  	_ =	shalt  }
0x52: {  	_ =	shalt  }
0x53: {  	_ =	shalt  }
0x54: {  	_ =	shalt  }
0x55: {  	_ =	shalt  }
0x56: {  	_ =	shalt  }
0x57: {  	_ =	shalt  }
0x58: {  	_ =	shalt  }
0x59: {  	_ =	shalt  }
0x5a: {  	_ =	shalt  }
0x5b: {  	_ =	shalt  }
0x5c: {  	_ =	shalt  }
0x5d: {  	_ =	shalt  }
0x5e: {  	_ =	shalt  }
0x5f: {  	_ =	shalt  }
0x60: {  	_ =	shalt  }
0x61: {  	_ =	shalt  }
0x62: {  	_ =	shalt  }
0x63: {  	_ =	shalt  }
0x64: {  	_ =	shalt  }
0x65: {  	_ =	shalt  }
0x66: {  	_ =	shalt  }
0x67: {  	_ =	shalt  }
0x68: {  	_ =	shalt  }
0x69: {  	_ =	shalt  }
0x6a: {  	_ =	shalt  }
0x6b: {  	_ =	shalt  }
0x6c: {  	_ =	shalt  }
0x6d: {  	_ =	shalt  }
0x6e: {  	_ =	shalt  }
0x6f: {  	_ =	shalt  }
0x70: {  	_ =	shalt  }
0x71: {  	_ =	shalt  }
0x72: {  	_ =	shalt  }
0x73: {  	_ =	shalt  }
0x74: {  	_ =	shalt  }
0x75: {  	_ =	shalt  }
0x76: {  	_ =	shalt  }
0x77: {  	_ =	shalt  }
0x78: {  	_ =	shalt  }
0x79: {  	_ =	shalt  }
0x7a: {  	_ =	shalt  }
0x7b: {  	_ =	shalt  }
0x7c: {  	_ =	shalt  }
0x7d: {  	_ =	shalt  }
0x7e: {  	_ =	shalt  }
0x7f: {  	_ =	shalt  }
0x80: {  	_ =	shalt  }
0x81: {  	_ =	shalt  }
0x82: {  	_ =	shalt  }
0x83: {  	_ =	shalt  }
0x84: {  	_ =	shalt  }
0x85: {  	_ =	shalt  }
0x86: {  	_ =	shalt  }
0x87: {  	_ =	shalt  }
.Lfunc_end0:
.L_simem_size_0:
called_computation_lowered:
.L_overlay_start_0:
0x88: {  	s2 =	sld [smem:$0x3FD9]  }
0x89: {  	s3 =	sld [smem:$0x3FFE];
	_ =	sdelay $0x1  }
0x8a: {  	s1 =	srdreg.scid  }
0x8b: {  	s0 =	sand.u32 $0x1, s1  }
0x8c: {  	s17 =	sshll.u32 s0, $0xA;
	s2 =	sadd.s32 s3, s2  }
0x8d: {  	s2 =	sadd.s32 s2, s17  }
0x8e: {  	[smem:$0x3FC3] =	sst s2  }
0x8f: {  	_ = 	snop  }
0x90: {  	s2 =	sld [smem:$0x3FD0];
	(tm) =	ssettm $0x1  }
0x91: {  	s18 =	sld [smem:$0x3FFB];
	_ =	sdelay $0x3  }
0x92: {  	_ =	strace s18  }
0x93: {  	s3 =	sld [smem:$0x3FFC];
	_ =	sdelay $0x3  }
0x94: {  	_ =	strace s3  }
0x95: {  	s3 =	sld [smem:$0x3FFD];
	_ =	sdelay $0x3  }
0x96: {  	_ =	strace s3  }
0x97: {  	_ =	strace $0x8FFFFFFF  }
0x98: {  	s19 =	sld [smem:$0x3FDB];
	_ =	sdelay $0x1  }
0x99: {  	s4 =	simm.s32 $_scs_section_size  }
0x9a: {  	s5 =	simm.s32 $_size__tile_overlayer_lowered;
	s6 =	simm.s32 $_tile_overlayer_lowered  }
0x9b: {  	s22 =	simm.s32 $0x1BFF;
	s21 =	sshll.u32 s6, $0x1;
	s3 =	sadd.s32 s4, s19  }
0x9c: {  	s7 =	simm.s32 $0x0;
	s20 =	sshll.u32 s5, $0x1;
	s5 =	sadd.s32 s21, s3  }
0x9d: {  	[timem:s7], [sflag:s22] =	dma.local [hbm:s5], s20  }
0x9e: {  	_ =	swait.ge [sflag:s22], s20  }
0x9f: {  	s4 =	ssub.s32 $0x0, s20;
	[sflag:s22] =	ssyncset.done $0x0  }
0xa0: {  	[sflag:s22] =	ssyncadd.s32 s4;
	_ =	sdelay $0x1  }
0xa1: {  	s23 =	simm.s32 $0x1B8B  }
0xa2: {  	_ =	swait.ge [sflag:s23], $0x1  }
0xa3: {  	[sflag:s23] =	ssyncset.done $0x0  }
0xa4: {  	s25 =	simm.s32 $0x1B8E;
	s24 =	sld [smem:$0x3FFE];
	[sflag:s23] =	ssyncadd.s32 $0xFFFFFFFF  }
0xa5: {  	s26 =	simm.s32 $execute0_lowered;
	[smem:$0x3FD2] =	sst s25  }
0xa6: {  	s5 =	sshll.u32 s26, $0x1;
	_ =	strace $0x80000046;
	[dreg:$0x1] =	wrdreg $0xFFFFFFFF  }
0xa7: {  	s28 =	simm.s32 $_size_execute0_lowered;
	s3 =	sadd.s32 s3, s5;
	[dreg:$0x0] =	wrdreg $0x0  }
0xa8: {  	s5 =	sshll.u32 s28, $0x1;
	[dreg:$0x2] =	wrdreg s3  }
0xa9: {  	[dreg:$0x3] =	wrdreg s5  }
0xaa: {  	[dreg:$0x4] =	wrdreg $0xC0  }
0xab: {  	_ =	task [dreg:s7], $0x5FFFF  }
0xac: {  	[dreg:$0x1] =	wrdreg $0xFFFFFFFF  }
0xad: {  	[dreg:$0x0] =	wrdreg $0x60  }
0xae: {  	[dreg:$0x2] =	wrdreg s2  }
0xaf: {  	[dreg:$0x3] =	wrdreg s24  }
0xb0: {  	[dreg:$0x4] =	wrdreg $0x98000  }
0xb1: {  	[dreg:$0x5] =	wrdreg $0x9  }
0xb2: {  	_ =	task.clear_ibuf [dreg:s7], $0x6FFFF;
	_ =	strace $0x90000046  }
0xb3: {  	s29 =	simm.s32 $0x9;
	_ =	strace $0x80000048  }
0xb4: {  	_ =	swait.ge [sflag:s29], $0x1  }
0xb5: {  	[sflag:s29] =	ssyncadd.s32 $0xFFFFFFFF  }
0xb6: {  	_ =	strace $0x90000048  }
0xb7: {  	_ =	sfence  }
0xb8: {  	s30 =	sld [smem:$0x0];
	_ =	sdelay $0x2  }
0xb9: {  	s31 =	sshll.u32 s1, $0xD;
	s1 =	sshrl.u32 s1, $0x2  }
0xba: {  	s3 =	sand.u32 $0x4000, s31;
	s1 =	sadd.s32 s1, s30  }
0xbb: {  	s0 =	sor.u32 s3, s0;
	s1 =	sshll.u32 s1, $0x11  }
0xbc: {  	s0 =	sor.u32 s1, s0  }
0xbd: {  	s0 =	sadd.s32 $0x8F2B, s0  }
0xbe: {  	[sflag:s0] =	ssyncadd.remote.s32 $0x1  }
0xbf: {  	_ =	sfence.sel $0xFFFF  }
0xc0: {  	[dreg:$0x0] =	wrdreg $0xFFFFFFFF;
	(pc) =	sbr.abs _section_cstart, $3  }
0xc1: {  	[dreg:$0x1] =	wrdreg $0xFFFFFFFF  }
0xc2: {  	_ =	task.clear_ibuf [dreg:s7], $0x2FFFF;
	_ =	strace $0x9FFFFFFF  }
0xc3: {  	(tm) =	ssettm $0x7FFFFFFF  }
tec
execute0_lowered:
.L_overlay_start_1:
0x0: {  	(tag) =	ssettag $0x1  }
0x1: {  	s3 =	srdreg.scid  }
0x2: {  	s3 =	sand.u32 $0x1, s3  }
0x3: {  	s9 =	stileid.u32;
	s6 =	sshll.u32 s3, $0x4  }
0x4: {  	s6 =	sor.u32 s9, s6  }
0x5: {  	s1 =	rddreg [dreg:$0x1];
	s0 =	simm.s32 $0x0;
	s11 =	smul.u32 $0x2800, s6  }
0x6: {  	[smem:$0x7FF] =	sst s0;
	s6 =	smul.u32 $0x500, s6  }
0x7: {  	s2 =	sadd.s32 $0x15000, s1;
	s4 =	sadd.s32 $0xB000, s1;
	s5 =	sadd.s32 $0x1000, s1  }
0x8: {  	s7 =	smul.u32 $0x4E000, s9;
	s1 =	sadd.s32 $0x1F000, s1;
	s14 =	sadd.s32 s2, s6  }
0x9: {  	s11 =	sshrl.u32 s11, $0x3;
	s15 =	sadd.s32 s4, s6;
	[dreg:$0x4] =	wrdreg s14  }
0xa: {  	s6 =	sadd.s32 s5, s6;
	s18 =	sadd.s32 $0x100, s11;
	[dreg:$0x5] =	wrdreg s15  }
0xb: {  	s8 =	ssub.s32 $0x2, s3;
	[dreg:$0x6] =	wrdreg s6;
	s19 =	sadd.s32 s2, s18  }
0xc: {  	s3 =	smul.u32 $0x138800, s3;
	s20 =	sadd.s32 s4, s18;
	[dreg:$0x7] =	wrdreg s19  }
0xd: {  	s22 =	sadd.s32 $0x200, s11;
	s21 =	sadd.s32 s5, s18;
	[dreg:$0x8] =	wrdreg s20  }
0xe: {  	s9 =	smul.u32 $0x13800, s9;
	s23 =	sadd.s32 s2, s22;
	[dreg:$0x9] =	wrdreg s21  }
0xf: {  	s10 =	sshrl.u32 s8, $0x1;
	s24 =	sadd.s32 s4, s22;
	[dreg:$0xa] =	wrdreg s23  }
0x10: {  	s25 =	sadd.s32 $0x300, s11;
	s6 =	sadd.s32 s5, s22;
	[dreg:$0xb] =	wrdreg s24  }
0x11: {  	s7 =	sshrl.u32 s7, $0x2;
	s26 =	sadd.s32 s2, s25;
	[dreg:$0xc] =	wrdreg s6  }
0x12: {  	s8 =	ssub.s32 s8, s10;
	s31 =	sadd.s32 s4, s25;
	[dreg:$0xd] =	wrdreg s26  }
0x13: {  	s16 =	sadd.s32 $0x400, s11;
	s15 =	sadd.s32 s5, s25;
	[dreg:$0xe] =	wrdreg s31  }
0x14: {  	s10 =	sadd.s32 $0x4000, s9;
	s2 =	sadd.s32 s2, s16;
	[dreg:$0xf] =	wrdreg s15  }
0x15: {  	s12 =	sadd.s32 $0x8000, s9;
	s17 =	sadd.s32 s4, s16;
	[dreg:$0x10] =	wrdreg s2  }
0x16: {  	s13 =	sadd.s32 $0xC000, s9;
	s18 =	sadd.s32 s5, s16;
	[dreg:$0x11] =	wrdreg s17  }
0x17: {  	s11 =	simm.s32 $0x1;
	s22 =	sadd.s32 s3, s10;
	[dreg:$0x12] =	wrdreg s18  }
0x18: {  	s19 =	sadd.s32 $0x10000, s9;
	s21 =	sadd.s32 s9, s3;
	s5 =	sshrl.u32 s22, $0x3  }
0x19: {  	s23 =	sadd.s32 s3, s12;
	s20 =	rddreg [dreg:$0x0];
	s26 =	sadd.s32 s3, s13  }
0x1a: {  	s22 =	rddreg [dreg:$0x2];
	s31 =	smax.u32 s8, $0x1;
	s2 =	simm.s32 $0x800  }
0x1b: {  	s6 =	simm.s32 $0x3800;
	s8 =	simm.s32 $0x5800;
	s9 =	simm.s32 $0xC0  }
0x1c: {  	s4 =	sshrl.u32 s21, $0x3;
	s24 =	sadd.s32 s1, s5;
	s25 =	sshrl.u32 s23, $0x3  }
0x1d: {  	s3 =	sadd.s32 s3, s19;
	s28 =	sadd.s32 s12, s22;
	s29 =	sadd.s32 s13, s22  }
0x1e: {  	s30 =	sadd.s32 s19, s22;
	s21 =	simm.s32 $0x1800;
	s5 =	simm.s32 $0x40  }
0x1f: {  	s12 =	simm.s32 $0x2;
	s4 =	sadd.s32 s1, s4;
	[dreg:$0x14] =	wrdreg s24  }
0x20: {  	s3 =	sshrl.u32 s3, $0x3;
	[dreg:$0x13] =	wrdreg s4;
	s4 =	sadd.s32 s1, s25  }
0x21: {  	s25 =	sadd.s32 s7, s22;
	[dreg:$0x15] =	wrdreg s4;
	s4 =	sshrl.u32 s26, $0x3  }
0x22: {  	s7 =	simm.s32 $0x80;
	s26 =	sadd.s32 s10, s22;
	s4 =	sadd.s32 s1, s4  }
0x23: {  	s10 =	simm.s32 $0x7800;
	s1 =	sadd.s32 s1, s3;
	[dreg:$0x16] =	wrdreg s4  }
0x24: {  	s3 =	simm.s32 $0x1000;
	[dreg:$0x17] =	wrdreg s1;
	s1 =	simm.s32 $0x4  }
0x25: {  	v0 =	vimm.f32 $0.0e+00;
	s4 =	simm.s32 $0x3;
	_ =	strace $0x80000047;
	[dreg:$0x18] =	wrdreg s31  }
.LBB2_1:
0x26: {  	s13 =	simm.s32 $0x0;
	s14 =	simm.s32 $0x200  }
.LBB2_2:
0x27: {  	p0 =	sne.s32 s14, $0xFE00;
	[tilespmem:s13+$0x1870] =	vst v0  }
0x28: {  	[tilespmem:s13+$0x1800] =	vst v0  }
0x29: {  	[tilespmem:s13+$0x1810] =	vst v0  }
.Ltmp0:
0x2a: {  	[tilespmem:s13+$0x1820] =	vst v0;
	(pc) =	sbr.rel @p0 .LBB2_2-.Ltmp0, $4  }
0x2b: {  	[tilespmem:s13+$0x1830] =	vst v0  }
0x2c: {  	[tilespmem:s13+$0x1840] =	vst v0  }
0x2d: {  	[tilespmem:s13+$0x1850] =	vst v0  }
0x2e: {  	[tilespmem:s13+$0x1860] =	vst v0;
	s13 =	sshra.s32 s14, $0x2;
	s14 =	sadd.s32 $0x200, s14  }
0x2f: {  	[tilespmem:s13+$0x1870] =	vst v0  }
0x30: {  	[tilespmem:s13+$0x1800] =	vst v0  }
0x31: {  	[tilespmem:s13+$0x1810] =	vst v0  }
0x32: {  	[tilespmem:s13+$0x1820] =	vst v0  }
0x33: {  	[tilespmem:s13+$0x1830] =	vst v0  }
0x34: {  	[tilespmem:s13+$0x1840] =	vst v0  }
0x35: {  	[tilespmem:s13+$0x1850] =	vst v0  }
0x36: {  	[tilespmem:s13+$0x1860] =	vst v0  }
0x37: {  	[spmem:s25] =	stream.linear.scatter [tilespmem:s21], [sflag:$0x4], $0x4000, $0x38;
	[tilespmem:$0x1D080] =	vst v63  }
0x38: {  	_ =	swait.ge [sflag:s1], $0x4000  }
0x39: {  	[sflag:s1] =	ssyncset.done $0x0  }
0x3a: {  	[sflag:s1] =	ssyncadd.s32 $0xFFFFC000  }
0x3b: {  	[spmem:s26] =	stream.linear.scatter [tilespmem:s21], [sflag:$0x4], $0x4000, $0x38;
	[tilespmem:$0x1D080] =	vst v63  }
0x3c: {  	_ =	swait.ge [sflag:s1], $0x4000  }
0x3d: {  	[sflag:s1] =	ssyncset.done $0x0  }
0x3e: {  	[sflag:s1] =	ssyncadd.s32 $0xFFFFC000  }
0x3f: {  	[spmem:s28] =	stream.linear.scatter [tilespmem:s21], [sflag:$0x4], $0x4000, $0x38;
	[tilespmem:$0x1D080] =	vst v63  }
0x40: {  	_ =	swait.ge [sflag:s1], $0x4000  }
0x41: {  	[sflag:s1] =	ssyncset.done $0x0  }
0x42: {  	[sflag:s1] =	ssyncadd.s32 $0xFFFFC000  }
0x43: {  	[spmem:s29] =	stream.linear.scatter [tilespmem:s21], [sflag:$0x4], $0x4000, $0x38;
	[tilespmem:$0x1D080] =	vst v63  }
0x44: {  	_ =	swait.ge [sflag:s1], $0x4000  }
0x45: {  	[sflag:s1] =	ssyncset.done $0x0  }
0x46: {  	[sflag:s1] =	ssyncadd.s32 $0xFFFFC000  }
0x47: {  	[spmem:s30] =	stream.linear.scatter [tilespmem:s21], [sflag:$0x4], $0x4000, $0x38;
	[tilespmem:$0x1D080] =	vst v63  }
0x48: {  	_ =	swait.ge [sflag:s1], $0x4000  }
0x49: {  	[sflag:s1] =	ssyncset.done $0x0  }
0x4a: {  	[sflag:s1] =	ssyncadd.s32 $0xFFFFC000  }
0x4b: {  	[bflag:$0x0] =	sbarrier.arrive $0xFFFF  }
0x4c: {  	s13 =	simm.s32 $0x0;
	s14 =	rddreg [dreg:$0x4]  }
0x4d: {  	[tilespmem:s13], [sflag:$0x3] =	stream.linear.gather [hbm4b:s14+s13], $0x800, $0x38;
	[tilespmem:$0x1D080] =	vst v63  }
0x4e: {  	s24 =	rddreg [dreg:$0x5]  }
0x4f: {  	[tilespmem:s2], [sflag:$0x3] =	stream.linear.gather [hbm4b:s24+s13], $0x800, $0x38;
	[tilespmem:$0x1D080] =	vst v63  }
0x50: {  	s31 =	rddreg [dreg:$0x6]  }
0x51: {  	[tilespmem:s3], [sflag:$0x3] =	stream.linear.gather [hbm4b:s31+s13], $0x800, $0x38;
	[tilespmem:$0x1D080] =	vst v63  }
0x52: {  	_ =	swait.ge [sflag:s4], $0x800  }
0x53: {  	[sflag:s4] =	ssyncset.done $0x0  }
0x54: {  	[sflag:s4] =	ssyncadd.s32 $0xFFFFF800  }
0x55: {  	_ =	swait.ge [sflag:s4], $0x800  }
0x56: {  	[sflag:s4] =	ssyncset.done $0x0  }
0x57: {  	[sflag:s4] =	ssyncadd.s32 $0xFFFFF800  }
0x58: {  	_ =	swait.ge [sflag:s4], $0x800  }
0x59: {  	[sflag:s4] =	ssyncset.done $0x0  }
0x5a: {  	[sflag:s4] =	ssyncadd.s32 $0xFFFFF800  }
0x5b: {  	[tilespmem:s21], [sflag:$0x1] =	stream.indirect.gather [hbm4b:s20+s5], $0x80, s13, s5, $0xb8;
	[tilespmem:$0x1D080] =	vst v63  }
0x5c: {  	_ = 	snop  }
0x5d: {  	[tilespmem:s6], [sflag:$0x1] =	stream.indirect.gather [hbm4b:s20+s5], $0x80, s5, s5, $0xb8;
	[tilespmem:$0x1D080] =	vst v63  }
0x5e: {  	_ = 	snop  }
0x5f: {  	[tilespmem:s8], [sflag:$0x2] =	stream.indirect.gather [hbm4b:s20+s5], $0x80, s7, s5, $0xb8;
	[tilespmem:$0x1D080] =	vst v63  }
0x60: {  	_ = 	snop  }
0x61: {  	[tilespmem:s10], [sflag:$0x2] =	stream.indirect.gather [hbm4b:s20+s5], $0x80, s9, s5, $0xb8;
	[tilespmem:$0x1D080] =	vst v63  }
.LBB2_4:
0x62: {  	s15 =	sshll.u32 s13, $0xA  }
0x63: {  	s14 =	sshrl.u32 s15, $0x2  }
0x64: {  	_ =	swait.ge [sflag:s11], $0x2000;
	s16 =	sadd.s32 $0x1000, s14  }
0x65: {  	[sflag:s11] =	ssyncset.done $0x0;
	v1 =	vmov s16  }
0x66: {  	[sflag:s11] =	ssyncadd.s32 $0xFFFFE000  }
0x67: {  	_ =	swait.ge [sflag:s11], $0x2000  }
0x68: {  	s17 =	simm.s32 $0x0;
	[sflag:s11] =	ssyncset.done $0x0  }
0x69: {  	s23 =	sand.u32 $0x70, s17;
	[sflag:s11] =	ssyncadd.s32 $0xFFFFE000  }
0x6a: {  	s16 =	simm.s32 $0x1880;
	v2 =	vld.idx.msk [tilespmem:v1+s23+$0x0 ss:$0x1], $0xffff  }
0x6b: {  	v3 =	vld [tilespmem:s16+$0x70]  }
0x6c: {  	v4 =	vld [tilespmem:s16+$0xFFFFFF80]  }
0x6d: {  	s18 =	simm.s32 $0x1;
	v5 =	vld [tilespmem:s16+$0xFFFFFF90]  }
0x6e: {  	v6 =	vmov s18;
	v8 =	vld [tilespmem:s16+$0xFFFFFFA0]  }
0x6f: {  	s17 =	sand.u32 $0xE, s17;
	v9 =	vld [tilespmem:s16+$0xFFFFFFD0];
	v10 =	vperm.xlane v2, v6  }
0x70: {  	v7 =	vmov s17;
	v11 =	vld [tilespmem:s16+$0xFFFFFFE0]  }
0x71: {  	v12 =	vld [tilespmem:s16+$0x10];
	v2 =	vperm.xlane v2, v7;
	v3 =	vmul.f32 v3, v10  }
0x72: {  	v6 =	vld [tilespmem:s16+$0xFFFFFFB0]  }
0x73: {  	v4 =	vmul.f32 v4, v2;
	[tilespmem:s16+$0x70] =	vst v3;
	v3 =	vld [tilespmem:s16+$0x0]  }
0x74: {  	v7 =	vld [tilespmem:s16+$0xFFFFFFC0];
	v5 =	vmul.f32 v5, v2  }
0x75: {  	v13 =	vld [tilespmem:s16+$0x20];
	v8 =	vmul.f32 v8, v2;
	[tilespmem:s16+$0xFFFFFF80] =	vst v4  }
0x76: {  	s18 =	simm.s32 $0x1980;
	s17 =	simm.s32 $0x2;
	v9 =	vmul.f32 v9, v2;
	v4 =	vld [tilespmem:s16+$0xFFFFFFF0];
	[tilespmem:s16+$0xFFFFFF90] =	vst v5  }
0x77: {  	s24 =	sand.u32 $0x70, s17;
	v60 =	vld [tilespmem:s18+$0xFFFFFF90];
	[tilespmem:s16+$0xFFFFFFA0] =	vst v8;
	v5 =	vmul.f32 v6, v2  }
0x78: {  	v14 =	vld.idx.msk [tilespmem:v1+s24+$0x0 ss:$0x1], $0xffff;
	[tilespmem:s16+$0xFFFFFFD0] =	vst v9;
	v3 =	vmul.f32 v3, v10  }
0x79: {  	v6 =	vld [tilespmem:s16+$0x30];
	v7 =	vmul.f32 v7, v2;
	[tilespmem:s16+$0xFFFFFFB0] =	vst v5  }
0x7a: {  	v8 =	vld [tilespmem:s16+$0x40];
	[tilespmem:s16+$0x0] =	vst v3;
	v3 =	vmul.f32 v11, v2  }
0x7b: {  	v5 =	vld [tilespmem:s16+$0x50];
	[tilespmem:s16+$0xFFFFFFC0] =	vst v7;
	v2 =	vmul.f32 v4, v2  }
0x7c: {  	v11 =	vld [tilespmem:s18+$0xFFFFFF80];
	[tilespmem:s16+$0xFFFFFFE0] =	vst v3;
	v3 =	vmul.f32 v12, v10  }
0x7d: {  	s19 =	sand.u32 $0xE, s17;
	v9 =	vld [tilespmem:s18+$0x70];
	[tilespmem:s16+$0xFFFFFFF0] =	vst v2;
	v2 =	vmul.f32 v13, v10  }
0x7e: {  	s31 =	simm.s32 $0x3;
	v61 =	vld [tilespmem:s18+$0xFFFFFFB0];
	v4 =	vmov s19;
	[tilespmem:s16+$0x10] =	vst v3;
	v3 =	vmul.f32 v6, v10  }
0x7f: {  	v8 =	vmul.f32 v8, v10;
	v4 =	vperm.xlane v14, v4;
	v6 =	vld [tilespmem:s18+$0xFFFFFFA0];
	[tilespmem:s16+$0x20] =	vst v2;
	v2 =	vmov s31  }
0x80: {  	v62 =	vld [tilespmem:s18+$0xFFFFFFC0];
	v2 =	vperm.xlane v14, v2;
	[tilespmem:s16+$0x30] =	vst v3;
	v3 =	vmul.f32 v5, v10  }
0x81: {  	v7 =	vld [tilespmem:s16+$0x60];
	[tilespmem:s16+$0x40] =	vst v8;
	v5 =	vmul.f32 v11, v4  }
0x82: {  	v8 =	vld [tilespmem:s18+$0xFFFFFFD0];
	v11 =	vmul.f32 v9, v2;
	[tilespmem:s16+$0x50] =	vst v3  }
0x83: {  	v9 =	vld [tilespmem:s18+$0xFFFFFFE0];
	[tilespmem:s18+$0xFFFFFF80] =	vst v5;
	v3 =	vmul.f32 v60, v4  }
0x84: {  	v5 =	vld [tilespmem:s18+$0xFFFFFFF0];
	[tilespmem:s18+$0x70] =	vst v11;
	v11 =	vmul.f32 v6, v4  }
0x85: {  	v63 =	vmul.f32 v61, v4;
	v6 =	vld [tilespmem:s18+$0x0];
	[tilespmem:s18+$0xFFFFFF90] =	vst v3  }
0x86: {  	v3 =	vmul.f32 v7, v10;
	v7 =	vld [tilespmem:s18+$0x10];
	[tilespmem:s18+$0xFFFFFFA0] =	vst v11;
	v11 =	vmul.f32 v62, v4  }
0x87: {  	s19 =	simm.s32 $0x1980;
	[tilespmem:s18+$0xFFFFFFB0] =	vst v63;
	v10 =	vmul.f32 v8, v4;
	v8 =	vld [tilespmem:s18+$0x20]  }
.LBB2_5:
0x88: {  	[tilespmem:s18+$0xFFFFFFC0] =	vst v11;
	v9 =	vmul.f32 v9, v4;
	v11 =	vld [tilespmem:s18+$0x30];
	s23 =	smov.u32 s17;
	s17 =	sadd.s32 $0x2, s17  }
0x89: {  	s24 =	sand.u32 $0x70, s17;
	s31 =	sand.u32 $0xE, s17;
	p0 =	slt.u32 s17, $0x7E;
	[tilespmem:s18+$0xFFFFFFD0] =	vst v10;
	v4 =	vmul.f32 v5, v4;
	v5 =	vld [tilespmem:s18+$0x40]  }
0x8a: {  	v10 =	vld.idx.msk [tilespmem:v1+s24+$0x0 ss:$0x1], $0xffff;
	v12 =	vmov s31;
	[tilespmem:s18+$0xFFFFFFE0] =	vst v9;
	v6 =	vmul.f32 v6, v2  }
0x8b: {  	[tilespmem:s18+$0xFFFFFFF0] =	vst v4;
	v4 =	vmul.f32 v7, v2;
	v7 =	vld [tilespmem:s18+$0x50]  }
0x8c: {  	s18 =	sadd.s32 $0x100, s18;
	[tilespmem:s19+$0x0] =	vst v6;
	v6 =	vmul.f32 v8, v2;
	v8 =	vld [tilespmem:s19+$0x60]  }
0x8d: {  	v9 =	vld [tilespmem:s18+$0x70];
	[tilespmem:s19+$0x10] =	vst v4;
	v4 =	vmul.f32 v11, v2  }
0x8e: {  	s23 =	sadd.s32 $0x3, s23;
	v11 =	vld [tilespmem:s18+$0xFFFFFF80];
	[tilespmem:s19+$0x20] =	vst v6;
	v5 =	vmul.f32 v5, v2  }
0x8f: {  	v13 =	vmov s23;
	v6 =	vld [tilespmem:s18+$0xFFFFFF90];
	[tilespmem:s19+$0x30] =	vst v4  }
0x90: {  	v4 =	vperm.xlane v10, v12;
	v10 =	vperm.xlane v10, v13;
	v12 =	vld [tilespmem:s18+$0xFFFFFFA0];
	[tilespmem:s19+$0x40] =	vst v5  }
0x91: {  	v5 =	vmul.f32 v7, v2;
	v13 =	vld [tilespmem:s18+$0xFFFFFFB0];
	[tilespmem:s16+$0x60] =	vst v3;
	v3 =	vmul.f32 v8, v2;
	s16 =	smov.u32 s19;
	s19 =	smov.u32 s18  }
0x92: {  	v2 =	vmov v10;
	v7 =	vld [tilespmem:s18+$0xFFFFFFC0];
	v8 =	vmul.f32 v9, v10  }
0x93: {  	v10 =	vmul.f32 v11, v4;
	v14 =	vld [tilespmem:s18+$0xFFFFFFD0];
	[tilespmem:s16+$0x50] =	vst v5  }
.Ltmp1:
0x94: {  	v6 =	vmul.f32 v6, v4;
	v9 =	vld [tilespmem:s18+$0xFFFFFFE0];
	[tilespmem:s18+$0x70] =	vst v8;
	(pc) =	sbr.rel @p0 .LBB2_5-.Ltmp1, $4  }
0x95: {  	[tilespmem:s18+$0xFFFFFF80] =	vst v10;
	v8 =	vmul.f32 v12, v4;
	v5 =	vld [tilespmem:s18+$0xFFFFFFF0]  }
0x96: {  	[tilespmem:s18+$0xFFFFFF90] =	vst v6;
	v10 =	vmul.f32 v13, v4;
	v6 =	vld [tilespmem:s18+$0x0]  }
0x97: {  	[tilespmem:s18+$0xFFFFFFA0] =	vst v8;
	v11 =	vmul.f32 v7, v4;
	v7 =	vld [tilespmem:s18+$0x10]  }
0x98: {  	[tilespmem:s18+$0xFFFFFFB0] =	vst v10;
	v10 =	vmul.f32 v14, v4;
	v8 =	vld [tilespmem:s18+$0x20]  }
0x99: {  	[tilespmem:s18+$0xFFFFFFC0] =	vst v11  }
0x9a: {  	v1 =	vmul.f32 v9, v4;
	v9 =	vld [tilespmem:s18+$0x30];
	[tilespmem:s16+$0x60] =	vst v3  }
0x9b: {  	[tilespmem:s18+$0xFFFFFFD0] =	vst v10;
	v10 =	vld [tilespmem:s18+$0x40];
	v6 =	vmul.f32 v6, v2  }
0x9c: {  	v4 =	vmul.f32 v5, v4;
	[tilespmem:s18+$0xFFFFFFE0] =	vst v1;
	v1 =	vld [tilespmem:s18+$0x50]  }
0x9d: {  	v5 =	vmul.f32 v7, v2;
	[tilespmem:s19+$0x0] =	vst v6;
	v6 =	vld [tilespmem:s19+$0x60]  }
0x9e: {  	[tilespmem:s18+$0xFFFFFFF0] =	vst v4;
	v4 =	vmul.f32 v8, v2  }
0x9f: {  	[tilespmem:s19+$0x10] =	vst v5;
	v5 =	vmul.f32 v9, v2  }
0xa0: {  	[tilespmem:s19+$0x20] =	vst v4;
	v4 =	vmul.f32 v10, v2  }
0xa1: {  	[tilespmem:s19+$0x30] =	vst v5;
	v1 =	vmul.f32 v1, v2  }
0xa2: {  	[tilespmem:s19+$0x40] =	vst v4;
	v2 =	vmul.f32 v6, v2  }
0xa3: {  	[tilespmem:s19+$0x50] =	vst v1  }
0xa4: {  	s14 =	sadd.s32 $0x800, s14;
	[tilespmem:s19+$0x60] =	vst v2  }
0xa5: {  	[spmem:s22] =	stream.indirect.scatter.add.f32 [tilespmem:s21], [sflag:$0x4], $0x80, s14, s7, $0xb8;
	[tilespmem:$0x1D080] =	vst v63  }
0xa6: {  	p0 =	seq.s32 s13, $0x7;
	s23 =	sor.u32 $0x200, s15;
	_ =	swait.ge [sflag:s1], $0x4000  }
0xa7: {  	s17 =	simm.s32 @!p0 $0x40;
	s14 =	sshrl.u32 @!p0 s15, $0x2;
	[sflag:s1] =	ssyncset.done $0x0  }
0xa8: {  	s18 =	simm.s32 @!p0 $0x1800;
	s16 =	sadd.s32 @!p0 $0x100, s14;
	[sflag:s1] =	ssyncadd.s32 $0xFFFFC000  }
0xa9: {  	[tilespmem:s18], [sflag:$0x1] =	stream.indirect.gather @!p0 [hbm4b:s20+s17], $0x80, s16, s17, $0xb8;
	[tilespmem:$0x1D080] =	vst v63  }
0xaa: {  	s15 =	sshrl.u32 s23, $0x2;
	s16 =	sadd.s32 @!p0 $0x140, s14;
	s18 =	simm.s32 @!p0 $0x3800  }
0xab: {  	[tilespmem:s18], [sflag:$0x1] =	stream.indirect.gather @!p0 [hbm4b:s20+s17], $0x80, s16, s17, $0xb8;
	[tilespmem:$0x1D080] =	vst v63  }
0xac: {  	s24 =	sadd.s32 $0x1000, s15;
	_ =	swait.ge [sflag:s12], $0x2000  }
0xad: {  	v1 =	vmov s24;
	[sflag:s12] =	ssyncset.done $0x0  }
0xae: {  	[sflag:s12] =	ssyncadd.s32 $0xFFFFE000  }
0xaf: {  	_ =	swait.ge [sflag:s12], $0x2000  }
0xb0: {  	s31 =	simm.s32 $0x0;
	[sflag:s12] =	ssyncset.done $0x0  }
0xb1: {  	s18 =	sand.u32 $0x70, s31;
	[sflag:s12] =	ssyncadd.s32 $0xFFFFE000  }
0xb2: {  	s16 =	simm.s32 $0x5880;
	v2 =	vld.idx.msk [tilespmem:v1+s18+$0x0 ss:$0x1], $0xffff  }
0xb3: {  	v3 =	vld [tilespmem:s16+$0x70]  }
0xb4: {  	v4 =	vld [tilespmem:s16+$0xFFFFFF80]  }
0xb5: {  	v5 =	vld [tilespmem:s16+$0xFFFFFF90]  }
0xb6: {  	s19 =	simm.s32 $0x1;
	v8 =	vld [tilespmem:s16+$0xFFFFFFA0]  }
0xb7: {  	v6 =	vmov s19;
	s17 =	sand.u32 $0xE, s31;
	v10 =	vld [tilespmem:s16+$0xFFFFFFD0]  }
0xb8: {  	v7 =	vmov s17;
	v11 =	vld [tilespmem:s16+$0xFFFFFFE0];
	v9 =	vperm.xlane v2, v6  }
0xb9: {  	v12 =	vld [tilespmem:s16+$0x10];
	v2 =	vperm.xlane v2, v7  }
0xba: {  	v6 =	vld [tilespmem:s16+$0xFFFFFFB0];
	v3 =	vmul.f32 v3, v9  }
0xbb: {  	v7 =	vld [tilespmem:s16+$0xFFFFFFC0];
	v8 =	vmul.f32 v8, v2  }
0xbc: {  	v4 =	vmul.f32 v4, v2;
	[tilespmem:s16+$0x70] =	vst v3;
	v3 =	vld [tilespmem:s16+$0x0]  }
0xbd: {  	v5 =	vmul.f32 v5, v2;
	[tilespmem:s16+$0xFFFFFFA0] =	vst v8;
	v8 =	vld [tilespmem:s16+$0x40]  }
0xbe: {  	s17 =	simm.s32 $0x2;
	v13 =	vld [tilespmem:s16+$0x20];
	v10 =	vmul.f32 v10, v2;
	[tilespmem:s16+$0xFFFFFF80] =	vst v4  }
0xbf: {  	s23 =	sand.u32 $0x70, s17;
	v4 =	vld [tilespmem:s16+$0xFFFFFFF0];
	[tilespmem:s16+$0xFFFFFF90] =	vst v5;
	v5 =	vmul.f32 v6, v2  }
0xc0: {  	v14 =	vld.idx.msk [tilespmem:v1+s23+$0x0 ss:$0x1], $0xffff;
	s18 =	simm.s32 $0x5980;
	[tilespmem:s16+$0xFFFFFFD0] =	vst v10;
	v7 =	vmul.f32 v7, v2  }
0xc1: {  	v60 =	vld [tilespmem:s18+$0xFFFFFF90];
	[tilespmem:s16+$0xFFFFFFB0] =	vst v5;
	v3 =	vmul.f32 v3, v9  }
0xc2: {  	v6 =	vld [tilespmem:s16+$0x30];
	[tilespmem:s16+$0xFFFFFFC0] =	vst v7;
	v8 =	vmul.f32 v8, v9  }
0xc3: {  	v61 =	vld [tilespmem:s18+$0xFFFFFFB0];
	[tilespmem:s16+$0x0] =	vst v3;
	v3 =	vmul.f32 v11, v2  }
0xc4: {  	s24 =	sand.u32 $0xE, s17;
	v5 =	vld [tilespmem:s16+$0x50];
	v2 =	vmul.f32 v4, v2;
	[tilespmem:s16+$0x40] =	vst v8  }
0xc5: {  	v11 =	vld [tilespmem:s18+$0xFFFFFF80];
	v4 =	vmov s24;
	[tilespmem:s16+$0xFFFFFFE0] =	vst v3;
	v3 =	vmul.f32 v12, v9  }
0xc6: {  	v10 =	vld [tilespmem:s18+$0x70];
	v4 =	vperm.xlane v14, v4;
	[tilespmem:s16+$0xFFFFFFF0] =	vst v2;
	v2 =	vmul.f32 v13, v9  }
0xc7: {  	s31 =	simm.s32 $0x3;
	v62 =	vld [tilespmem:s18+$0xFFFFFFC0];
	[tilespmem:s16+$0x10] =	vst v3;
	v3 =	vmul.f32 v6, v9  }
0xc8: {  	v63 =	vmul.f32 v61, v4;
	v6 =	vld [tilespmem:s18+$0xFFFFFFA0];
	[tilespmem:s16+$0x20] =	vst v2;
	v2 =	vmov s31  }
0xc9: {  	v7 =	vld [tilespmem:s16+$0x60];
	v2 =	vperm.xlane v14, v2;
	[tilespmem:s16+$0x30] =	vst v3;
	v3 =	vmul.f32 v5, v9  }
0xca: {  	v15 =	vld [tilespmem:s18+$0xFFFFFFD0];
	[tilespmem:s18+$0xFFFFFFB0] =	vst v63;
	v5 =	vmul.f32 v11, v4  }
0xcb: {  	v8 =	vld [tilespmem:s18+$0xFFFFFFE0];
	v10 =	vmul.f32 v10, v2;
	[tilespmem:s16+$0x50] =	vst v3  }
0xcc: {  	[tilespmem:s18+$0xFFFFFF80] =	vst v5;
	v3 =	vmul.f32 v60, v4;
	v5 =	vld [tilespmem:s18+$0xFFFFFFF0]  }
0xcd: {  	[tilespmem:s18+$0x70] =	vst v10;
	v10 =	vmul.f32 v6, v4;
	v6 =	vld [tilespmem:s18+$0x0]  }
0xce: {  	v11 =	vmul.f32 v62, v4;
	[tilespmem:s18+$0xFFFFFF90] =	vst v3;
	v3 =	vmul.f32 v7, v9;
	v7 =	vld [tilespmem:s18+$0x10]  }
0xcf: {  	s13 =	sadd.s32 $0x1, s13;
	s19 =	simm.s32 $0x5980;
	v9 =	vld [tilespmem:s18+$0x20];
	[tilespmem:s18+$0xFFFFFFA0] =	vst v10;
	v10 =	vmul.f32 v15, v4  }
.LBB2_7:
0xd0: {  	[tilespmem:s18+$0xFFFFFFC0] =	vst v11;
	v8 =	vmul.f32 v8, v4;
	v11 =	vld [tilespmem:s18+$0x30];
	s23 =	smov.u32 s17;
	s17 =	sadd.s32 $0x2, s17  }
0xd1: {  	s24 =	sand.u32 $0x70, s17;
	s31 =	sand.u32 $0xE, s17;
	p1 =	slt.u32 s17, $0x7E;
	[tilespmem:s18+$0xFFFFFFD0] =	vst v10;
	v4 =	vmul.f32 v5, v4;
	v5 =	vld [tilespmem:s18+$0x40]  }
0xd2: {  	v10 =	vld.idx.msk [tilespmem:v1+s24+$0x0 ss:$0x1], $0xffff;
	v12 =	vmov s31;
	[tilespmem:s18+$0xFFFFFFE0] =	vst v8;
	v6 =	vmul.f32 v6, v2  }
0xd3: {  	[tilespmem:s18+$0xFFFFFFF0] =	vst v4;
	v4 =	vmul.f32 v7, v2;
	v7 =	vld [tilespmem:s18+$0x50]  }
0xd4: {  	s18 =	sadd.s32 $0x100, s18;
	[tilespmem:s19+$0x0] =	vst v6;
	v6 =	vmul.f32 v9, v2;
	v8 =	vld [tilespmem:s19+$0x60]  }
0xd5: {  	v9 =	vld [tilespmem:s18+$0x70];
	[tilespmem:s19+$0x10] =	vst v4;
	v4 =	vmul.f32 v11, v2  }
0xd6: {  	s23 =	sadd.s32 $0x3, s23;
	v11 =	vld [tilespmem:s18+$0xFFFFFF80];
	[tilespmem:s19+$0x20] =	vst v6;
	v5 =	vmul.f32 v5, v2  }
0xd7: {  	v13 =	vmov s23;
	v6 =	vld [tilespmem:s18+$0xFFFFFF90];
	[tilespmem:s19+$0x30] =	vst v4  }
0xd8: {  	v4 =	vperm.xlane v10, v12;
	v10 =	vperm.xlane v10, v13;
	v12 =	vld [tilespmem:s18+$0xFFFFFFA0];
	[tilespmem:s19+$0x40] =	vst v5  }
0xd9: {  	v5 =	vmul.f32 v7, v2;
	v13 =	vld [tilespmem:s18+$0xFFFFFFB0];
	[tilespmem:s16+$0x60] =	vst v3;
	v3 =	vmul.f32 v8, v2;
	s16 =	smov.u32 s19;
	s19 =	smov.u32 s18  }
0xda: {  	v2 =	vmov v10;
	v7 =	vld [tilespmem:s18+$0xFFFFFFC0];
	v9 =	vmul.f32 v9, v10  }
0xdb: {  	v10 =	vmul.f32 v11, v4;
	v14 =	vld [tilespmem:s18+$0xFFFFFFD0];
	[tilespmem:s16+$0x50] =	vst v5  }
.Ltmp2:
0xdc: {  	v6 =	vmul.f32 v6, v4;
	v8 =	vld [tilespmem:s18+$0xFFFFFFE0];
	[tilespmem:s18+$0x70] =	vst v9;
	(pc) =	sbr.rel @p1 .LBB2_7-.Ltmp2, $4  }
0xdd: {  	[tilespmem:s18+$0xFFFFFF80] =	vst v10;
	v9 =	vmul.f32 v12, v4;
	v5 =	vld [tilespmem:s18+$0xFFFFFFF0]  }
0xde: {  	[tilespmem:s18+$0xFFFFFF90] =	vst v6;
	v10 =	vmul.f32 v13, v4;
	v6 =	vld [tilespmem:s18+$0x0]  }
0xdf: {  	[tilespmem:s18+$0xFFFFFFA0] =	vst v9;
	v11 =	vmul.f32 v7, v4;
	v7 =	vld [tilespmem:s18+$0x10]  }
0xe0: {  	[tilespmem:s18+$0xFFFFFFB0] =	vst v10;
	v10 =	vmul.f32 v14, v4;
	v9 =	vld [tilespmem:s18+$0x20]  }
0xe1: {  	[tilespmem:s18+$0xFFFFFFC0] =	vst v11  }
0xe2: {  	v1 =	vmul.f32 v8, v4;
	v56 =	vld [tilespmem:s18+$0x30];
	[tilespmem:s16+$0x60] =	vst v3  }
0xe3: {  	v57 =	vld [tilespmem:s18+$0x40];
	[tilespmem:s18+$0xFFFFFFD0] =	vst v10;
	v58 =	vmul.f32 v5, v4  }
0xe4: {  	v6 =	vmul.f32 v6, v2;
	[tilespmem:s18+$0xFFFFFFE0] =	vst v1;
	v1 =	vld [tilespmem:s18+$0x50]  }
0xe5: {  	v61 =	vld [tilespmem:s19+$0x60];
	v59 =	vmul.f32 v7, v2;
	[tilespmem:s18+$0xFFFFFFF0] =	vst v58  }
0xe6: {  	[tilespmem:s19+$0x0] =	vst v6;
	v60 =	vmul.f32 v9, v2  }
0xe7: {  	[tilespmem:s19+$0x10] =	vst v59;
	v62 =	vmul.f32 v56, v2  }
0xe8: {  	v63 =	vmul.f32 v57, v2;
	[tilespmem:s19+$0x20] =	vst v60  }
0xe9: {  	[tilespmem:s19+$0x30] =	vst v62;
	v1 =	vmul.f32 v1, v2  }
0xea: {  	[tilespmem:s19+$0x40] =	vst v63;
	v2 =	vmul.f32 v61, v2  }
0xeb: {  	[tilespmem:s19+$0x50] =	vst v1  }
0xec: {  	s15 =	sadd.s32 $0x800, s15;
	[tilespmem:s19+$0x60] =	vst v2  }
0xed: {  	[spmem:s22] =	stream.indirect.scatter.add.f32 [tilespmem:s8], [sflag:$0x4], $0x80, s15, s7, $0xb8;
	[tilespmem:$0x1D080] =	vst v63  }
0xee: {  	_ =	swait.ge [sflag:s1], $0x4000  }
0xef: {  	s16 =	simm.s32 @!p0 $0x40;
	[sflag:s1] =	ssyncset.done $0x0  }
0xf0: {  	s17 =	simm.s32 @!p0 $0x5800;
	s15 =	sadd.s32 @!p0 $0x180, s14;
	[sflag:s1] =	ssyncadd.s32 $0xFFFFC000  }
0xf1: {  	[tilespmem:s17], [sflag:$0x2] =	stream.indirect.gather @!p0 [hbm4b:s20+s16], $0x80, s15, s16, $0xb8;
	[tilespmem:$0x1D080] =	vst v63  }
0xf2: {  	p1 =	sne.s32 @!p0 s13, $0x8;
	s14 =	sadd.s32 @!p0 $0x1C0, s14;
	s15 =	simm.s32 @!p0 $0x7800  }
0xf3: {  	[tilespmem:s15], [sflag:$0x2] =	stream.indirect.gather @!p0 [hbm4b:s20+s16], $0x80, s14, s16, $0xb8;
	[tilespmem:$0x1D080] =	vst v63  }
0xf4: {  	p0 =	por p0, !p1  }
.Ltmp3:
0xf5: {  	_ = 	snop;
	(pc) =	sbr.rel @!p0 .LBB2_4-.Ltmp3, $1  }
0xf6: {  	_ =	sdelay $0x3  }
0xf7: {  	s13 =	simm.s32 $0x0;
	s14 =	rddreg [dreg:$0x7]  }
0xf8: {  	[tilespmem:s13], [sflag:$0x3] =	stream.linear.gather [hbm4b:s14+s13], $0x800, $0x38;
	[tilespmem:$0x1D080] =	vst v63  }
0xf9: {  	s24 =	rddreg [dreg:$0x8]  }
0xfa: {  	[tilespmem:s2], [sflag:$0x3] =	stream.linear.gather [hbm4b:s24+s13], $0x800, $0x38;
	[tilespmem:$0x1D080] =	vst v63  }
0xfb: {  	s31 =	rddreg [dreg:$0x9]  }
0xfc: {  	[tilespmem:s3], [sflag:$0x3] =	stream.linear.gather [hbm4b:s31+s13], $0x800, $0x38;
	[tilespmem:$0x1D080] =	vst v63  }
0xfd: {  	_ =	swait.ge [sflag:s4], $0x800  }
0xfe: {  	[sflag:s4] =	ssyncset.done $0x0  }
0xff: {  	[sflag:s4] =	ssyncadd.s32 $0xFFFFF800  }
0x100: {  	_ =	swait.ge [sflag:s4], $0x800  }
0x101: {  	[sflag:s4] =	ssyncset.done $0x0  }
0x102: {  	[sflag:s4] =	ssyncadd.s32 $0xFFFFF800  }
0x103: {  	_ =	swait.ge [sflag:s4], $0x800  }
0x104: {  	[sflag:s4] =	ssyncset.done $0x0  }
0x105: {  	[sflag:s4] =	ssyncadd.s32 $0xFFFFF800  }
0x106: {  	[tilespmem:s21], [sflag:$0x1] =	stream.indirect.gather [hbm4b:s20+s5], $0x80, s13, s5, $0xb8;
	[tilespmem:$0x1D080] =	vst v63  }
0x107: {  	_ = 	snop  }
0x108: {  	[tilespmem:s6], [sflag:$0x1] =	stream.indirect.gather [hbm4b:s20+s5], $0x80, s5, s5, $0xb8;
	[tilespmem:$0x1D080] =	vst v63  }
0x109: {  	_ = 	snop  }
0x10a: {  	[tilespmem:s8], [sflag:$0x2] =	stream.indirect.gather [hbm4b:s20+s5], $0x80, s7, s5, $0xb8;
	[tilespmem:$0x1D080] =	vst v63  }
0x10b: {  	_ = 	snop  }
0x10c: {  	[tilespmem:s10], [sflag:$0x2] =	stream.indirect.gather [hbm4b:s20+s5], $0x80, s9, s5, $0xb8;
	[tilespmem:$0x1D080] =	vst v63  }
.LBB2_10:
0x10d: {  	s15 =	sshll.u32 s13, $0xA  }
0x10e: {  	s14 =	sshrl.u32 s15, $0x2  }
0x10f: {  	_ =	swait.ge [sflag:s11], $0x2000;
	s16 =	sadd.s32 $0x1000, s14  }
0x110: {  	[sflag:s11] =	ssyncset.done $0x0;
	v1 =	vmov s16  }
0x111: {  	[sflag:s11] =	ssyncadd.s32 $0xFFFFE000  }
0x112: {  	_ =	swait.ge [sflag:s11], $0x2000  }
0x113: {  	s17 =	simm.s32 $0x0;
	[sflag:s11] =	ssyncset.done $0x0  }
0x114: {  	s23 =	sand.u32 $0x70, s17;
	[sflag:s11] =	ssyncadd.s32 $0xFFFFE000  }
0x115: {  	s16 =	simm.s32 $0x1880;
	v2 =	vld.idx.msk [tilespmem:v1+s23+$0x0 ss:$0x1], $0xffff  }
0x116: {  	v3 =	vld [tilespmem:s16+$0x70]  }
0x117: {  	v4 =	vld [tilespmem:s16+$0xFFFFFF80]  }
0x118: {  	s18 =	simm.s32 $0x1;
	v5 =	vld [tilespmem:s16+$0xFFFFFF90]  }
0x119: {  	v6 =	vmov s18;
	v8 =	vld [tilespmem:s16+$0xFFFFFFA0]  }
0x11a: {  	s17 =	sand.u32 $0xE, s17;
	v9 =	vld [tilespmem:s16+$0xFFFFFFD0];
	v10 =	vperm.xlane v2, v6  }
0x11b: {  	v7 =	vmov s17;
	v11 =	vld [tilespmem:s16+$0xFFFFFFE0]  }
0x11c: {  	v12 =	vld [tilespmem:s16+$0x10];
	v2 =	vperm.xlane v2, v7;
	v3 =	vmul.f32 v3, v10  }
0x11d: {  	v6 =	vld [tilespmem:s16+$0xFFFFFFB0]  }
0x11e: {  	v4 =	vmul.f32 v4, v2;
	[tilespmem:s16+$0x70] =	vst v3;
	v3 =	vld [tilespmem:s16+$0x0]  }
0x11f: {  	v7 =	vld [tilespmem:s16+$0xFFFFFFC0];
	v5 =	vmul.f32 v5, v2  }
0x120: {  	v13 =	vld [tilespmem:s16+$0x20];
	v8 =	vmul.f32 v8, v2;
	[tilespmem:s16+$0xFFFFFF80] =	vst v4  }
0x121: {  	s18 =	simm.s32 $0x1980;
	s17 =	simm.s32 $0x2;
	v9 =	vmul.f32 v9, v2;
	v4 =	vld [tilespmem:s16+$0xFFFFFFF0];
	[tilespmem:s16+$0xFFFFFF90] =	vst v5  }
0x122: {  	s24 =	sand.u32 $0x70, s17;
	v60 =	vld [tilespmem:s18+$0xFFFFFF90];
	[tilespmem:s16+$0xFFFFFFA0] =	vst v8;
	v5 =	vmul.f32 v6, v2  }
0x123: {  	v14 =	vld.idx.msk [tilespmem:v1+s24+$0x0 ss:$0x1], $0xffff;
	[tilespmem:s16+$0xFFFFFFD0] =	vst v9;
	v3 =	vmul.f32 v3, v10  }
0x124: {  	v6 =	vld [tilespmem:s16+$0x30];
	v7 =	vmul.f32 v7, v2;
	[tilespmem:s16+$0xFFFFFFB0] =	vst v5  }
0x125: {  	v8 =	vld [tilespmem:s16+$0x40];
	[tilespmem:s16+$0x0] =	vst v3;
	v3 =	vmul.f32 v11, v2  }
0x126: {  	v5 =	vld [tilespmem:s16+$0x50];
	[tilespmem:s16+$0xFFFFFFC0] =	vst v7;
	v2 =	vmul.f32 v4, v2  }
0x127: {  	v11 =	vld [tilespmem:s18+$0xFFFFFF80];
	[tilespmem:s16+$0xFFFFFFE0] =	vst v3;
	v3 =	vmul.f32 v12, v10  }
0x128: {  	s19 =	sand.u32 $0xE, s17;
	v9 =	vld [tilespmem:s18+$0x70];
	[tilespmem:s16+$0xFFFFFFF0] =	vst v2;
	v2 =	vmul.f32 v13, v10  }
0x129: {  	s31 =	simm.s32 $0x3;
	v61 =	vld [tilespmem:s18+$0xFFFFFFB0];
	v4 =	vmov s19;
	[tilespmem:s16+$0x10] =	vst v3;
	v3 =	vmul.f32 v6, v10  }
0x12a: {  	v8 =	vmul.f32 v8, v10;
	v4 =	vperm.xlane v14, v4;
	v6 =	vld [tilespmem:s18+$0xFFFFFFA0];
	[tilespmem:s16+$0x20] =	vst v2;
	v2 =	vmov s31  }
0x12b: {  	v62 =	vld [tilespmem:s18+$0xFFFFFFC0];
	v2 =	vperm.xlane v14, v2;
	[tilespmem:s16+$0x30] =	vst v3;
	v3 =	vmul.f32 v5, v10  }
0x12c: {  	v7 =	vld [tilespmem:s16+$0x60];
	[tilespmem:s16+$0x40] =	vst v8;
	v5 =	vmul.f32 v11, v4  }
0x12d: {  	v8 =	vld [tilespmem:s18+$0xFFFFFFD0];
	v11 =	vmul.f32 v9, v2;
	[tilespmem:s16+$0x50] =	vst v3  }
0x12e: {  	v9 =	vld [tilespmem:s18+$0xFFFFFFE0];
	[tilespmem:s18+$0xFFFFFF80] =	vst v5;
	v3 =	vmul.f32 v60, v4  }
0x12f: {  	v5 =	vld [tilespmem:s18+$0xFFFFFFF0];
	[tilespmem:s18+$0x70] =	vst v11;
	v11 =	vmul.f32 v6, v4  }
0x130: {  	v63 =	vmul.f32 v61, v4;
	v6 =	vld [tilespmem:s18+$0x0];
	[tilespmem:s18+$0xFFFFFF90] =	vst v3  }
0x131: {  	v3 =	vmul.f32 v7, v10;
	v7 =	vld [tilespmem:s18+$0x10];
	[tilespmem:s18+$0xFFFFFFA0] =	vst v11;
	v11 =	vmul.f32 v62, v4  }
0x132: {  	s19 =	simm.s32 $0x1980;
	[tilespmem:s18+$0xFFFFFFB0] =	vst v63;
	v10 =	vmul.f32 v8, v4;
	v8 =	vld [tilespmem:s18+$0x20]  }
.LBB2_11:
0x133: {  	[tilespmem:s18+$0xFFFFFFC0] =	vst v11;
	v9 =	vmul.f32 v9, v4;
	v11 =	vld [tilespmem:s18+$0x30];
	s23 =	smov.u32 s17;
	s17 =	sadd.s32 $0x2, s17  }
0x134: {  	s24 =	sand.u32 $0x70, s17;
	s31 =	sand.u32 $0xE, s17;
	p0 =	slt.u32 s17, $0x7E;
	[tilespmem:s18+$0xFFFFFFD0] =	vst v10;
	v4 =	vmul.f32 v5, v4;
	v5 =	vld [tilespmem:s18+$0x40]  }
0x135: {  	v10 =	vld.idx.msk [tilespmem:v1+s24+$0x0 ss:$0x1], $0xffff;
	v12 =	vmov s31;
	[tilespmem:s18+$0xFFFFFFE0] =	vst v9;
	v6 =	vmul.f32 v6, v2  }
0x136: {  	[tilespmem:s18+$0xFFFFFFF0] =	vst v4;
	v4 =	vmul.f32 v7, v2;
	v7 =	vld [tilespmem:s18+$0x50]  }
0x137: {  	s18 =	sadd.s32 $0x100, s18;
	[tilespmem:s19+$0x0] =	vst v6;
	v6 =	vmul.f32 v8, v2;
	v8 =	vld [tilespmem:s19+$0x60]  }
0x138: {  	v9 =	vld [tilespmem:s18+$0x70];
	[tilespmem:s19+$0x10] =	vst v4;
	v4 =	vmul.f32 v11, v2  }
0x139: {  	s23 =	sadd.s32 $0x3, s23;
	v11 =	vld [tilespmem:s18+$0xFFFFFF80];
	[tilespmem:s19+$0x20] =	vst v6;
	v5 =	vmul.f32 v5, v2  }
0x13a: {  	v13 =	vmov s23;
	v6 =	vld [tilespmem:s18+$0xFFFFFF90];
	[tilespmem:s19+$0x30] =	vst v4  }
0x13b: {  	v4 =	vperm.xlane v10, v12;
	v10 =	vperm.xlane v10, v13;
	v12 =	vld [tilespmem:s18+$0xFFFFFFA0];
	[tilespmem:s19+$0x40] =	vst v5  }
0x13c: {  	v5 =	vmul.f32 v7, v2;
	v13 =	vld [tilespmem:s18+$0xFFFFFFB0];
	[tilespmem:s16+$0x60] =	vst v3;
	v3 =	vmul.f32 v8, v2;
	s16 =	smov.u32 s19;
	s19 =	smov.u32 s18  }
0x13d: {  	v2 =	vmov v10;
	v7 =	vld [tilespmem:s18+$0xFFFFFFC0];
	v8 =	vmul.f32 v9, v10  }
0x13e: {  	v10 =	vmul.f32 v11, v4;
	v14 =	vld [tilespmem:s18+$0xFFFFFFD0];
	[tilespmem:s16+$0x50] =	vst v5  }
.Ltmp4:
0x13f: {  	v6 =	vmul.f32 v6, v4;
	v9 =	vld [tilespmem:s18+$0xFFFFFFE0];
	[tilespmem:s18+$0x70] =	vst v8;
	(pc) =	sbr.rel @p0 .LBB2_11-.Ltmp4, $4  }
0x140: {  	[tilespmem:s18+$0xFFFFFF80] =	vst v10;
	v8 =	vmul.f32 v12, v4;
	v5 =	vld [tilespmem:s18+$0xFFFFFFF0]  }
0x141: {  	[tilespmem:s18+$0xFFFFFF90] =	vst v6;
	v10 =	vmul.f32 v13, v4;
	v6 =	vld [tilespmem:s18+$0x0]  }
0x142: {  	[tilespmem:s18+$0xFFFFFFA0] =	vst v8;
	v11 =	vmul.f32 v7, v4;
	v7 =	vld [tilespmem:s18+$0x10]  }
0x143: {  	[tilespmem:s18+$0xFFFFFFB0] =	vst v10;
	v10 =	vmul.f32 v14, v4;
	v8 =	vld [tilespmem:s18+$0x20]  }
0x144: {  	[tilespmem:s18+$0xFFFFFFC0] =	vst v11  }
0x145: {  	v1 =	vmul.f32 v9, v4;
	v9 =	vld [tilespmem:s18+$0x30];
	[tilespmem:s16+$0x60] =	vst v3  }
0x146: {  	[tilespmem:s18+$0xFFFFFFD0] =	vst v10;
	v10 =	vld [tilespmem:s18+$0x40];
	v6 =	vmul.f32 v6, v2  }
0x147: {  	v4 =	vmul.f32 v5, v4;
	[tilespmem:s18+$0xFFFFFFE0] =	vst v1;
	v1 =	vld [tilespmem:s18+$0x50]  }
0x148: {  	v5 =	vmul.f32 v7, v2;
	[tilespmem:s19+$0x0] =	vst v6;
	v6 =	vld [tilespmem:s19+$0x60]  }
0x149: {  	[tilespmem:s18+$0xFFFFFFF0] =	vst v4;
	v4 =	vmul.f32 v8, v2  }
0x14a: {  	[tilespmem:s19+$0x10] =	vst v5;
	v5 =	vmul.f32 v9, v2  }
0x14b: {  	[tilespmem:s19+$0x20] =	vst v4;
	v4 =	vmul.f32 v10, v2  }
0x14c: {  	[tilespmem:s19+$0x30] =	vst v5;
	v1 =	vmul.f32 v1, v2  }
0x14d: {  	[tilespmem:s19+$0x40] =	vst v4;
	v2 =	vmul.f32 v6, v2  }
0x14e: {  	[tilespmem:s19+$0x50] =	vst v1  }
0x14f: {  	s14 =	sadd.s32 $0x800, s14;
	[tilespmem:s19+$0x60] =	vst v2  }
0x150: {  	[spmem:s22] =	stream.indirect.scatter.add.f32 [tilespmem:s21], [sflag:$0x4], $0x80, s14, s7, $0xb8;
	[tilespmem:$0x1D080] =	vst v63  }
0x151: {  	p0 =	seq.s32 s13, $0x7;
	s23 =	sor.u32 $0x200, s15;
	_ =	swait.ge [sflag:s1], $0x4000  }
0x152: {  	s17 =	simm.s32 @!p0 $0x40;
	s14 =	sshrl.u32 @!p0 s15, $0x2;
	[sflag:s1] =	ssyncset.done $0x0  }
0x153: {  	s18 =	simm.s32 @!p0 $0x1800;
	s16 =	sadd.s32 @!p0 $0x100, s14;
	[sflag:s1] =	ssyncadd.s32 $0xFFFFC000  }
0x154: {  	[tilespmem:s18], [sflag:$0x1] =	stream.indirect.gather @!p0 [hbm4b:s20+s17], $0x80, s16, s17, $0xb8;
	[tilespmem:$0x1D080] =	vst v63  }
0x155: {  	s15 =	sshrl.u32 s23, $0x2;
	s16 =	sadd.s32 @!p0 $0x140, s14;
	s18 =	simm.s32 @!p0 $0x3800  }
0x156: {  	[tilespmem:s18], [sflag:$0x1] =	stream.indirect.gather @!p0 [hbm4b:s20+s17], $0x80, s16, s17, $0xb8;
	[tilespmem:$0x1D080] =	vst v63  }
0x157: {  	s24 =	sadd.s32 $0x1000, s15;
	_ =	swait.ge [sflag:s12], $0x2000  }
0x158: {  	v1 =	vmov s24;
	[sflag:s12] =	ssyncset.done $0x0  }
0x159: {  	[sflag:s12] =	ssyncadd.s32 $0xFFFFE000  }
0x15a: {  	_ =	swait.ge [sflag:s12], $0x2000  }
0x15b: {  	s31 =	simm.s32 $0x0;
	[sflag:s12] =	ssyncset.done $0x0  }
0x15c: {  	s18 =	sand.u32 $0x70, s31;
	[sflag:s12] =	ssyncadd.s32 $0xFFFFE000  }
0x15d: {  	s16 =	simm.s32 $0x5880;
	v2 =	vld.idx.msk [tilespmem:v1+s18+$0x0 ss:$0x1], $0xffff  }
0x15e: {  	v3 =	vld [tilespmem:s16+$0x70]  }
0x15f: {  	v4 =	vld [tilespmem:s16+$0xFFFFFF80]  }
0x160: {  	v5 =	vld [tilespmem:s16+$0xFFFFFF90]  }
0x161: {  	s19 =	simm.s32 $0x1;
	v8 =	vld [tilespmem:s16+$0xFFFFFFA0]  }
0x162: {  	v6 =	vmov s19;
	s17 =	sand.u32 $0xE, s31;
	v10 =	vld [tilespmem:s16+$0xFFFFFFD0]  }
0x163: {  	v7 =	vmov s17;
	v11 =	vld [tilespmem:s16+$0xFFFFFFE0];
	v9 =	vperm.xlane v2, v6  }
0x164: {  	v12 =	vld [tilespmem:s16+$0x10];
	v2 =	vperm.xlane v2, v7  }
0x165: {  	v6 =	vld [tilespmem:s16+$0xFFFFFFB0];
	v3 =	vmul.f32 v3, v9  }
0x166: {  	v7 =	vld [tilespmem:s16+$0xFFFFFFC0];
	v8 =	vmul.f32 v8, v2  }
0x167: {  	v4 =	vmul.f32 v4, v2;
	[tilespmem:s16+$0x70] =	vst v3;
	v3 =	vld [tilespmem:s16+$0x0]  }
0x168: {  	v5 =	vmul.f32 v5, v2;
	[tilespmem:s16+$0xFFFFFFA0] =	vst v8;
	v8 =	vld [tilespmem:s16+$0x40]  }
0x169: {  	s17 =	simm.s32 $0x2;
	v13 =	vld [tilespmem:s16+$0x20];
	v10 =	vmul.f32 v10, v2;
	[tilespmem:s16+$0xFFFFFF80] =	vst v4  }
0x16a: {  	s23 =	sand.u32 $0x70, s17;
	v4 =	vld [tilespmem:s16+$0xFFFFFFF0];
	[tilespmem:s16+$0xFFFFFF90] =	vst v5;
	v5 =	vmul.f32 v6, v2  }
0x16b: {  	v14 =	vld.idx.msk [tilespmem:v1+s23+$0x0 ss:$0x1], $0xffff;
	s18 =	simm.s32 $0x5980;
	[tilespmem:s16+$0xFFFFFFD0] =	vst v10;
	v7 =	vmul.f32 v7, v2  }
0x16c: {  	v60 =	vld [tilespmem:s18+$0xFFFFFF90];
	[tilespmem:s16+$0xFFFFFFB0] =	vst v5;
	v3 =	vmul.f32 v3, v9  }
0x16d: {  	v6 =	vld [tilespmem:s16+$0x30];
	[tilespmem:s16+$0xFFFFFFC0] =	vst v7;
	v8 =	vmul.f32 v8, v9  }
0x16e: {  	v61 =	vld [tilespmem:s18+$0xFFFFFFB0];
	[tilespmem:s16+$0x0] =	vst v3;
	v3 =	vmul.f32 v11, v2  }
0x16f: {  	s24 =	sand.u32 $0xE, s17;
	v5 =	vld [tilespmem:s16+$0x50];
	v2 =	vmul.f32 v4, v2;
	[tilespmem:s16+$0x40] =	vst v8  }
0x170: {  	v11 =	vld [tilespmem:s18+$0xFFFFFF80];
	v4 =	vmov s24;
	[tilespmem:s16+$0xFFFFFFE0] =	vst v3;
	v3 =	vmul.f32 v12, v9  }
0x171: {  	v10 =	vld [tilespmem:s18+$0x70];
	v4 =	vperm.xlane v14, v4;
	[tilespmem:s16+$0xFFFFFFF0] =	vst v2;
	v2 =	vmul.f32 v13, v9  }
0x172: {  	s31 =	simm.s32 $0x3;
	v62 =	vld [tilespmem:s18+$0xFFFFFFC0];
	[tilespmem:s16+$0x10] =	vst v3;
	v3 =	vmul.f32 v6, v9  }
0x173: {  	v63 =	vmul.f32 v61, v4;
	v6 =	vld [tilespmem:s18+$0xFFFFFFA0];
	[tilespmem:s16+$0x20] =	vst v2;
	v2 =	vmov s31  }
0x174: {  	v7 =	vld [tilespmem:s16+$0x60];
	v2 =	vperm.xlane v14, v2;
	[tilespmem:s16+$0x30] =	vst v3;
	v3 =	vmul.f32 v5, v9  }
0x175: {  	v15 =	vld [tilespmem:s18+$0xFFFFFFD0];
	[tilespmem:s18+$0xFFFFFFB0] =	vst v63;
	v5 =	vmul.f32 v11, v4  }
0x176: {  	v8 =	vld [tilespmem:s18+$0xFFFFFFE0];
	v10 =	vmul.f32 v10, v2;
	[tilespmem:s16+$0x50] =	vst v3  }
0x177: {  	[tilespmem:s18+$0xFFFFFF80] =	vst v5;
	v3 =	vmul.f32 v60, v4;
	v5 =	vld [tilespmem:s18+$0xFFFFFFF0]  }
0x178: {  	[tilespmem:s18+$0x70] =	vst v10;
	v10 =	vmul.f32 v6, v4;
	v6 =	vld [tilespmem:s18+$0x0]  }
0x179: {  	v11 =	vmul.f32 v62, v4;
	[tilespmem:s18+$0xFFFFFF90] =	vst v3;
	v3 =	vmul.f32 v7, v9;
	v7 =	vld [tilespmem:s18+$0x10]  }
0x17a: {  	s13 =	sadd.s32 $0x1, s13;
	s19 =	simm.s32 $0x5980;
	v9 =	vld [tilespmem:s18+$0x20];
	[tilespmem:s18+$0xFFFFFFA0] =	vst v10;
	v10 =	vmul.f32 v15, v4  }
.LBB2_13:
0x17b: {  	[tilespmem:s18+$0xFFFFFFC0] =	vst v11;
	v8 =	vmul.f32 v8, v4;
	v11 =	vld [tilespmem:s18+$0x30];
	s23 =	smov.u32 s17;
	s17 =	sadd.s32 $0x2, s17  }
0x17c: {  	s24 =	sand.u32 $0x70, s17;
	s31 =	sand.u32 $0xE, s17;
	p1 =	slt.u32 s17, $0x7E;
	[tilespmem:s18+$0xFFFFFFD0] =	vst v10;
	v4 =	vmul.f32 v5, v4;
	v5 =	vld [tilespmem:s18+$0x40]  }
0x17d: {  	v10 =	vld.idx.msk [tilespmem:v1+s24+$0x0 ss:$0x1], $0xffff;
	v12 =	vmov s31;
	[tilespmem:s18+$0xFFFFFFE0] =	vst v8;
	v6 =	vmul.f32 v6, v2  }
0x17e: {  	[tilespmem:s18+$0xFFFFFFF0] =	vst v4;
	v4 =	vmul.f32 v7, v2;
	v7 =	vld [tilespmem:s18+$0x50]  }
0x17f: {  	s18 =	sadd.s32 $0x100, s18;
	[tilespmem:s19+$0x0] =	vst v6;
	v6 =	vmul.f32 v9, v2;
	v8 =	vld [tilespmem:s19+$0x60]  }
0x180: {  	v9 =	vld [tilespmem:s18+$0x70];
	[tilespmem:s19+$0x10] =	vst v4;
	v4 =	vmul.f32 v11, v2  }
0x181: {  	s23 =	sadd.s32 $0x3, s23;
	v11 =	vld [tilespmem:s18+$0xFFFFFF80];
	[tilespmem:s19+$0x20] =	vst v6;
	v5 =	vmul.f32 v5, v2  }
0x182: {  	v13 =	vmov s23;
	v6 =	vld [tilespmem:s18+$0xFFFFFF90];
	[tilespmem:s19+$0x30] =	vst v4  }
0x183: {  	v4 =	vperm.xlane v10, v12;
	v10 =	vperm.xlane v10, v13;
	v12 =	vld [tilespmem:s18+$0xFFFFFFA0];
	[tilespmem:s19+$0x40] =	vst v5  }
0x184: {  	v5 =	vmul.f32 v7, v2;
	v13 =	vld [tilespmem:s18+$0xFFFFFFB0];
	[tilespmem:s16+$0x60] =	vst v3;
	v3 =	vmul.f32 v8, v2;
	s16 =	smov.u32 s19;
	s19 =	smov.u32 s18  }
0x185: {  	v2 =	vmov v10;
	v7 =	vld [tilespmem:s18+$0xFFFFFFC0];
	v9 =	vmul.f32 v9, v10  }
0x186: {  	v10 =	vmul.f32 v11, v4;
	v14 =	vld [tilespmem:s18+$0xFFFFFFD0];
	[tilespmem:s16+$0x50] =	vst v5  }
.Ltmp5:
0x187: {  	v6 =	vmul.f32 v6, v4;
	v8 =	vld [tilespmem:s18+$0xFFFFFFE0];
	[tilespmem:s18+$0x70] =	vst v9;
	(pc) =	sbr.rel @p1 .LBB2_13-.Ltmp5, $4  }
0x188: {  	[tilespmem:s18+$0xFFFFFF80] =	vst v10;
	v9 =	vmul.f32 v12, v4;
	v5 =	vld [tilespmem:s18+$0xFFFFFFF0]  }
0x189: {  	[tilespmem:s18+$0xFFFFFF90] =	vst v6;
	v10 =	vmul.f32 v13, v4;
	v6 =	vld [tilespmem:s18+$0x0]  }
0x18a: {  	[tilespmem:s18+$0xFFFFFFA0] =	vst v9;
	v11 =	vmul.f32 v7, v4;
	v7 =	vld [tilespmem:s18+$0x10]  }
0x18b: {  	[tilespmem:s18+$0xFFFFFFB0] =	vst v10;
	v10 =	vmul.f32 v14, v4;
	v9 =	vld [tilespmem:s18+$0x20]  }
0x18c: {  	[tilespmem:s18+$0xFFFFFFC0] =	vst v11  }
0x18d: {  	v1 =	vmul.f32 v8, v4;
	v56 =	vld [tilespmem:s18+$0x30];
	[tilespmem:s16+$0x60] =	vst v3  }
0x18e: {  	v57 =	vld [tilespmem:s18+$0x40];
	[tilespmem:s18+$0xFFFFFFD0] =	vst v10;
	v58 =	vmul.f32 v5, v4  }
0x18f: {  	v6 =	vmul.f32 v6, v2;
	[tilespmem:s18+$0xFFFFFFE0] =	vst v1;
	v1 =	vld [tilespmem:s18+$0x50]  }
0x190: {  	v61 =	vld [tilespmem:s19+$0x60];
	v59 =	vmul.f32 v7, v2;
	[tilespmem:s18+$0xFFFFFFF0] =	vst v58  }
0x191: {  	[tilespmem:s19+$0x0] =	vst v6;
	v60 =	vmul.f32 v9, v2  }
0x192: {  	[tilespmem:s19+$0x10] =	vst v59;
	v62 =	vmul.f32 v56, v2  }
0x193: {  	v63 =	vmul.f32 v57, v2;
	[tilespmem:s19+$0x20] =	vst v60  }
0x194: {  	[tilespmem:s19+$0x30] =	vst v62;
	v1 =	vmul.f32 v1, v2  }
0x195: {  	[tilespmem:s19+$0x40] =	vst v63;
	v2 =	vmul.f32 v61, v2  }
0x196: {  	[tilespmem:s19+$0x50] =	vst v1  }
0x197: {  	s15 =	sadd.s32 $0x800, s15;
	[tilespmem:s19+$0x60] =	vst v2  }
0x198: {  	[spmem:s22] =	stream.indirect.scatter.add.f32 [tilespmem:s8], [sflag:$0x4], $0x80, s15, s7, $0xb8;
	[tilespmem:$0x1D080] =	vst v63  }
0x199: {  	_ =	swait.ge [sflag:s1], $0x4000  }
0x19a: {  	s16 =	simm.s32 @!p0 $0x40;
	[sflag:s1] =	ssyncset.done $0x0  }
0x19b: {  	s17 =	simm.s32 @!p0 $0x5800;
	s15 =	sadd.s32 @!p0 $0x180, s14;
	[sflag:s1] =	ssyncadd.s32 $0xFFFFC000  }
0x19c: {  	[tilespmem:s17], [sflag:$0x2] =	stream.indirect.gather @!p0 [hbm4b:s20+s16], $0x80, s15, s16, $0xb8;
	[tilespmem:$0x1D080] =	vst v63  }
0x19d: {  	p1 =	sne.s32 @!p0 s13, $0x8;
	s14 =	sadd.s32 @!p0 $0x1C0, s14;
	s15 =	simm.s32 @!p0 $0x7800  }
0x19e: {  	[tilespmem:s15], [sflag:$0x2] =	stream.indirect.gather @!p0 [hbm4b:s20+s16], $0x80, s14, s16, $0xb8;
	[tilespmem:$0x1D080] =	vst v63  }
0x19f: {  	p0 =	por p0, !p1  }
.Ltmp6:
0x1a0: {  	_ = 	snop;
	(pc) =	sbr.rel @!p0 .LBB2_10-.Ltmp6, $1  }
0x1a1: {  	_ =	sdelay $0x3  }
0x1a2: {  	s13 =	simm.s32 $0x0;
	s14 =	rddreg [dreg:$0xa]  }
0x1a3: {  	[tilespmem:s13], [sflag:$0x3] =	stream.linear.gather [hbm4b:s14+s13], $0x800, $0x38;
	[tilespmem:$0x1D080] =	vst v63  }
0x1a4: {  	s24 =	rddreg [dreg:$0xb]  }
0x1a5: {  	[tilespmem:s2], [sflag:$0x3] =	stream.linear.gather [hbm4b:s24+s13], $0x800, $0x38;
	[tilespmem:$0x1D080] =	vst v63  }
0x1a6: {  	s31 =	rddreg [dreg:$0xc]  }
0x1a7: {  	[tilespmem:s3], [sflag:$0x3] =	stream.linear.gather [hbm4b:s31+s13], $0x800, $0x38;
	[tilespmem:$0x1D080] =	vst v63  }
0x1a8: {  	_ =	swait.ge [sflag:s4], $0x800  }
0x1a9: {  	[sflag:s4] =	ssyncset.done $0x0  }
0x1aa: {  	[sflag:s4] =	ssyncadd.s32 $0xFFFFF800  }
0x1ab: {  	_ =	swait.ge [sflag:s4], $0x800  }
0x1ac: {  	[sflag:s4] =	ssyncset.done $0x0  }
0x1ad: {  	[sflag:s4] =	ssyncadd.s32 $0xFFFFF800  }
0x1ae: {  	_ =	swait.ge [sflag:s4], $0x800  }
0x1af: {  	[sflag:s4] =	ssyncset.done $0x0  }
0x1b0: {  	[sflag:s4] =	ssyncadd.s32 $0xFFFFF800  }
0x1b1: {  	[tilespmem:s21], [sflag:$0x1] =	stream.indirect.gather [hbm4b:s20+s5], $0x80, s13, s5, $0xb8;
	[tilespmem:$0x1D080] =	vst v63  }
0x1b2: {  	_ = 	snop  }
0x1b3: {  	[tilespmem:s6], [sflag:$0x1] =	stream.indirect.gather [hbm4b:s20+s5], $0x80, s5, s5, $0xb8;
	[tilespmem:$0x1D080] =	vst v63  }
0x1b4: {  	_ = 	snop  }
0x1b5: {  	[tilespmem:s8], [sflag:$0x2] =	stream.indirect.gather [hbm4b:s20+s5], $0x80, s7, s5, $0xb8;
	[tilespmem:$0x1D080] =	vst v63  }
0x1b6: {  	_ = 	snop  }
0x1b7: {  	[tilespmem:s10], [sflag:$0x2] =	stream.indirect.gather [hbm4b:s20+s5], $0x80, s9, s5, $0xb8;
	[tilespmem:$0x1D080] =	vst v63  }
.LBB2_16:
0x1b8: {  	s15 =	sshll.u32 s13, $0xA  }
0x1b9: {  	s14 =	sshrl.u32 s15, $0x2  }
0x1ba: {  	_ =	swait.ge [sflag:s11], $0x2000;
	s16 =	sadd.s32 $0x1000, s14  }
0x1bb: {  	[sflag:s11] =	ssyncset.done $0x0;
	v1 =	vmov s16  }
0x1bc: {  	[sflag:s11] =	ssyncadd.s32 $0xFFFFE000  }
0x1bd: {  	_ =	swait.ge [sflag:s11], $0x2000  }
0x1be: {  	s17 =	simm.s32 $0x0;
	[sflag:s11] =	ssyncset.done $0x0  }
0x1bf: {  	s23 =	sand.u32 $0x70, s17;
	[sflag:s11] =	ssyncadd.s32 $0xFFFFE000  }
0x1c0: {  	s16 =	simm.s32 $0x1880;
	v2 =	vld.idx.msk [tilespmem:v1+s23+$0x0 ss:$0x1], $0xffff  }
0x1c1: {  	v3 =	vld [tilespmem:s16+$0x70]  }
0x1c2: {  	v4 =	vld [tilespmem:s16+$0xFFFFFF80]  }
0x1c3: {  	s18 =	simm.s32 $0x1;
	v5 =	vld [tilespmem:s16+$0xFFFFFF90]  }
0x1c4: {  	v6 =	vmov s18;
	v8 =	vld [tilespmem:s16+$0xFFFFFFA0]  }
0x1c5: {  	s17 =	sand.u32 $0xE, s17;
	v9 =	vld [tilespmem:s16+$0xFFFFFFD0];
	v10 =	vperm.xlane v2, v6  }
0x1c6: {  	v7 =	vmov s17;
	v11 =	vld [tilespmem:s16+$0xFFFFFFE0]  }
0x1c7: {  	v12 =	vld [tilespmem:s16+$0x10];
	v2 =	vperm.xlane v2, v7;
	v3 =	vmul.f32 v3, v10  }
0x1c8: {  	v6 =	vld [tilespmem:s16+$0xFFFFFFB0]  }
0x1c9: {  	v4 =	vmul.f32 v4, v2;
	[tilespmem:s16+$0x70] =	vst v3;
	v3 =	vld [tilespmem:s16+$0x0]  }
0x1ca: {  	v7 =	vld [tilespmem:s16+$0xFFFFFFC0];
	v5 =	vmul.f32 v5, v2  }
0x1cb: {  	v13 =	vld [tilespmem:s16+$0x20];
	v8 =	vmul.f32 v8, v2;
	[tilespmem:s16+$0xFFFFFF80] =	vst v4  }
0x1cc: {  	s18 =	simm.s32 $0x1980;
	s17 =	simm.s32 $0x2;
	v9 =	vmul.f32 v9, v2;
	v4 =	vld [tilespmem:s16+$0xFFFFFFF0];
	[tilespmem:s16+$0xFFFFFF90] =	vst v5  }
0x1cd: {  	s24 =	sand.u32 $0x70, s17;
	v60 =	vld [tilespmem:s18+$0xFFFFFF90];
	[tilespmem:s16+$0xFFFFFFA0] =	vst v8;
	v5 =	vmul.f32 v6, v2  }
0x1ce: {  	v14 =	vld.idx.msk [tilespmem:v1+s24+$0x0 ss:$0x1], $0xffff;
	[tilespmem:s16+$0xFFFFFFD0] =	vst v9;
	v3 =	vmul.f32 v3, v10  }
0x1cf: {  	v6 =	vld [tilespmem:s16+$0x30];
	v7 =	vmul.f32 v7, v2;
	[tilespmem:s16+$0xFFFFFFB0] =	vst v5  }
0x1d0: {  	v8 =	vld [tilespmem:s16+$0x40];
	[tilespmem:s16+$0x0] =	vst v3;
	v3 =	vmul.f32 v11, v2  }
0x1d1: {  	v5 =	vld [tilespmem:s16+$0x50];
	[tilespmem:s16+$0xFFFFFFC0] =	vst v7;
	v2 =	vmul.f32 v4, v2  }
0x1d2: {  	v11 =	vld [tilespmem:s18+$0xFFFFFF80];
	[tilespmem:s16+$0xFFFFFFE0] =	vst v3;
	v3 =	vmul.f32 v12, v10  }
0x1d3: {  	s19 =	sand.u32 $0xE, s17;
	v9 =	vld [tilespmem:s18+$0x70];
	[tilespmem:s16+$0xFFFFFFF0] =	vst v2;
	v2 =	vmul.f32 v13, v10  }
0x1d4: {  	s31 =	simm.s32 $0x3;
	v61 =	vld [tilespmem:s18+$0xFFFFFFB0];
	v4 =	vmov s19;
	[tilespmem:s16+$0x10] =	vst v3;
	v3 =	vmul.f32 v6, v10  }
0x1d5: {  	v8 =	vmul.f32 v8, v10;
	v4 =	vperm.xlane v14, v4;
	v6 =	vld [tilespmem:s18+$0xFFFFFFA0];
	[tilespmem:s16+$0x20] =	vst v2;
	v2 =	vmov s31  }
0x1d6: {  	v62 =	vld [tilespmem:s18+$0xFFFFFFC0];
	v2 =	vperm.xlane v14, v2;
	[tilespmem:s16+$0x30] =	vst v3;
	v3 =	vmul.f32 v5, v10  }
0x1d7: {  	v7 =	vld [tilespmem:s16+$0x60];
	[tilespmem:s16+$0x40] =	vst v8;
	v5 =	vmul.f32 v11, v4  }
0x1d8: {  	v8 =	vld [tilespmem:s18+$0xFFFFFFD0];
	v11 =	vmul.f32 v9, v2;
	[tilespmem:s16+$0x50] =	vst v3  }
0x1d9: {  	v9 =	vld [tilespmem:s18+$0xFFFFFFE0];
	[tilespmem:s18+$0xFFFFFF80] =	vst v5;
	v3 =	vmul.f32 v60, v4  }
0x1da: {  	v5 =	vld [tilespmem:s18+$0xFFFFFFF0];
	[tilespmem:s18+$0x70] =	vst v11;
	v11 =	vmul.f32 v6, v4  }
0x1db: {  	v63 =	vmul.f32 v61, v4;
	v6 =	vld [tilespmem:s18+$0x0];
	[tilespmem:s18+$0xFFFFFF90] =	vst v3  }
0x1dc: {  	v3 =	vmul.f32 v7, v10;
	v7 =	vld [tilespmem:s18+$0x10];
	[tilespmem:s18+$0xFFFFFFA0] =	vst v11;
	v11 =	vmul.f32 v62, v4  }
0x1dd: {  	s19 =	simm.s32 $0x1980;
	[tilespmem:s18+$0xFFFFFFB0] =	vst v63;
	v10 =	vmul.f32 v8, v4;
	v8 =	vld [tilespmem:s18+$0x20]  }
.LBB2_17:
0x1de: {  	[tilespmem:s18+$0xFFFFFFC0] =	vst v11;
	v9 =	vmul.f32 v9, v4;
	v11 =	vld [tilespmem:s18+$0x30];
	s23 =	smov.u32 s17;
	s17 =	sadd.s32 $0x2, s17  }
0x1df: {  	s24 =	sand.u32 $0x70, s17;
	s31 =	sand.u32 $0xE, s17;
	p0 =	slt.u32 s17, $0x7E;
	[tilespmem:s18+$0xFFFFFFD0] =	vst v10;
	v4 =	vmul.f32 v5, v4;
	v5 =	vld [tilespmem:s18+$0x40]  }
0x1e0: {  	v10 =	vld.idx.msk [tilespmem:v1+s24+$0x0 ss:$0x1], $0xffff;
	v12 =	vmov s31;
	[tilespmem:s18+$0xFFFFFFE0] =	vst v9;
	v6 =	vmul.f32 v6, v2  }
0x1e1: {  	[tilespmem:s18+$0xFFFFFFF0] =	vst v4;
	v4 =	vmul.f32 v7, v2;
	v7 =	vld [tilespmem:s18+$0x50]  }
0x1e2: {  	s18 =	sadd.s32 $0x100, s18;
	[tilespmem:s19+$0x0] =	vst v6;
	v6 =	vmul.f32 v8, v2;
	v8 =	vld [tilespmem:s19+$0x60]  }
0x1e3: {  	v9 =	vld [tilespmem:s18+$0x70];
	[tilespmem:s19+$0x10] =	vst v4;
	v4 =	vmul.f32 v11, v2  }
0x1e4: {  	s23 =	sadd.s32 $0x3, s23;
	v11 =	vld [tilespmem:s18+$0xFFFFFF80];
	[tilespmem:s19+$0x20] =	vst v6;
	v5 =	vmul.f32 v5, v2  }
0x1e5: {  	v13 =	vmov s23;
	v6 =	vld [tilespmem:s18+$0xFFFFFF90];
	[tilespmem:s19+$0x30] =	vst v4  }
0x1e6: {  	v4 =	vperm.xlane v10, v12;
	v10 =	vperm.xlane v10, v13;
	v12 =	vld [tilespmem:s18+$0xFFFFFFA0];
	[tilespmem:s19+$0x40] =	vst v5  }
0x1e7: {  	v5 =	vmul.f32 v7, v2;
	v13 =	vld [tilespmem:s18+$0xFFFFFFB0];
	[tilespmem:s16+$0x60] =	vst v3;
	v3 =	vmul.f32 v8, v2;
	s16 =	smov.u32 s19;
	s19 =	smov.u32 s18  }
0x1e8: {  	v2 =	vmov v10;
	v7 =	vld [tilespmem:s18+$0xFFFFFFC0];
	v8 =	vmul.f32 v9, v10  }
0x1e9: {  	v10 =	vmul.f32 v11, v4;
	v14 =	vld [tilespmem:s18+$0xFFFFFFD0];
	[tilespmem:s16+$0x50] =	vst v5  }
.Ltmp7:
0x1ea: {  	v6 =	vmul.f32 v6, v4;
	v9 =	vld [tilespmem:s18+$0xFFFFFFE0];
	[tilespmem:s18+$0x70] =	vst v8;
	(pc) =	sbr.rel @p0 .LBB2_17-.Ltmp7, $4  }
0x1eb: {  	[tilespmem:s18+$0xFFFFFF80] =	vst v10;
	v8 =	vmul.f32 v12, v4;
	v5 =	vld [tilespmem:s18+$0xFFFFFFF0]  }
0x1ec: {  	[tilespmem:s18+$0xFFFFFF90] =	vst v6;
	v10 =	vmul.f32 v13, v4;
	v6 =	vld [tilespmem:s18+$0x0]  }
0x1ed: {  	[tilespmem:s18+$0xFFFFFFA0] =	vst v8;
	v11 =	vmul.f32 v7, v4;
	v7 =	vld [tilespmem:s18+$0x10]  }
0x1ee: {  	[tilespmem:s18+$0xFFFFFFB0] =	vst v10;
	v10 =	vmul.f32 v14, v4;
	v8 =	vld [tilespmem:s18+$0x20]  }
0x1ef: {  	[tilespmem:s18+$0xFFFFFFC0] =	vst v11  }
0x1f0: {  	v1 =	vmul.f32 v9, v4;
	v9 =	vld [tilespmem:s18+$0x30];
	[tilespmem:s16+$0x60] =	vst v3  }
0x1f1: {  	[tilespmem:s18+$0xFFFFFFD0] =	vst v10;
	v10 =	vld [tilespmem:s18+$0x40];
	v6 =	vmul.f32 v6, v2  }
0x1f2: {  	v4 =	vmul.f32 v5, v4;
	[tilespmem:s18+$0xFFFFFFE0] =	vst v1;
	v1 =	vld [tilespmem:s18+$0x50]  }
0x1f3: {  	v5 =	vmul.f32 v7, v2;
	[tilespmem:s19+$0x0] =	vst v6;
	v6 =	vld [tilespmem:s19+$0x60]  }
0x1f4: {  	[tilespmem:s18+$0xFFFFFFF0] =	vst v4;
	v4 =	vmul.f32 v8, v2  }
0x1f5: {  	[tilespmem:s19+$0x10] =	vst v5;
	v5 =	vmul.f32 v9, v2  }
0x1f6: {  	[tilespmem:s19+$0x20] =	vst v4;
	v4 =	vmul.f32 v10, v2  }
0x1f7: {  	[tilespmem:s19+$0x30] =	vst v5;
	v1 =	vmul.f32 v1, v2  }
0x1f8: {  	[tilespmem:s19+$0x40] =	vst v4;
	v2 =	vmul.f32 v6, v2  }
0x1f9: {  	[tilespmem:s19+$0x50] =	vst v1  }
0x1fa: {  	s14 =	sadd.s32 $0x800, s14;
	[tilespmem:s19+$0x60] =	vst v2  }
0x1fb: {  	[spmem:s22] =	stream.indirect.scatter.add.f32 [tilespmem:s21], [sflag:$0x4], $0x80, s14, s7, $0xb8;
	[tilespmem:$0x1D080] =	vst v63  }
0x1fc: {  	p0 =	seq.s32 s13, $0x7;
	s23 =	sor.u32 $0x200, s15;
	_ =	swait.ge [sflag:s1], $0x4000  }
0x1fd: {  	s17 =	simm.s32 @!p0 $0x40;
	s14 =	sshrl.u32 @!p0 s15, $0x2;
	[sflag:s1] =	ssyncset.done $0x0  }
0x1fe: {  	s18 =	simm.s32 @!p0 $0x1800;
	s16 =	sadd.s32 @!p0 $0x100, s14;
	[sflag:s1] =	ssyncadd.s32 $0xFFFFC000  }
0x1ff: {  	[tilespmem:s18], [sflag:$0x1] =	stream.indirect.gather @!p0 [hbm4b:s20+s17], $0x80, s16, s17, $0xb8;
	[tilespmem:$0x1D080] =	vst v63  }
0x200: {  	s15 =	sshrl.u32 s23, $0x2;
	s16 =	sadd.s32 @!p0 $0x140, s14;
	s18 =	simm.s32 @!p0 $0x3800  }
0x201: {  	[tilespmem:s18], [sflag:$0x1] =	stream.indirect.gather @!p0 [hbm4b:s20+s17], $0x80, s16, s17, $0xb8;
	[tilespmem:$0x1D080] =	vst v63  }
0x202: {  	s24 =	sadd.s32 $0x1000, s15;
	_ =	swait.ge [sflag:s12], $0x2000  }
0x203: {  	v1 =	vmov s24;
	[sflag:s12] =	ssyncset.done $0x0  }
0x204: {  	[sflag:s12] =	ssyncadd.s32 $0xFFFFE000  }
0x205: {  	_ =	swait.ge [sflag:s12], $0x2000  }
0x206: {  	s31 =	simm.s32 $0x0;
	[sflag:s12] =	ssyncset.done $0x0  }
0x207: {  	s18 =	sand.u32 $0x70, s31;
	[sflag:s12] =	ssyncadd.s32 $0xFFFFE000  }
0x208: {  	s16 =	simm.s32 $0x5880;
	v2 =	vld.idx.msk [tilespmem:v1+s18+$0x0 ss:$0x1], $0xffff  }
0x209: {  	v3 =	vld [tilespmem:s16+$0x70]  }
0x20a: {  	v4 =	vld [tilespmem:s16+$0xFFFFFF80]  }
0x20b: {  	v5 =	vld [tilespmem:s16+$0xFFFFFF90]  }
0x20c: {  	s19 =	simm.s32 $0x1;
	v8 =	vld [tilespmem:s16+$0xFFFFFFA0]  }
0x20d: {  	v6 =	vmov s19;
	s17 =	sand.u32 $0xE, s31;
	v10 =	vld [tilespmem:s16+$0xFFFFFFD0]  }
0x20e: {  	v7 =	vmov s17;
	v11 =	vld [tilespmem:s16+$0xFFFFFFE0];
	v9 =	vperm.xlane v2, v6  }
0x20f: {  	v12 =	vld [tilespmem:s16+$0x10];
	v2 =	vperm.xlane v2, v7  }
0x210: {  	v6 =	vld [tilespmem:s16+$0xFFFFFFB0];
	v3 =	vmul.f32 v3, v9  }
0x211: {  	v7 =	vld [tilespmem:s16+$0xFFFFFFC0];
	v8 =	vmul.f32 v8, v2  }
0x212: {  	v4 =	vmul.f32 v4, v2;
	[tilespmem:s16+$0x70] =	vst v3;
	v3 =	vld [tilespmem:s16+$0x0]  }
0x213: {  	v5 =	vmul.f32 v5, v2;
	[tilespmem:s16+$0xFFFFFFA0] =	vst v8;
	v8 =	vld [tilespmem:s16+$0x40]  }
0x214: {  	s17 =	simm.s32 $0x2;
	v13 =	vld [tilespmem:s16+$0x20];
	v10 =	vmul.f32 v10, v2;
	[tilespmem:s16+$0xFFFFFF80] =	vst v4  }
0x215: {  	s23 =	sand.u32 $0x70, s17;
	v4 =	vld [tilespmem:s16+$0xFFFFFFF0];
	[tilespmem:s16+$0xFFFFFF90] =	vst v5;
	v5 =	vmul.f32 v6, v2  }
0x216: {  	v14 =	vld.idx.msk [tilespmem:v1+s23+$0x0 ss:$0x1], $0xffff;
	s18 =	simm.s32 $0x5980;
	[tilespmem:s16+$0xFFFFFFD0] =	vst v10;
	v7 =	vmul.f32 v7, v2  }
0x217: {  	v60 =	vld [tilespmem:s18+$0xFFFFFF90];
	[tilespmem:s16+$0xFFFFFFB0] =	vst v5;
	v3 =	vmul.f32 v3, v9  }
0x218: {  	v6 =	vld [tilespmem:s16+$0x30];
	[tilespmem:s16+$0xFFFFFFC0] =	vst v7;
	v8 =	vmul.f32 v8, v9  }
0x219: {  	v61 =	vld [tilespmem:s18+$0xFFFFFFB0];
	[tilespmem:s16+$0x0] =	vst v3;
	v3 =	vmul.f32 v11, v2  }
0x21a: {  	s24 =	sand.u32 $0xE, s17;
	v5 =	vld [tilespmem:s16+$0x50];
	v2 =	vmul.f32 v4, v2;
	[tilespmem:s16+$0x40] =	vst v8  }
0x21b: {  	v11 =	vld [tilespmem:s18+$0xFFFFFF80];
	v4 =	vmov s24;
	[tilespmem:s16+$0xFFFFFFE0] =	vst v3;
	v3 =	vmul.f32 v12, v9  }
0x21c: {  	v10 =	vld [tilespmem:s18+$0x70];
	v4 =	vperm.xlane v14, v4;
	[tilespmem:s16+$0xFFFFFFF0] =	vst v2;
	v2 =	vmul.f32 v13, v9  }
0x21d: {  	s31 =	simm.s32 $0x3;
	v62 =	vld [tilespmem:s18+$0xFFFFFFC0];
	[tilespmem:s16+$0x10] =	vst v3;
	v3 =	vmul.f32 v6, v9  }
0x21e: {  	v63 =	vmul.f32 v61, v4;
	v6 =	vld [tilespmem:s18+$0xFFFFFFA0];
	[tilespmem:s16+$0x20] =	vst v2;
	v2 =	vmov s31  }
0x21f: {  	v7 =	vld [tilespmem:s16+$0x60];
	v2 =	vperm.xlane v14, v2;
	[tilespmem:s16+$0x30] =	vst v3;
	v3 =	vmul.f32 v5, v9  }
0x220: {  	v15 =	vld [tilespmem:s18+$0xFFFFFFD0];
	[tilespmem:s18+$0xFFFFFFB0] =	vst v63;
	v5 =	vmul.f32 v11, v4  }
0x221: {  	v8 =	vld [tilespmem:s18+$0xFFFFFFE0];
	v10 =	vmul.f32 v10, v2;
	[tilespmem:s16+$0x50] =	vst v3  }
0x222: {  	[tilespmem:s18+$0xFFFFFF80] =	vst v5;
	v3 =	vmul.f32 v60, v4;
	v5 =	vld [tilespmem:s18+$0xFFFFFFF0]  }
0x223: {  	[tilespmem:s18+$0x70] =	vst v10;
	v10 =	vmul.f32 v6, v4;
	v6 =	vld [tilespmem:s18+$0x0]  }
0x224: {  	v11 =	vmul.f32 v62, v4;
	[tilespmem:s18+$0xFFFFFF90] =	vst v3;
	v3 =	vmul.f32 v7, v9;
	v7 =	vld [tilespmem:s18+$0x10]  }
0x225: {  	s13 =	sadd.s32 $0x1, s13;
	s19 =	simm.s32 $0x5980;
	v9 =	vld [tilespmem:s18+$0x20];
	[tilespmem:s18+$0xFFFFFFA0] =	vst v10;
	v10 =	vmul.f32 v15, v4  }
.LBB2_19:
0x226: {  	[tilespmem:s18+$0xFFFFFFC0] =	vst v11;
	v8 =	vmul.f32 v8, v4;
	v11 =	vld [tilespmem:s18+$0x30];
	s23 =	smov.u32 s17;
	s17 =	sadd.s32 $0x2, s17  }
0x227: {  	s24 =	sand.u32 $0x70, s17;
	s31 =	sand.u32 $0xE, s17;
	p1 =	slt.u32 s17, $0x7E;
	[tilespmem:s18+$0xFFFFFFD0] =	vst v10;
	v4 =	vmul.f32 v5, v4;
	v5 =	vld [tilespmem:s18+$0x40]  }
0x228: {  	v10 =	vld.idx.msk [tilespmem:v1+s24+$0x0 ss:$0x1], $0xffff;
	v12 =	vmov s31;
	[tilespmem:s18+$0xFFFFFFE0] =	vst v8;
	v6 =	vmul.f32 v6, v2  }
0x229: {  	[tilespmem:s18+$0xFFFFFFF0] =	vst v4;
	v4 =	vmul.f32 v7, v2;
	v7 =	vld [tilespmem:s18+$0x50]  }
0x22a: {  	s18 =	sadd.s32 $0x100, s18;
	[tilespmem:s19+$0x0] =	vst v6;
	v6 =	vmul.f32 v9, v2;
	v8 =	vld [tilespmem:s19+$0x60]  }
0x22b: {  	v9 =	vld [tilespmem:s18+$0x70];
	[tilespmem:s19+$0x10] =	vst v4;
	v4 =	vmul.f32 v11, v2  }
0x22c: {  	s23 =	sadd.s32 $0x3, s23;
	v11 =	vld [tilespmem:s18+$0xFFFFFF80];
	[tilespmem:s19+$0x20] =	vst v6;
	v5 =	vmul.f32 v5, v2  }
0x22d: {  	v13 =	vmov s23;
	v6 =	vld [tilespmem:s18+$0xFFFFFF90];
	[tilespmem:s19+$0x30] =	vst v4  }
0x22e: {  	v4 =	vperm.xlane v10, v12;
	v10 =	vperm.xlane v10, v13;
	v12 =	vld [tilespmem:s18+$0xFFFFFFA0];
	[tilespmem:s19+$0x40] =	vst v5  }
0x22f: {  	v5 =	vmul.f32 v7, v2;
	v13 =	vld [tilespmem:s18+$0xFFFFFFB0];
	[tilespmem:s16+$0x60] =	vst v3;
	v3 =	vmul.f32 v8, v2;
	s16 =	smov.u32 s19;
	s19 =	smov.u32 s18  }
0x230: {  	v2 =	vmov v10;
	v7 =	vld [tilespmem:s18+$0xFFFFFFC0];
	v9 =	vmul.f32 v9, v10  }
0x231: {  	v10 =	vmul.f32 v11, v4;
	v14 =	vld [tilespmem:s18+$0xFFFFFFD0];
	[tilespmem:s16+$0x50] =	vst v5  }
.Ltmp8:
0x232: {  	v6 =	vmul.f32 v6, v4;
	v8 =	vld [tilespmem:s18+$0xFFFFFFE0];
	[tilespmem:s18+$0x70] =	vst v9;
	(pc) =	sbr.rel @p1 .LBB2_19-.Ltmp8, $4  }
0x233: {  	[tilespmem:s18+$0xFFFFFF80] =	vst v10;
	v9 =	vmul.f32 v12, v4;
	v5 =	vld [tilespmem:s18+$0xFFFFFFF0]  }
0x234: {  	[tilespmem:s18+$0xFFFFFF90] =	vst v6;
	v10 =	vmul.f32 v13, v4;
	v6 =	vld [tilespmem:s18+$0x0]  }
0x235: {  	[tilespmem:s18+$0xFFFFFFA0] =	vst v9;
	v11 =	vmul.f32 v7, v4;
	v7 =	vld [tilespmem:s18+$0x10]  }
0x236: {  	[tilespmem:s18+$0xFFFFFFB0] =	vst v10;
	v10 =	vmul.f32 v14, v4;
	v9 =	vld [tilespmem:s18+$0x20]  }
0x237: {  	[tilespmem:s18+$0xFFFFFFC0] =	vst v11  }
0x238: {  	v1 =	vmul.f32 v8, v4;
	v56 =	vld [tilespmem:s18+$0x30];
	[tilespmem:s16+$0x60] =	vst v3  }
0x239: {  	v57 =	vld [tilespmem:s18+$0x40];
	[tilespmem:s18+$0xFFFFFFD0] =	vst v10;
	v58 =	vmul.f32 v5, v4  }
0x23a: {  	v6 =	vmul.f32 v6, v2;
	[tilespmem:s18+$0xFFFFFFE0] =	vst v1;
	v1 =	vld [tilespmem:s18+$0x50]  }
0x23b: {  	v61 =	vld [tilespmem:s19+$0x60];
	v59 =	vmul.f32 v7, v2;
	[tilespmem:s18+$0xFFFFFFF0] =	vst v58  }
0x23c: {  	[tilespmem:s19+$0x0] =	vst v6;
	v60 =	vmul.f32 v9, v2  }
0x23d: {  	[tilespmem:s19+$0x10] =	vst v59;
	v62 =	vmul.f32 v56, v2  }
0x23e: {  	v63 =	vmul.f32 v57, v2;
	[tilespmem:s19+$0x20] =	vst v60  }
0x23f: {  	[tilespmem:s19+$0x30] =	vst v62;
	v1 =	vmul.f32 v1, v2  }
0x240: {  	[tilespmem:s19+$0x40] =	vst v63;
	v2 =	vmul.f32 v61, v2  }
0x241: {  	[tilespmem:s19+$0x50] =	vst v1  }
0x242: {  	s15 =	sadd.s32 $0x800, s15;
	[tilespmem:s19+$0x60] =	vst v2  }
0x243: {  	[spmem:s22] =	stream.indirect.scatter.add.f32 [tilespmem:s8], [sflag:$0x4], $0x80, s15, s7, $0xb8;
	[tilespmem:$0x1D080] =	vst v63  }
0x244: {  	_ =	swait.ge [sflag:s1], $0x4000  }
0x245: {  	s16 =	simm.s32 @!p0 $0x40;
	[sflag:s1] =	ssyncset.done $0x0  }
0x246: {  	s17 =	simm.s32 @!p0 $0x5800;
	s15 =	sadd.s32 @!p0 $0x180, s14;
	[sflag:s1] =	ssyncadd.s32 $0xFFFFC000  }
0x247: {  	[tilespmem:s17], [sflag:$0x2] =	stream.indirect.gather @!p0 [hbm4b:s20+s16], $0x80, s15, s16, $0xb8;
	[tilespmem:$0x1D080] =	vst v63  }
0x248: {  	p1 =	sne.s32 @!p0 s13, $0x8;
	s14 =	sadd.s32 @!p0 $0x1C0, s14;
	s15 =	simm.s32 @!p0 $0x7800  }
0x249: {  	[tilespmem:s15], [sflag:$0x2] =	stream.indirect.gather @!p0 [hbm4b:s20+s16], $0x80, s14, s16, $0xb8;
	[tilespmem:$0x1D080] =	vst v63  }
0x24a: {  	p0 =	por p0, !p1  }
.Ltmp9:
0x24b: {  	_ = 	snop;
	(pc) =	sbr.rel @!p0 .LBB2_16-.Ltmp9, $1  }
0x24c: {  	_ =	sdelay $0x3  }
0x24d: {  	s13 =	simm.s32 $0x0;
	s14 =	rddreg [dreg:$0xd]  }
0x24e: {  	[tilespmem:s13], [sflag:$0x3] =	stream.linear.gather [hbm4b:s14+s13], $0x800, $0x38;
	[tilespmem:$0x1D080] =	vst v63  }
0x24f: {  	s24 =	rddreg [dreg:$0xe]  }
0x250: {  	[tilespmem:s2], [sflag:$0x3] =	stream.linear.gather [hbm4b:s24+s13], $0x800, $0x38;
	[tilespmem:$0x1D080] =	vst v63  }
0x251: {  	s31 =	rddreg [dreg:$0xf]  }
0x252: {  	[tilespmem:s3], [sflag:$0x3] =	stream.linear.gather [hbm4b:s31+s13], $0x800, $0x38;
	[tilespmem:$0x1D080] =	vst v63  }
0x253: {  	_ =	swait.ge [sflag:s4], $0x800  }
0x254: {  	[sflag:s4] =	ssyncset.done $0x0  }
0x255: {  	[sflag:s4] =	ssyncadd.s32 $0xFFFFF800  }
0x256: {  	_ =	swait.ge [sflag:s4], $0x800  }
0x257: {  	[sflag:s4] =	ssyncset.done $0x0  }
0x258: {  	[sflag:s4] =	ssyncadd.s32 $0xFFFFF800  }
0x259: {  	_ =	swait.ge [sflag:s4], $0x800  }
0x25a: {  	[sflag:s4] =	ssyncset.done $0x0  }
0x25b: {  	[sflag:s4] =	ssyncadd.s32 $0xFFFFF800  }
0x25c: {  	[tilespmem:s21], [sflag:$0x1] =	stream.indirect.gather [hbm4b:s20+s5], $0x80, s13, s5, $0xb8;
	[tilespmem:$0x1D080] =	vst v63  }
0x25d: {  	_ = 	snop  }
0x25e: {  	[tilespmem:s6], [sflag:$0x1] =	stream.indirect.gather [hbm4b:s20+s5], $0x80, s5, s5, $0xb8;
	[tilespmem:$0x1D080] =	vst v63  }
0x25f: {  	_ = 	snop  }
0x260: {  	[tilespmem:s8], [sflag:$0x2] =	stream.indirect.gather [hbm4b:s20+s5], $0x80, s7, s5, $0xb8;
	[tilespmem:$0x1D080] =	vst v63  }
0x261: {  	_ = 	snop  }
0x262: {  	[tilespmem:s10], [sflag:$0x2] =	stream.indirect.gather [hbm4b:s20+s5], $0x80, s9, s5, $0xb8;
	[tilespmem:$0x1D080] =	vst v63  }
.LBB2_22:
0x263: {  	s15 =	sshll.u32 s13, $0xA  }
0x264: {  	s14 =	sshrl.u32 s15, $0x2  }
0x265: {  	_ =	swait.ge [sflag:s11], $0x2000;
	s16 =	sadd.s32 $0x1000, s14  }
0x266: {  	[sflag:s11] =	ssyncset.done $0x0;
	v1 =	vmov s16  }
0x267: {  	[sflag:s11] =	ssyncadd.s32 $0xFFFFE000  }
0x268: {  	_ =	swait.ge [sflag:s11], $0x2000  }
0x269: {  	s17 =	simm.s32 $0x0;
	[sflag:s11] =	ssyncset.done $0x0  }
0x26a: {  	s23 =	sand.u32 $0x70, s17;
	[sflag:s11] =	ssyncadd.s32 $0xFFFFE000  }
0x26b: {  	s16 =	simm.s32 $0x1880;
	v2 =	vld.idx.msk [tilespmem:v1+s23+$0x0 ss:$0x1], $0xffff  }
0x26c: {  	v3 =	vld [tilespmem:s16+$0x70]  }
0x26d: {  	v4 =	vld [tilespmem:s16+$0xFFFFFF80]  }
0x26e: {  	s18 =	simm.s32 $0x1;
	v5 =	vld [tilespmem:s16+$0xFFFFFF90]  }
0x26f: {  	v6 =	vmov s18;
	v8 =	vld [tilespmem:s16+$0xFFFFFFA0]  }
0x270: {  	s17 =	sand.u32 $0xE, s17;
	v9 =	vld [tilespmem:s16+$0xFFFFFFD0];
	v10 =	vperm.xlane v2, v6  }
0x271: {  	v7 =	vmov s17;
	v11 =	vld [tilespmem:s16+$0xFFFFFFE0]  }
0x272: {  	v12 =	vld [tilespmem:s16+$0x10];
	v2 =	vperm.xlane v2, v7;
	v3 =	vmul.f32 v3, v10  }
0x273: {  	v6 =	vld [tilespmem:s16+$0xFFFFFFB0]  }
0x274: {  	v4 =	vmul.f32 v4, v2;
	[tilespmem:s16+$0x70] =	vst v3;
	v3 =	vld [tilespmem:s16+$0x0]  }
0x275: {  	v7 =	vld [tilespmem:s16+$0xFFFFFFC0];
	v5 =	vmul.f32 v5, v2  }
0x276: {  	v13 =	vld [tilespmem:s16+$0x20];
	v8 =	vmul.f32 v8, v2;
	[tilespmem:s16+$0xFFFFFF80] =	vst v4  }
0x277: {  	s18 =	simm.s32 $0x1980;
	s17 =	simm.s32 $0x2;
	v9 =	vmul.f32 v9, v2;
	v4 =	vld [tilespmem:s16+$0xFFFFFFF0];
	[tilespmem:s16+$0xFFFFFF90] =	vst v5  }
0x278: {  	s24 =	sand.u32 $0x70, s17;
	v60 =	vld [tilespmem:s18+$0xFFFFFF90];
	[tilespmem:s16+$0xFFFFFFA0] =	vst v8;
	v5 =	vmul.f32 v6, v2  }
0x279: {  	v14 =	vld.idx.msk [tilespmem:v1+s24+$0x0 ss:$0x1], $0xffff;
	[tilespmem:s16+$0xFFFFFFD0] =	vst v9;
	v3 =	vmul.f32 v3, v10  }
0x27a: {  	v6 =	vld [tilespmem:s16+$0x30];
	v7 =	vmul.f32 v7, v2;
	[tilespmem:s16+$0xFFFFFFB0] =	vst v5  }
0x27b: {  	v8 =	vld [tilespmem:s16+$0x40];
	[tilespmem:s16+$0x0] =	vst v3;
	v3 =	vmul.f32 v11, v2  }
0x27c: {  	v5 =	vld [tilespmem:s16+$0x50];
	[tilespmem:s16+$0xFFFFFFC0] =	vst v7;
	v2 =	vmul.f32 v4, v2  }
0x27d: {  	v11 =	vld [tilespmem:s18+$0xFFFFFF80];
	[tilespmem:s16+$0xFFFFFFE0] =	vst v3;
	v3 =	vmul.f32 v12, v10  }
0x27e: {  	s19 =	sand.u32 $0xE, s17;
	v9 =	vld [tilespmem:s18+$0x70];
	[tilespmem:s16+$0xFFFFFFF0] =	vst v2;
	v2 =	vmul.f32 v13, v10  }
0x27f: {  	s31 =	simm.s32 $0x3;
	v61 =	vld [tilespmem:s18+$0xFFFFFFB0];
	v4 =	vmov s19;
	[tilespmem:s16+$0x10] =	vst v3;
	v3 =	vmul.f32 v6, v10  }
0x280: {  	v8 =	vmul.f32 v8, v10;
	v4 =	vperm.xlane v14, v4;
	v6 =	vld [tilespmem:s18+$0xFFFFFFA0];
	[tilespmem:s16+$0x20] =	vst v2;
	v2 =	vmov s31  }
0x281: {  	v62 =	vld [tilespmem:s18+$0xFFFFFFC0];
	v2 =	vperm.xlane v14, v2;
	[tilespmem:s16+$0x30] =	vst v3;
	v3 =	vmul.f32 v5, v10  }
0x282: {  	v7 =	vld [tilespmem:s16+$0x60];
	[tilespmem:s16+$0x40] =	vst v8;
	v5 =	vmul.f32 v11, v4  }
0x283: {  	v8 =	vld [tilespmem:s18+$0xFFFFFFD0];
	v11 =	vmul.f32 v9, v2;
	[tilespmem:s16+$0x50] =	vst v3  }
0x284: {  	v9 =	vld [tilespmem:s18+$0xFFFFFFE0];
	[tilespmem:s18+$0xFFFFFF80] =	vst v5;
	v3 =	vmul.f32 v60, v4  }
0x285: {  	v5 =	vld [tilespmem:s18+$0xFFFFFFF0];
	[tilespmem:s18+$0x70] =	vst v11;
	v11 =	vmul.f32 v6, v4  }
0x286: {  	v63 =	vmul.f32 v61, v4;
	v6 =	vld [tilespmem:s18+$0x0];
	[tilespmem:s18+$0xFFFFFF90] =	vst v3  }
0x287: {  	v3 =	vmul.f32 v7, v10;
	v7 =	vld [tilespmem:s18+$0x10];
	[tilespmem:s18+$0xFFFFFFA0] =	vst v11;
	v11 =	vmul.f32 v62, v4  }
0x288: {  	s19 =	simm.s32 $0x1980;
	[tilespmem:s18+$0xFFFFFFB0] =	vst v63;
	v10 =	vmul.f32 v8, v4;
	v8 =	vld [tilespmem:s18+$0x20]  }
.LBB2_23:
0x289: {  	[tilespmem:s18+$0xFFFFFFC0] =	vst v11;
	v9 =	vmul.f32 v9, v4;
	v11 =	vld [tilespmem:s18+$0x30];
	s23 =	smov.u32 s17;
	s17 =	sadd.s32 $0x2, s17  }
0x28a: {  	s24 =	sand.u32 $0x70, s17;
	s31 =	sand.u32 $0xE, s17;
	p0 =	slt.u32 s17, $0x7E;
	[tilespmem:s18+$0xFFFFFFD0] =	vst v10;
	v4 =	vmul.f32 v5, v4;
	v5 =	vld [tilespmem:s18+$0x40]  }
0x28b: {  	v10 =	vld.idx.msk [tilespmem:v1+s24+$0x0 ss:$0x1], $0xffff;
	v12 =	vmov s31;
	[tilespmem:s18+$0xFFFFFFE0] =	vst v9;
	v6 =	vmul.f32 v6, v2  }
0x28c: {  	[tilespmem:s18+$0xFFFFFFF0] =	vst v4;
	v4 =	vmul.f32 v7, v2;
	v7 =	vld [tilespmem:s18+$0x50]  }
0x28d: {  	s18 =	sadd.s32 $0x100, s18;
	[tilespmem:s19+$0x0] =	vst v6;
	v6 =	vmul.f32 v8, v2;
	v8 =	vld [tilespmem:s19+$0x60]  }
0x28e: {  	v9 =	vld [tilespmem:s18+$0x70];
	[tilespmem:s19+$0x10] =	vst v4;
	v4 =	vmul.f32 v11, v2  }
0x28f: {  	s23 =	sadd.s32 $0x3, s23;
	v11 =	vld [tilespmem:s18+$0xFFFFFF80];
	[tilespmem:s19+$0x20] =	vst v6;
	v5 =	vmul.f32 v5, v2  }
0x290: {  	v13 =	vmov s23;
	v6 =	vld [tilespmem:s18+$0xFFFFFF90];
	[tilespmem:s19+$0x30] =	vst v4  }
0x291: {  	v4 =	vperm.xlane v10, v12;
	v10 =	vperm.xlane v10, v13;
	v12 =	vld [tilespmem:s18+$0xFFFFFFA0];
	[tilespmem:s19+$0x40] =	vst v5  }
0x292: {  	v5 =	vmul.f32 v7, v2;
	v13 =	vld [tilespmem:s18+$0xFFFFFFB0];
	[tilespmem:s16+$0x60] =	vst v3;
	v3 =	vmul.f32 v8, v2;
	s16 =	smov.u32 s19;
	s19 =	smov.u32 s18  }
0x293: {  	v2 =	vmov v10;
	v7 =	vld [tilespmem:s18+$0xFFFFFFC0];
	v8 =	vmul.f32 v9, v10  }
0x294: {  	v10 =	vmul.f32 v11, v4;
	v14 =	vld [tilespmem:s18+$0xFFFFFFD0];
	[tilespmem:s16+$0x50] =	vst v5  }
.Ltmp10:
0x295: {  	v6 =	vmul.f32 v6, v4;
	v9 =	vld [tilespmem:s18+$0xFFFFFFE0];
	[tilespmem:s18+$0x70] =	vst v8;
	(pc) =	sbr.rel @p0 .LBB2_23-.Ltmp10, $4  }
0x296: {  	[tilespmem:s18+$0xFFFFFF80] =	vst v10;
	v8 =	vmul.f32 v12, v4;
	v5 =	vld [tilespmem:s18+$0xFFFFFFF0]  }
0x297: {  	[tilespmem:s18+$0xFFFFFF90] =	vst v6;
	v10 =	vmul.f32 v13, v4;
	v6 =	vld [tilespmem:s18+$0x0]  }
0x298: {  	[tilespmem:s18+$0xFFFFFFA0] =	vst v8;
	v11 =	vmul.f32 v7, v4;
	v7 =	vld [tilespmem:s18+$0x10]  }
0x299: {  	[tilespmem:s18+$0xFFFFFFB0] =	vst v10;
	v10 =	vmul.f32 v14, v4;
	v8 =	vld [tilespmem:s18+$0x20]  }
0x29a: {  	[tilespmem:s18+$0xFFFFFFC0] =	vst v11  }
0x29b: {  	v1 =	vmul.f32 v9, v4;
	v9 =	vld [tilespmem:s18+$0x30];
	[tilespmem:s16+$0x60] =	vst v3  }
0x29c: {  	[tilespmem:s18+$0xFFFFFFD0] =	vst v10;
	v10 =	vld [tilespmem:s18+$0x40];
	v6 =	vmul.f32 v6, v2  }
0x29d: {  	v4 =	vmul.f32 v5, v4;
	[tilespmem:s18+$0xFFFFFFE0] =	vst v1;
	v1 =	vld [tilespmem:s18+$0x50]  }
0x29e: {  	v5 =	vmul.f32 v7, v2;
	[tilespmem:s19+$0x0] =	vst v6;
	v6 =	vld [tilespmem:s19+$0x60]  }
0x29f: {  	[tilespmem:s18+$0xFFFFFFF0] =	vst v4;
	v4 =	vmul.f32 v8, v2  }
0x2a0: {  	[tilespmem:s19+$0x10] =	vst v5;
	v5 =	vmul.f32 v9, v2  }
0x2a1: {  	[tilespmem:s19+$0x20] =	vst v4;
	v4 =	vmul.f32 v10, v2  }
0x2a2: {  	[tilespmem:s19+$0x30] =	vst v5;
	v1 =	vmul.f32 v1, v2  }
0x2a3: {  	[tilespmem:s19+$0x40] =	vst v4;
	v2 =	vmul.f32 v6, v2  }
0x2a4: {  	[tilespmem:s19+$0x50] =	vst v1  }
0x2a5: {  	s14 =	sadd.s32 $0x800, s14;
	[tilespmem:s19+$0x60] =	vst v2  }
0x2a6: {  	[spmem:s22] =	stream.indirect.scatter.add.f32 [tilespmem:s21], [sflag:$0x4], $0x80, s14, s7, $0xb8;
	[tilespmem:$0x1D080] =	vst v63  }
0x2a7: {  	p0 =	seq.s32 s13, $0x7;
	s23 =	sor.u32 $0x200, s15;
	_ =	swait.ge [sflag:s1], $0x4000  }
0x2a8: {  	s17 =	simm.s32 @!p0 $0x40;
	s14 =	sshrl.u32 @!p0 s15, $0x2;
	[sflag:s1] =	ssyncset.done $0x0  }
0x2a9: {  	s18 =	simm.s32 @!p0 $0x1800;
	s16 =	sadd.s32 @!p0 $0x100, s14;
	[sflag:s1] =	ssyncadd.s32 $0xFFFFC000  }
0x2aa: {  	[tilespmem:s18], [sflag:$0x1] =	stream.indirect.gather @!p0 [hbm4b:s20+s17], $0x80, s16, s17, $0xb8;
	[tilespmem:$0x1D080] =	vst v63  }
0x2ab: {  	s15 =	sshrl.u32 s23, $0x2;
	s16 =	sadd.s32 @!p0 $0x140, s14;
	s18 =	simm.s32 @!p0 $0x3800  }
0x2ac: {  	[tilespmem:s18], [sflag:$0x1] =	stream.indirect.gather @!p0 [hbm4b:s20+s17], $0x80, s16, s17, $0xb8;
	[tilespmem:$0x1D080] =	vst v63  }
0x2ad: {  	s24 =	sadd.s32 $0x1000, s15;
	_ =	swait.ge [sflag:s12], $0x2000  }
0x2ae: {  	v1 =	vmov s24;
	[sflag:s12] =	ssyncset.done $0x0  }
0x2af: {  	[sflag:s12] =	ssyncadd.s32 $0xFFFFE000  }
0x2b0: {  	_ =	swait.ge [sflag:s12], $0x2000  }
0x2b1: {  	s31 =	simm.s32 $0x0;
	[sflag:s12] =	ssyncset.done $0x0  }
0x2b2: {  	s18 =	sand.u32 $0x70, s31;
	[sflag:s12] =	ssyncadd.s32 $0xFFFFE000  }
0x2b3: {  	s16 =	simm.s32 $0x5880;
	v2 =	vld.idx.msk [tilespmem:v1+s18+$0x0 ss:$0x1], $0xffff  }
0x2b4: {  	v3 =	vld [tilespmem:s16+$0x70]  }
0x2b5: {  	v4 =	vld [tilespmem:s16+$0xFFFFFF80]  }
0x2b6: {  	v5 =	vld [tilespmem:s16+$0xFFFFFF90]  }
0x2b7: {  	s19 =	simm.s32 $0x1;
	v8 =	vld [tilespmem:s16+$0xFFFFFFA0]  }
0x2b8: {  	v6 =	vmov s19;
	s17 =	sand.u32 $0xE, s31;
	v10 =	vld [tilespmem:s16+$0xFFFFFFD0]  }
0x2b9: {  	v7 =	vmov s17;
	v11 =	vld [tilespmem:s16+$0xFFFFFFE0];
	v9 =	vperm.xlane v2, v6  }
0x2ba: {  	v12 =	vld [tilespmem:s16+$0x10];
	v2 =	vperm.xlane v2, v7  }
0x2bb: {  	v6 =	vld [tilespmem:s16+$0xFFFFFFB0];
	v3 =	vmul.f32 v3, v9  }
0x2bc: {  	v7 =	vld [tilespmem:s16+$0xFFFFFFC0];
	v8 =	vmul.f32 v8, v2  }
0x2bd: {  	v4 =	vmul.f32 v4, v2;
	[tilespmem:s16+$0x70] =	vst v3;
	v3 =	vld [tilespmem:s16+$0x0]  }
0x2be: {  	v5 =	vmul.f32 v5, v2;
	[tilespmem:s16+$0xFFFFFFA0] =	vst v8;
	v8 =	vld [tilespmem:s16+$0x40]  }
0x2bf: {  	s17 =	simm.s32 $0x2;
	v13 =	vld [tilespmem:s16+$0x20];
	v10 =	vmul.f32 v10, v2;
	[tilespmem:s16+$0xFFFFFF80] =	vst v4  }
0x2c0: {  	s23 =	sand.u32 $0x70, s17;
	v4 =	vld [tilespmem:s16+$0xFFFFFFF0];
	[tilespmem:s16+$0xFFFFFF90] =	vst v5;
	v5 =	vmul.f32 v6, v2  }
0x2c1: {  	v14 =	vld.idx.msk [tilespmem:v1+s23+$0x0 ss:$0x1], $0xffff;
	s18 =	simm.s32 $0x5980;
	[tilespmem:s16+$0xFFFFFFD0] =	vst v10;
	v7 =	vmul.f32 v7, v2  }
0x2c2: {  	v60 =	vld [tilespmem:s18+$0xFFFFFF90];
	[tilespmem:s16+$0xFFFFFFB0] =	vst v5;
	v3 =	vmul.f32 v3, v9  }
0x2c3: {  	v6 =	vld [tilespmem:s16+$0x30];
	[tilespmem:s16+$0xFFFFFFC0] =	vst v7;
	v8 =	vmul.f32 v8, v9  }
0x2c4: {  	v61 =	vld [tilespmem:s18+$0xFFFFFFB0];
	[tilespmem:s16+$0x0] =	vst v3;
	v3 =	vmul.f32 v11, v2  }
0x2c5: {  	s24 =	sand.u32 $0xE, s17;
	v5 =	vld [tilespmem:s16+$0x50];
	v2 =	vmul.f32 v4, v2;
	[tilespmem:s16+$0x40] =	vst v8  }
0x2c6: {  	v11 =	vld [tilespmem:s18+$0xFFFFFF80];
	v4 =	vmov s24;
	[tilespmem:s16+$0xFFFFFFE0] =	vst v3;
	v3 =	vmul.f32 v12, v9  }
0x2c7: {  	v10 =	vld [tilespmem:s18+$0x70];
	v4 =	vperm.xlane v14, v4;
	[tilespmem:s16+$0xFFFFFFF0] =	vst v2;
	v2 =	vmul.f32 v13, v9  }
0x2c8: {  	s31 =	simm.s32 $0x3;
	v62 =	vld [tilespmem:s18+$0xFFFFFFC0];
	[tilespmem:s16+$0x10] =	vst v3;
	v3 =	vmul.f32 v6, v9  }
0x2c9: {  	v63 =	vmul.f32 v61, v4;
	v6 =	vld [tilespmem:s18+$0xFFFFFFA0];
	[tilespmem:s16+$0x20] =	vst v2;
	v2 =	vmov s31  }
0x2ca: {  	v7 =	vld [tilespmem:s16+$0x60];
	v2 =	vperm.xlane v14, v2;
	[tilespmem:s16+$0x30] =	vst v3;
	v3 =	vmul.f32 v5, v9  }
0x2cb: {  	v15 =	vld [tilespmem:s18+$0xFFFFFFD0];
	[tilespmem:s18+$0xFFFFFFB0] =	vst v63;
	v5 =	vmul.f32 v11, v4  }
0x2cc: {  	v8 =	vld [tilespmem:s18+$0xFFFFFFE0];
	v10 =	vmul.f32 v10, v2;
	[tilespmem:s16+$0x50] =	vst v3  }
0x2cd: {  	[tilespmem:s18+$0xFFFFFF80] =	vst v5;
	v3 =	vmul.f32 v60, v4;
	v5 =	vld [tilespmem:s18+$0xFFFFFFF0]  }
0x2ce: {  	[tilespmem:s18+$0x70] =	vst v10;
	v10 =	vmul.f32 v6, v4;
	v6 =	vld [tilespmem:s18+$0x0]  }
0x2cf: {  	v11 =	vmul.f32 v62, v4;
	[tilespmem:s18+$0xFFFFFF90] =	vst v3;
	v3 =	vmul.f32 v7, v9;
	v7 =	vld [tilespmem:s18+$0x10]  }
0x2d0: {  	s13 =	sadd.s32 $0x1, s13;
	s19 =	simm.s32 $0x5980;
	v9 =	vld [tilespmem:s18+$0x20];
	[tilespmem:s18+$0xFFFFFFA0] =	vst v10;
	v10 =	vmul.f32 v15, v4  }
.LBB2_25:
0x2d1: {  	[tilespmem:s18+$0xFFFFFFC0] =	vst v11;
	v8 =	vmul.f32 v8, v4;
	v11 =	vld [tilespmem:s18+$0x30];
	s23 =	smov.u32 s17;
	s17 =	sadd.s32 $0x2, s17  }
0x2d2: {  	s24 =	sand.u32 $0x70, s17;
	s31 =	sand.u32 $0xE, s17;
	p1 =	slt.u32 s17, $0x7E;
	[tilespmem:s18+$0xFFFFFFD0] =	vst v10;
	v4 =	vmul.f32 v5, v4;
	v5 =	vld [tilespmem:s18+$0x40]  }
0x2d3: {  	v10 =	vld.idx.msk [tilespmem:v1+s24+$0x0 ss:$0x1], $0xffff;
	v12 =	vmov s31;
	[tilespmem:s18+$0xFFFFFFE0] =	vst v8;
	v6 =	vmul.f32 v6, v2  }
0x2d4: {  	[tilespmem:s18+$0xFFFFFFF0] =	vst v4;
	v4 =	vmul.f32 v7, v2;
	v7 =	vld [tilespmem:s18+$0x50]  }
0x2d5: {  	s18 =	sadd.s32 $0x100, s18;
	[tilespmem:s19+$0x0] =	vst v6;
	v6 =	vmul.f32 v9, v2;
	v8 =	vld [tilespmem:s19+$0x60]  }
0x2d6: {  	v9 =	vld [tilespmem:s18+$0x70];
	[tilespmem:s19+$0x10] =	vst v4;
	v4 =	vmul.f32 v11, v2  }
0x2d7: {  	s23 =	sadd.s32 $0x3, s23;
	v11 =	vld [tilespmem:s18+$0xFFFFFF80];
	[tilespmem:s19+$0x20] =	vst v6;
	v5 =	vmul.f32 v5, v2  }
0x2d8: {  	v13 =	vmov s23;
	v6 =	vld [tilespmem:s18+$0xFFFFFF90];
	[tilespmem:s19+$0x30] =	vst v4  }
0x2d9: {  	v4 =	vperm.xlane v10, v12;
	v10 =	vperm.xlane v10, v13;
	v12 =	vld [tilespmem:s18+$0xFFFFFFA0];
	[tilespmem:s19+$0x40] =	vst v5  }
0x2da: {  	v5 =	vmul.f32 v7, v2;
	v13 =	vld [tilespmem:s18+$0xFFFFFFB0];
	[tilespmem:s16+$0x60] =	vst v3;
	v3 =	vmul.f32 v8, v2;
	s16 =	smov.u32 s19;
	s19 =	smov.u32 s18  }
0x2db: {  	v2 =	vmov v10;
	v7 =	vld [tilespmem:s18+$0xFFFFFFC0];
	v9 =	vmul.f32 v9, v10  }
0x2dc: {  	v10 =	vmul.f32 v11, v4;
	v14 =	vld [tilespmem:s18+$0xFFFFFFD0];
	[tilespmem:s16+$0x50] =	vst v5  }
.Ltmp11:
0x2dd: {  	v6 =	vmul.f32 v6, v4;
	v8 =	vld [tilespmem:s18+$0xFFFFFFE0];
	[tilespmem:s18+$0x70] =	vst v9;
	(pc) =	sbr.rel @p1 .LBB2_25-.Ltmp11, $4  }
0x2de: {  	[tilespmem:s18+$0xFFFFFF80] =	vst v10;
	v9 =	vmul.f32 v12, v4;
	v5 =	vld [tilespmem:s18+$0xFFFFFFF0]  }
0x2df: {  	[tilespmem:s18+$0xFFFFFF90] =	vst v6;
	v10 =	vmul.f32 v13, v4;
	v6 =	vld [tilespmem:s18+$0x0]  }
0x2e0: {  	[tilespmem:s18+$0xFFFFFFA0] =	vst v9;
	v11 =	vmul.f32 v7, v4;
	v7 =	vld [tilespmem:s18+$0x10]  }
0x2e1: {  	[tilespmem:s18+$0xFFFFFFB0] =	vst v10;
	v10 =	vmul.f32 v14, v4;
	v9 =	vld [tilespmem:s18+$0x20]  }
0x2e2: {  	[tilespmem:s18+$0xFFFFFFC0] =	vst v11  }
0x2e3: {  	v1 =	vmul.f32 v8, v4;
	v56 =	vld [tilespmem:s18+$0x30];
	[tilespmem:s16+$0x60] =	vst v3  }
0x2e4: {  	v57 =	vld [tilespmem:s18+$0x40];
	[tilespmem:s18+$0xFFFFFFD0] =	vst v10;
	v58 =	vmul.f32 v5, v4  }
0x2e5: {  	v6 =	vmul.f32 v6, v2;
	[tilespmem:s18+$0xFFFFFFE0] =	vst v1;
	v1 =	vld [tilespmem:s18+$0x50]  }
0x2e6: {  	v61 =	vld [tilespmem:s19+$0x60];
	v59 =	vmul.f32 v7, v2;
	[tilespmem:s18+$0xFFFFFFF0] =	vst v58  }
0x2e7: {  	[tilespmem:s19+$0x0] =	vst v6;
	v60 =	vmul.f32 v9, v2  }
0x2e8: {  	[tilespmem:s19+$0x10] =	vst v59;
	v62 =	vmul.f32 v56, v2  }
0x2e9: {  	v63 =	vmul.f32 v57, v2;
	[tilespmem:s19+$0x20] =	vst v60  }
0x2ea: {  	[tilespmem:s19+$0x30] =	vst v62;
	v1 =	vmul.f32 v1, v2  }
0x2eb: {  	[tilespmem:s19+$0x40] =	vst v63;
	v2 =	vmul.f32 v61, v2  }
0x2ec: {  	[tilespmem:s19+$0x50] =	vst v1  }
0x2ed: {  	s15 =	sadd.s32 $0x800, s15;
	[tilespmem:s19+$0x60] =	vst v2  }
0x2ee: {  	[spmem:s22] =	stream.indirect.scatter.add.f32 [tilespmem:s8], [sflag:$0x4], $0x80, s15, s7, $0xb8;
	[tilespmem:$0x1D080] =	vst v63  }
0x2ef: {  	_ =	swait.ge [sflag:s1], $0x4000  }
0x2f0: {  	s16 =	simm.s32 @!p0 $0x40;
	[sflag:s1] =	ssyncset.done $0x0  }
0x2f1: {  	s17 =	simm.s32 @!p0 $0x5800;
	s15 =	sadd.s32 @!p0 $0x180, s14;
	[sflag:s1] =	ssyncadd.s32 $0xFFFFC000  }
0x2f2: {  	[tilespmem:s17], [sflag:$0x2] =	stream.indirect.gather @!p0 [hbm4b:s20+s16], $0x80, s15, s16, $0xb8;
	[tilespmem:$0x1D080] =	vst v63  }
0x2f3: {  	p1 =	sne.s32 @!p0 s13, $0x8;
	s14 =	sadd.s32 @!p0 $0x1C0, s14;
	s15 =	simm.s32 @!p0 $0x7800  }
0x2f4: {  	[tilespmem:s15], [sflag:$0x2] =	stream.indirect.gather @!p0 [hbm4b:s20+s16], $0x80, s14, s16, $0xb8;
	[tilespmem:$0x1D080] =	vst v63  }
0x2f5: {  	p0 =	por p0, !p1  }
.Ltmp12:
0x2f6: {  	_ = 	snop;
	(pc) =	sbr.rel @!p0 .LBB2_22-.Ltmp12, $1  }
0x2f7: {  	_ =	sdelay $0x3  }
0x2f8: {  	s13 =	simm.s32 $0x0;
	s14 =	rddreg [dreg:$0x10]  }
0x2f9: {  	[tilespmem:s13], [sflag:$0x3] =	stream.linear.gather [hbm4b:s14+s13], $0x800, $0x38;
	[tilespmem:$0x1D080] =	vst v63  }
0x2fa: {  	s24 =	rddreg [dreg:$0x11]  }
0x2fb: {  	[tilespmem:s2], [sflag:$0x3] =	stream.linear.gather [hbm4b:s24+s13], $0x800, $0x38;
	[tilespmem:$0x1D080] =	vst v63  }
0x2fc: {  	s31 =	rddreg [dreg:$0x12]  }
0x2fd: {  	[tilespmem:s3], [sflag:$0x3] =	stream.linear.gather [hbm4b:s31+s13], $0x800, $0x38;
	[tilespmem:$0x1D080] =	vst v63  }
0x2fe: {  	_ =	swait.ge [sflag:s4], $0x800  }
0x2ff: {  	[sflag:s4] =	ssyncset.done $0x0  }
0x300: {  	[sflag:s4] =	ssyncadd.s32 $0xFFFFF800  }
0x301: {  	_ =	swait.ge [sflag:s4], $0x800  }
0x302: {  	[sflag:s4] =	ssyncset.done $0x0  }
0x303: {  	[sflag:s4] =	ssyncadd.s32 $0xFFFFF800  }
0x304: {  	_ =	swait.ge [sflag:s4], $0x800  }
0x305: {  	[sflag:s4] =	ssyncset.done $0x0  }
0x306: {  	[sflag:s4] =	ssyncadd.s32 $0xFFFFF800  }
0x307: {  	[tilespmem:s21], [sflag:$0x1] =	stream.indirect.gather [hbm4b:s20+s5], $0x80, s13, s5, $0xb8;
	[tilespmem:$0x1D080] =	vst v63  }
0x308: {  	_ = 	snop  }
0x309: {  	[tilespmem:s6], [sflag:$0x1] =	stream.indirect.gather [hbm4b:s20+s5], $0x80, s5, s5, $0xb8;
	[tilespmem:$0x1D080] =	vst v63  }
0x30a: {  	_ = 	snop  }
0x30b: {  	[tilespmem:s8], [sflag:$0x2] =	stream.indirect.gather [hbm4b:s20+s5], $0x80, s7, s5, $0xb8;
	[tilespmem:$0x1D080] =	vst v63  }
0x30c: {  	_ = 	snop  }
0x30d: {  	[tilespmem:s10], [sflag:$0x2] =	stream.indirect.gather [hbm4b:s20+s5], $0x80, s9, s5, $0xb8;
	[tilespmem:$0x1D080] =	vst v63  }
.LBB2_28:
0x30e: {  	s15 =	sshll.u32 s13, $0xA  }
0x30f: {  	s14 =	sshrl.u32 s15, $0x2  }
0x310: {  	_ =	swait.ge [sflag:s11], $0x2000;
	s16 =	sadd.s32 $0x1000, s14  }
0x311: {  	[sflag:s11] =	ssyncset.done $0x0;
	v1 =	vmov s16  }
0x312: {  	[sflag:s11] =	ssyncadd.s32 $0xFFFFE000  }
0x313: {  	_ =	swait.ge [sflag:s11], $0x2000  }
0x314: {  	s17 =	simm.s32 $0x0;
	[sflag:s11] =	ssyncset.done $0x0  }
0x315: {  	s23 =	sand.u32 $0x70, s17;
	[sflag:s11] =	ssyncadd.s32 $0xFFFFE000  }
0x316: {  	s16 =	simm.s32 $0x1880;
	v2 =	vld.idx.msk [tilespmem:v1+s23+$0x0 ss:$0x1], $0xffff  }
0x317: {  	v3 =	vld [tilespmem:s16+$0x70]  }
0x318: {  	v4 =	vld [tilespmem:s16+$0xFFFFFF80]  }
0x319: {  	s18 =	simm.s32 $0x1;
	v5 =	vld [tilespmem:s16+$0xFFFFFF90]  }
0x31a: {  	v6 =	vmov s18;
	v8 =	vld [tilespmem:s16+$0xFFFFFFA0]  }
0x31b: {  	s17 =	sand.u32 $0xE, s17;
	v9 =	vld [tilespmem:s16+$0xFFFFFFD0];
	v10 =	vperm.xlane v2, v6  }
0x31c: {  	v7 =	vmov s17;
	v11 =	vld [tilespmem:s16+$0xFFFFFFE0]  }
0x31d: {  	v12 =	vld [tilespmem:s16+$0x10];
	v2 =	vperm.xlane v2, v7;
	v3 =	vmul.f32 v3, v10  }
0x31e: {  	v6 =	vld [tilespmem:s16+$0xFFFFFFB0]  }
0x31f: {  	v4 =	vmul.f32 v4, v2;
	[tilespmem:s16+$0x70] =	vst v3;
	v3 =	vld [tilespmem:s16+$0x0]  }
0x320: {  	v7 =	vld [tilespmem:s16+$0xFFFFFFC0];
	v5 =	vmul.f32 v5, v2  }
0x321: {  	v13 =	vld [tilespmem:s16+$0x20];
	v8 =	vmul.f32 v8, v2;
	[tilespmem:s16+$0xFFFFFF80] =	vst v4  }
0x322: {  	s18 =	simm.s32 $0x1980;
	s17 =	simm.s32 $0x2;
	v9 =	vmul.f32 v9, v2;
	v4 =	vld [tilespmem:s16+$0xFFFFFFF0];
	[tilespmem:s16+$0xFFFFFF90] =	vst v5  }
0x323: {  	s24 =	sand.u32 $0x70, s17;
	v60 =	vld [tilespmem:s18+$0xFFFFFF90];
	[tilespmem:s16+$0xFFFFFFA0] =	vst v8;
	v5 =	vmul.f32 v6, v2  }
0x324: {  	v14 =	vld.idx.msk [tilespmem:v1+s24+$0x0 ss:$0x1], $0xffff;
	[tilespmem:s16+$0xFFFFFFD0] =	vst v9;
	v3 =	vmul.f32 v3, v10  }
0x325: {  	v6 =	vld [tilespmem:s16+$0x30];
	v7 =	vmul.f32 v7, v2;
	[tilespmem:s16+$0xFFFFFFB0] =	vst v5  }
0x326: {  	v8 =	vld [tilespmem:s16+$0x40];
	[tilespmem:s16+$0x0] =	vst v3;
	v3 =	vmul.f32 v11, v2  }
0x327: {  	v5 =	vld [tilespmem:s16+$0x50];
	[tilespmem:s16+$0xFFFFFFC0] =	vst v7;
	v2 =	vmul.f32 v4, v2  }
0x328: {  	v11 =	vld [tilespmem:s18+$0xFFFFFF80];
	[tilespmem:s16+$0xFFFFFFE0] =	vst v3;
	v3 =	vmul.f32 v12, v10  }
0x329: {  	s19 =	sand.u32 $0xE, s17;
	v9 =	vld [tilespmem:s18+$0x70];
	[tilespmem:s16+$0xFFFFFFF0] =	vst v2;
	v2 =	vmul.f32 v13, v10  }
0x32a: {  	s31 =	simm.s32 $0x3;
	v61 =	vld [tilespmem:s18+$0xFFFFFFB0];
	v4 =	vmov s19;
	[tilespmem:s16+$0x10] =	vst v3;
	v3 =	vmul.f32 v6, v10  }
0x32b: {  	v8 =	vmul.f32 v8, v10;
	v4 =	vperm.xlane v14, v4;
	v6 =	vld [tilespmem:s18+$0xFFFFFFA0];
	[tilespmem:s16+$0x20] =	vst v2;
	v2 =	vmov s31  }
0x32c: {  	v62 =	vld [tilespmem:s18+$0xFFFFFFC0];
	v2 =	vperm.xlane v14, v2;
	[tilespmem:s16+$0x30] =	vst v3;
	v3 =	vmul.f32 v5, v10  }
0x32d: {  	v7 =	vld [tilespmem:s16+$0x60];
	[tilespmem:s16+$0x40] =	vst v8;
	v5 =	vmul.f32 v11, v4  }
0x32e: {  	v8 =	vld [tilespmem:s18+$0xFFFFFFD0];
	v11 =	vmul.f32 v9, v2;
	[tilespmem:s16+$0x50] =	vst v3  }
0x32f: {  	v9 =	vld [tilespmem:s18+$0xFFFFFFE0];
	[tilespmem:s18+$0xFFFFFF80] =	vst v5;
	v3 =	vmul.f32 v60, v4  }
0x330: {  	v5 =	vld [tilespmem:s18+$0xFFFFFFF0];
	[tilespmem:s18+$0x70] =	vst v11;
	v11 =	vmul.f32 v6, v4  }
0x331: {  	v63 =	vmul.f32 v61, v4;
	v6 =	vld [tilespmem:s18+$0x0];
	[tilespmem:s18+$0xFFFFFF90] =	vst v3  }
0x332: {  	v3 =	vmul.f32 v7, v10;
	v7 =	vld [tilespmem:s18+$0x10];
	[tilespmem:s18+$0xFFFFFFA0] =	vst v11;
	v11 =	vmul.f32 v62, v4  }
0x333: {  	s19 =	simm.s32 $0x1980;
	[tilespmem:s18+$0xFFFFFFB0] =	vst v63;
	v10 =	vmul.f32 v8, v4;
	v8 =	vld [tilespmem:s18+$0x20]  }
.LBB2_29:
0x334: {  	[tilespmem:s18+$0xFFFFFFC0] =	vst v11;
	v9 =	vmul.f32 v9, v4;
	v11 =	vld [tilespmem:s18+$0x30];
	s23 =	smov.u32 s17;
	s17 =	sadd.s32 $0x2, s17  }
0x335: {  	s24 =	sand.u32 $0x70, s17;
	s31 =	sand.u32 $0xE, s17;
	p0 =	slt.u32 s17, $0x7E;
	[tilespmem:s18+$0xFFFFFFD0] =	vst v10;
	v4 =	vmul.f32 v5, v4;
	v5 =	vld [tilespmem:s18+$0x40]  }
0x336: {  	v10 =	vld.idx.msk [tilespmem:v1+s24+$0x0 ss:$0x1], $0xffff;
	v12 =	vmov s31;
	[tilespmem:s18+$0xFFFFFFE0] =	vst v9;
	v6 =	vmul.f32 v6, v2  }
0x337: {  	[tilespmem:s18+$0xFFFFFFF0] =	vst v4;
	v4 =	vmul.f32 v7, v2;
	v7 =	vld [tilespmem:s18+$0x50]  }
0x338: {  	s18 =	sadd.s32 $0x100, s18;
	[tilespmem:s19+$0x0] =	vst v6;
	v6 =	vmul.f32 v8, v2;
	v8 =	vld [tilespmem:s19+$0x60]  }
0x339: {  	v9 =	vld [tilespmem:s18+$0x70];
	[tilespmem:s19+$0x10] =	vst v4;
	v4 =	vmul.f32 v11, v2  }
0x33a: {  	s23 =	sadd.s32 $0x3, s23;
	v11 =	vld [tilespmem:s18+$0xFFFFFF80];
	[tilespmem:s19+$0x20] =	vst v6;
	v5 =	vmul.f32 v5, v2  }
0x33b: {  	v13 =	vmov s23;
	v6 =	vld [tilespmem:s18+$0xFFFFFF90];
	[tilespmem:s19+$0x30] =	vst v4  }
0x33c: {  	v4 =	vperm.xlane v10, v12;
	v10 =	vperm.xlane v10, v13;
	v12 =	vld [tilespmem:s18+$0xFFFFFFA0];
	[tilespmem:s19+$0x40] =	vst v5  }
0x33d: {  	v5 =	vmul.f32 v7, v2;
	v13 =	vld [tilespmem:s18+$0xFFFFFFB0];
	[tilespmem:s16+$0x60] =	vst v3;
	v3 =	vmul.f32 v8, v2;
	s16 =	smov.u32 s19;
	s19 =	smov.u32 s18  }
0x33e: {  	v2 =	vmov v10;
	v7 =	vld [tilespmem:s18+$0xFFFFFFC0];
	v8 =	vmul.f32 v9, v10  }
0x33f: {  	v10 =	vmul.f32 v11, v4;
	v14 =	vld [tilespmem:s18+$0xFFFFFFD0];
	[tilespmem:s16+$0x50] =	vst v5  }
.Ltmp13:
0x340: {  	v6 =	vmul.f32 v6, v4;
	v9 =	vld [tilespmem:s18+$0xFFFFFFE0];
	[tilespmem:s18+$0x70] =	vst v8;
	(pc) =	sbr.rel @p0 .LBB2_29-.Ltmp13, $4  }
0x341: {  	[tilespmem:s18+$0xFFFFFF80] =	vst v10;
	v8 =	vmul.f32 v12, v4;
	v5 =	vld [tilespmem:s18+$0xFFFFFFF0]  }
0x342: {  	[tilespmem:s18+$0xFFFFFF90] =	vst v6;
	v10 =	vmul.f32 v13, v4;
	v6 =	vld [tilespmem:s18+$0x0]  }
0x343: {  	[tilespmem:s18+$0xFFFFFFA0] =	vst v8;
	v11 =	vmul.f32 v7, v4;
	v7 =	vld [tilespmem:s18+$0x10]  }
0x344: {  	[tilespmem:s18+$0xFFFFFFB0] =	vst v10;
	v10 =	vmul.f32 v14, v4;
	v8 =	vld [tilespmem:s18+$0x20]  }
0x345: {  	[tilespmem:s18+$0xFFFFFFC0] =	vst v11  }
0x346: {  	v1 =	vmul.f32 v9, v4;
	v9 =	vld [tilespmem:s18+$0x30];
	[tilespmem:s16+$0x60] =	vst v3  }
0x347: {  	[tilespmem:s18+$0xFFFFFFD0] =	vst v10;
	v10 =	vld [tilespmem:s18+$0x40];
	v6 =	vmul.f32 v6, v2  }
0x348: {  	v4 =	vmul.f32 v5, v4;
	[tilespmem:s18+$0xFFFFFFE0] =	vst v1;
	v1 =	vld [tilespmem:s18+$0x50]  }
0x349: {  	v5 =	vmul.f32 v7, v2;
	[tilespmem:s19+$0x0] =	vst v6;
	v6 =	vld [tilespmem:s19+$0x60]  }
0x34a: {  	[tilespmem:s18+$0xFFFFFFF0] =	vst v4;
	v4 =	vmul.f32 v8, v2  }
0x34b: {  	[tilespmem:s19+$0x10] =	vst v5;
	v5 =	vmul.f32 v9, v2  }
0x34c: {  	[tilespmem:s19+$0x20] =	vst v4;
	v4 =	vmul.f32 v10, v2  }
0x34d: {  	[tilespmem:s19+$0x30] =	vst v5;
	v1 =	vmul.f32 v1, v2  }
0x34e: {  	[tilespmem:s19+$0x40] =	vst v4;
	v2 =	vmul.f32 v6, v2  }
0x34f: {  	[tilespmem:s19+$0x50] =	vst v1  }
0x350: {  	s14 =	sadd.s32 $0x800, s14;
	[tilespmem:s19+$0x60] =	vst v2  }
0x351: {  	[spmem:s22] =	stream.indirect.scatter.add.f32 [tilespmem:s21], [sflag:$0x4], $0x80, s14, s7, $0xb8;
	[tilespmem:$0x1D080] =	vst v63  }
0x352: {  	p0 =	seq.s32 s13, $0x7;
	s23 =	sor.u32 $0x200, s15;
	_ =	swait.ge [sflag:s1], $0x4000  }
0x353: {  	s17 =	simm.s32 @!p0 $0x40;
	s14 =	sshrl.u32 @!p0 s15, $0x2;
	[sflag:s1] =	ssyncset.done $0x0  }
0x354: {  	s18 =	simm.s32 @!p0 $0x1800;
	s16 =	sadd.s32 @!p0 $0x100, s14;
	[sflag:s1] =	ssyncadd.s32 $0xFFFFC000  }
0x355: {  	[tilespmem:s18], [sflag:$0x1] =	stream.indirect.gather @!p0 [hbm4b:s20+s17], $0x80, s16, s17, $0xb8;
	[tilespmem:$0x1D080] =	vst v63  }
0x356: {  	s15 =	sshrl.u32 s23, $0x2;
	s16 =	sadd.s32 @!p0 $0x140, s14;
	s18 =	simm.s32 @!p0 $0x3800  }
0x357: {  	[tilespmem:s18], [sflag:$0x1] =	stream.indirect.gather @!p0 [hbm4b:s20+s17], $0x80, s16, s17, $0xb8;
	[tilespmem:$0x1D080] =	vst v63  }
0x358: {  	s24 =	sadd.s32 $0x1000, s15;
	_ =	swait.ge [sflag:s12], $0x2000  }
0x359: {  	v1 =	vmov s24;
	[sflag:s12] =	ssyncset.done $0x0  }
0x35a: {  	[sflag:s12] =	ssyncadd.s32 $0xFFFFE000  }
0x35b: {  	_ =	swait.ge [sflag:s12], $0x2000  }
0x35c: {  	s31 =	simm.s32 $0x0;
	[sflag:s12] =	ssyncset.done $0x0  }
0x35d: {  	s18 =	sand.u32 $0x70, s31;
	[sflag:s12] =	ssyncadd.s32 $0xFFFFE000  }
0x35e: {  	s16 =	simm.s32 $0x5880;
	v2 =	vld.idx.msk [tilespmem:v1+s18+$0x0 ss:$0x1], $0xffff  }
0x35f: {  	v3 =	vld [tilespmem:s16+$0x70]  }
0x360: {  	v4 =	vld [tilespmem:s16+$0xFFFFFF80]  }
0x361: {  	v5 =	vld [tilespmem:s16+$0xFFFFFF90]  }
0x362: {  	s19 =	simm.s32 $0x1;
	v8 =	vld [tilespmem:s16+$0xFFFFFFA0]  }
0x363: {  	v6 =	vmov s19;
	s17 =	sand.u32 $0xE, s31;
	v10 =	vld [tilespmem:s16+$0xFFFFFFD0]  }
0x364: {  	v7 =	vmov s17;
	v11 =	vld [tilespmem:s16+$0xFFFFFFE0];
	v9 =	vperm.xlane v2, v6  }
0x365: {  	v12 =	vld [tilespmem:s16+$0x10];
	v2 =	vperm.xlane v2, v7  }
0x366: {  	v6 =	vld [tilespmem:s16+$0xFFFFFFB0];
	v3 =	vmul.f32 v3, v9  }
0x367: {  	v7 =	vld [tilespmem:s16+$0xFFFFFFC0];
	v8 =	vmul.f32 v8, v2  }
0x368: {  	v4 =	vmul.f32 v4, v2;
	[tilespmem:s16+$0x70] =	vst v3;
	v3 =	vld [tilespmem:s16+$0x0]  }
0x369: {  	v5 =	vmul.f32 v5, v2;
	[tilespmem:s16+$0xFFFFFFA0] =	vst v8;
	v8 =	vld [tilespmem:s16+$0x40]  }
0x36a: {  	s17 =	simm.s32 $0x2;
	v13 =	vld [tilespmem:s16+$0x20];
	v10 =	vmul.f32 v10, v2;
	[tilespmem:s16+$0xFFFFFF80] =	vst v4  }
0x36b: {  	s23 =	sand.u32 $0x70, s17;
	v4 =	vld [tilespmem:s16+$0xFFFFFFF0];
	[tilespmem:s16+$0xFFFFFF90] =	vst v5;
	v5 =	vmul.f32 v6, v2  }
0x36c: {  	v14 =	vld.idx.msk [tilespmem:v1+s23+$0x0 ss:$0x1], $0xffff;
	s18 =	simm.s32 $0x5980;
	[tilespmem:s16+$0xFFFFFFD0] =	vst v10;
	v7 =	vmul.f32 v7, v2  }
0x36d: {  	v60 =	vld [tilespmem:s18+$0xFFFFFF90];
	[tilespmem:s16+$0xFFFFFFB0] =	vst v5;
	v3 =	vmul.f32 v3, v9  }
0x36e: {  	v6 =	vld [tilespmem:s16+$0x30];
	[tilespmem:s16+$0xFFFFFFC0] =	vst v7;
	v8 =	vmul.f32 v8, v9  }
0x36f: {  	v61 =	vld [tilespmem:s18+$0xFFFFFFB0];
	[tilespmem:s16+$0x0] =	vst v3;
	v3 =	vmul.f32 v11, v2  }
0x370: {  	s24 =	sand.u32 $0xE, s17;
	v5 =	vld [tilespmem:s16+$0x50];
	v2 =	vmul.f32 v4, v2;
	[tilespmem:s16+$0x40] =	vst v8  }
0x371: {  	v11 =	vld [tilespmem:s18+$0xFFFFFF80];
	v4 =	vmov s24;
	[tilespmem:s16+$0xFFFFFFE0] =	vst v3;
	v3 =	vmul.f32 v12, v9  }
0x372: {  	v10 =	vld [tilespmem:s18+$0x70];
	v4 =	vperm.xlane v14, v4;
	[tilespmem:s16+$0xFFFFFFF0] =	vst v2;
	v2 =	vmul.f32 v13, v9  }
0x373: {  	s31 =	simm.s32 $0x3;
	v62 =	vld [tilespmem:s18+$0xFFFFFFC0];
	[tilespmem:s16+$0x10] =	vst v3;
	v3 =	vmul.f32 v6, v9  }
0x374: {  	v63 =	vmul.f32 v61, v4;
	v6 =	vld [tilespmem:s18+$0xFFFFFFA0];
	[tilespmem:s16+$0x20] =	vst v2;
	v2 =	vmov s31  }
0x375: {  	v7 =	vld [tilespmem:s16+$0x60];
	v2 =	vperm.xlane v14, v2;
	[tilespmem:s16+$0x30] =	vst v3;
	v3 =	vmul.f32 v5, v9  }
0x376: {  	v15 =	vld [tilespmem:s18+$0xFFFFFFD0];
	[tilespmem:s18+$0xFFFFFFB0] =	vst v63;
	v5 =	vmul.f32 v11, v4  }
0x377: {  	v8 =	vld [tilespmem:s18+$0xFFFFFFE0];
	v10 =	vmul.f32 v10, v2;
	[tilespmem:s16+$0x50] =	vst v3  }
0x378: {  	[tilespmem:s18+$0xFFFFFF80] =	vst v5;
	v3 =	vmul.f32 v60, v4;
	v5 =	vld [tilespmem:s18+$0xFFFFFFF0]  }
0x379: {  	[tilespmem:s18+$0x70] =	vst v10;
	v10 =	vmul.f32 v6, v4;
	v6 =	vld [tilespmem:s18+$0x0]  }
0x37a: {  	v11 =	vmul.f32 v62, v4;
	[tilespmem:s18+$0xFFFFFF90] =	vst v3;
	v3 =	vmul.f32 v7, v9;
	v7 =	vld [tilespmem:s18+$0x10]  }
0x37b: {  	s13 =	sadd.s32 $0x1, s13;
	s19 =	simm.s32 $0x5980;
	v9 =	vld [tilespmem:s18+$0x20];
	[tilespmem:s18+$0xFFFFFFA0] =	vst v10;
	v10 =	vmul.f32 v15, v4  }
.LBB2_31:
0x37c: {  	[tilespmem:s18+$0xFFFFFFC0] =	vst v11;
	v8 =	vmul.f32 v8, v4;
	v11 =	vld [tilespmem:s18+$0x30];
	s23 =	smov.u32 s17;
	s17 =	sadd.s32 $0x2, s17  }
0x37d: {  	s24 =	sand.u32 $0x70, s17;
	s31 =	sand.u32 $0xE, s17;
	p1 =	slt.u32 s17, $0x7E;
	[tilespmem:s18+$0xFFFFFFD0] =	vst v10;
	v4 =	vmul.f32 v5, v4;
	v5 =	vld [tilespmem:s18+$0x40]  }
0x37e: {  	v10 =	vld.idx.msk [tilespmem:v1+s24+$0x0 ss:$0x1], $0xffff;
	v12 =	vmov s31;
	[tilespmem:s18+$0xFFFFFFE0] =	vst v8;
	v6 =	vmul.f32 v6, v2  }
0x37f: {  	[tilespmem:s18+$0xFFFFFFF0] =	vst v4;
	v4 =	vmul.f32 v7, v2;
	v7 =	vld [tilespmem:s18+$0x50]  }
0x380: {  	s18 =	sadd.s32 $0x100, s18;
	[tilespmem:s19+$0x0] =	vst v6;
	v6 =	vmul.f32 v9, v2;
	v8 =	vld [tilespmem:s19+$0x60]  }
0x381: {  	v9 =	vld [tilespmem:s18+$0x70];
	[tilespmem:s19+$0x10] =	vst v4;
	v4 =	vmul.f32 v11, v2  }
0x382: {  	s23 =	sadd.s32 $0x3, s23;
	v11 =	vld [tilespmem:s18+$0xFFFFFF80];
	[tilespmem:s19+$0x20] =	vst v6;
	v5 =	vmul.f32 v5, v2  }
0x383: {  	v13 =	vmov s23;
	v6 =	vld [tilespmem:s18+$0xFFFFFF90];
	[tilespmem:s19+$0x30] =	vst v4  }
0x384: {  	v4 =	vperm.xlane v10, v12;
	v10 =	vperm.xlane v10, v13;
	v12 =	vld [tilespmem:s18+$0xFFFFFFA0];
	[tilespmem:s19+$0x40] =	vst v5  }
0x385: {  	v5 =	vmul.f32 v7, v2;
	v13 =	vld [tilespmem:s18+$0xFFFFFFB0];
	[tilespmem:s16+$0x60] =	vst v3;
	v3 =	vmul.f32 v8, v2;
	s16 =	smov.u32 s19;
	s19 =	smov.u32 s18  }
0x386: {  	v2 =	vmov v10;
	v7 =	vld [tilespmem:s18+$0xFFFFFFC0];
	v9 =	vmul.f32 v9, v10  }
0x387: {  	v10 =	vmul.f32 v11, v4;
	v14 =	vld [tilespmem:s18+$0xFFFFFFD0];
	[tilespmem:s16+$0x50] =	vst v5  }
.Ltmp14:
0x388: {  	v6 =	vmul.f32 v6, v4;
	v8 =	vld [tilespmem:s18+$0xFFFFFFE0];
	[tilespmem:s18+$0x70] =	vst v9;
	(pc) =	sbr.rel @p1 .LBB2_31-.Ltmp14, $4  }
0x389: {  	[tilespmem:s18+$0xFFFFFF80] =	vst v10;
	v9 =	vmul.f32 v12, v4;
	v5 =	vld [tilespmem:s18+$0xFFFFFFF0]  }
0x38a: {  	[tilespmem:s18+$0xFFFFFF90] =	vst v6;
	v10 =	vmul.f32 v13, v4;
	v6 =	vld [tilespmem:s18+$0x0]  }
0x38b: {  	[tilespmem:s18+$0xFFFFFFA0] =	vst v9;
	v11 =	vmul.f32 v7, v4;
	v7 =	vld [tilespmem:s18+$0x10]  }
0x38c: {  	[tilespmem:s18+$0xFFFFFFB0] =	vst v10;
	v10 =	vmul.f32 v14, v4;
	v9 =	vld [tilespmem:s18+$0x20]  }
0x38d: {  	[tilespmem:s18+$0xFFFFFFC0] =	vst v11  }
0x38e: {  	v1 =	vmul.f32 v8, v4;
	v56 =	vld [tilespmem:s18+$0x30];
	[tilespmem:s16+$0x60] =	vst v3  }
0x38f: {  	v57 =	vld [tilespmem:s18+$0x40];
	[tilespmem:s18+$0xFFFFFFD0] =	vst v10;
	v58 =	vmul.f32 v5, v4  }
0x390: {  	v6 =	vmul.f32 v6, v2;
	[tilespmem:s18+$0xFFFFFFE0] =	vst v1;
	v1 =	vld [tilespmem:s18+$0x50]  }
0x391: {  	v61 =	vld [tilespmem:s19+$0x60];
	v59 =	vmul.f32 v7, v2;
	[tilespmem:s18+$0xFFFFFFF0] =	vst v58  }
0x392: {  	[tilespmem:s19+$0x0] =	vst v6;
	v60 =	vmul.f32 v9, v2  }
0x393: {  	[tilespmem:s19+$0x10] =	vst v59;
	v62 =	vmul.f32 v56, v2  }
0x394: {  	v63 =	vmul.f32 v57, v2;
	[tilespmem:s19+$0x20] =	vst v60  }
0x395: {  	[tilespmem:s19+$0x30] =	vst v62;
	v1 =	vmul.f32 v1, v2  }
0x396: {  	[tilespmem:s19+$0x40] =	vst v63;
	v2 =	vmul.f32 v61, v2  }
0x397: {  	[tilespmem:s19+$0x50] =	vst v1  }
0x398: {  	s15 =	sadd.s32 $0x800, s15;
	[tilespmem:s19+$0x60] =	vst v2  }
0x399: {  	[spmem:s22] =	stream.indirect.scatter.add.f32 [tilespmem:s8], [sflag:$0x4], $0x80, s15, s7, $0xb8;
	[tilespmem:$0x1D080] =	vst v63  }
0x39a: {  	_ =	swait.ge [sflag:s1], $0x4000  }
0x39b: {  	s16 =	simm.s32 @!p0 $0x40;
	[sflag:s1] =	ssyncset.done $0x0  }
0x39c: {  	s17 =	simm.s32 @!p0 $0x5800;
	s15 =	sadd.s32 @!p0 $0x180, s14;
	[sflag:s1] =	ssyncadd.s32 $0xFFFFC000  }
0x39d: {  	[tilespmem:s17], [sflag:$0x2] =	stream.indirect.gather @!p0 [hbm4b:s20+s16], $0x80, s15, s16, $0xb8;
	[tilespmem:$0x1D080] =	vst v63  }
0x39e: {  	p1 =	sne.s32 @!p0 s13, $0x8;
	s14 =	sadd.s32 @!p0 $0x1C0, s14;
	s15 =	simm.s32 @!p0 $0x7800  }
0x39f: {  	[tilespmem:s15], [sflag:$0x2] =	stream.indirect.gather @!p0 [hbm4b:s20+s16], $0x80, s14, s16, $0xb8;
	[tilespmem:$0x1D080] =	vst v63  }
0x3a0: {  	p0 =	por p0, !p1  }
.Ltmp15:
0x3a1: {  	_ = 	snop;
	(pc) =	sbr.rel @!p0 .LBB2_28-.Ltmp15, $1  }
0x3a2: {  	_ =	sdelay $0x3  }
0x3a3: {  	s13 =	stileid.u32  }
0x3a4: {  	[bflag:$0x0] =	sbarrier.arrive $0xFFFF;
	s13 =	sshll.u32 s13, $0x6  }
0x3a5: {  	s14 =	sshrl.u32 s25, $0x3;
	s15 =	rddreg [dreg:$0x13];
	s13 =	sor.u32 $0x1C04, s13  }
0x3a6: {  	[hbm:s15], [sflag:s13] =	dma.local [spmem:s14], $0x800  }
0x3a7: {  	_ =	swait.ge [sflag:s1], $0x800  }
0x3a8: {  	[sflag:s1] =	ssyncset.done $0x0  }
0x3a9: {  	s24 =	sshrl.u32 s26, $0x3;
	s31 =	rddreg [dreg:$0x14];
	[sflag:s1] =	ssyncadd.s32 $0xFFFFF800  }
0x3aa: {  	[hbm:s31], [sflag:s13] =	dma.local [spmem:s24], $0x800  }
0x3ab: {  	_ =	swait.ge [sflag:s1], $0x800  }
0x3ac: {  	[sflag:s1] =	ssyncset.done $0x0  }
0x3ad: {  	s16 =	sshrl.u32 s28, $0x3;
	s17 =	rddreg [dreg:$0x15];
	[sflag:s1] =	ssyncadd.s32 $0xFFFFF800  }
0x3ae: {  	[hbm:s17], [sflag:s13] =	dma.local [spmem:s16], $0x800  }
0x3af: {  	_ =	swait.ge [sflag:s1], $0x800  }
0x3b0: {  	[sflag:s1] =	ssyncset.done $0x0  }
0x3b1: {  	s18 =	sshrl.u32 s29, $0x3;
	s19 =	rddreg [dreg:$0x16];
	[sflag:s1] =	ssyncadd.s32 $0xFFFFF800  }
0x3b2: {  	[hbm:s19], [sflag:s13] =	dma.local [spmem:s18], $0x800  }
0x3b3: {  	_ =	swait.ge [sflag:s1], $0x800  }
0x3b4: {  	[sflag:s1] =	ssyncset.done $0x0  }
0x3b5: {  	s23 =	sshrl.u32 s30, $0x3;
	s24 =	rddreg [dreg:$0x17];
	[sflag:s1] =	ssyncadd.s32 $0xFFFFF800  }
0x3b6: {  	[hbm:s24], [sflag:s13] =	dma.local [spmem:s23], $0x800  }
0x3b7: {  	_ =	swait.ge [sflag:s1], $0x800  }
0x3b8: {  	s0 =	sadd.s32 $0x1, s0;
	s31 =	rddreg [dreg:$0x18]  }
0x3b9: {  	p0 =	sne.s32 s0, s31  }
.Ltmp16:
0x3ba: {  	_ = 	snop;
	(pc) =	sbr.rel @p0 .LBB2_1-.Ltmp16, $3  }
0x3bb: {  	_ =	sdelay $0x1  }
0x3bc: {  	[sflag:s1] =	ssyncset.done $0x0  }
0x3bd: {  	[sflag:s1] =	ssyncadd.s32 $0xFFFFF800  }
0x3be: {  	_ =	sfence.sel $0x180000  }
0x3bf: {  	[bflag:$0x0] =	sbarrier.arrive $0xFFFF  }
0x3c0: {  	_ =	strace $0x90000047  }
0x3c1: {  	s0 =	stileid.u32;
	[bflag:$0x2] =	sbarrier.arrive $0xFFFF  }
0x3c2: {  	p0 =	sne.s32 s0, $0x0;
	s0 =	rddreg [dreg:$0x3]  }
0x3c3: {  	s0 =	sadd.s32 @!p0 $0x100000, s0  }
0x3c4: {  	[sflag:s0] =	ssyncadd.tile.s32 @!p0 $0x1;
	_ =	shalt  }
.Lfunc_end2:
_tile_overlayer_lowered:
.L_overlay_start_2:
0x3c5: {  	(tag) =	ssettag $0x2  }
0x3c6: {  	s0 =	rddreg [dreg:$0x0];
	s2 =	stileid.u32  }
0x3c7: {  	s1 =	rddreg [dreg:$0x1];
	p0 =	sne.s32 s2, $0x0  }
0x3c8: {  	s3 =	rddreg [dreg:$0x2];
	[bflag:$0x3] =	sbarrier.arrive $0xFFFF;
	s2 =	simm.s32 @!p0 $0x1C04  }
0x3c9: {  	[timem:s3], [sflag:s2] =	dma.local @!p0 [hbm:s0], s1  }
0x3ca: {  	s0 =	simm.s32 @!p0 $0x4  }
0x3cb: {  	_ =	swait.ge @!p0 [sflag:s0], s1  }
0x3cc: {  	s1 =	ssub.s32 @!p0 $0x0, s1;
	[sflag:s0] =	ssyncset.done @!p0 $0x0  }
0x3cd: {  	[sflag:s0] =	ssyncadd.s32 @!p0 s1  }
0x3ce: {  	[bflag:$0x3] =	sbarrier.arrive $0xFFFF  }
0x3cf: {  	_ =	shalt  }

</sc_bundles>
